<compile_context>
chip_gen: v7x
topology: tpu7x:2x2x1
jax: 0.10.2.dev20260603
libtpu: 0.0.44.dev20260713+nightly
codegen_flags: <defaults>
</compile_context>

<pallas_src>
import functools

import jax
import jax.numpy as jnp
from jax import lax
from jax.experimental import pallas as pl
from jax.experimental.pallas import tpu as pltpu
from jax.experimental.pallas import tpu_sc as plsc

_B, _S, _D = 4096, 200, 64
_NV = 1000000
_N = _B * _S
_NC, _NS = 2, 16
_NW = _NC * _NS
_BPW = _B // _NW
_L = 16
_NG = 8
_PF = 4
_NO = 2
_TP = _BPW + 1

_mesh = plsc.VectorSubcoreMesh(
    core_axis_name="c", subcore_axis_name="s", num_cores=_NC, num_subcores=_NS
)


@functools.partial(
    pl.kernel,
    out_type=jax.ShapeDtypeStruct((_S, _D // 8, _B // 128, 8, 128), jnp.float32),
    name="embed_gather",
    mesh=_mesh,
    compiler_params=pltpu.CompilerParams(
        use_tc_tiling_on_sc=False, needs_layout_passes=False
    ),
    scratch_types=[
        pltpu.VMEM((_S // 8, 8, _BPW), jnp.int32),
        pltpu.VMEM((_S * _D,), jnp.float32),
        [pltpu.VMEM((_BPW, _D), jnp.float32) for _ in range(_NG)],
        [pltpu.VMEM((_D // 8, 8, _TP), jnp.float32) for _ in range(_NO)],
        [pltpu.SemaphoreType.DMA for _ in range(_NG)],
        [pltpu.SemaphoreType.DMA for _ in range(_NO)],
    ],
)
def _embed_kernel(xt_hbm, table_hbm, pos_hbm, out_hbm, idx_v, pos_v, gbufs, tbufs, gs, ws):
    wid = lax.axis_index("s") * _NC + lax.axis_index("c")
    bw = wid * _BPW
    pltpu.sync_copy(pos_hbm, pos_v)
    pltpu.sync_copy(xt_hbm.at[:, wid], idx_v)

    def start_gather(s, b):
        pltpu.async_copy(table_hbm.at[idx_v.at[s // 8, s % 8]], gbufs[b], gs[b])

    def wait_gather(b):
        pltpu.make_async_copy(table_hbm.at[pl.ds(0, _BPW)], gbufs[b], gs[b]).wait()

    def start_write(s, bo):
        pltpu.async_copy(
            tbufs[bo].at[:, :, pl.ds(0, _BPW)],
            out_hbm.at[s, :, wid, :, :],
            ws[bo],
        )

    def wait_write(bo):
        pltpu.make_async_copy(
            tbufs[bo].at[:, :, pl.ds(0, _BPW)],
            out_hbm.at[0, :, 0, :, :],
            ws[bo],
        ).wait()

    def trans_add(s, b, bo):
        gb, tb = gbufs[b], tbufs[bo]
        drange = [lax.iota(jnp.int32, _L) + c * _L for c in range(_D // _L)]
        dgs = [d // 8 for d in drange]
        drs = [d % 8 for d in drange]
        pvs = [pos_v[pl.ds(s * _D + c * _L, _L)] for c in range(_D // _L)]

        @plsc.parallel_loop(0, _BPW, unroll=4)
        def _(j):
            col = jnp.full((_L,), j, jnp.int32)
            for c in range(_D // _L):
                val = gb[j, pl.ds(c * _L, _L)] + pvs[c]
                plsc.store_scatter(tb, [dgs[c], drs[c], col], val)

    for b in range(_PF):
        start_gather(b, b)

    def outer(i, carry):
        for b8 in range(_NG):
            s = i * _NG + b8
            bo = b8 % _NO
            wait_gather(b8)
            if b8 >= _NO:
                wait_write(bo)
            else:

                @pl.when(i > 0)
                def _():
                    wait_write(bo)

            trans_add(s, b8, bo)
            if b8 >= 1:
                start_write(s - 1, (b8 - 1) % _NO)
            else:

                @pl.when(i > 0)
                def _():
                    start_write(s - 1, (_NO - 1) % _NO)

            @pl.when(s + _PF < _S)
            def _():
                start_gather(s + _PF, (b8 + _PF) % _NG)

        return carry

    lax.fori_loop(0, _S // _NG, outer, 0)
    start_write(_S - 1, (_S - 1) % _NO)
    for bo in range(_NO):
        wait_write(bo)


def kernel(x, token_table, position_embedding):
    xt = (
        x.astype(jnp.int32)
        .T.reshape(_S // 8, 8, _B // 128, 128)
        .transpose(0, 2, 1, 3)
    )
    posf = position_embedding.reshape(_S * _D)
    out = _embed_kernel(xt, token_table, posf)
    return out.transpose(2, 4, 0, 1, 3).reshape(_B, _S, _D)

# --- scband reference (transcript-rebuilt; emitter-appended) ---
"""Pipeline reference for scband-clipembedding-73272142070349 (READ-ONLY COPY).

The authoritative reference and input builder live on the scoring server;
editing this copy changes nothing except your own understanding.
"""

import jax, jax.numpy as jnp
import numpy as np

NUM_VOCAB = 1000000
EMBED_DIM = 64
MAX_SEQ_LEN = 200
BATCH = 4096


def setup_inputs(seed: int = 0) -> dict:
    key = jax.random.key(seed)
    k1, k2 = jax.random.split(key)
    x = jax.random.randint(k1, (BATCH, MAX_SEQ_LEN), 0, NUM_VOCAB, dtype=jnp.int64 if jax.config.jax_enable_x64 else jnp.int32)
    token_table = jax.random.normal(k2, (NUM_VOCAB, EMBED_DIM), dtype=jnp.float32) * 0.02
    position_embedding = jnp.zeros((MAX_SEQ_LEN, EMBED_DIM), dtype=jnp.float32)
    return {"x": x, "token_table": token_table, "position_embedding": position_embedding}


def reference(x, token_table, position_embedding):
    # token embedding lookup: (B, S) -> (B, S, D)
    tok = jnp.take(token_table, x, axis=0)
    # add position embedding (broadcast over batch)
    out = tok + position_embedding
    return out

if __name__ == "__main__":
    import jax
    _d = setup_inputs()
    print(jax.jit(kernel)(*tuple(_d.values())))

</pallas_src>

<mosaic_0001>
#map = affine_map<(d0, d1) -> (0, 0, 0, 0)>
#map1 = affine_map<(d0, d1) -> (0, 0)>
#map2 = affine_map<(d0, d1) -> (0)>
#map3 = affine_map<(d0, d1) -> (0, 0, 0, 0, 0)>
module attributes {stable_mosaic.version = 14 : i64} {
  func.func @embed_gather(%arg0: i32, %arg1: i32, %arg2: memref<25x32x8x128xi32, #tpu.memory_space<hbm>>, %arg3: memref<1000000x64xf32, #tpu.memory_space<hbm>>, %arg4: memref<12800xf32, #tpu.memory_space<hbm>>, %arg5: memref<200x8x32x8x128xf32, #tpu.memory_space<hbm>>, %arg6: memref<25x8x128xi32, #tpu.memory_space<vmem>>, %arg7: memref<12800xf32, #tpu.memory_space<vmem>>, %arg8: memref<128x64xf32, #tpu.memory_space<vmem>>, %arg9: memref<128x64xf32, #tpu.memory_space<vmem>>, %arg10: memref<128x64xf32, #tpu.memory_space<vmem>>, %arg11: memref<128x64xf32, #tpu.memory_space<vmem>>, %arg12: memref<128x64xf32, #tpu.memory_space<vmem>>, %arg13: memref<128x64xf32, #tpu.memory_space<vmem>>, %arg14: memref<128x64xf32, #tpu.memory_space<vmem>>, %arg15: memref<128x64xf32, #tpu.memory_space<vmem>>, %arg16: memref<8x8x129xf32, #tpu.memory_space<vmem>>, %arg17: memref<8x8x129xf32, #tpu.memory_space<vmem>>, %arg18: memref<!tpu.dma_semaphore, #tpu.memory_space<semaphore_mem>>, %arg19: memref<!tpu.dma_semaphore, #tpu.memory_space<semaphore_mem>>, %arg20: memref<!tpu.dma_semaphore, #tpu.memory_space<semaphore_mem>>, %arg21: memref<!tpu.dma_semaphore, #tpu.memory_space<semaphore_mem>>, %arg22: memref<!tpu.dma_semaphore, #tpu.memory_space<semaphore_mem>>, %arg23: memref<!tpu.dma_semaphore, #tpu.memory_space<semaphore_mem>>, %arg24: memref<!tpu.dma_semaphore, #tpu.memory_space<semaphore_mem>>, %arg25: memref<!tpu.dma_semaphore, #tpu.memory_space<semaphore_mem>>, %arg26: memref<!tpu.dma_semaphore, #tpu.memory_space<semaphore_mem>>, %arg27: memref<!tpu.dma_semaphore, #tpu.memory_space<semaphore_mem>>) attributes {dimension_semantics = [#tpu.dimension_semantics<core_parallel>, #tpu.dimension_semantics<subcore_parallel>], iteration_bounds = array<i64: 2, 16>, scalar_prefetch = 0 : i64, scratch_operands = 22 : i64, tpu.core_type = #tpu.core_type<sc_vector_subcore>, window_params = [{transform_indices = #map}, {transform_indices = #map1}, {transform_indices = #map2}, {transform_indices = #map3}]} {
    %mul3A = arith.constant 2 : i32
    %mul3A_0 = arith.muli %arg1, %mul3A : i32
    %add3A = arith.addi %mul3A_0, %arg0 : i32
    %mul3A_1 = arith.constant 128 : i32
    %mul3A_2 = arith.muli %add3A, %mul3A_1 : i32
    "tpu.region"() ({
      %run_scoped3A = tpu.sem_alloc : memref<!tpu.dma_semaphore, #tpu.memory_space<semaphore_mem>>
      tpu.enqueue_dma source(%arg4 : memref<12800xf32, #tpu.memory_space<hbm>>) target(%arg7 : memref<12800xf32, #tpu.memory_space<vmem>>) target_semaphore(%run_scoped3A : memref<!tpu.dma_semaphore, #tpu.memory_space<semaphore_mem>>)
      tpu.wait_dma2 semaphore(%run_scoped3A : memref<!tpu.dma_semaphore, #tpu.memory_space<semaphore_mem>>) src(%arg4 : memref<12800xf32, #tpu.memory_space<hbm>>) dst(%arg7 : memref<12800xf32, #tpu.memory_space<vmem>>)
      tpu.yield
    }) : () -> ()
    "tpu.region"() ({
      %run_scoped3A = tpu.sem_alloc : memref<!tpu.dma_semaphore, #tpu.memory_space<semaphore_mem>>
      %dma_start3A_97 = arith.constant 0 : i32
      %dma_start3A_98 = arith.constant 0 : i32
      %dma_start3A_99 = arith.constant 0 : i32
      %dma_start3A_100 = tpu.memref_slice %arg2[%dma_start3A_97, %add3A, %dma_start3A_98, %dma_start3A_99] : memref<25x32x8x128xi32, #tpu.memory_space<hbm>> -> memref<25x1x8x128xi32, #tpu.memory_space<hbm>>
      %dma_start3A_101 = tpu.memref_squeeze %dma_start3A_100 : memref<25x1x8x128xi32, #tpu.memory_space<hbm>> -> memref<25x8x128xi32, #tpu.memory_space<hbm>>
      %dma_start3A_102 = arith.constant 0 : i32
      %dma_start3A_103 = arith.constant 0 : i32
      %dma_start3A_104 = arith.constant 0 : i32
      %dma_start3A_105 = tpu.memref_slice %arg2[%dma_start3A_102, %add3A, %dma_start3A_103, %dma_start3A_104] : memref<25x32x8x128xi32, #tpu.memory_space<hbm>> -> memref<25x1x8x128xi32, #tpu.memory_space<hbm>>
      %dma_start3A_106 = tpu.memref_squeeze %dma_start3A_105 : memref<25x1x8x128xi32, #tpu.memory_space<hbm>> -> memref<25x8x128xi32, #tpu.memory_space<hbm>>
      tpu.enqueue_dma source(%dma_start3A_106 : memref<25x8x128xi32, #tpu.memory_space<hbm>>) target(%arg6 : memref<25x8x128xi32, #tpu.memory_space<vmem>>) target_semaphore(%run_scoped3A : memref<!tpu.dma_semaphore, #tpu.memory_space<semaphore_mem>>)
      %dma_wait3A_107 = arith.constant 0 : i32
      %dma_wait3A_108 = arith.constant 0 : i32
      %dma_wait3A_109 = arith.constant 0 : i32
      %dma_wait3A_110 = tpu.memref_slice %arg2[%dma_wait3A_107, %add3A, %dma_wait3A_108, %dma_wait3A_109] : memref<25x32x8x128xi32, #tpu.memory_space<hbm>> -> memref<25x1x8x128xi32, #tpu.memory_space<hbm>>
      %dma_wait3A_111 = tpu.memref_squeeze %dma_wait3A_110 : memref<25x1x8x128xi32, #tpu.memory_space<hbm>> -> memref<25x8x128xi32, #tpu.memory_space<hbm>>
      %dma_wait3A_112 = arith.constant 0 : i32
      %dma_wait3A_113 = arith.constant 0 : i32
      %dma_wait3A_114 = arith.constant 0 : i32
      %dma_wait3A_115 = tpu.memref_slice %arg2[%dma_wait3A_112, %add3A, %dma_wait3A_113, %dma_wait3A_114] : memref<25x32x8x128xi32, #tpu.memory_space<hbm>> -> memref<25x1x8x128xi32, #tpu.memory_space<hbm>>
      %dma_wait3A_116 = tpu.memref_squeeze %dma_wait3A_115 : memref<25x1x8x128xi32, #tpu.memory_space<hbm>> -> memref<25x8x128xi32, #tpu.memory_space<hbm>>
      tpu.wait_dma2 semaphore(%run_scoped3A : memref<!tpu.dma_semaphore, #tpu.memory_space<semaphore_mem>>) src(%dma_wait3A_116 : memref<25x8x128xi32, #tpu.memory_space<hbm>>) dst(%arg6 : memref<25x8x128xi32, #tpu.memory_space<vmem>>)
      tpu.yield
    }) : () -> ()
    %dma_start3A = arith.constant 0 : i32
    %dma_start3A_3 = arith.constant 0 : i32
    %dma_start3A_4 = arith.constant 0 : i32
    %dma_start3A_5 = tpu.memref_slice %arg6[%dma_start3A, %dma_start3A_3, %dma_start3A_4] : memref<25x8x128xi32, #tpu.memory_space<vmem>> -> memref<1x1x128xi32, #tpu.memory_space<vmem>>
    %dma_start3A_6 = tpu.memref_squeeze %dma_start3A_5 : memref<1x1x128xi32, #tpu.memory_space<vmem>> -> memref<128xi32, #tpu.memory_space<vmem>>
    %dma_start3A_7 = arith.constant 0 : i32
    %dma_start3A_8 = arith.constant 0 : i32
    %dma_start3A_9 = tpu.memref_slice %arg3[%dma_start3A_7, %dma_start3A_8] : memref<1000000x64xf32, #tpu.memory_space<hbm>> -> memref<1000000x64xf32, #tpu.memory_space<hbm>>
    tpu.enqueue_indirect_dma source(%dma_start3A_9 : memref<1000000x64xf32, #tpu.memory_space<hbm>>) target(%arg8 : memref<128x64xf32, #tpu.memory_space<vmem>>) offsets(%dma_start3A_6 : memref<128xi32, #tpu.memory_space<vmem>>) semaphore(%arg18 : memref<!tpu.dma_semaphore, #tpu.memory_space<semaphore_mem>>)
    %dma_start3A_10 = arith.constant 0 : i32
    %dma_start3A_11 = arith.constant 1 : i32
    %dma_start3A_12 = arith.constant 0 : i32
    %dma_start3A_13 = tpu.memref_slice %arg6[%dma_start3A_10, %dma_start3A_11, %dma_start3A_12] : memref<25x8x128xi32, #tpu.memory_space<vmem>> -> memref<1x1x128xi32, #tpu.memory_space<vmem>>
    %dma_start3A_14 = tpu.memref_squeeze %dma_start3A_13 : memref<1x1x128xi32, #tpu.memory_space<vmem>> -> memref<128xi32, #tpu.memory_space<vmem>>
    %dma_start3A_15 = arith.constant 0 : i32
    %dma_start3A_16 = arith.constant 0 : i32
    %dma_start3A_17 = tpu.memref_slice %arg3[%dma_start3A_15, %dma_start3A_16] : memref<1000000x64xf32, #tpu.memory_space<hbm>> -> memref<1000000x64xf32, #tpu.memory_space<hbm>>
    tpu.enqueue_indirect_dma source(%dma_start3A_17 : memref<1000000x64xf32, #tpu.memory_space<hbm>>) target(%arg9 : memref<128x64xf32, #tpu.memory_space<vmem>>) offsets(%dma_start3A_14 : memref<128xi32, #tpu.memory_space<vmem>>) semaphore(%arg19 : memref<!tpu.dma_semaphore, #tpu.memory_space<semaphore_mem>>)
    %dma_start3A_18 = arith.constant 0 : i32
    %dma_start3A_19 = arith.constant 2 : i32
    %dma_start3A_20 = arith.constant 0 : i32
    %dma_start3A_21 = tpu.memref_slice %arg6[%dma_start3A_18, %dma_start3A_19, %dma_start3A_20] : memref<25x8x128xi32, #tpu.memory_space<vmem>> -> memref<1x1x128xi32, #tpu.memory_space<vmem>>
    %dma_start3A_22 = tpu.memref_squeeze %dma_start3A_21 : memref<1x1x128xi32, #tpu.memory_space<vmem>> -> memref<128xi32, #tpu.memory_space<vmem>>
    %dma_start3A_23 = arith.constant 0 : i32
    %dma_start3A_24 = arith.constant 0 : i32
    %dma_start3A_25 = tpu.memref_slice %arg3[%dma_start3A_23, %dma_start3A_24] : memref<1000000x64xf32, #tpu.memory_space<hbm>> -> memref<1000000x64xf32, #tpu.memory_space<hbm>>
    tpu.enqueue_indirect_dma source(%dma_start3A_25 : memref<1000000x64xf32, #tpu.memory_space<hbm>>) target(%arg10 : memref<128x64xf32, #tpu.memory_space<vmem>>) offsets(%dma_start3A_22 : memref<128xi32, #tpu.memory_space<vmem>>) semaphore(%arg20 : memref<!tpu.dma_semaphore, #tpu.memory_space<semaphore_mem>>)
    %dma_start3A_26 = arith.constant 0 : i32
    %dma_start3A_27 = arith.constant 3 : i32
    %dma_start3A_28 = arith.constant 0 : i32
    %dma_start3A_29 = tpu.memref_slice %arg6[%dma_start3A_26, %dma_start3A_27, %dma_start3A_28] : memref<25x8x128xi32, #tpu.memory_space<vmem>> -> memref<1x1x128xi32, #tpu.memory_space<vmem>>
    %dma_start3A_30 = tpu.memref_squeeze %dma_start3A_29 : memref<1x1x128xi32, #tpu.memory_space<vmem>> -> memref<128xi32, #tpu.memory_space<vmem>>
    %dma_start3A_31 = arith.constant 0 : i32
    %dma_start3A_32 = arith.constant 0 : i32
    %dma_start3A_33 = tpu.memref_slice %arg3[%dma_start3A_31, %dma_start3A_32] : memref<1000000x64xf32, #tpu.memory_space<hbm>> -> memref<1000000x64xf32, #tpu.memory_space<hbm>>
    tpu.enqueue_indirect_dma source(%dma_start3A_33 : memref<1000000x64xf32, #tpu.memory_space<hbm>>) target(%arg11 : memref<128x64xf32, #tpu.memory_space<vmem>>) offsets(%dma_start3A_30 : memref<128xi32, #tpu.memory_space<vmem>>) semaphore(%arg21 : memref<!tpu.dma_semaphore, #tpu.memory_space<semaphore_mem>>)
    %scan3A = arith.constant 0 : i32
    %scan3A_34 = arith.constant 0 : i32
    %scan3A_35 = arith.constant 25 : i32
    %scan3A_36 = arith.addi %scan3A_34, %scan3A_35 : i32
    %scan3A_37 = arith.constant 1 : i32
    scf.for %scan3A_97 = %scan3A_34 to %scan3A_36 step %scan3A_37  : i32 {
      %mul3A_98 = arith.constant 8 : i32
      %mul3A_99 = arith.muli %scan3A_97, %mul3A_98 : i32
      %add3A_100 = arith.constant 0 : i32
      %add3A_101 = arith.addi %mul3A_99, %add3A_100 : i32
      %dma_wait3A_102 = arith.constant 0 : i32
      %dma_wait3A_103 = arith.constant 0 : i32
      %dma_wait3A_104 = tpu.memref_slice %arg3[%dma_wait3A_102, %dma_wait3A_103] : memref<1000000x64xf32, #tpu.memory_space<hbm>> -> memref<128x64xf32, #tpu.memory_space<hbm>>
      %dma_wait3A_105 = arith.constant 0 : i32
      %dma_wait3A_106 = arith.constant 0 : i32
      %dma_wait3A_107 = tpu.memref_slice %arg3[%dma_wait3A_105, %dma_wait3A_106] : memref<1000000x64xf32, #tpu.memory_space<hbm>> -> memref<128x64xf32, #tpu.memory_space<hbm>>
      tpu.wait_dma2 semaphore(%arg18 : memref<!tpu.dma_semaphore, #tpu.memory_space<semaphore_mem>>) src(%dma_wait3A_107 : memref<128x64xf32, #tpu.memory_space<hbm>>) dst(%arg8 : memref<128x64xf32, #tpu.memory_space<vmem>>)
      %gt3A = arith.constant 0 : i32
      %gt3A_108 = arith.cmpi sgt, %scan3A_97, %gt3A : i32
      %convert_element_type3A = arith.extui %gt3A_108 : i1 to i32
      %cond3A = arith.constant 0 : i32
      %cond3A_109 = arith.cmpi ne, %convert_element_type3A, %cond3A : i32
      scf.if %cond3A_109 {
        %dma_wait3A_2533 = arith.constant 0 : i32
        %dma_wait3A_2534 = arith.constant 0 : i32
        %dma_wait3A_2535 = arith.constant 0 : i32
        %dma_wait3A_2536 = arith.constant 0 : i32
        %dma_wait3A_2537 = arith.constant 0 : i32
        %dma_wait3A_2538 = tpu.memref_slice %arg16[%dma_wait3A_2535, %dma_wait3A_2536, %dma_wait3A_2537] : memref<8x8x129xf32, #tpu.memory_space<vmem>> -> memref<8x8x128xf32, #tpu.memory_space<vmem>>
        %dma_wait3A_2539 = arith.constant 0 : i32
        %dma_wait3A_2540 = arith.constant 0 : i32
        %dma_wait3A_2541 = arith.constant 0 : i32
        %dma_wait3A_2542 = tpu.memref_slice %arg5[%dma_wait3A_2533, %dma_wait3A_2539, %dma_wait3A_2534, %dma_wait3A_2540, %dma_wait3A_2541] : memref<200x8x32x8x128xf32, #tpu.memory_space<hbm>> -> memref<1x8x1x8x128xf32, #tpu.memory_space<hbm>>
        %dma_wait3A_2543 = tpu.memref_squeeze %dma_wait3A_2542 : memref<1x8x1x8x128xf32, #tpu.memory_space<hbm>> -> memref<8x8x128xf32, #tpu.memory_space<hbm>>
        %dma_wait3A_2544 = arith.constant 0 : i32
        %dma_wait3A_2545 = arith.constant 0 : i32
        %dma_wait3A_2546 = arith.constant 0 : i32
        %dma_wait3A_2547 = tpu.memref_slice %arg5[%dma_wait3A_2533, %dma_wait3A_2544, %dma_wait3A_2534, %dma_wait3A_2545, %dma_wait3A_2546] : memref<200x8x32x8x128xf32, #tpu.memory_space<hbm>> -> memref<1x8x1x8x128xf32, #tpu.memory_space<hbm>>
        %dma_wait3A_2548 = tpu.memref_squeeze %dma_wait3A_2547 : memref<1x8x1x8x128xf32, #tpu.memory_space<hbm>> -> memref<8x8x128xf32, #tpu.memory_space<hbm>>
        %dma_wait3A_2549 = arith.constant 0 : i32
        %dma_wait3A_2550 = arith.constant 0 : i32
        %dma_wait3A_2551 = arith.constant 0 : i32
        %dma_wait3A_2552 = tpu.memref_slice %arg16[%dma_wait3A_2549, %dma_wait3A_2550, %dma_wait3A_2551] : memref<8x8x129xf32, #tpu.memory_space<vmem>> -> memref<8x8x128xf32, #tpu.memory_space<vmem>>
        tpu.wait_dma2 semaphore(%arg26 : memref<!tpu.dma_semaphore, #tpu.memory_space<semaphore_mem>>) src(%dma_wait3A_2552 : memref<8x8x128xf32, #tpu.memory_space<vmem>>) dst(%dma_wait3A_2548 : memref<8x8x128xf32, #tpu.memory_space<hbm>>)
      } else {
      }
      %iota3A = tpu.iota {dimensions = array<i32: 0>} : vector<16xi32>
      %add3A_110 = arith.constant 0 : i32
      %add3A_111 = vector.broadcast %add3A_110 : i32 to vector<16xi32>
      %add3A_112 = arith.addi %iota3A, %add3A_111 : vector<16xi32>
      %iota3A_113 = tpu.iota {dimensions = array<i32: 0>} : vector<16xi32>
      %add3A_114 = arith.constant 16 : i32
      %add3A_115 = vector.broadcast %add3A_114 : i32 to vector<16xi32>
      %add3A_116 = arith.addi %iota3A_113, %add3A_115 : vector<16xi32>
      %iota3A_117 = tpu.iota {dimensions = array<i32: 0>} : vector<16xi32>
      %add3A_118 = arith.constant 32 : i32
      %add3A_119 = vector.broadcast %add3A_118 : i32 to vector<16xi32>
      %add3A_120 = arith.addi %iota3A_117, %add3A_119 : vector<16xi32>
      %iota3A_121 = tpu.iota {dimensions = array<i32: 0>} : vector<16xi32>
      %add3A_122 = arith.constant 48 : i32
      %add3A_123 = vector.broadcast %add3A_122 : i32 to vector<16xi32>
      %add3A_124 = arith.addi %iota3A_121, %add3A_123 : vector<16xi32>
      %jit3A = arith.constant 8 : i32
      %div3A = vector.broadcast %jit3A : i32 to vector<16xi32>
      %div3A_125 = arith.divsi %add3A_112, %div3A : vector<16xi32>
      %sign3A = arith.constant 0 : i32
      %sign3A_126 = vector.broadcast %sign3A : i32 to vector<16xi32>
      %sign3A_127 = arith.cmpi sgt, %add3A_112, %sign3A_126 : vector<16xi32>
      %sign3A_128 = arith.extui %sign3A_127 : vector<16xi1> to vector<16xi32>
      %sign3A_129 = arith.constant 0 : i32
      %sign3A_130 = vector.broadcast %sign3A_129 : i32 to vector<16xi32>
      %sign3A_131 = arith.cmpi slt, %add3A_112, %sign3A_130 : vector<16xi32>
      %sign3A_132 = arith.extui %sign3A_131 : vector<16xi1> to vector<16xi32>
      %sign3A_133 = arith.subi %sign3A_128, %sign3A_132 : vector<16xi32>
      %sign3A_134 = arith.constant 0 : i32
      %sign3A_135 = arith.cmpi sgt, %jit3A, %sign3A_134 : i32
      %sign3A_136 = arith.extui %sign3A_135 : i1 to i32
      %sign3A_137 = arith.constant 0 : i32
      %sign3A_138 = arith.cmpi slt, %jit3A, %sign3A_137 : i32
      %sign3A_139 = arith.extui %sign3A_138 : i1 to i32
      %sign3A_140 = arith.subi %sign3A_136, %sign3A_139 : i32
      %ne3A = vector.broadcast %sign3A_140 : i32 to vector<16xi32>
      %ne3A_141 = arith.cmpi ne, %sign3A_133, %ne3A : vector<16xi32>
      %rem3A = vector.broadcast %jit3A : i32 to vector<16xi32>
      %rem3A_142 = arith.remsi %add3A_112, %rem3A : vector<16xi32>
      %ne3A_143 = arith.constant 0 : i32
      %ne3A_144 = vector.broadcast %ne3A_143 : i32 to vector<16xi32>
      %ne3A_145 = arith.cmpi ne, %rem3A_142, %ne3A_144 : vector<16xi32>
      %and3A = arith.andi %ne3A_141, %ne3A_145 : vector<16xi1>
      %sub3A = arith.constant 1 : i32
      %sub3A_146 = vector.broadcast %sub3A : i32 to vector<16xi32>
      %sub3A_147 = arith.subi %div3A_125, %sub3A_146 : vector<16xi32>
      %select_n3A = arith.select %and3A, %sub3A_147, %div3A_125 : vector<16xi1>, vector<16xi32>
      %jit3A_148 = arith.constant 8 : i32
      %div3A_149 = vector.broadcast %jit3A_148 : i32 to vector<16xi32>
      %div3A_150 = arith.divsi %add3A_116, %div3A_149 : vector<16xi32>
      %sign3A_151 = arith.constant 0 : i32
      %sign3A_152 = vector.broadcast %sign3A_151 : i32 to vector<16xi32>
      %sign3A_153 = arith.cmpi sgt, %add3A_116, %sign3A_152 : vector<16xi32>
      %sign3A_154 = arith.extui %sign3A_153 : vector<16xi1> to vector<16xi32>
      %sign3A_155 = arith.constant 0 : i32
      %sign3A_156 = vector.broadcast %sign3A_155 : i32 to vector<16xi32>
      %sign3A_157 = arith.cmpi slt, %add3A_116, %sign3A_156 : vector<16xi32>
      %sign3A_158 = arith.extui %sign3A_157 : vector<16xi1> to vector<16xi32>
      %sign3A_159 = arith.subi %sign3A_154, %sign3A_158 : vector<16xi32>
      %sign3A_160 = arith.constant 0 : i32
      %sign3A_161 = arith.cmpi sgt, %jit3A_148, %sign3A_160 : i32
      %sign3A_162 = arith.extui %sign3A_161 : i1 to i32
      %sign3A_163 = arith.constant 0 : i32
      %sign3A_164 = arith.cmpi slt, %jit3A_148, %sign3A_163 : i32
      %sign3A_165 = arith.extui %sign3A_164 : i1 to i32
      %sign3A_166 = arith.subi %sign3A_162, %sign3A_165 : i32
      %ne3A_167 = vector.broadcast %sign3A_166 : i32 to vector<16xi32>
      %ne3A_168 = arith.cmpi ne, %sign3A_159, %ne3A_167 : vector<16xi32>
      %rem3A_169 = vector.broadcast %jit3A_148 : i32 to vector<16xi32>
      %rem3A_170 = arith.remsi %add3A_116, %rem3A_169 : vector<16xi32>
      %ne3A_171 = arith.constant 0 : i32
      %ne3A_172 = vector.broadcast %ne3A_171 : i32 to vector<16xi32>
      %ne3A_173 = arith.cmpi ne, %rem3A_170, %ne3A_172 : vector<16xi32>
      %and3A_174 = arith.andi %ne3A_168, %ne3A_173 : vector<16xi1>
      %sub3A_175 = arith.constant 1 : i32
      %sub3A_176 = vector.broadcast %sub3A_175 : i32 to vector<16xi32>
      %sub3A_177 = arith.subi %div3A_150, %sub3A_176 : vector<16xi32>
      %select_n3A_178 = arith.select %and3A_174, %sub3A_177, %div3A_150 : vector<16xi1>, vector<16xi32>
      %jit3A_179 = arith.constant 8 : i32
      %div3A_180 = vector.broadcast %jit3A_179 : i32 to vector<16xi32>
      %div3A_181 = arith.divsi %add3A_120, %div3A_180 : vector<16xi32>
      %sign3A_182 = arith.constant 0 : i32
      %sign3A_183 = vector.broadcast %sign3A_182 : i32 to vector<16xi32>
      %sign3A_184 = arith.cmpi sgt, %add3A_120, %sign3A_183 : vector<16xi32>
      %sign3A_185 = arith.extui %sign3A_184 : vector<16xi1> to vector<16xi32>
      %sign3A_186 = arith.constant 0 : i32
      %sign3A_187 = vector.broadcast %sign3A_186 : i32 to vector<16xi32>
      %sign3A_188 = arith.cmpi slt, %add3A_120, %sign3A_187 : vector<16xi32>
      %sign3A_189 = arith.extui %sign3A_188 : vector<16xi1> to vector<16xi32>
      %sign3A_190 = arith.subi %sign3A_185, %sign3A_189 : vector<16xi32>
      %sign3A_191 = arith.constant 0 : i32
      %sign3A_192 = arith.cmpi sgt, %jit3A_179, %sign3A_191 : i32
      %sign3A_193 = arith.extui %sign3A_192 : i1 to i32
      %sign3A_194 = arith.constant 0 : i32
      %sign3A_195 = arith.cmpi slt, %jit3A_179, %sign3A_194 : i32
      %sign3A_196 = arith.extui %sign3A_195 : i1 to i32
      %sign3A_197 = arith.subi %sign3A_193, %sign3A_196 : i32
      %ne3A_198 = vector.broadcast %sign3A_197 : i32 to vector<16xi32>
      %ne3A_199 = arith.cmpi ne, %sign3A_190, %ne3A_198 : vector<16xi32>
      %rem3A_200 = vector.broadcast %jit3A_179 : i32 to vector<16xi32>
      %rem3A_201 = arith.remsi %add3A_120, %rem3A_200 : vector<16xi32>
      %ne3A_202 = arith.constant 0 : i32
      %ne3A_203 = vector.broadcast %ne3A_202 : i32 to vector<16xi32>
      %ne3A_204 = arith.cmpi ne, %rem3A_201, %ne3A_203 : vector<16xi32>
      %and3A_205 = arith.andi %ne3A_199, %ne3A_204 : vector<16xi1>
      %sub3A_206 = arith.constant 1 : i32
      %sub3A_207 = vector.broadcast %sub3A_206 : i32 to vector<16xi32>
      %sub3A_208 = arith.subi %div3A_181, %sub3A_207 : vector<16xi32>
      %select_n3A_209 = arith.select %and3A_205, %sub3A_208, %div3A_181 : vector<16xi1>, vector<16xi32>
      %jit3A_210 = arith.constant 8 : i32
      %div3A_211 = vector.broadcast %jit3A_210 : i32 to vector<16xi32>
      %div3A_212 = arith.divsi %add3A_124, %div3A_211 : vector<16xi32>
      %sign3A_213 = arith.constant 0 : i32
      %sign3A_214 = vector.broadcast %sign3A_213 : i32 to vector<16xi32>
      %sign3A_215 = arith.cmpi sgt, %add3A_124, %sign3A_214 : vector<16xi32>
      %sign3A_216 = arith.extui %sign3A_215 : vector<16xi1> to vector<16xi32>
      %sign3A_217 = arith.constant 0 : i32
      %sign3A_218 = vector.broadcast %sign3A_217 : i32 to vector<16xi32>
      %sign3A_219 = arith.cmpi slt, %add3A_124, %sign3A_218 : vector<16xi32>
      %sign3A_220 = arith.extui %sign3A_219 : vector<16xi1> to vector<16xi32>
      %sign3A_221 = arith.subi %sign3A_216, %sign3A_220 : vector<16xi32>
      %sign3A_222 = arith.constant 0 : i32
      %sign3A_223 = arith.cmpi sgt, %jit3A_210, %sign3A_222 : i32
      %sign3A_224 = arith.extui %sign3A_223 : i1 to i32
      %sign3A_225 = arith.constant 0 : i32
      %sign3A_226 = arith.cmpi slt, %jit3A_210, %sign3A_225 : i32
      %sign3A_227 = arith.extui %sign3A_226 : i1 to i32
      %sign3A_228 = arith.subi %sign3A_224, %sign3A_227 : i32
      %ne3A_229 = vector.broadcast %sign3A_228 : i32 to vector<16xi32>
      %ne3A_230 = arith.cmpi ne, %sign3A_221, %ne3A_229 : vector<16xi32>
      %rem3A_231 = vector.broadcast %jit3A_210 : i32 to vector<16xi32>
      %rem3A_232 = arith.remsi %add3A_124, %rem3A_231 : vector<16xi32>
      %ne3A_233 = arith.constant 0 : i32
      %ne3A_234 = vector.broadcast %ne3A_233 : i32 to vector<16xi32>
      %ne3A_235 = arith.cmpi ne, %rem3A_232, %ne3A_234 : vector<16xi32>
      %and3A_236 = arith.andi %ne3A_230, %ne3A_235 : vector<16xi1>
      %sub3A_237 = arith.constant 1 : i32
      %sub3A_238 = vector.broadcast %sub3A_237 : i32 to vector<16xi32>
      %sub3A_239 = arith.subi %div3A_212, %sub3A_238 : vector<16xi32>
      %select_n3A_240 = arith.select %and3A_236, %sub3A_239, %div3A_212 : vector<16xi1>, vector<16xi32>
      %jit3A_241 = arith.constant 8 : i32
      %eq3A = arith.constant 0 : i32
      %eq3A_242 = arith.cmpi eq, %jit3A_241, %eq3A : i32
      %jit3A_243 = arith.constant 1 : i32
      %select_n3A_244 = arith.select %eq3A_242, %jit3A_243, %jit3A_241 : i32
      %rem3A_245 = vector.broadcast %select_n3A_244 : i32 to vector<16xi32>
      %rem3A_246 = arith.remsi %add3A_112, %rem3A_245 : vector<16xi32>
      %ne3A_247 = arith.constant 0 : i32
      %ne3A_248 = vector.broadcast %ne3A_247 : i32 to vector<16xi32>
      %ne3A_249 = arith.cmpi ne, %rem3A_246, %ne3A_248 : vector<16xi32>
      %lt3A = arith.constant 0 : i32
      %lt3A_250 = vector.broadcast %lt3A : i32 to vector<16xi32>
      %lt3A_251 = arith.cmpi slt, %rem3A_246, %lt3A_250 : vector<16xi32>
      %lt3A_252 = arith.constant 0 : i32
      %lt3A_253 = arith.cmpi slt, %select_n3A_244, %lt3A_252 : i32
      %ne3A_254 = vector.broadcast %lt3A_253 : i1 to vector<16xi1>
      %ne3A_255 = vector.broadcast %ne3A_254 : vector<16xi1> to vector<16xi1>
      %ne3A_256 = arith.xori %lt3A_251, %ne3A_255 : vector<16xi1>
      %and3A_257 = arith.andi %ne3A_256, %ne3A_249 : vector<16xi1>
      %add3A_258 = vector.broadcast %select_n3A_244 : i32 to vector<16xi32>
      %add3A_259 = arith.addi %rem3A_246, %add3A_258 : vector<16xi32>
      %select_n3A_260 = arith.select %and3A_257, %add3A_259, %rem3A_246 : vector<16xi1>, vector<16xi32>
      %jit3A_261 = arith.constant 8 : i32
      %eq3A_262 = arith.constant 0 : i32
      %eq3A_263 = arith.cmpi eq, %jit3A_261, %eq3A_262 : i32
      %jit3A_264 = arith.constant 1 : i32
      %select_n3A_265 = arith.select %eq3A_263, %jit3A_264, %jit3A_261 : i32
      %rem3A_266 = vector.broadcast %select_n3A_265 : i32 to vector<16xi32>
      %rem3A_267 = arith.remsi %add3A_116, %rem3A_266 : vector<16xi32>
      %ne3A_268 = arith.constant 0 : i32
      %ne3A_269 = vector.broadcast %ne3A_268 : i32 to vector<16xi32>
      %ne3A_270 = arith.cmpi ne, %rem3A_267, %ne3A_269 : vector<16xi32>
      %lt3A_271 = arith.constant 0 : i32
      %lt3A_272 = vector.broadcast %lt3A_271 : i32 to vector<16xi32>
      %lt3A_273 = arith.cmpi slt, %rem3A_267, %lt3A_272 : vector<16xi32>
      %lt3A_274 = arith.constant 0 : i32
      %lt3A_275 = arith.cmpi slt, %select_n3A_265, %lt3A_274 : i32
      %ne3A_276 = vector.broadcast %lt3A_275 : i1 to vector<16xi1>
      %ne3A_277 = vector.broadcast %ne3A_276 : vector<16xi1> to vector<16xi1>
      %ne3A_278 = arith.xori %lt3A_273, %ne3A_277 : vector<16xi1>
      %and3A_279 = arith.andi %ne3A_278, %ne3A_270 : vector<16xi1>
      %add3A_280 = vector.broadcast %select_n3A_265 : i32 to vector<16xi32>
      %add3A_281 = arith.addi %rem3A_267, %add3A_280 : vector<16xi32>
      %select_n3A_282 = arith.select %and3A_279, %add3A_281, %rem3A_267 : vector<16xi1>, vector<16xi32>
      %jit3A_283 = arith.constant 8 : i32
      %eq3A_284 = arith.constant 0 : i32
      %eq3A_285 = arith.cmpi eq, %jit3A_283, %eq3A_284 : i32
      %jit3A_286 = arith.constant 1 : i32
      %select_n3A_287 = arith.select %eq3A_285, %jit3A_286, %jit3A_283 : i32
      %rem3A_288 = vector.broadcast %select_n3A_287 : i32 to vector<16xi32>
      %rem3A_289 = arith.remsi %add3A_120, %rem3A_288 : vector<16xi32>
      %ne3A_290 = arith.constant 0 : i32
      %ne3A_291 = vector.broadcast %ne3A_290 : i32 to vector<16xi32>
      %ne3A_292 = arith.cmpi ne, %rem3A_289, %ne3A_291 : vector<16xi32>
      %lt3A_293 = arith.constant 0 : i32
      %lt3A_294 = vector.broadcast %lt3A_293 : i32 to vector<16xi32>
      %lt3A_295 = arith.cmpi slt, %rem3A_289, %lt3A_294 : vector<16xi32>
      %lt3A_296 = arith.constant 0 : i32
      %lt3A_297 = arith.cmpi slt, %select_n3A_287, %lt3A_296 : i32
      %ne3A_298 = vector.broadcast %lt3A_297 : i1 to vector<16xi1>
      %ne3A_299 = vector.broadcast %ne3A_298 : vector<16xi1> to vector<16xi1>
      %ne3A_300 = arith.xori %lt3A_295, %ne3A_299 : vector<16xi1>
      %and3A_301 = arith.andi %ne3A_300, %ne3A_292 : vector<16xi1>
      %add3A_302 = vector.broadcast %select_n3A_287 : i32 to vector<16xi32>
      %add3A_303 = arith.addi %rem3A_289, %add3A_302 : vector<16xi32>
      %select_n3A_304 = arith.select %and3A_301, %add3A_303, %rem3A_289 : vector<16xi1>, vector<16xi32>
      %jit3A_305 = arith.constant 8 : i32
      %eq3A_306 = arith.constant 0 : i32
      %eq3A_307 = arith.cmpi eq, %jit3A_305, %eq3A_306 : i32
      %jit3A_308 = arith.constant 1 : i32
      %select_n3A_309 = arith.select %eq3A_307, %jit3A_308, %jit3A_305 : i32
      %rem3A_310 = vector.broadcast %select_n3A_309 : i32 to vector<16xi32>
      %rem3A_311 = arith.remsi %add3A_124, %rem3A_310 : vector<16xi32>
      %ne3A_312 = arith.constant 0 : i32
      %ne3A_313 = vector.broadcast %ne3A_312 : i32 to vector<16xi32>
      %ne3A_314 = arith.cmpi ne, %rem3A_311, %ne3A_313 : vector<16xi32>
      %lt3A_315 = arith.constant 0 : i32
      %lt3A_316 = vector.broadcast %lt3A_315 : i32 to vector<16xi32>
      %lt3A_317 = arith.cmpi slt, %rem3A_311, %lt3A_316 : vector<16xi32>
      %lt3A_318 = arith.constant 0 : i32
      %lt3A_319 = arith.cmpi slt, %select_n3A_309, %lt3A_318 : i32
      %ne3A_320 = vector.broadcast %lt3A_319 : i1 to vector<16xi1>
      %ne3A_321 = vector.broadcast %ne3A_320 : vector<16xi1> to vector<16xi1>
      %ne3A_322 = arith.xori %lt3A_317, %ne3A_321 : vector<16xi1>
      %and3A_323 = arith.andi %ne3A_322, %ne3A_314 : vector<16xi1>
      %add3A_324 = vector.broadcast %select_n3A_309 : i32 to vector<16xi32>
      %add3A_325 = arith.addi %rem3A_311, %add3A_324 : vector<16xi32>
      %select_n3A_326 = arith.select %and3A_323, %add3A_325, %rem3A_311 : vector<16xi1>, vector<16xi32>
      %mul3A_327 = arith.constant 64 : i32
      %mul3A_328 = arith.muli %add3A_101, %mul3A_327 : i32
      %add3A_329 = arith.constant 0 : i32
      %add3A_330 = arith.addi %mul3A_328, %add3A_329 : i32
      %get3A = arith.index_cast %add3A_330 : i32 to index
      %get3A_331 = tpu.vector_load %arg7[%get3A] {strides = array<i32>} : memref<12800xf32, #tpu.memory_space<vmem>>, vector<16xf32>,
      %mul3A_332 = arith.constant 64 : i32
      %mul3A_333 = arith.muli %add3A_101, %mul3A_332 : i32
      %add3A_334 = arith.constant 16 : i32
      %add3A_335 = arith.addi %mul3A_333, %add3A_334 : i32
      %get3A_336 = arith.index_cast %add3A_335 : i32 to index
      %get3A_337 = tpu.vector_load %arg7[%get3A_336] {strides = array<i32>} : memref<12800xf32, #tpu.memory_space<vmem>>, vector<16xf32>,
      %mul3A_338 = arith.constant 64 : i32
      %mul3A_339 = arith.muli %add3A_101, %mul3A_338 : i32
      %add3A_340 = arith.constant 32 : i32
      %add3A_341 = arith.addi %mul3A_339, %add3A_340 : i32
      %get3A_342 = arith.index_cast %add3A_341 : i32 to index
      %get3A_343 = tpu.vector_load %arg7[%get3A_342] {strides = array<i32>} : memref<12800xf32, #tpu.memory_space<vmem>>, vector<16xf32>,
      %mul3A_344 = arith.constant 64 : i32
      %mul3A_345 = arith.muli %add3A_101, %mul3A_344 : i32
      %add3A_346 = arith.constant 48 : i32
      %add3A_347 = arith.addi %mul3A_345, %add3A_346 : i32
      %get3A_348 = arith.index_cast %add3A_347 : i32 to index
      %get3A_349 = tpu.vector_load %arg7[%get3A_348] {strides = array<i32>} : memref<12800xf32, #tpu.memory_space<vmem>>, vector<16xf32>,
      %parallel_loop3A = arith.constant 0 : i32
      %parallel_loop3A_350 = arith.constant 128 : i32
      %parallel_loop3A_351 = arith.constant 1 : i32
      scf.for %parallel_loop3A_2533 = %parallel_loop3A to %parallel_loop3A_350 step %parallel_loop3A_351  : i32 {
        %parallel_loop3A_2534 = vector.broadcast %parallel_loop3A_2533 : i32 to vector<16xi32>
        %parallel_loop3A_2535 = arith.index_cast %parallel_loop3A_2533 : i32 to index
        %parallel_loop3A_2536 = arith.constant 0 : index
        %parallel_loop3A_2537 = tpu.vector_load %arg8[%parallel_loop3A_2535, %parallel_loop3A_2536] {strides = array<i32>} : memref<128x64xf32, #tpu.memory_space<vmem>>, vector<16xf32>,
        %parallel_loop3A_2538 = arith.addf %parallel_loop3A_2537, %get3A_331 : vector<16xf32>
        tpu.vector_store_idx %arg16[%select_n3A, %select_n3A_260, %parallel_loop3A_2534], %parallel_loop3A_2538 : memref<8x8x129xf32, #tpu.memory_space<vmem>>[vector<16xi32>, vector<16xi32>, vector<16xi32>], vector<16xf32>,
        %parallel_loop3A_2539 = arith.index_cast %parallel_loop3A_2533 : i32 to index
        %parallel_loop3A_2540 = arith.constant 16 : index
        %parallel_loop3A_2541 = tpu.vector_load %arg8[%parallel_loop3A_2539, %parallel_loop3A_2540] {strides = array<i32>} : memref<128x64xf32, #tpu.memory_space<vmem>>, vector<16xf32>,
        %parallel_loop3A_2542 = arith.addf %parallel_loop3A_2541, %get3A_337 : vector<16xf32>
        tpu.vector_store_idx %arg16[%select_n3A_178, %select_n3A_282, %parallel_loop3A_2534], %parallel_loop3A_2542 : memref<8x8x129xf32, #tpu.memory_space<vmem>>[vector<16xi32>, vector<16xi32>, vector<16xi32>], vector<16xf32>,
        %parallel_loop3A_2543 = arith.index_cast %parallel_loop3A_2533 : i32 to index
        %parallel_loop3A_2544 = arith.constant 32 : index
        %parallel_loop3A_2545 = tpu.vector_load %arg8[%parallel_loop3A_2543, %parallel_loop3A_2544] {strides = array<i32>} : memref<128x64xf32, #tpu.memory_space<vmem>>, vector<16xf32>,
        %parallel_loop3A_2546 = arith.addf %parallel_loop3A_2545, %get3A_343 : vector<16xf32>
        tpu.vector_store_idx %arg16[%select_n3A_209, %select_n3A_304, %parallel_loop3A_2534], %parallel_loop3A_2546 : memref<8x8x129xf32, #tpu.memory_space<vmem>>[vector<16xi32>, vector<16xi32>, vector<16xi32>], vector<16xf32>,
        %parallel_loop3A_2547 = arith.index_cast %parallel_loop3A_2533 : i32 to index
        %parallel_loop3A_2548 = arith.constant 48 : index
        %parallel_loop3A_2549 = tpu.vector_load %arg8[%parallel_loop3A_2547, %parallel_loop3A_2548] {strides = array<i32>} : memref<128x64xf32, #tpu.memory_space<vmem>>, vector<16xf32>,
        %parallel_loop3A_2550 = arith.addf %parallel_loop3A_2549, %get3A_349 : vector<16xf32>
        tpu.vector_store_idx %arg16[%select_n3A_240, %select_n3A_326, %parallel_loop3A_2534], %parallel_loop3A_2550 : memref<8x8x129xf32, #tpu.memory_space<vmem>>[vector<16xi32>, vector<16xi32>, vector<16xi32>], vector<16xf32>,
      } {sc.loop_unroll_factor = 4 : i64, sc.parallel_access}
      %gt3A_352 = arith.constant 0 : i32
      %gt3A_353 = arith.cmpi sgt, %scan3A_97, %gt3A_352 : i32
      %convert_element_type3A_354 = arith.extui %gt3A_353 : i1 to i32
      %cond3A_355 = arith.constant 0 : i32
      %cond3A_356 = arith.cmpi ne, %convert_element_type3A_354, %cond3A_355 : i32
      scf.if %cond3A_356 {
        %sub3A_2533 = arith.constant 1 : i32
        %sub3A_2534 = arith.subi %add3A_101, %sub3A_2533 : i32
        %dma_start3A_2535 = arith.constant 0 : i32
        %dma_start3A_2536 = arith.constant 0 : i32
        %dma_start3A_2537 = arith.constant 0 : i32
        %dma_start3A_2538 = tpu.memref_slice %arg17[%dma_start3A_2535, %dma_start3A_2536, %dma_start3A_2537] : memref<8x8x129xf32, #tpu.memory_space<vmem>> -> memref<8x8x128xf32, #tpu.memory_space<vmem>>
        %dma_start3A_2539 = arith.constant 0 : i32
        %dma_start3A_2540 = arith.constant 0 : i32
        %dma_start3A_2541 = arith.constant 0 : i32
        %dma_start3A_2542 = tpu.memref_slice %arg5[%sub3A_2534, %dma_start3A_2539, %add3A, %dma_start3A_2540, %dma_start3A_2541] : memref<200x8x32x8x128xf32, #tpu.memory_space<hbm>> -> memref<1x8x1x8x128xf32, #tpu.memory_space<hbm>>
        %dma_start3A_2543 = tpu.memref_squeeze %dma_start3A_2542 : memref<1x8x1x8x128xf32, #tpu.memory_space<hbm>> -> memref<8x8x128xf32, #tpu.memory_space<hbm>>
        %dma_start3A_2544 = arith.constant 0 : i32
        %dma_start3A_2545 = arith.constant 0 : i32
        %dma_start3A_2546 = arith.constant 0 : i32
        %dma_start3A_2547 = tpu.memref_slice %arg5[%sub3A_2534, %dma_start3A_2544, %add3A, %dma_start3A_2545, %dma_start3A_2546] : memref<200x8x32x8x128xf32, #tpu.memory_space<hbm>> -> memref<1x8x1x8x128xf32, #tpu.memory_space<hbm>>
        %dma_start3A_2548 = tpu.memref_squeeze %dma_start3A_2547 : memref<1x8x1x8x128xf32, #tpu.memory_space<hbm>> -> memref<8x8x128xf32, #tpu.memory_space<hbm>>
        %dma_start3A_2549 = arith.constant 0 : i32
        %dma_start3A_2550 = arith.constant 0 : i32
        %dma_start3A_2551 = arith.constant 0 : i32
        %dma_start3A_2552 = tpu.memref_slice %arg17[%dma_start3A_2549, %dma_start3A_2550, %dma_start3A_2551] : memref<8x8x129xf32, #tpu.memory_space<vmem>> -> memref<8x8x128xf32, #tpu.memory_space<vmem>>
        tpu.enqueue_dma source(%dma_start3A_2552 : memref<8x8x128xf32, #tpu.memory_space<vmem>>) target(%dma_start3A_2548 : memref<8x8x128xf32, #tpu.memory_space<hbm>>) target_semaphore(%arg27 : memref<!tpu.dma_semaphore, #tpu.memory_space<semaphore_mem>>)
      } else {
      }
      %add3A_357 = arith.constant 4 : i32
      %add3A_358 = arith.addi %add3A_101, %add3A_357 : i32
      %lt3A_359 = arith.constant 200 : i32
      %lt3A_360 = arith.cmpi slt, %add3A_358, %lt3A_359 : i32
      %convert_element_type3A_361 = arith.extui %lt3A_360 : i1 to i32
      %cond3A_362 = arith.constant 0 : i32
      %cond3A_363 = arith.cmpi ne, %convert_element_type3A_361, %cond3A_362 : i32
      scf.if %cond3A_363 {
        %add3A_2533 = arith.constant 4 : i32
        %add3A_2534 = arith.addi %add3A_101, %add3A_2533 : i32
        %jit3A_2535 = arith.constant 8 : i32
        %div3A_2536 = arith.divsi %add3A_2534, %jit3A_2535 : i32
        %sign3A_2537 = arith.constant 0 : i32
        %sign3A_2538 = arith.cmpi sgt, %add3A_2534, %sign3A_2537 : i32
        %sign3A_2539 = arith.extui %sign3A_2538 : i1 to i32
        %sign3A_2540 = arith.constant 0 : i32
        %sign3A_2541 = arith.cmpi slt, %add3A_2534, %sign3A_2540 : i32
        %sign3A_2542 = arith.extui %sign3A_2541 : i1 to i32
        %sign3A_2543 = arith.subi %sign3A_2539, %sign3A_2542 : i32
        %sign3A_2544 = arith.constant 0 : i32
        %sign3A_2545 = arith.cmpi sgt, %jit3A_2535, %sign3A_2544 : i32
        %sign3A_2546 = arith.extui %sign3A_2545 : i1 to i32
        %sign3A_2547 = arith.constant 0 : i32
        %sign3A_2548 = arith.cmpi slt, %jit3A_2535, %sign3A_2547 : i32
        %sign3A_2549 = arith.extui %sign3A_2548 : i1 to i32
        %sign3A_2550 = arith.subi %sign3A_2546, %sign3A_2549 : i32
        %ne3A_2551 = arith.cmpi ne, %sign3A_2543, %sign3A_2550 : i32
        %rem3A_2552 = arith.remsi %add3A_2534, %jit3A_2535 : i32
        %ne3A_2553 = arith.constant 0 : i32
        %ne3A_2554 = arith.cmpi ne, %rem3A_2552, %ne3A_2553 : i32
        %and3A_2555 = arith.andi %ne3A_2551, %ne3A_2554 : i1
        %sub3A_2556 = arith.constant 1 : i32
        %sub3A_2557 = arith.subi %div3A_2536, %sub3A_2556 : i32
        %select_n3A_2558 = arith.select %and3A_2555, %sub3A_2557, %div3A_2536 : i32
        %jit3A_2559 = arith.constant 8 : i32
        %eq3A_2560 = arith.constant 0 : i32
        %eq3A_2561 = arith.cmpi eq, %jit3A_2559, %eq3A_2560 : i32
        %jit3A_2562 = arith.constant 1 : i32
        %select_n3A_2563 = arith.select %eq3A_2561, %jit3A_2562, %jit3A_2559 : i32
        %rem3A_2564 = arith.remsi %add3A_2534, %select_n3A_2563 : i32
        %ne3A_2565 = arith.constant 0 : i32
        %ne3A_2566 = arith.cmpi ne, %rem3A_2564, %ne3A_2565 : i32
        %lt3A_2567 = arith.constant 0 : i32
        %lt3A_2568 = arith.cmpi slt, %rem3A_2564, %lt3A_2567 : i32
        %lt3A_2569 = arith.constant 0 : i32
        %lt3A_2570 = arith.cmpi slt, %select_n3A_2563, %lt3A_2569 : i32
        %ne3A_2571 = arith.xori %lt3A_2568, %lt3A_2570 : i1
        %and3A_2572 = arith.andi %ne3A_2571, %ne3A_2566 : i1
        %add3A_2573 = arith.addi %rem3A_2564, %select_n3A_2563 : i32
        %select_n3A_2574 = arith.select %and3A_2572, %add3A_2573, %rem3A_2564 : i32
        %dma_start3A_2575 = arith.constant 0 : i32
        %dma_start3A_2576 = tpu.memref_slice %arg6[%select_n3A_2558, %select_n3A_2574, %dma_start3A_2575] : memref<25x8x128xi32, #tpu.memory_space<vmem>> -> memref<1x1x128xi32, #tpu.memory_space<vmem>>
        %dma_start3A_2577 = tpu.memref_squeeze %dma_start3A_2576 : memref<1x1x128xi32, #tpu.memory_space<vmem>> -> memref<128xi32, #tpu.memory_space<vmem>>
        %dma_start3A_2578 = arith.constant 0 : i32
        %dma_start3A_2579 = arith.constant 0 : i32
        %dma_start3A_2580 = tpu.memref_slice %arg3[%dma_start3A_2578, %dma_start3A_2579] : memref<1000000x64xf32, #tpu.memory_space<hbm>> -> memref<1000000x64xf32, #tpu.memory_space<hbm>>
        tpu.enqueue_indirect_dma source(%dma_start3A_2580 : memref<1000000x64xf32, #tpu.memory_space<hbm>>) target(%arg12 : memref<128x64xf32, #tpu.memory_space<vmem>>) offsets(%dma_start3A_2577 : memref<128xi32, #tpu.memory_space<vmem>>) semaphore(%arg22 : memref<!tpu.dma_semaphore, #tpu.memory_space<semaphore_mem>>)
      } else {
      }
      %mul3A_364 = arith.constant 8 : i32
      %mul3A_365 = arith.muli %scan3A_97, %mul3A_364 : i32
      %add3A_366 = arith.constant 1 : i32
      %add3A_367 = arith.addi %mul3A_365, %add3A_366 : i32
      %dma_wait3A_368 = arith.constant 0 : i32
      %dma_wait3A_369 = arith.constant 0 : i32
      %dma_wait3A_370 = tpu.memref_slice %arg3[%dma_wait3A_368, %dma_wait3A_369] : memref<1000000x64xf32, #tpu.memory_space<hbm>> -> memref<128x64xf32, #tpu.memory_space<hbm>>
      %dma_wait3A_371 = arith.constant 0 : i32
      %dma_wait3A_372 = arith.constant 0 : i32
      %dma_wait3A_373 = tpu.memref_slice %arg3[%dma_wait3A_371, %dma_wait3A_372] : memref<1000000x64xf32, #tpu.memory_space<hbm>> -> memref<128x64xf32, #tpu.memory_space<hbm>>
      tpu.wait_dma2 semaphore(%arg19 : memref<!tpu.dma_semaphore, #tpu.memory_space<semaphore_mem>>) src(%dma_wait3A_373 : memref<128x64xf32, #tpu.memory_space<hbm>>) dst(%arg9 : memref<128x64xf32, #tpu.memory_space<vmem>>)
      %gt3A_374 = arith.constant 0 : i32
      %gt3A_375 = arith.cmpi sgt, %scan3A_97, %gt3A_374 : i32
      %convert_element_type3A_376 = arith.extui %gt3A_375 : i1 to i32
      %cond3A_377 = arith.constant 0 : i32
      %cond3A_378 = arith.cmpi ne, %convert_element_type3A_376, %cond3A_377 : i32
      scf.if %cond3A_378 {
        %dma_wait3A_2533 = arith.constant 0 : i32
        %dma_wait3A_2534 = arith.constant 0 : i32
        %dma_wait3A_2535 = arith.constant 0 : i32
        %dma_wait3A_2536 = arith.constant 0 : i32
        %dma_wait3A_2537 = arith.constant 0 : i32
        %dma_wait3A_2538 = tpu.memref_slice %arg17[%dma_wait3A_2535, %dma_wait3A_2536, %dma_wait3A_2537] : memref<8x8x129xf32, #tpu.memory_space<vmem>> -> memref<8x8x128xf32, #tpu.memory_space<vmem>>
        %dma_wait3A_2539 = arith.constant 0 : i32
        %dma_wait3A_2540 = arith.constant 0 : i32
        %dma_wait3A_2541 = arith.constant 0 : i32
        %dma_wait3A_2542 = tpu.memref_slice %arg5[%dma_wait3A_2533, %dma_wait3A_2539, %dma_wait3A_2534, %dma_wait3A_2540, %dma_wait3A_2541] : memref<200x8x32x8x128xf32, #tpu.memory_space<hbm>> -> memref<1x8x1x8x128xf32, #tpu.memory_space<hbm>>
        %dma_wait3A_2543 = tpu.memref_squeeze %dma_wait3A_2542 : memref<1x8x1x8x128xf32, #tpu.memory_space<hbm>> -> memref<8x8x128xf32, #tpu.memory_space<hbm>>
        %dma_wait3A_2544 = arith.constant 0 : i32
        %dma_wait3A_2545 = arith.constant 0 : i32
        %dma_wait3A_2546 = arith.constant 0 : i32
        %dma_wait3A_2547 = tpu.memref_slice %arg5[%dma_wait3A_2533, %dma_wait3A_2544, %dma_wait3A_2534, %dma_wait3A_2545, %dma_wait3A_2546] : memref<200x8x32x8x128xf32, #tpu.memory_space<hbm>> -> memref<1x8x1x8x128xf32, #tpu.memory_space<hbm>>
        %dma_wait3A_2548 = tpu.memref_squeeze %dma_wait3A_2547 : memref<1x8x1x8x128xf32, #tpu.memory_space<hbm>> -> memref<8x8x128xf32, #tpu.memory_space<hbm>>
        %dma_wait3A_2549 = arith.constant 0 : i32
        %dma_wait3A_2550 = arith.constant 0 : i32
        %dma_wait3A_2551 = arith.constant 0 : i32
        %dma_wait3A_2552 = tpu.memref_slice %arg17[%dma_wait3A_2549, %dma_wait3A_2550, %dma_wait3A_2551] : memref<8x8x129xf32, #tpu.memory_space<vmem>> -> memref<8x8x128xf32, #tpu.memory_space<vmem>>
        tpu.wait_dma2 semaphore(%arg27 : memref<!tpu.dma_semaphore, #tpu.memory_space<semaphore_mem>>) src(%dma_wait3A_2552 : memref<8x8x128xf32, #tpu.memory_space<vmem>>) dst(%dma_wait3A_2548 : memref<8x8x128xf32, #tpu.memory_space<hbm>>)
      } else {
      }
      %iota3A_379 = tpu.iota {dimensions = array<i32: 0>} : vector<16xi32>
      %add3A_380 = arith.constant 0 : i32
      %add3A_381 = vector.broadcast %add3A_380 : i32 to vector<16xi32>
      %add3A_382 = arith.addi %iota3A_379, %add3A_381 : vector<16xi32>
      %iota3A_383 = tpu.iota {dimensions = array<i32: 0>} : vector<16xi32>
      %add3A_384 = arith.constant 16 : i32
      %add3A_385 = vector.broadcast %add3A_384 : i32 to vector<16xi32>
      %add3A_386 = arith.addi %iota3A_383, %add3A_385 : vector<16xi32>
      %iota3A_387 = tpu.iota {dimensions = array<i32: 0>} : vector<16xi32>
      %add3A_388 = arith.constant 32 : i32
      %add3A_389 = vector.broadcast %add3A_388 : i32 to vector<16xi32>
      %add3A_390 = arith.addi %iota3A_387, %add3A_389 : vector<16xi32>
      %iota3A_391 = tpu.iota {dimensions = array<i32: 0>} : vector<16xi32>
      %add3A_392 = arith.constant 48 : i32
      %add3A_393 = vector.broadcast %add3A_392 : i32 to vector<16xi32>
      %add3A_394 = arith.addi %iota3A_391, %add3A_393 : vector<16xi32>
      %jit3A_395 = arith.constant 8 : i32
      %div3A_396 = vector.broadcast %jit3A_395 : i32 to vector<16xi32>
      %div3A_397 = arith.divsi %add3A_382, %div3A_396 : vector<16xi32>
      %sign3A_398 = arith.constant 0 : i32
      %sign3A_399 = vector.broadcast %sign3A_398 : i32 to vector<16xi32>
      %sign3A_400 = arith.cmpi sgt, %add3A_382, %sign3A_399 : vector<16xi32>
      %sign3A_401 = arith.extui %sign3A_400 : vector<16xi1> to vector<16xi32>
      %sign3A_402 = arith.constant 0 : i32
      %sign3A_403 = vector.broadcast %sign3A_402 : i32 to vector<16xi32>
      %sign3A_404 = arith.cmpi slt, %add3A_382, %sign3A_403 : vector<16xi32>
      %sign3A_405 = arith.extui %sign3A_404 : vector<16xi1> to vector<16xi32>
      %sign3A_406 = arith.subi %sign3A_401, %sign3A_405 : vector<16xi32>
      %sign3A_407 = arith.constant 0 : i32
      %sign3A_408 = arith.cmpi sgt, %jit3A_395, %sign3A_407 : i32
      %sign3A_409 = arith.extui %sign3A_408 : i1 to i32
      %sign3A_410 = arith.constant 0 : i32
      %sign3A_411 = arith.cmpi slt, %jit3A_395, %sign3A_410 : i32
      %sign3A_412 = arith.extui %sign3A_411 : i1 to i32
      %sign3A_413 = arith.subi %sign3A_409, %sign3A_412 : i32
      %ne3A_414 = vector.broadcast %sign3A_413 : i32 to vector<16xi32>
      %ne3A_415 = arith.cmpi ne, %sign3A_406, %ne3A_414 : vector<16xi32>
      %rem3A_416 = vector.broadcast %jit3A_395 : i32 to vector<16xi32>
      %rem3A_417 = arith.remsi %add3A_382, %rem3A_416 : vector<16xi32>
      %ne3A_418 = arith.constant 0 : i32
      %ne3A_419 = vector.broadcast %ne3A_418 : i32 to vector<16xi32>
      %ne3A_420 = arith.cmpi ne, %rem3A_417, %ne3A_419 : vector<16xi32>
      %and3A_421 = arith.andi %ne3A_415, %ne3A_420 : vector<16xi1>
      %sub3A_422 = arith.constant 1 : i32
      %sub3A_423 = vector.broadcast %sub3A_422 : i32 to vector<16xi32>
      %sub3A_424 = arith.subi %div3A_397, %sub3A_423 : vector<16xi32>
      %select_n3A_425 = arith.select %and3A_421, %sub3A_424, %div3A_397 : vector<16xi1>, vector<16xi32>
      %jit3A_426 = arith.constant 8 : i32
      %div3A_427 = vector.broadcast %jit3A_426 : i32 to vector<16xi32>
      %div3A_428 = arith.divsi %add3A_386, %div3A_427 : vector<16xi32>
      %sign3A_429 = arith.constant 0 : i32
      %sign3A_430 = vector.broadcast %sign3A_429 : i32 to vector<16xi32>
      %sign3A_431 = arith.cmpi sgt, %add3A_386, %sign3A_430 : vector<16xi32>
      %sign3A_432 = arith.extui %sign3A_431 : vector<16xi1> to vector<16xi32>
      %sign3A_433 = arith.constant 0 : i32
      %sign3A_434 = vector.broadcast %sign3A_433 : i32 to vector<16xi32>
      %sign3A_435 = arith.cmpi slt, %add3A_386, %sign3A_434 : vector<16xi32>
      %sign3A_436 = arith.extui %sign3A_435 : vector<16xi1> to vector<16xi32>
      %sign3A_437 = arith.subi %sign3A_432, %sign3A_436 : vector<16xi32>
      %sign3A_438 = arith.constant 0 : i32
      %sign3A_439 = arith.cmpi sgt, %jit3A_426, %sign3A_438 : i32
      %sign3A_440 = arith.extui %sign3A_439 : i1 to i32
      %sign3A_441 = arith.constant 0 : i32
      %sign3A_442 = arith.cmpi slt, %jit3A_426, %sign3A_441 : i32
      %sign3A_443 = arith.extui %sign3A_442 : i1 to i32
      %sign3A_444 = arith.subi %sign3A_440, %sign3A_443 : i32
      %ne3A_445 = vector.broadcast %sign3A_444 : i32 to vector<16xi32>
      %ne3A_446 = arith.cmpi ne, %sign3A_437, %ne3A_445 : vector<16xi32>
      %rem3A_447 = vector.broadcast %jit3A_426 : i32 to vector<16xi32>
      %rem3A_448 = arith.remsi %add3A_386, %rem3A_447 : vector<16xi32>
      %ne3A_449 = arith.constant 0 : i32
      %ne3A_450 = vector.broadcast %ne3A_449 : i32 to vector<16xi32>
      %ne3A_451 = arith.cmpi ne, %rem3A_448, %ne3A_450 : vector<16xi32>
      %and3A_452 = arith.andi %ne3A_446, %ne3A_451 : vector<16xi1>
      %sub3A_453 = arith.constant 1 : i32
      %sub3A_454 = vector.broadcast %sub3A_453 : i32 to vector<16xi32>
      %sub3A_455 = arith.subi %div3A_428, %sub3A_454 : vector<16xi32>
      %select_n3A_456 = arith.select %and3A_452, %sub3A_455, %div3A_428 : vector<16xi1>, vector<16xi32>
      %jit3A_457 = arith.constant 8 : i32
      %div3A_458 = vector.broadcast %jit3A_457 : i32 to vector<16xi32>
      %div3A_459 = arith.divsi %add3A_390, %div3A_458 : vector<16xi32>
      %sign3A_460 = arith.constant 0 : i32
      %sign3A_461 = vector.broadcast %sign3A_460 : i32 to vector<16xi32>
      %sign3A_462 = arith.cmpi sgt, %add3A_390, %sign3A_461 : vector<16xi32>
      %sign3A_463 = arith.extui %sign3A_462 : vector<16xi1> to vector<16xi32>
      %sign3A_464 = arith.constant 0 : i32
      %sign3A_465 = vector.broadcast %sign3A_464 : i32 to vector<16xi32>
      %sign3A_466 = arith.cmpi slt, %add3A_390, %sign3A_465 : vector<16xi32>
      %sign3A_467 = arith.extui %sign3A_466 : vector<16xi1> to vector<16xi32>
      %sign3A_468 = arith.subi %sign3A_463, %sign3A_467 : vector<16xi32>
      %sign3A_469 = arith.constant 0 : i32
      %sign3A_470 = arith.cmpi sgt, %jit3A_457, %sign3A_469 : i32
      %sign3A_471 = arith.extui %sign3A_470 : i1 to i32
      %sign3A_472 = arith.constant 0 : i32
      %sign3A_473 = arith.cmpi slt, %jit3A_457, %sign3A_472 : i32
      %sign3A_474 = arith.extui %sign3A_473 : i1 to i32
      %sign3A_475 = arith.subi %sign3A_471, %sign3A_474 : i32
      %ne3A_476 = vector.broadcast %sign3A_475 : i32 to vector<16xi32>
      %ne3A_477 = arith.cmpi ne, %sign3A_468, %ne3A_476 : vector<16xi32>
      %rem3A_478 = vector.broadcast %jit3A_457 : i32 to vector<16xi32>
      %rem3A_479 = arith.remsi %add3A_390, %rem3A_478 : vector<16xi32>
      %ne3A_480 = arith.constant 0 : i32
      %ne3A_481 = vector.broadcast %ne3A_480 : i32 to vector<16xi32>
      %ne3A_482 = arith.cmpi ne, %rem3A_479, %ne3A_481 : vector<16xi32>
      %and3A_483 = arith.andi %ne3A_477, %ne3A_482 : vector<16xi1>
      %sub3A_484 = arith.constant 1 : i32
      %sub3A_485 = vector.broadcast %sub3A_484 : i32 to vector<16xi32>
      %sub3A_486 = arith.subi %div3A_459, %sub3A_485 : vector<16xi32>
      %select_n3A_487 = arith.select %and3A_483, %sub3A_486, %div3A_459 : vector<16xi1>, vector<16xi32>
      %jit3A_488 = arith.constant 8 : i32
      %div3A_489 = vector.broadcast %jit3A_488 : i32 to vector<16xi32>
      %div3A_490 = arith.divsi %add3A_394, %div3A_489 : vector<16xi32>
      %sign3A_491 = arith.constant 0 : i32
      %sign3A_492 = vector.broadcast %sign3A_491 : i32 to vector<16xi32>
      %sign3A_493 = arith.cmpi sgt, %add3A_394, %sign3A_492 : vector<16xi32>
      %sign3A_494 = arith.extui %sign3A_493 : vector<16xi1> to vector<16xi32>
      %sign3A_495 = arith.constant 0 : i32
      %sign3A_496 = vector.broadcast %sign3A_495 : i32 to vector<16xi32>
      %sign3A_497 = arith.cmpi slt, %add3A_394, %sign3A_496 : vector<16xi32>
      %sign3A_498 = arith.extui %sign3A_497 : vector<16xi1> to vector<16xi32>
      %sign3A_499 = arith.subi %sign3A_494, %sign3A_498 : vector<16xi32>
      %sign3A_500 = arith.constant 0 : i32
      %sign3A_501 = arith.cmpi sgt, %jit3A_488, %sign3A_500 : i32
      %sign3A_502 = arith.extui %sign3A_501 : i1 to i32
      %sign3A_503 = arith.constant 0 : i32
      %sign3A_504 = arith.cmpi slt, %jit3A_488, %sign3A_503 : i32
      %sign3A_505 = arith.extui %sign3A_504 : i1 to i32
      %sign3A_506 = arith.subi %sign3A_502, %sign3A_505 : i32
      %ne3A_507 = vector.broadcast %sign3A_506 : i32 to vector<16xi32>
      %ne3A_508 = arith.cmpi ne, %sign3A_499, %ne3A_507 : vector<16xi32>
      %rem3A_509 = vector.broadcast %jit3A_488 : i32 to vector<16xi32>
      %rem3A_510 = arith.remsi %add3A_394, %rem3A_509 : vector<16xi32>
      %ne3A_511 = arith.constant 0 : i32
      %ne3A_512 = vector.broadcast %ne3A_511 : i32 to vector<16xi32>
      %ne3A_513 = arith.cmpi ne, %rem3A_510, %ne3A_512 : vector<16xi32>
      %and3A_514 = arith.andi %ne3A_508, %ne3A_513 : vector<16xi1>
      %sub3A_515 = arith.constant 1 : i32
      %sub3A_516 = vector.broadcast %sub3A_515 : i32 to vector<16xi32>
      %sub3A_517 = arith.subi %div3A_490, %sub3A_516 : vector<16xi32>
      %select_n3A_518 = arith.select %and3A_514, %sub3A_517, %div3A_490 : vector<16xi1>, vector<16xi32>
      %jit3A_519 = arith.constant 8 : i32
      %eq3A_520 = arith.constant 0 : i32
      %eq3A_521 = arith.cmpi eq, %jit3A_519, %eq3A_520 : i32
      %jit3A_522 = arith.constant 1 : i32
      %select_n3A_523 = arith.select %eq3A_521, %jit3A_522, %jit3A_519 : i32
      %rem3A_524 = vector.broadcast %select_n3A_523 : i32 to vector<16xi32>
      %rem3A_525 = arith.remsi %add3A_382, %rem3A_524 : vector<16xi32>
      %ne3A_526 = arith.constant 0 : i32
      %ne3A_527 = vector.broadcast %ne3A_526 : i32 to vector<16xi32>
      %ne3A_528 = arith.cmpi ne, %rem3A_525, %ne3A_527 : vector<16xi32>
      %lt3A_529 = arith.constant 0 : i32
      %lt3A_530 = vector.broadcast %lt3A_529 : i32 to vector<16xi32>
      %lt3A_531 = arith.cmpi slt, %rem3A_525, %lt3A_530 : vector<16xi32>
      %lt3A_532 = arith.constant 0 : i32
      %lt3A_533 = arith.cmpi slt, %select_n3A_523, %lt3A_532 : i32
      %ne3A_534 = vector.broadcast %lt3A_533 : i1 to vector<16xi1>
      %ne3A_535 = vector.broadcast %ne3A_534 : vector<16xi1> to vector<16xi1>
      %ne3A_536 = arith.xori %lt3A_531, %ne3A_535 : vector<16xi1>
      %and3A_537 = arith.andi %ne3A_536, %ne3A_528 : vector<16xi1>
      %add3A_538 = vector.broadcast %select_n3A_523 : i32 to vector<16xi32>
      %add3A_539 = arith.addi %rem3A_525, %add3A_538 : vector<16xi32>
      %select_n3A_540 = arith.select %and3A_537, %add3A_539, %rem3A_525 : vector<16xi1>, vector<16xi32>
      %jit3A_541 = arith.constant 8 : i32
      %eq3A_542 = arith.constant 0 : i32
      %eq3A_543 = arith.cmpi eq, %jit3A_541, %eq3A_542 : i32
      %jit3A_544 = arith.constant 1 : i32
      %select_n3A_545 = arith.select %eq3A_543, %jit3A_544, %jit3A_541 : i32
      %rem3A_546 = vector.broadcast %select_n3A_545 : i32 to vector<16xi32>
      %rem3A_547 = arith.remsi %add3A_386, %rem3A_546 : vector<16xi32>
      %ne3A_548 = arith.constant 0 : i32
      %ne3A_549 = vector.broadcast %ne3A_548 : i32 to vector<16xi32>
      %ne3A_550 = arith.cmpi ne, %rem3A_547, %ne3A_549 : vector<16xi32>
      %lt3A_551 = arith.constant 0 : i32
      %lt3A_552 = vector.broadcast %lt3A_551 : i32 to vector<16xi32>
      %lt3A_553 = arith.cmpi slt, %rem3A_547, %lt3A_552 : vector<16xi32>
      %lt3A_554 = arith.constant 0 : i32
      %lt3A_555 = arith.cmpi slt, %select_n3A_545, %lt3A_554 : i32
      %ne3A_556 = vector.broadcast %lt3A_555 : i1 to vector<16xi1>
      %ne3A_557 = vector.broadcast %ne3A_556 : vector<16xi1> to vector<16xi1>
      %ne3A_558 = arith.xori %lt3A_553, %ne3A_557 : vector<16xi1>
      %and3A_559 = arith.andi %ne3A_558, %ne3A_550 : vector<16xi1>
      %add3A_560 = vector.broadcast %select_n3A_545 : i32 to vector<16xi32>
      %add3A_561 = arith.addi %rem3A_547, %add3A_560 : vector<16xi32>
      %select_n3A_562 = arith.select %and3A_559, %add3A_561, %rem3A_547 : vector<16xi1>, vector<16xi32>
      %jit3A_563 = arith.constant 8 : i32
      %eq3A_564 = arith.constant 0 : i32
      %eq3A_565 = arith.cmpi eq, %jit3A_563, %eq3A_564 : i32
      %jit3A_566 = arith.constant 1 : i32
      %select_n3A_567 = arith.select %eq3A_565, %jit3A_566, %jit3A_563 : i32
      %rem3A_568 = vector.broadcast %select_n3A_567 : i32 to vector<16xi32>
      %rem3A_569 = arith.remsi %add3A_390, %rem3A_568 : vector<16xi32>
      %ne3A_570 = arith.constant 0 : i32
      %ne3A_571 = vector.broadcast %ne3A_570 : i32 to vector<16xi32>
      %ne3A_572 = arith.cmpi ne, %rem3A_569, %ne3A_571 : vector<16xi32>
      %lt3A_573 = arith.constant 0 : i32
      %lt3A_574 = vector.broadcast %lt3A_573 : i32 to vector<16xi32>
      %lt3A_575 = arith.cmpi slt, %rem3A_569, %lt3A_574 : vector<16xi32>
      %lt3A_576 = arith.constant 0 : i32
      %lt3A_577 = arith.cmpi slt, %select_n3A_567, %lt3A_576 : i32
      %ne3A_578 = vector.broadcast %lt3A_577 : i1 to vector<16xi1>
      %ne3A_579 = vector.broadcast %ne3A_578 : vector<16xi1> to vector<16xi1>
      %ne3A_580 = arith.xori %lt3A_575, %ne3A_579 : vector<16xi1>
      %and3A_581 = arith.andi %ne3A_580, %ne3A_572 : vector<16xi1>
      %add3A_582 = vector.broadcast %select_n3A_567 : i32 to vector<16xi32>
      %add3A_583 = arith.addi %rem3A_569, %add3A_582 : vector<16xi32>
      %select_n3A_584 = arith.select %and3A_581, %add3A_583, %rem3A_569 : vector<16xi1>, vector<16xi32>
      %jit3A_585 = arith.constant 8 : i32
      %eq3A_586 = arith.constant 0 : i32
      %eq3A_587 = arith.cmpi eq, %jit3A_585, %eq3A_586 : i32
      %jit3A_588 = arith.constant 1 : i32
      %select_n3A_589 = arith.select %eq3A_587, %jit3A_588, %jit3A_585 : i32
      %rem3A_590 = vector.broadcast %select_n3A_589 : i32 to vector<16xi32>
      %rem3A_591 = arith.remsi %add3A_394, %rem3A_590 : vector<16xi32>
      %ne3A_592 = arith.constant 0 : i32
      %ne3A_593 = vector.broadcast %ne3A_592 : i32 to vector<16xi32>
      %ne3A_594 = arith.cmpi ne, %rem3A_591, %ne3A_593 : vector<16xi32>
      %lt3A_595 = arith.constant 0 : i32
      %lt3A_596 = vector.broadcast %lt3A_595 : i32 to vector<16xi32>
      %lt3A_597 = arith.cmpi slt, %rem3A_591, %lt3A_596 : vector<16xi32>
      %lt3A_598 = arith.constant 0 : i32
      %lt3A_599 = arith.cmpi slt, %select_n3A_589, %lt3A_598 : i32
      %ne3A_600 = vector.broadcast %lt3A_599 : i1 to vector<16xi1>
      %ne3A_601 = vector.broadcast %ne3A_600 : vector<16xi1> to vector<16xi1>
      %ne3A_602 = arith.xori %lt3A_597, %ne3A_601 : vector<16xi1>
      %and3A_603 = arith.andi %ne3A_602, %ne3A_594 : vector<16xi1>
      %add3A_604 = vector.broadcast %select_n3A_589 : i32 to vector<16xi32>
      %add3A_605 = arith.addi %rem3A_591, %add3A_604 : vector<16xi32>
      %select_n3A_606 = arith.select %and3A_603, %add3A_605, %rem3A_591 : vector<16xi1>, vector<16xi32>
      %mul3A_607 = arith.constant 64 : i32
      %mul3A_608 = arith.muli %add3A_367, %mul3A_607 : i32
      %add3A_609 = arith.constant 0 : i32
      %add3A_610 = arith.addi %mul3A_608, %add3A_609 : i32
      %get3A_611 = arith.index_cast %add3A_610 : i32 to index
      %get3A_612 = tpu.vector_load %arg7[%get3A_611] {strides = array<i32>} : memref<12800xf32, #tpu.memory_space<vmem>>, vector<16xf32>,
      %mul3A_613 = arith.constant 64 : i32
      %mul3A_614 = arith.muli %add3A_367, %mul3A_613 : i32
      %add3A_615 = arith.constant 16 : i32
      %add3A_616 = arith.addi %mul3A_614, %add3A_615 : i32
      %get3A_617 = arith.index_cast %add3A_616 : i32 to index
      %get3A_618 = tpu.vector_load %arg7[%get3A_617] {strides = array<i32>} : memref<12800xf32, #tpu.memory_space<vmem>>, vector<16xf32>,
      %mul3A_619 = arith.constant 64 : i32
      %mul3A_620 = arith.muli %add3A_367, %mul3A_619 : i32
      %add3A_621 = arith.constant 32 : i32
      %add3A_622 = arith.addi %mul3A_620, %add3A_621 : i32
      %get3A_623 = arith.index_cast %add3A_622 : i32 to index
      %get3A_624 = tpu.vector_load %arg7[%get3A_623] {strides = array<i32>} : memref<12800xf32, #tpu.memory_space<vmem>>, vector<16xf32>,
      %mul3A_625 = arith.constant 64 : i32
      %mul3A_626 = arith.muli %add3A_367, %mul3A_625 : i32
      %add3A_627 = arith.constant 48 : i32
      %add3A_628 = arith.addi %mul3A_626, %add3A_627 : i32
      %get3A_629 = arith.index_cast %add3A_628 : i32 to index
      %get3A_630 = tpu.vector_load %arg7[%get3A_629] {strides = array<i32>} : memref<12800xf32, #tpu.memory_space<vmem>>, vector<16xf32>,
      %parallel_loop3A_631 = arith.constant 0 : i32
      %parallel_loop3A_632 = arith.constant 128 : i32
      %parallel_loop3A_633 = arith.constant 1 : i32
      scf.for %parallel_loop3A_2533 = %parallel_loop3A_631 to %parallel_loop3A_632 step %parallel_loop3A_633  : i32 {
        %parallel_loop3A_2534 = vector.broadcast %parallel_loop3A_2533 : i32 to vector<16xi32>
        %parallel_loop3A_2535 = arith.index_cast %parallel_loop3A_2533 : i32 to index
        %parallel_loop3A_2536 = arith.constant 0 : index
        %parallel_loop3A_2537 = tpu.vector_load %arg9[%parallel_loop3A_2535, %parallel_loop3A_2536] {strides = array<i32>} : memref<128x64xf32, #tpu.memory_space<vmem>>, vector<16xf32>,
        %parallel_loop3A_2538 = arith.addf %parallel_loop3A_2537, %get3A_612 : vector<16xf32>
        tpu.vector_store_idx %arg17[%select_n3A_425, %select_n3A_540, %parallel_loop3A_2534], %parallel_loop3A_2538 : memref<8x8x129xf32, #tpu.memory_space<vmem>>[vector<16xi32>, vector<16xi32>, vector<16xi32>], vector<16xf32>,
        %parallel_loop3A_2539 = arith.index_cast %parallel_loop3A_2533 : i32 to index
        %parallel_loop3A_2540 = arith.constant 16 : index
        %parallel_loop3A_2541 = tpu.vector_load %arg9[%parallel_loop3A_2539, %parallel_loop3A_2540] {strides = array<i32>} : memref<128x64xf32, #tpu.memory_space<vmem>>, vector<16xf32>,
        %parallel_loop3A_2542 = arith.addf %parallel_loop3A_2541, %get3A_618 : vector<16xf32>
        tpu.vector_store_idx %arg17[%select_n3A_456, %select_n3A_562, %parallel_loop3A_2534], %parallel_loop3A_2542 : memref<8x8x129xf32, #tpu.memory_space<vmem>>[vector<16xi32>, vector<16xi32>, vector<16xi32>], vector<16xf32>,
        %parallel_loop3A_2543 = arith.index_cast %parallel_loop3A_2533 : i32 to index
        %parallel_loop3A_2544 = arith.constant 32 : index
        %parallel_loop3A_2545 = tpu.vector_load %arg9[%parallel_loop3A_2543, %parallel_loop3A_2544] {strides = array<i32>} : memref<128x64xf32, #tpu.memory_space<vmem>>, vector<16xf32>,
        %parallel_loop3A_2546 = arith.addf %parallel_loop3A_2545, %get3A_624 : vector<16xf32>
        tpu.vector_store_idx %arg17[%select_n3A_487, %select_n3A_584, %parallel_loop3A_2534], %parallel_loop3A_2546 : memref<8x8x129xf32, #tpu.memory_space<vmem>>[vector<16xi32>, vector<16xi32>, vector<16xi32>], vector<16xf32>,
        %parallel_loop3A_2547 = arith.index_cast %parallel_loop3A_2533 : i32 to index
        %parallel_loop3A_2548 = arith.constant 48 : index
        %parallel_loop3A_2549 = tpu.vector_load %arg9[%parallel_loop3A_2547, %parallel_loop3A_2548] {strides = array<i32>} : memref<128x64xf32, #tpu.memory_space<vmem>>, vector<16xf32>,
        %parallel_loop3A_2550 = arith.addf %parallel_loop3A_2549, %get3A_630 : vector<16xf32>
        tpu.vector_store_idx %arg17[%select_n3A_518, %select_n3A_606, %parallel_loop3A_2534], %parallel_loop3A_2550 : memref<8x8x129xf32, #tpu.memory_space<vmem>>[vector<16xi32>, vector<16xi32>, vector<16xi32>], vector<16xf32>,
      } {sc.loop_unroll_factor = 4 : i64, sc.parallel_access}
      %sub3A_634 = arith.constant 1 : i32
      %sub3A_635 = arith.subi %add3A_367, %sub3A_634 : i32
      %dma_start3A_636 = arith.constant 0 : i32
      %dma_start3A_637 = arith.constant 0 : i32
      %dma_start3A_638 = arith.constant 0 : i32
      %dma_start3A_639 = tpu.memref_slice %arg16[%dma_start3A_636, %dma_start3A_637, %dma_start3A_638] : memref<8x8x129xf32, #tpu.memory_space<vmem>> -> memref<8x8x128xf32, #tpu.memory_space<vmem>>
      %dma_start3A_640 = arith.constant 0 : i32
      %dma_start3A_641 = arith.constant 0 : i32
      %dma_start3A_642 = arith.constant 0 : i32
      %dma_start3A_643 = tpu.memref_slice %arg5[%sub3A_635, %dma_start3A_640, %add3A, %dma_start3A_641, %dma_start3A_642] : memref<200x8x32x8x128xf32, #tpu.memory_space<hbm>> -> memref<1x8x1x8x128xf32, #tpu.memory_space<hbm>>
      %dma_start3A_644 = tpu.memref_squeeze %dma_start3A_643 : memref<1x8x1x8x128xf32, #tpu.memory_space<hbm>> -> memref<8x8x128xf32, #tpu.memory_space<hbm>>
      %dma_start3A_645 = arith.constant 0 : i32
      %dma_start3A_646 = arith.constant 0 : i32
      %dma_start3A_647 = arith.constant 0 : i32
      %dma_start3A_648 = tpu.memref_slice %arg5[%sub3A_635, %dma_start3A_645, %add3A, %dma_start3A_646, %dma_start3A_647] : memref<200x8x32x8x128xf32, #tpu.memory_space<hbm>> -> memref<1x8x1x8x128xf32, #tpu.memory_space<hbm>>
      %dma_start3A_649 = tpu.memref_squeeze %dma_start3A_648 : memref<1x8x1x8x128xf32, #tpu.memory_space<hbm>> -> memref<8x8x128xf32, #tpu.memory_space<hbm>>
      %dma_start3A_650 = arith.constant 0 : i32
      %dma_start3A_651 = arith.constant 0 : i32
      %dma_start3A_652 = arith.constant 0 : i32
      %dma_start3A_653 = tpu.memref_slice %arg16[%dma_start3A_650, %dma_start3A_651, %dma_start3A_652] : memref<8x8x129xf32, #tpu.memory_space<vmem>> -> memref<8x8x128xf32, #tpu.memory_space<vmem>>
      tpu.enqueue_dma source(%dma_start3A_653 : memref<8x8x128xf32, #tpu.memory_space<vmem>>) target(%dma_start3A_649 : memref<8x8x128xf32, #tpu.memory_space<hbm>>) target_semaphore(%arg26 : memref<!tpu.dma_semaphore, #tpu.memory_space<semaphore_mem>>)
      %add3A_654 = arith.constant 4 : i32
      %add3A_655 = arith.addi %add3A_367, %add3A_654 : i32
      %lt3A_656 = arith.constant 200 : i32
      %lt3A_657 = arith.cmpi slt, %add3A_655, %lt3A_656 : i32
      %convert_element_type3A_658 = arith.extui %lt3A_657 : i1 to i32
      %cond3A_659 = arith.constant 0 : i32
      %cond3A_660 = arith.cmpi ne, %convert_element_type3A_658, %cond3A_659 : i32
      scf.if %cond3A_660 {
        %add3A_2533 = arith.constant 4 : i32
        %add3A_2534 = arith.addi %add3A_367, %add3A_2533 : i32
        %jit3A_2535 = arith.constant 8 : i32
        %div3A_2536 = arith.divsi %add3A_2534, %jit3A_2535 : i32
        %sign3A_2537 = arith.constant 0 : i32
        %sign3A_2538 = arith.cmpi sgt, %add3A_2534, %sign3A_2537 : i32
        %sign3A_2539 = arith.extui %sign3A_2538 : i1 to i32
        %sign3A_2540 = arith.constant 0 : i32
        %sign3A_2541 = arith.cmpi slt, %add3A_2534, %sign3A_2540 : i32
        %sign3A_2542 = arith.extui %sign3A_2541 : i1 to i32
        %sign3A_2543 = arith.subi %sign3A_2539, %sign3A_2542 : i32
        %sign3A_2544 = arith.constant 0 : i32
        %sign3A_2545 = arith.cmpi sgt, %jit3A_2535, %sign3A_2544 : i32
        %sign3A_2546 = arith.extui %sign3A_2545 : i1 to i32
        %sign3A_2547 = arith.constant 0 : i32
        %sign3A_2548 = arith.cmpi slt, %jit3A_2535, %sign3A_2547 : i32
        %sign3A_2549 = arith.extui %sign3A_2548 : i1 to i32
        %sign3A_2550 = arith.subi %sign3A_2546, %sign3A_2549 : i32
        %ne3A_2551 = arith.cmpi ne, %sign3A_2543, %sign3A_2550 : i32
        %rem3A_2552 = arith.remsi %add3A_2534, %jit3A_2535 : i32
        %ne3A_2553 = arith.constant 0 : i32
        %ne3A_2554 = arith.cmpi ne, %rem3A_2552, %ne3A_2553 : i32
        %and3A_2555 = arith.andi %ne3A_2551, %ne3A_2554 : i1
        %sub3A_2556 = arith.constant 1 : i32
        %sub3A_2557 = arith.subi %div3A_2536, %sub3A_2556 : i32
        %select_n3A_2558 = arith.select %and3A_2555, %sub3A_2557, %div3A_2536 : i32
        %jit3A_2559 = arith.constant 8 : i32
        %eq3A_2560 = arith.constant 0 : i32
        %eq3A_2561 = arith.cmpi eq, %jit3A_2559, %eq3A_2560 : i32
        %jit3A_2562 = arith.constant 1 : i32
        %select_n3A_2563 = arith.select %eq3A_2561, %jit3A_2562, %jit3A_2559 : i32
        %rem3A_2564 = arith.remsi %add3A_2534, %select_n3A_2563 : i32
        %ne3A_2565 = arith.constant 0 : i32
        %ne3A_2566 = arith.cmpi ne, %rem3A_2564, %ne3A_2565 : i32
        %lt3A_2567 = arith.constant 0 : i32
        %lt3A_2568 = arith.cmpi slt, %rem3A_2564, %lt3A_2567 : i32
        %lt3A_2569 = arith.constant 0 : i32
        %lt3A_2570 = arith.cmpi slt, %select_n3A_2563, %lt3A_2569 : i32
        %ne3A_2571 = arith.xori %lt3A_2568, %lt3A_2570 : i1
        %and3A_2572 = arith.andi %ne3A_2571, %ne3A_2566 : i1
        %add3A_2573 = arith.addi %rem3A_2564, %select_n3A_2563 : i32
        %select_n3A_2574 = arith.select %and3A_2572, %add3A_2573, %rem3A_2564 : i32
        %dma_start3A_2575 = arith.constant 0 : i32
        %dma_start3A_2576 = tpu.memref_slice %arg6[%select_n3A_2558, %select_n3A_2574, %dma_start3A_2575] : memref<25x8x128xi32, #tpu.memory_space<vmem>> -> memref<1x1x128xi32, #tpu.memory_space<vmem>>
        %dma_start3A_2577 = tpu.memref_squeeze %dma_start3A_2576 : memref<1x1x128xi32, #tpu.memory_space<vmem>> -> memref<128xi32, #tpu.memory_space<vmem>>
        %dma_start3A_2578 = arith.constant 0 : i32
        %dma_start3A_2579 = arith.constant 0 : i32
        %dma_start3A_2580 = tpu.memref_slice %arg3[%dma_start3A_2578, %dma_start3A_2579] : memref<1000000x64xf32, #tpu.memory_space<hbm>> -> memref<1000000x64xf32, #tpu.memory_space<hbm>>
        tpu.enqueue_indirect_dma source(%dma_start3A_2580 : memref<1000000x64xf32, #tpu.memory_space<hbm>>) target(%arg13 : memref<128x64xf32, #tpu.memory_space<vmem>>) offsets(%dma_start3A_2577 : memref<128xi32, #tpu.memory_space<vmem>>) semaphore(%arg23 : memref<!tpu.dma_semaphore, #tpu.memory_space<semaphore_mem>>)
      } else {
      }
      %mul3A_661 = arith.constant 8 : i32
      %mul3A_662 = arith.muli %scan3A_97, %mul3A_661 : i32
      %add3A_663 = arith.constant 2 : i32
      %add3A_664 = arith.addi %mul3A_662, %add3A_663 : i32
      %dma_wait3A_665 = arith.constant 0 : i32
      %dma_wait3A_666 = arith.constant 0 : i32
      %dma_wait3A_667 = tpu.memref_slice %arg3[%dma_wait3A_665, %dma_wait3A_666] : memref<1000000x64xf32, #tpu.memory_space<hbm>> -> memref<128x64xf32, #tpu.memory_space<hbm>>
      %dma_wait3A_668 = arith.constant 0 : i32
      %dma_wait3A_669 = arith.constant 0 : i32
      %dma_wait3A_670 = tpu.memref_slice %arg3[%dma_wait3A_668, %dma_wait3A_669] : memref<1000000x64xf32, #tpu.memory_space<hbm>> -> memref<128x64xf32, #tpu.memory_space<hbm>>
      tpu.wait_dma2 semaphore(%arg20 : memref<!tpu.dma_semaphore, #tpu.memory_space<semaphore_mem>>) src(%dma_wait3A_670 : memref<128x64xf32, #tpu.memory_space<hbm>>) dst(%arg10 : memref<128x64xf32, #tpu.memory_space<vmem>>)
      %dma_wait3A_671 = arith.constant 0 : i32
      %dma_wait3A_672 = arith.constant 0 : i32
      %dma_wait3A_673 = arith.constant 0 : i32
      %dma_wait3A_674 = arith.constant 0 : i32
      %dma_wait3A_675 = arith.constant 0 : i32
      %dma_wait3A_676 = tpu.memref_slice %arg16[%dma_wait3A_673, %dma_wait3A_674, %dma_wait3A_675] : memref<8x8x129xf32, #tpu.memory_space<vmem>> -> memref<8x8x128xf32, #tpu.memory_space<vmem>>
      %dma_wait3A_677 = arith.constant 0 : i32
      %dma_wait3A_678 = arith.constant 0 : i32
      %dma_wait3A_679 = arith.constant 0 : i32
      %dma_wait3A_680 = tpu.memref_slice %arg5[%dma_wait3A_671, %dma_wait3A_677, %dma_wait3A_672, %dma_wait3A_678, %dma_wait3A_679] : memref<200x8x32x8x128xf32, #tpu.memory_space<hbm>> -> memref<1x8x1x8x128xf32, #tpu.memory_space<hbm>>
      %dma_wait3A_681 = tpu.memref_squeeze %dma_wait3A_680 : memref<1x8x1x8x128xf32, #tpu.memory_space<hbm>> -> memref<8x8x128xf32, #tpu.memory_space<hbm>>
      %dma_wait3A_682 = arith.constant 0 : i32
      %dma_wait3A_683 = arith.constant 0 : i32
      %dma_wait3A_684 = arith.constant 0 : i32
      %dma_wait3A_685 = tpu.memref_slice %arg5[%dma_wait3A_671, %dma_wait3A_682, %dma_wait3A_672, %dma_wait3A_683, %dma_wait3A_684] : memref<200x8x32x8x128xf32, #tpu.memory_space<hbm>> -> memref<1x8x1x8x128xf32, #tpu.memory_space<hbm>>
      %dma_wait3A_686 = tpu.memref_squeeze %dma_wait3A_685 : memref<1x8x1x8x128xf32, #tpu.memory_space<hbm>> -> memref<8x8x128xf32, #tpu.memory_space<hbm>>
      %dma_wait3A_687 = arith.constant 0 : i32
      %dma_wait3A_688 = arith.constant 0 : i32
      %dma_wait3A_689 = arith.constant 0 : i32
      %dma_wait3A_690 = tpu.memref_slice %arg16[%dma_wait3A_687, %dma_wait3A_688, %dma_wait3A_689] : memref<8x8x129xf32, #tpu.memory_space<vmem>> -> memref<8x8x128xf32, #tpu.memory_space<vmem>>
      tpu.wait_dma2 semaphore(%arg26 : memref<!tpu.dma_semaphore, #tpu.memory_space<semaphore_mem>>) src(%dma_wait3A_690 : memref<8x8x128xf32, #tpu.memory_space<vmem>>) dst(%dma_wait3A_686 : memref<8x8x128xf32, #tpu.memory_space<hbm>>)
      %iota3A_691 = tpu.iota {dimensions = array<i32: 0>} : vector<16xi32>
      %add3A_692 = arith.constant 0 : i32
      %add3A_693 = vector.broadcast %add3A_692 : i32 to vector<16xi32>
      %add3A_694 = arith.addi %iota3A_691, %add3A_693 : vector<16xi32>
      %iota3A_695 = tpu.iota {dimensions = array<i32: 0>} : vector<16xi32>
      %add3A_696 = arith.constant 16 : i32
      %add3A_697 = vector.broadcast %add3A_696 : i32 to vector<16xi32>
      %add3A_698 = arith.addi %iota3A_695, %add3A_697 : vector<16xi32>
      %iota3A_699 = tpu.iota {dimensions = array<i32: 0>} : vector<16xi32>
      %add3A_700 = arith.constant 32 : i32
      %add3A_701 = vector.broadcast %add3A_700 : i32 to vector<16xi32>
      %add3A_702 = arith.addi %iota3A_699, %add3A_701 : vector<16xi32>
      %iota3A_703 = tpu.iota {dimensions = array<i32: 0>} : vector<16xi32>
      %add3A_704 = arith.constant 48 : i32
      %add3A_705 = vector.broadcast %add3A_704 : i32 to vector<16xi32>
      %add3A_706 = arith.addi %iota3A_703, %add3A_705 : vector<16xi32>
      %jit3A_707 = arith.constant 8 : i32
      %div3A_708 = vector.broadcast %jit3A_707 : i32 to vector<16xi32>
      %div3A_709 = arith.divsi %add3A_694, %div3A_708 : vector<16xi32>
      %sign3A_710 = arith.constant 0 : i32
      %sign3A_711 = vector.broadcast %sign3A_710 : i32 to vector<16xi32>
      %sign3A_712 = arith.cmpi sgt, %add3A_694, %sign3A_711 : vector<16xi32>
      %sign3A_713 = arith.extui %sign3A_712 : vector<16xi1> to vector<16xi32>
      %sign3A_714 = arith.constant 0 : i32
      %sign3A_715 = vector.broadcast %sign3A_714 : i32 to vector<16xi32>
      %sign3A_716 = arith.cmpi slt, %add3A_694, %sign3A_715 : vector<16xi32>
      %sign3A_717 = arith.extui %sign3A_716 : vector<16xi1> to vector<16xi32>
      %sign3A_718 = arith.subi %sign3A_713, %sign3A_717 : vector<16xi32>
      %sign3A_719 = arith.constant 0 : i32
      %sign3A_720 = arith.cmpi sgt, %jit3A_707, %sign3A_719 : i32
      %sign3A_721 = arith.extui %sign3A_720 : i1 to i32
      %sign3A_722 = arith.constant 0 : i32
      %sign3A_723 = arith.cmpi slt, %jit3A_707, %sign3A_722 : i32
      %sign3A_724 = arith.extui %sign3A_723 : i1 to i32
      %sign3A_725 = arith.subi %sign3A_721, %sign3A_724 : i32
      %ne3A_726 = vector.broadcast %sign3A_725 : i32 to vector<16xi32>
      %ne3A_727 = arith.cmpi ne, %sign3A_718, %ne3A_726 : vector<16xi32>
      %rem3A_728 = vector.broadcast %jit3A_707 : i32 to vector<16xi32>
      %rem3A_729 = arith.remsi %add3A_694, %rem3A_728 : vector<16xi32>
      %ne3A_730 = arith.constant 0 : i32
      %ne3A_731 = vector.broadcast %ne3A_730 : i32 to vector<16xi32>
      %ne3A_732 = arith.cmpi ne, %rem3A_729, %ne3A_731 : vector<16xi32>
      %and3A_733 = arith.andi %ne3A_727, %ne3A_732 : vector<16xi1>
      %sub3A_734 = arith.constant 1 : i32
      %sub3A_735 = vector.broadcast %sub3A_734 : i32 to vector<16xi32>
      %sub3A_736 = arith.subi %div3A_709, %sub3A_735 : vector<16xi32>
      %select_n3A_737 = arith.select %and3A_733, %sub3A_736, %div3A_709 : vector<16xi1>, vector<16xi32>
      %jit3A_738 = arith.constant 8 : i32
      %div3A_739 = vector.broadcast %jit3A_738 : i32 to vector<16xi32>
      %div3A_740 = arith.divsi %add3A_698, %div3A_739 : vector<16xi32>
      %sign3A_741 = arith.constant 0 : i32
      %sign3A_742 = vector.broadcast %sign3A_741 : i32 to vector<16xi32>
      %sign3A_743 = arith.cmpi sgt, %add3A_698, %sign3A_742 : vector<16xi32>
      %sign3A_744 = arith.extui %sign3A_743 : vector<16xi1> to vector<16xi32>
      %sign3A_745 = arith.constant 0 : i32
      %sign3A_746 = vector.broadcast %sign3A_745 : i32 to vector<16xi32>
      %sign3A_747 = arith.cmpi slt, %add3A_698, %sign3A_746 : vector<16xi32>
      %sign3A_748 = arith.extui %sign3A_747 : vector<16xi1> to vector<16xi32>
      %sign3A_749 = arith.subi %sign3A_744, %sign3A_748 : vector<16xi32>
      %sign3A_750 = arith.constant 0 : i32
      %sign3A_751 = arith.cmpi sgt, %jit3A_738, %sign3A_750 : i32
      %sign3A_752 = arith.extui %sign3A_751 : i1 to i32
      %sign3A_753 = arith.constant 0 : i32
      %sign3A_754 = arith.cmpi slt, %jit3A_738, %sign3A_753 : i32
      %sign3A_755 = arith.extui %sign3A_754 : i1 to i32
      %sign3A_756 = arith.subi %sign3A_752, %sign3A_755 : i32
      %ne3A_757 = vector.broadcast %sign3A_756 : i32 to vector<16xi32>
      %ne3A_758 = arith.cmpi ne, %sign3A_749, %ne3A_757 : vector<16xi32>
      %rem3A_759 = vector.broadcast %jit3A_738 : i32 to vector<16xi32>
      %rem3A_760 = arith.remsi %add3A_698, %rem3A_759 : vector<16xi32>
      %ne3A_761 = arith.constant 0 : i32
      %ne3A_762 = vector.broadcast %ne3A_761 : i32 to vector<16xi32>
      %ne3A_763 = arith.cmpi ne, %rem3A_760, %ne3A_762 : vector<16xi32>
      %and3A_764 = arith.andi %ne3A_758, %ne3A_763 : vector<16xi1>
      %sub3A_765 = arith.constant 1 : i32
      %sub3A_766 = vector.broadcast %sub3A_765 : i32 to vector<16xi32>
      %sub3A_767 = arith.subi %div3A_740, %sub3A_766 : vector<16xi32>
      %select_n3A_768 = arith.select %and3A_764, %sub3A_767, %div3A_740 : vector<16xi1>, vector<16xi32>
      %jit3A_769 = arith.constant 8 : i32
      %div3A_770 = vector.broadcast %jit3A_769 : i32 to vector<16xi32>
      %div3A_771 = arith.divsi %add3A_702, %div3A_770 : vector<16xi32>
      %sign3A_772 = arith.constant 0 : i32
      %sign3A_773 = vector.broadcast %sign3A_772 : i32 to vector<16xi32>
      %sign3A_774 = arith.cmpi sgt, %add3A_702, %sign3A_773 : vector<16xi32>
      %sign3A_775 = arith.extui %sign3A_774 : vector<16xi1> to vector<16xi32>
      %sign3A_776 = arith.constant 0 : i32
      %sign3A_777 = vector.broadcast %sign3A_776 : i32 to vector<16xi32>
      %sign3A_778 = arith.cmpi slt, %add3A_702, %sign3A_777 : vector<16xi32>
      %sign3A_779 = arith.extui %sign3A_778 : vector<16xi1> to vector<16xi32>
      %sign3A_780 = arith.subi %sign3A_775, %sign3A_779 : vector<16xi32>
      %sign3A_781 = arith.constant 0 : i32
      %sign3A_782 = arith.cmpi sgt, %jit3A_769, %sign3A_781 : i32
      %sign3A_783 = arith.extui %sign3A_782 : i1 to i32
      %sign3A_784 = arith.constant 0 : i32
      %sign3A_785 = arith.cmpi slt, %jit3A_769, %sign3A_784 : i32
      %sign3A_786 = arith.extui %sign3A_785 : i1 to i32
      %sign3A_787 = arith.subi %sign3A_783, %sign3A_786 : i32
      %ne3A_788 = vector.broadcast %sign3A_787 : i32 to vector<16xi32>
      %ne3A_789 = arith.cmpi ne, %sign3A_780, %ne3A_788 : vector<16xi32>
      %rem3A_790 = vector.broadcast %jit3A_769 : i32 to vector<16xi32>
      %rem3A_791 = arith.remsi %add3A_702, %rem3A_790 : vector<16xi32>
      %ne3A_792 = arith.constant 0 : i32
      %ne3A_793 = vector.broadcast %ne3A_792 : i32 to vector<16xi32>
      %ne3A_794 = arith.cmpi ne, %rem3A_791, %ne3A_793 : vector<16xi32>
      %and3A_795 = arith.andi %ne3A_789, %ne3A_794 : vector<16xi1>
      %sub3A_796 = arith.constant 1 : i32
      %sub3A_797 = vector.broadcast %sub3A_796 : i32 to vector<16xi32>
      %sub3A_798 = arith.subi %div3A_771, %sub3A_797 : vector<16xi32>
      %select_n3A_799 = arith.select %and3A_795, %sub3A_798, %div3A_771 : vector<16xi1>, vector<16xi32>
      %jit3A_800 = arith.constant 8 : i32
      %div3A_801 = vector.broadcast %jit3A_800 : i32 to vector<16xi32>
      %div3A_802 = arith.divsi %add3A_706, %div3A_801 : vector<16xi32>
      %sign3A_803 = arith.constant 0 : i32
      %sign3A_804 = vector.broadcast %sign3A_803 : i32 to vector<16xi32>
      %sign3A_805 = arith.cmpi sgt, %add3A_706, %sign3A_804 : vector<16xi32>
      %sign3A_806 = arith.extui %sign3A_805 : vector<16xi1> to vector<16xi32>
      %sign3A_807 = arith.constant 0 : i32
      %sign3A_808 = vector.broadcast %sign3A_807 : i32 to vector<16xi32>
      %sign3A_809 = arith.cmpi slt, %add3A_706, %sign3A_808 : vector<16xi32>
      %sign3A_810 = arith.extui %sign3A_809 : vector<16xi1> to vector<16xi32>
      %sign3A_811 = arith.subi %sign3A_806, %sign3A_810 : vector<16xi32>
      %sign3A_812 = arith.constant 0 : i32
      %sign3A_813 = arith.cmpi sgt, %jit3A_800, %sign3A_812 : i32
      %sign3A_814 = arith.extui %sign3A_813 : i1 to i32
      %sign3A_815 = arith.constant 0 : i32
      %sign3A_816 = arith.cmpi slt, %jit3A_800, %sign3A_815 : i32
      %sign3A_817 = arith.extui %sign3A_816 : i1 to i32
      %sign3A_818 = arith.subi %sign3A_814, %sign3A_817 : i32
      %ne3A_819 = vector.broadcast %sign3A_818 : i32 to vector<16xi32>
      %ne3A_820 = arith.cmpi ne, %sign3A_811, %ne3A_819 : vector<16xi32>
      %rem3A_821 = vector.broadcast %jit3A_800 : i32 to vector<16xi32>
      %rem3A_822 = arith.remsi %add3A_706, %rem3A_821 : vector<16xi32>
      %ne3A_823 = arith.constant 0 : i32
      %ne3A_824 = vector.broadcast %ne3A_823 : i32 to vector<16xi32>
      %ne3A_825 = arith.cmpi ne, %rem3A_822, %ne3A_824 : vector<16xi32>
      %and3A_826 = arith.andi %ne3A_820, %ne3A_825 : vector<16xi1>
      %sub3A_827 = arith.constant 1 : i32
      %sub3A_828 = vector.broadcast %sub3A_827 : i32 to vector<16xi32>
      %sub3A_829 = arith.subi %div3A_802, %sub3A_828 : vector<16xi32>
      %select_n3A_830 = arith.select %and3A_826, %sub3A_829, %div3A_802 : vector<16xi1>, vector<16xi32>
      %jit3A_831 = arith.constant 8 : i32
      %eq3A_832 = arith.constant 0 : i32
      %eq3A_833 = arith.cmpi eq, %jit3A_831, %eq3A_832 : i32
      %jit3A_834 = arith.constant 1 : i32
      %select_n3A_835 = arith.select %eq3A_833, %jit3A_834, %jit3A_831 : i32
      %rem3A_836 = vector.broadcast %select_n3A_835 : i32 to vector<16xi32>
      %rem3A_837 = arith.remsi %add3A_694, %rem3A_836 : vector<16xi32>
      %ne3A_838 = arith.constant 0 : i32
      %ne3A_839 = vector.broadcast %ne3A_838 : i32 to vector<16xi32>
      %ne3A_840 = arith.cmpi ne, %rem3A_837, %ne3A_839 : vector<16xi32>
      %lt3A_841 = arith.constant 0 : i32
      %lt3A_842 = vector.broadcast %lt3A_841 : i32 to vector<16xi32>
      %lt3A_843 = arith.cmpi slt, %rem3A_837, %lt3A_842 : vector<16xi32>
      %lt3A_844 = arith.constant 0 : i32
      %lt3A_845 = arith.cmpi slt, %select_n3A_835, %lt3A_844 : i32
      %ne3A_846 = vector.broadcast %lt3A_845 : i1 to vector<16xi1>
      %ne3A_847 = vector.broadcast %ne3A_846 : vector<16xi1> to vector<16xi1>
      %ne3A_848 = arith.xori %lt3A_843, %ne3A_847 : vector<16xi1>
      %and3A_849 = arith.andi %ne3A_848, %ne3A_840 : vector<16xi1>
      %add3A_850 = vector.broadcast %select_n3A_835 : i32 to vector<16xi32>
      %add3A_851 = arith.addi %rem3A_837, %add3A_850 : vector<16xi32>
      %select_n3A_852 = arith.select %and3A_849, %add3A_851, %rem3A_837 : vector<16xi1>, vector<16xi32>
      %jit3A_853 = arith.constant 8 : i32
      %eq3A_854 = arith.constant 0 : i32
      %eq3A_855 = arith.cmpi eq, %jit3A_853, %eq3A_854 : i32
      %jit3A_856 = arith.constant 1 : i32
      %select_n3A_857 = arith.select %eq3A_855, %jit3A_856, %jit3A_853 : i32
      %rem3A_858 = vector.broadcast %select_n3A_857 : i32 to vector<16xi32>
      %rem3A_859 = arith.remsi %add3A_698, %rem3A_858 : vector<16xi32>
      %ne3A_860 = arith.constant 0 : i32
      %ne3A_861 = vector.broadcast %ne3A_860 : i32 to vector<16xi32>
      %ne3A_862 = arith.cmpi ne, %rem3A_859, %ne3A_861 : vector<16xi32>
      %lt3A_863 = arith.constant 0 : i32
      %lt3A_864 = vector.broadcast %lt3A_863 : i32 to vector<16xi32>
      %lt3A_865 = arith.cmpi slt, %rem3A_859, %lt3A_864 : vector<16xi32>
      %lt3A_866 = arith.constant 0 : i32
      %lt3A_867 = arith.cmpi slt, %select_n3A_857, %lt3A_866 : i32
      %ne3A_868 = vector.broadcast %lt3A_867 : i1 to vector<16xi1>
      %ne3A_869 = vector.broadcast %ne3A_868 : vector<16xi1> to vector<16xi1>
      %ne3A_870 = arith.xori %lt3A_865, %ne3A_869 : vector<16xi1>
      %and3A_871 = arith.andi %ne3A_870, %ne3A_862 : vector<16xi1>
      %add3A_872 = vector.broadcast %select_n3A_857 : i32 to vector<16xi32>
      %add3A_873 = arith.addi %rem3A_859, %add3A_872 : vector<16xi32>
      %select_n3A_874 = arith.select %and3A_871, %add3A_873, %rem3A_859 : vector<16xi1>, vector<16xi32>
      %jit3A_875 = arith.constant 8 : i32
      %eq3A_876 = arith.constant 0 : i32
      %eq3A_877 = arith.cmpi eq, %jit3A_875, %eq3A_876 : i32
      %jit3A_878 = arith.constant 1 : i32
      %select_n3A_879 = arith.select %eq3A_877, %jit3A_878, %jit3A_875 : i32
      %rem3A_880 = vector.broadcast %select_n3A_879 : i32 to vector<16xi32>
      %rem3A_881 = arith.remsi %add3A_702, %rem3A_880 : vector<16xi32>
      %ne3A_882 = arith.constant 0 : i32
      %ne3A_883 = vector.broadcast %ne3A_882 : i32 to vector<16xi32>
      %ne3A_884 = arith.cmpi ne, %rem3A_881, %ne3A_883 : vector<16xi32>
      %lt3A_885 = arith.constant 0 : i32
      %lt3A_886 = vector.broadcast %lt3A_885 : i32 to vector<16xi32>
      %lt3A_887 = arith.cmpi slt, %rem3A_881, %lt3A_886 : vector<16xi32>
      %lt3A_888 = arith.constant 0 : i32
      %lt3A_889 = arith.cmpi slt, %select_n3A_879, %lt3A_888 : i32
      %ne3A_890 = vector.broadcast %lt3A_889 : i1 to vector<16xi1>
      %ne3A_891 = vector.broadcast %ne3A_890 : vector<16xi1> to vector<16xi1>
      %ne3A_892 = arith.xori %lt3A_887, %ne3A_891 : vector<16xi1>
      %and3A_893 = arith.andi %ne3A_892, %ne3A_884 : vector<16xi1>
      %add3A_894 = vector.broadcast %select_n3A_879 : i32 to vector<16xi32>
      %add3A_895 = arith.addi %rem3A_881, %add3A_894 : vector<16xi32>
      %select_n3A_896 = arith.select %and3A_893, %add3A_895, %rem3A_881 : vector<16xi1>, vector<16xi32>
      %jit3A_897 = arith.constant 8 : i32
      %eq3A_898 = arith.constant 0 : i32
      %eq3A_899 = arith.cmpi eq, %jit3A_897, %eq3A_898 : i32
      %jit3A_900 = arith.constant 1 : i32
      %select_n3A_901 = arith.select %eq3A_899, %jit3A_900, %jit3A_897 : i32
      %rem3A_902 = vector.broadcast %select_n3A_901 : i32 to vector<16xi32>
      %rem3A_903 = arith.remsi %add3A_706, %rem3A_902 : vector<16xi32>
      %ne3A_904 = arith.constant 0 : i32
      %ne3A_905 = vector.broadcast %ne3A_904 : i32 to vector<16xi32>
      %ne3A_906 = arith.cmpi ne, %rem3A_903, %ne3A_905 : vector<16xi32>
      %lt3A_907 = arith.constant 0 : i32
      %lt3A_908 = vector.broadcast %lt3A_907 : i32 to vector<16xi32>
      %lt3A_909 = arith.cmpi slt, %rem3A_903, %lt3A_908 : vector<16xi32>
      %lt3A_910 = arith.constant 0 : i32
      %lt3A_911 = arith.cmpi slt, %select_n3A_901, %lt3A_910 : i32
      %ne3A_912 = vector.broadcast %lt3A_911 : i1 to vector<16xi1>
      %ne3A_913 = vector.broadcast %ne3A_912 : vector<16xi1> to vector<16xi1>
      %ne3A_914 = arith.xori %lt3A_909, %ne3A_913 : vector<16xi1>
      %and3A_915 = arith.andi %ne3A_914, %ne3A_906 : vector<16xi1>
      %add3A_916 = vector.broadcast %select_n3A_901 : i32 to vector<16xi32>
      %add3A_917 = arith.addi %rem3A_903, %add3A_916 : vector<16xi32>
      %select_n3A_918 = arith.select %and3A_915, %add3A_917, %rem3A_903 : vector<16xi1>, vector<16xi32>
      %mul3A_919 = arith.constant 64 : i32
      %mul3A_920 = arith.muli %add3A_664, %mul3A_919 : i32
      %add3A_921 = arith.constant 0 : i32
      %add3A_922 = arith.addi %mul3A_920, %add3A_921 : i32
      %get3A_923 = arith.index_cast %add3A_922 : i32 to index
      %get3A_924 = tpu.vector_load %arg7[%get3A_923] {strides = array<i32>} : memref<12800xf32, #tpu.memory_space<vmem>>, vector<16xf32>,
      %mul3A_925 = arith.constant 64 : i32
      %mul3A_926 = arith.muli %add3A_664, %mul3A_925 : i32
      %add3A_927 = arith.constant 16 : i32
      %add3A_928 = arith.addi %mul3A_926, %add3A_927 : i32
      %get3A_929 = arith.index_cast %add3A_928 : i32 to index
      %get3A_930 = tpu.vector_load %arg7[%get3A_929] {strides = array<i32>} : memref<12800xf32, #tpu.memory_space<vmem>>, vector<16xf32>,
      %mul3A_931 = arith.constant 64 : i32
      %mul3A_932 = arith.muli %add3A_664, %mul3A_931 : i32
      %add3A_933 = arith.constant 32 : i32
      %add3A_934 = arith.addi %mul3A_932, %add3A_933 : i32
      %get3A_935 = arith.index_cast %add3A_934 : i32 to index
      %get3A_936 = tpu.vector_load %arg7[%get3A_935] {strides = array<i32>} : memref<12800xf32, #tpu.memory_space<vmem>>, vector<16xf32>,
      %mul3A_937 = arith.constant 64 : i32
      %mul3A_938 = arith.muli %add3A_664, %mul3A_937 : i32
      %add3A_939 = arith.constant 48 : i32
      %add3A_940 = arith.addi %mul3A_938, %add3A_939 : i32
      %get3A_941 = arith.index_cast %add3A_940 : i32 to index
      %get3A_942 = tpu.vector_load %arg7[%get3A_941] {strides = array<i32>} : memref<12800xf32, #tpu.memory_space<vmem>>, vector<16xf32>,
      %parallel_loop3A_943 = arith.constant 0 : i32
      %parallel_loop3A_944 = arith.constant 128 : i32
      %parallel_loop3A_945 = arith.constant 1 : i32
      scf.for %parallel_loop3A_2533 = %parallel_loop3A_943 to %parallel_loop3A_944 step %parallel_loop3A_945  : i32 {
        %parallel_loop3A_2534 = vector.broadcast %parallel_loop3A_2533 : i32 to vector<16xi32>
        %parallel_loop3A_2535 = arith.index_cast %parallel_loop3A_2533 : i32 to index
        %parallel_loop3A_2536 = arith.constant 0 : index
        %parallel_loop3A_2537 = tpu.vector_load %arg10[%parallel_loop3A_2535, %parallel_loop3A_2536] {strides = array<i32>} : memref<128x64xf32, #tpu.memory_space<vmem>>, vector<16xf32>,
        %parallel_loop3A_2538 = arith.addf %parallel_loop3A_2537, %get3A_924 : vector<16xf32>
        tpu.vector_store_idx %arg16[%select_n3A_737, %select_n3A_852, %parallel_loop3A_2534], %parallel_loop3A_2538 : memref<8x8x129xf32, #tpu.memory_space<vmem>>[vector<16xi32>, vector<16xi32>, vector<16xi32>], vector<16xf32>,
        %parallel_loop3A_2539 = arith.index_cast %parallel_loop3A_2533 : i32 to index
        %parallel_loop3A_2540 = arith.constant 16 : index
        %parallel_loop3A_2541 = tpu.vector_load %arg10[%parallel_loop3A_2539, %parallel_loop3A_2540] {strides = array<i32>} : memref<128x64xf32, #tpu.memory_space<vmem>>, vector<16xf32>,
        %parallel_loop3A_2542 = arith.addf %parallel_loop3A_2541, %get3A_930 : vector<16xf32>
        tpu.vector_store_idx %arg16[%select_n3A_768, %select_n3A_874, %parallel_loop3A_2534], %parallel_loop3A_2542 : memref<8x8x129xf32, #tpu.memory_space<vmem>>[vector<16xi32>, vector<16xi32>, vector<16xi32>], vector<16xf32>,
        %parallel_loop3A_2543 = arith.index_cast %parallel_loop3A_2533 : i32 to index
        %parallel_loop3A_2544 = arith.constant 32 : index
        %parallel_loop3A_2545 = tpu.vector_load %arg10[%parallel_loop3A_2543, %parallel_loop3A_2544] {strides = array<i32>} : memref<128x64xf32, #tpu.memory_space<vmem>>, vector<16xf32>,
        %parallel_loop3A_2546 = arith.addf %parallel_loop3A_2545, %get3A_936 : vector<16xf32>
        tpu.vector_store_idx %arg16[%select_n3A_799, %select_n3A_896, %parallel_loop3A_2534], %parallel_loop3A_2546 : memref<8x8x129xf32, #tpu.memory_space<vmem>>[vector<16xi32>, vector<16xi32>, vector<16xi32>], vector<16xf32>,
        %parallel_loop3A_2547 = arith.index_cast %parallel_loop3A_2533 : i32 to index
        %parallel_loop3A_2548 = arith.constant 48 : index
        %parallel_loop3A_2549 = tpu.vector_load %arg10[%parallel_loop3A_2547, %parallel_loop3A_2548] {strides = array<i32>} : memref<128x64xf32, #tpu.memory_space<vmem>>, vector<16xf32>,
        %parallel_loop3A_2550 = arith.addf %parallel_loop3A_2549, %get3A_942 : vector<16xf32>
        tpu.vector_store_idx %arg16[%select_n3A_830, %select_n3A_918, %parallel_loop3A_2534], %parallel_loop3A_2550 : memref<8x8x129xf32, #tpu.memory_space<vmem>>[vector<16xi32>, vector<16xi32>, vector<16xi32>], vector<16xf32>,
      } {sc.loop_unroll_factor = 4 : i64, sc.parallel_access}
      %sub3A_946 = arith.constant 1 : i32
      %sub3A_947 = arith.subi %add3A_664, %sub3A_946 : i32
      %dma_start3A_948 = arith.constant 0 : i32
      %dma_start3A_949 = arith.constant 0 : i32
      %dma_start3A_950 = arith.constant 0 : i32
      %dma_start3A_951 = tpu.memref_slice %arg17[%dma_start3A_948, %dma_start3A_949, %dma_start3A_950] : memref<8x8x129xf32, #tpu.memory_space<vmem>> -> memref<8x8x128xf32, #tpu.memory_space<vmem>>
      %dma_start3A_952 = arith.constant 0 : i32
      %dma_start3A_953 = arith.constant 0 : i32
      %dma_start3A_954 = arith.constant 0 : i32
      %dma_start3A_955 = tpu.memref_slice %arg5[%sub3A_947, %dma_start3A_952, %add3A, %dma_start3A_953, %dma_start3A_954] : memref<200x8x32x8x128xf32, #tpu.memory_space<hbm>> -> memref<1x8x1x8x128xf32, #tpu.memory_space<hbm>>
      %dma_start3A_956 = tpu.memref_squeeze %dma_start3A_955 : memref<1x8x1x8x128xf32, #tpu.memory_space<hbm>> -> memref<8x8x128xf32, #tpu.memory_space<hbm>>
      %dma_start3A_957 = arith.constant 0 : i32
      %dma_start3A_958 = arith.constant 0 : i32
      %dma_start3A_959 = arith.constant 0 : i32
      %dma_start3A_960 = tpu.memref_slice %arg5[%sub3A_947, %dma_start3A_957, %add3A, %dma_start3A_958, %dma_start3A_959] : memref<200x8x32x8x128xf32, #tpu.memory_space<hbm>> -> memref<1x8x1x8x128xf32, #tpu.memory_space<hbm>>
      %dma_start3A_961 = tpu.memref_squeeze %dma_start3A_960 : memref<1x8x1x8x128xf32, #tpu.memory_space<hbm>> -> memref<8x8x128xf32, #tpu.memory_space<hbm>>
      %dma_start3A_962 = arith.constant 0 : i32
      %dma_start3A_963 = arith.constant 0 : i32
      %dma_start3A_964 = arith.constant 0 : i32
      %dma_start3A_965 = tpu.memref_slice %arg17[%dma_start3A_962, %dma_start3A_963, %dma_start3A_964] : memref<8x8x129xf32, #tpu.memory_space<vmem>> -> memref<8x8x128xf32, #tpu.memory_space<vmem>>
      tpu.enqueue_dma source(%dma_start3A_965 : memref<8x8x128xf32, #tpu.memory_space<vmem>>) target(%dma_start3A_961 : memref<8x8x128xf32, #tpu.memory_space<hbm>>) target_semaphore(%arg27 : memref<!tpu.dma_semaphore, #tpu.memory_space<semaphore_mem>>)
      %add3A_966 = arith.constant 4 : i32
      %add3A_967 = arith.addi %add3A_664, %add3A_966 : i32
      %lt3A_968 = arith.constant 200 : i32
      %lt3A_969 = arith.cmpi slt, %add3A_967, %lt3A_968 : i32
      %convert_element_type3A_970 = arith.extui %lt3A_969 : i1 to i32
      %cond3A_971 = arith.constant 0 : i32
      %cond3A_972 = arith.cmpi ne, %convert_element_type3A_970, %cond3A_971 : i32
      scf.if %cond3A_972 {
        %add3A_2533 = arith.constant 4 : i32
        %add3A_2534 = arith.addi %add3A_664, %add3A_2533 : i32
        %jit3A_2535 = arith.constant 8 : i32
        %div3A_2536 = arith.divsi %add3A_2534, %jit3A_2535 : i32
        %sign3A_2537 = arith.constant 0 : i32
        %sign3A_2538 = arith.cmpi sgt, %add3A_2534, %sign3A_2537 : i32
        %sign3A_2539 = arith.extui %sign3A_2538 : i1 to i32
        %sign3A_2540 = arith.constant 0 : i32
        %sign3A_2541 = arith.cmpi slt, %add3A_2534, %sign3A_2540 : i32
        %sign3A_2542 = arith.extui %sign3A_2541 : i1 to i32
        %sign3A_2543 = arith.subi %sign3A_2539, %sign3A_2542 : i32
        %sign3A_2544 = arith.constant 0 : i32
        %sign3A_2545 = arith.cmpi sgt, %jit3A_2535, %sign3A_2544 : i32
        %sign3A_2546 = arith.extui %sign3A_2545 : i1 to i32
        %sign3A_2547 = arith.constant 0 : i32
        %sign3A_2548 = arith.cmpi slt, %jit3A_2535, %sign3A_2547 : i32
        %sign3A_2549 = arith.extui %sign3A_2548 : i1 to i32
        %sign3A_2550 = arith.subi %sign3A_2546, %sign3A_2549 : i32
        %ne3A_2551 = arith.cmpi ne, %sign3A_2543, %sign3A_2550 : i32
        %rem3A_2552 = arith.remsi %add3A_2534, %jit3A_2535 : i32
        %ne3A_2553 = arith.constant 0 : i32
        %ne3A_2554 = arith.cmpi ne, %rem3A_2552, %ne3A_2553 : i32
        %and3A_2555 = arith.andi %ne3A_2551, %ne3A_2554 : i1
        %sub3A_2556 = arith.constant 1 : i32
        %sub3A_2557 = arith.subi %div3A_2536, %sub3A_2556 : i32
        %select_n3A_2558 = arith.select %and3A_2555, %sub3A_2557, %div3A_2536 : i32
        %jit3A_2559 = arith.constant 8 : i32
        %eq3A_2560 = arith.constant 0 : i32
        %eq3A_2561 = arith.cmpi eq, %jit3A_2559, %eq3A_2560 : i32
        %jit3A_2562 = arith.constant 1 : i32
        %select_n3A_2563 = arith.select %eq3A_2561, %jit3A_2562, %jit3A_2559 : i32
        %rem3A_2564 = arith.remsi %add3A_2534, %select_n3A_2563 : i32
        %ne3A_2565 = arith.constant 0 : i32
        %ne3A_2566 = arith.cmpi ne, %rem3A_2564, %ne3A_2565 : i32
        %lt3A_2567 = arith.constant 0 : i32
        %lt3A_2568 = arith.cmpi slt, %rem3A_2564, %lt3A_2567 : i32
        %lt3A_2569 = arith.constant 0 : i32
        %lt3A_2570 = arith.cmpi slt, %select_n3A_2563, %lt3A_2569 : i32
        %ne3A_2571 = arith.xori %lt3A_2568, %lt3A_2570 : i1
        %and3A_2572 = arith.andi %ne3A_2571, %ne3A_2566 : i1
        %add3A_2573 = arith.addi %rem3A_2564, %select_n3A_2563 : i32
        %select_n3A_2574 = arith.select %and3A_2572, %add3A_2573, %rem3A_2564 : i32
        %dma_start3A_2575 = arith.constant 0 : i32
        %dma_start3A_2576 = tpu.memref_slice %arg6[%select_n3A_2558, %select_n3A_2574, %dma_start3A_2575] : memref<25x8x128xi32, #tpu.memory_space<vmem>> -> memref<1x1x128xi32, #tpu.memory_space<vmem>>
        %dma_start3A_2577 = tpu.memref_squeeze %dma_start3A_2576 : memref<1x1x128xi32, #tpu.memory_space<vmem>> -> memref<128xi32, #tpu.memory_space<vmem>>
        %dma_start3A_2578 = arith.constant 0 : i32
        %dma_start3A_2579 = arith.constant 0 : i32
        %dma_start3A_2580 = tpu.memref_slice %arg3[%dma_start3A_2578, %dma_start3A_2579] : memref<1000000x64xf32, #tpu.memory_space<hbm>> -> memref<1000000x64xf32, #tpu.memory_space<hbm>>
        tpu.enqueue_indirect_dma source(%dma_start3A_2580 : memref<1000000x64xf32, #tpu.memory_space<hbm>>) target(%arg14 : memref<128x64xf32, #tpu.memory_space<vmem>>) offsets(%dma_start3A_2577 : memref<128xi32, #tpu.memory_space<vmem>>) semaphore(%arg24 : memref<!tpu.dma_semaphore, #tpu.memory_space<semaphore_mem>>)
      } else {
      }
      %mul3A_973 = arith.constant 8 : i32
      %mul3A_974 = arith.muli %scan3A_97, %mul3A_973 : i32
      %add3A_975 = arith.constant 3 : i32
      %add3A_976 = arith.addi %mul3A_974, %add3A_975 : i32
      %dma_wait3A_977 = arith.constant 0 : i32
      %dma_wait3A_978 = arith.constant 0 : i32
      %dma_wait3A_979 = tpu.memref_slice %arg3[%dma_wait3A_977, %dma_wait3A_978] : memref<1000000x64xf32, #tpu.memory_space<hbm>> -> memref<128x64xf32, #tpu.memory_space<hbm>>
      %dma_wait3A_980 = arith.constant 0 : i32
      %dma_wait3A_981 = arith.constant 0 : i32
      %dma_wait3A_982 = tpu.memref_slice %arg3[%dma_wait3A_980, %dma_wait3A_981] : memref<1000000x64xf32, #tpu.memory_space<hbm>> -> memref<128x64xf32, #tpu.memory_space<hbm>>
      tpu.wait_dma2 semaphore(%arg21 : memref<!tpu.dma_semaphore, #tpu.memory_space<semaphore_mem>>) src(%dma_wait3A_982 : memref<128x64xf32, #tpu.memory_space<hbm>>) dst(%arg11 : memref<128x64xf32, #tpu.memory_space<vmem>>)
      %dma_wait3A_983 = arith.constant 0 : i32
      %dma_wait3A_984 = arith.constant 0 : i32
      %dma_wait3A_985 = arith.constant 0 : i32
      %dma_wait3A_986 = arith.constant 0 : i32
      %dma_wait3A_987 = arith.constant 0 : i32
      %dma_wait3A_988 = tpu.memref_slice %arg17[%dma_wait3A_985, %dma_wait3A_986, %dma_wait3A_987] : memref<8x8x129xf32, #tpu.memory_space<vmem>> -> memref<8x8x128xf32, #tpu.memory_space<vmem>>
      %dma_wait3A_989 = arith.constant 0 : i32
      %dma_wait3A_990 = arith.constant 0 : i32
      %dma_wait3A_991 = arith.constant 0 : i32
      %dma_wait3A_992 = tpu.memref_slice %arg5[%dma_wait3A_983, %dma_wait3A_989, %dma_wait3A_984, %dma_wait3A_990, %dma_wait3A_991] : memref<200x8x32x8x128xf32, #tpu.memory_space<hbm>> -> memref<1x8x1x8x128xf32, #tpu.memory_space<hbm>>
      %dma_wait3A_993 = tpu.memref_squeeze %dma_wait3A_992 : memref<1x8x1x8x128xf32, #tpu.memory_space<hbm>> -> memref<8x8x128xf32, #tpu.memory_space<hbm>>
      %dma_wait3A_994 = arith.constant 0 : i32
      %dma_wait3A_995 = arith.constant 0 : i32
      %dma_wait3A_996 = arith.constant 0 : i32
      %dma_wait3A_997 = tpu.memref_slice %arg5[%dma_wait3A_983, %dma_wait3A_994, %dma_wait3A_984, %dma_wait3A_995, %dma_wait3A_996] : memref<200x8x32x8x128xf32, #tpu.memory_space<hbm>> -> memref<1x8x1x8x128xf32, #tpu.memory_space<hbm>>
      %dma_wait3A_998 = tpu.memref_squeeze %dma_wait3A_997 : memref<1x8x1x8x128xf32, #tpu.memory_space<hbm>> -> memref<8x8x128xf32, #tpu.memory_space<hbm>>
      %dma_wait3A_999 = arith.constant 0 : i32
      %dma_wait3A_1000 = arith.constant 0 : i32
      %dma_wait3A_1001 = arith.constant 0 : i32
      %dma_wait3A_1002 = tpu.memref_slice %arg17[%dma_wait3A_999, %dma_wait3A_1000, %dma_wait3A_1001] : memref<8x8x129xf32, #tpu.memory_space<vmem>> -> memref<8x8x128xf32, #tpu.memory_space<vmem>>
      tpu.wait_dma2 semaphore(%arg27 : memref<!tpu.dma_semaphore, #tpu.memory_space<semaphore_mem>>) src(%dma_wait3A_1002 : memref<8x8x128xf32, #tpu.memory_space<vmem>>) dst(%dma_wait3A_998 : memref<8x8x128xf32, #tpu.memory_space<hbm>>)
      %iota3A_1003 = tpu.iota {dimensions = array<i32: 0>} : vector<16xi32>
      %add3A_1004 = arith.constant 0 : i32
      %add3A_1005 = vector.broadcast %add3A_1004 : i32 to vector<16xi32>
      %add3A_1006 = arith.addi %iota3A_1003, %add3A_1005 : vector<16xi32>
      %iota3A_1007 = tpu.iota {dimensions = array<i32: 0>} : vector<16xi32>
      %add3A_1008 = arith.constant 16 : i32
      %add3A_1009 = vector.broadcast %add3A_1008 : i32 to vector<16xi32>
      %add3A_1010 = arith.addi %iota3A_1007, %add3A_1009 : vector<16xi32>
      %iota3A_1011 = tpu.iota {dimensions = array<i32: 0>} : vector<16xi32>
      %add3A_1012 = arith.constant 32 : i32
      %add3A_1013 = vector.broadcast %add3A_1012 : i32 to vector<16xi32>
      %add3A_1014 = arith.addi %iota3A_1011, %add3A_1013 : vector<16xi32>
      %iota3A_1015 = tpu.iota {dimensions = array<i32: 0>} : vector<16xi32>
      %add3A_1016 = arith.constant 48 : i32
      %add3A_1017 = vector.broadcast %add3A_1016 : i32 to vector<16xi32>
      %add3A_1018 = arith.addi %iota3A_1015, %add3A_1017 : vector<16xi32>
      %jit3A_1019 = arith.constant 8 : i32
      %div3A_1020 = vector.broadcast %jit3A_1019 : i32 to vector<16xi32>
      %div3A_1021 = arith.divsi %add3A_1006, %div3A_1020 : vector<16xi32>
      %sign3A_1022 = arith.constant 0 : i32
      %sign3A_1023 = vector.broadcast %sign3A_1022 : i32 to vector<16xi32>
      %sign3A_1024 = arith.cmpi sgt, %add3A_1006, %sign3A_1023 : vector<16xi32>
      %sign3A_1025 = arith.extui %sign3A_1024 : vector<16xi1> to vector<16xi32>
      %sign3A_1026 = arith.constant 0 : i32
      %sign3A_1027 = vector.broadcast %sign3A_1026 : i32 to vector<16xi32>
      %sign3A_1028 = arith.cmpi slt, %add3A_1006, %sign3A_1027 : vector<16xi32>
      %sign3A_1029 = arith.extui %sign3A_1028 : vector<16xi1> to vector<16xi32>
      %sign3A_1030 = arith.subi %sign3A_1025, %sign3A_1029 : vector<16xi32>
      %sign3A_1031 = arith.constant 0 : i32
      %sign3A_1032 = arith.cmpi sgt, %jit3A_1019, %sign3A_1031 : i32
      %sign3A_1033 = arith.extui %sign3A_1032 : i1 to i32
      %sign3A_1034 = arith.constant 0 : i32
      %sign3A_1035 = arith.cmpi slt, %jit3A_1019, %sign3A_1034 : i32
      %sign3A_1036 = arith.extui %sign3A_1035 : i1 to i32
      %sign3A_1037 = arith.subi %sign3A_1033, %sign3A_1036 : i32
      %ne3A_1038 = vector.broadcast %sign3A_1037 : i32 to vector<16xi32>
      %ne3A_1039 = arith.cmpi ne, %sign3A_1030, %ne3A_1038 : vector<16xi32>
      %rem3A_1040 = vector.broadcast %jit3A_1019 : i32 to vector<16xi32>
      %rem3A_1041 = arith.remsi %add3A_1006, %rem3A_1040 : vector<16xi32>
      %ne3A_1042 = arith.constant 0 : i32
      %ne3A_1043 = vector.broadcast %ne3A_1042 : i32 to vector<16xi32>
      %ne3A_1044 = arith.cmpi ne, %rem3A_1041, %ne3A_1043 : vector<16xi32>
      %and3A_1045 = arith.andi %ne3A_1039, %ne3A_1044 : vector<16xi1>
      %sub3A_1046 = arith.constant 1 : i32
      %sub3A_1047 = vector.broadcast %sub3A_1046 : i32 to vector<16xi32>
      %sub3A_1048 = arith.subi %div3A_1021, %sub3A_1047 : vector<16xi32>
      %select_n3A_1049 = arith.select %and3A_1045, %sub3A_1048, %div3A_1021 : vector<16xi1>, vector<16xi32>
      %jit3A_1050 = arith.constant 8 : i32
      %div3A_1051 = vector.broadcast %jit3A_1050 : i32 to vector<16xi32>
      %div3A_1052 = arith.divsi %add3A_1010, %div3A_1051 : vector<16xi32>
      %sign3A_1053 = arith.constant 0 : i32
      %sign3A_1054 = vector.broadcast %sign3A_1053 : i32 to vector<16xi32>
      %sign3A_1055 = arith.cmpi sgt, %add3A_1010, %sign3A_1054 : vector<16xi32>
      %sign3A_1056 = arith.extui %sign3A_1055 : vector<16xi1> to vector<16xi32>
      %sign3A_1057 = arith.constant 0 : i32
      %sign3A_1058 = vector.broadcast %sign3A_1057 : i32 to vector<16xi32>
      %sign3A_1059 = arith.cmpi slt, %add3A_1010, %sign3A_1058 : vector<16xi32>
      %sign3A_1060 = arith.extui %sign3A_1059 : vector<16xi1> to vector<16xi32>
      %sign3A_1061 = arith.subi %sign3A_1056, %sign3A_1060 : vector<16xi32>
      %sign3A_1062 = arith.constant 0 : i32
      %sign3A_1063 = arith.cmpi sgt, %jit3A_1050, %sign3A_1062 : i32
      %sign3A_1064 = arith.extui %sign3A_1063 : i1 to i32
      %sign3A_1065 = arith.constant 0 : i32
      %sign3A_1066 = arith.cmpi slt, %jit3A_1050, %sign3A_1065 : i32
      %sign3A_1067 = arith.extui %sign3A_1066 : i1 to i32
      %sign3A_1068 = arith.subi %sign3A_1064, %sign3A_1067 : i32
      %ne3A_1069 = vector.broadcast %sign3A_1068 : i32 to vector<16xi32>
      %ne3A_1070 = arith.cmpi ne, %sign3A_1061, %ne3A_1069 : vector<16xi32>
      %rem3A_1071 = vector.broadcast %jit3A_1050 : i32 to vector<16xi32>
      %rem3A_1072 = arith.remsi %add3A_1010, %rem3A_1071 : vector<16xi32>
      %ne3A_1073 = arith.constant 0 : i32
      %ne3A_1074 = vector.broadcast %ne3A_1073 : i32 to vector<16xi32>
      %ne3A_1075 = arith.cmpi ne, %rem3A_1072, %ne3A_1074 : vector<16xi32>
      %and3A_1076 = arith.andi %ne3A_1070, %ne3A_1075 : vector<16xi1>
      %sub3A_1077 = arith.constant 1 : i32
      %sub3A_1078 = vector.broadcast %sub3A_1077 : i32 to vector<16xi32>
      %sub3A_1079 = arith.subi %div3A_1052, %sub3A_1078 : vector<16xi32>
      %select_n3A_1080 = arith.select %and3A_1076, %sub3A_1079, %div3A_1052 : vector<16xi1>, vector<16xi32>
      %jit3A_1081 = arith.constant 8 : i32
      %div3A_1082 = vector.broadcast %jit3A_1081 : i32 to vector<16xi32>
      %div3A_1083 = arith.divsi %add3A_1014, %div3A_1082 : vector<16xi32>
      %sign3A_1084 = arith.constant 0 : i32
      %sign3A_1085 = vector.broadcast %sign3A_1084 : i32 to vector<16xi32>
      %sign3A_1086 = arith.cmpi sgt, %add3A_1014, %sign3A_1085 : vector<16xi32>
      %sign3A_1087 = arith.extui %sign3A_1086 : vector<16xi1> to vector<16xi32>
      %sign3A_1088 = arith.constant 0 : i32
      %sign3A_1089 = vector.broadcast %sign3A_1088 : i32 to vector<16xi32>
      %sign3A_1090 = arith.cmpi slt, %add3A_1014, %sign3A_1089 : vector<16xi32>
      %sign3A_1091 = arith.extui %sign3A_1090 : vector<16xi1> to vector<16xi32>
      %sign3A_1092 = arith.subi %sign3A_1087, %sign3A_1091 : vector<16xi32>
      %sign3A_1093 = arith.constant 0 : i32
      %sign3A_1094 = arith.cmpi sgt, %jit3A_1081, %sign3A_1093 : i32
      %sign3A_1095 = arith.extui %sign3A_1094 : i1 to i32
      %sign3A_1096 = arith.constant 0 : i32
      %sign3A_1097 = arith.cmpi slt, %jit3A_1081, %sign3A_1096 : i32
      %sign3A_1098 = arith.extui %sign3A_1097 : i1 to i32
      %sign3A_1099 = arith.subi %sign3A_1095, %sign3A_1098 : i32
      %ne3A_1100 = vector.broadcast %sign3A_1099 : i32 to vector<16xi32>
      %ne3A_1101 = arith.cmpi ne, %sign3A_1092, %ne3A_1100 : vector<16xi32>
      %rem3A_1102 = vector.broadcast %jit3A_1081 : i32 to vector<16xi32>
      %rem3A_1103 = arith.remsi %add3A_1014, %rem3A_1102 : vector<16xi32>
      %ne3A_1104 = arith.constant 0 : i32
      %ne3A_1105 = vector.broadcast %ne3A_1104 : i32 to vector<16xi32>
      %ne3A_1106 = arith.cmpi ne, %rem3A_1103, %ne3A_1105 : vector<16xi32>
      %and3A_1107 = arith.andi %ne3A_1101, %ne3A_1106 : vector<16xi1>
      %sub3A_1108 = arith.constant 1 : i32
      %sub3A_1109 = vector.broadcast %sub3A_1108 : i32 to vector<16xi32>
      %sub3A_1110 = arith.subi %div3A_1083, %sub3A_1109 : vector<16xi32>
      %select_n3A_1111 = arith.select %and3A_1107, %sub3A_1110, %div3A_1083 : vector<16xi1>, vector<16xi32>
      %jit3A_1112 = arith.constant 8 : i32
      %div3A_1113 = vector.broadcast %jit3A_1112 : i32 to vector<16xi32>
      %div3A_1114 = arith.divsi %add3A_1018, %div3A_1113 : vector<16xi32>
      %sign3A_1115 = arith.constant 0 : i32
      %sign3A_1116 = vector.broadcast %sign3A_1115 : i32 to vector<16xi32>
      %sign3A_1117 = arith.cmpi sgt, %add3A_1018, %sign3A_1116 : vector<16xi32>
      %sign3A_1118 = arith.extui %sign3A_1117 : vector<16xi1> to vector<16xi32>
      %sign3A_1119 = arith.constant 0 : i32
      %sign3A_1120 = vector.broadcast %sign3A_1119 : i32 to vector<16xi32>
      %sign3A_1121 = arith.cmpi slt, %add3A_1018, %sign3A_1120 : vector<16xi32>
      %sign3A_1122 = arith.extui %sign3A_1121 : vector<16xi1> to vector<16xi32>
      %sign3A_1123 = arith.subi %sign3A_1118, %sign3A_1122 : vector<16xi32>
      %sign3A_1124 = arith.constant 0 : i32
      %sign3A_1125 = arith.cmpi sgt, %jit3A_1112, %sign3A_1124 : i32
      %sign3A_1126 = arith.extui %sign3A_1125 : i1 to i32
      %sign3A_1127 = arith.constant 0 : i32
      %sign3A_1128 = arith.cmpi slt, %jit3A_1112, %sign3A_1127 : i32
      %sign3A_1129 = arith.extui %sign3A_1128 : i1 to i32
      %sign3A_1130 = arith.subi %sign3A_1126, %sign3A_1129 : i32
      %ne3A_1131 = vector.broadcast %sign3A_1130 : i32 to vector<16xi32>
      %ne3A_1132 = arith.cmpi ne, %sign3A_1123, %ne3A_1131 : vector<16xi32>
      %rem3A_1133 = vector.broadcast %jit3A_1112 : i32 to vector<16xi32>
      %rem3A_1134 = arith.remsi %add3A_1018, %rem3A_1133 : vector<16xi32>
      %ne3A_1135 = arith.constant 0 : i32
      %ne3A_1136 = vector.broadcast %ne3A_1135 : i32 to vector<16xi32>
      %ne3A_1137 = arith.cmpi ne, %rem3A_1134, %ne3A_1136 : vector<16xi32>
      %and3A_1138 = arith.andi %ne3A_1132, %ne3A_1137 : vector<16xi1>
      %sub3A_1139 = arith.constant 1 : i32
      %sub3A_1140 = vector.broadcast %sub3A_1139 : i32 to vector<16xi32>
      %sub3A_1141 = arith.subi %div3A_1114, %sub3A_1140 : vector<16xi32>
      %select_n3A_1142 = arith.select %and3A_1138, %sub3A_1141, %div3A_1114 : vector<16xi1>, vector<16xi32>
      %jit3A_1143 = arith.constant 8 : i32
      %eq3A_1144 = arith.constant 0 : i32
      %eq3A_1145 = arith.cmpi eq, %jit3A_1143, %eq3A_1144 : i32
      %jit3A_1146 = arith.constant 1 : i32
      %select_n3A_1147 = arith.select %eq3A_1145, %jit3A_1146, %jit3A_1143 : i32
      %rem3A_1148 = vector.broadcast %select_n3A_1147 : i32 to vector<16xi32>
      %rem3A_1149 = arith.remsi %add3A_1006, %rem3A_1148 : vector<16xi32>
      %ne3A_1150 = arith.constant 0 : i32
      %ne3A_1151 = vector.broadcast %ne3A_1150 : i32 to vector<16xi32>
      %ne3A_1152 = arith.cmpi ne, %rem3A_1149, %ne3A_1151 : vector<16xi32>
      %lt3A_1153 = arith.constant 0 : i32
      %lt3A_1154 = vector.broadcast %lt3A_1153 : i32 to vector<16xi32>
      %lt3A_1155 = arith.cmpi slt, %rem3A_1149, %lt3A_1154 : vector<16xi32>
      %lt3A_1156 = arith.constant 0 : i32
      %lt3A_1157 = arith.cmpi slt, %select_n3A_1147, %lt3A_1156 : i32
      %ne3A_1158 = vector.broadcast %lt3A_1157 : i1 to vector<16xi1>
      %ne3A_1159 = vector.broadcast %ne3A_1158 : vector<16xi1> to vector<16xi1>
      %ne3A_1160 = arith.xori %lt3A_1155, %ne3A_1159 : vector<16xi1>
      %and3A_1161 = arith.andi %ne3A_1160, %ne3A_1152 : vector<16xi1>
      %add3A_1162 = vector.broadcast %select_n3A_1147 : i32 to vector<16xi32>
      %add3A_1163 = arith.addi %rem3A_1149, %add3A_1162 : vector<16xi32>
      %select_n3A_1164 = arith.select %and3A_1161, %add3A_1163, %rem3A_1149 : vector<16xi1>, vector<16xi32>
      %jit3A_1165 = arith.constant 8 : i32
      %eq3A_1166 = arith.constant 0 : i32
      %eq3A_1167 = arith.cmpi eq, %jit3A_1165, %eq3A_1166 : i32
      %jit3A_1168 = arith.constant 1 : i32
      %select_n3A_1169 = arith.select %eq3A_1167, %jit3A_1168, %jit3A_1165 : i32
      %rem3A_1170 = vector.broadcast %select_n3A_1169 : i32 to vector<16xi32>
      %rem3A_1171 = arith.remsi %add3A_1010, %rem3A_1170 : vector<16xi32>
      %ne3A_1172 = arith.constant 0 : i32
      %ne3A_1173 = vector.broadcast %ne3A_1172 : i32 to vector<16xi32>
      %ne3A_1174 = arith.cmpi ne, %rem3A_1171, %ne3A_1173 : vector<16xi32>
      %lt3A_1175 = arith.constant 0 : i32
      %lt3A_1176 = vector.broadcast %lt3A_1175 : i32 to vector<16xi32>
      %lt3A_1177 = arith.cmpi slt, %rem3A_1171, %lt3A_1176 : vector<16xi32>
      %lt3A_1178 = arith.constant 0 : i32
      %lt3A_1179 = arith.cmpi slt, %select_n3A_1169, %lt3A_1178 : i32
      %ne3A_1180 = vector.broadcast %lt3A_1179 : i1 to vector<16xi1>
      %ne3A_1181 = vector.broadcast %ne3A_1180 : vector<16xi1> to vector<16xi1>
      %ne3A_1182 = arith.xori %lt3A_1177, %ne3A_1181 : vector<16xi1>
      %and3A_1183 = arith.andi %ne3A_1182, %ne3A_1174 : vector<16xi1>
      %add3A_1184 = vector.broadcast %select_n3A_1169 : i32 to vector<16xi32>
      %add3A_1185 = arith.addi %rem3A_1171, %add3A_1184 : vector<16xi32>
      %select_n3A_1186 = arith.select %and3A_1183, %add3A_1185, %rem3A_1171 : vector<16xi1>, vector<16xi32>
      %jit3A_1187 = arith.constant 8 : i32
      %eq3A_1188 = arith.constant 0 : i32
      %eq3A_1189 = arith.cmpi eq, %jit3A_1187, %eq3A_1188 : i32
      %jit3A_1190 = arith.constant 1 : i32
      %select_n3A_1191 = arith.select %eq3A_1189, %jit3A_1190, %jit3A_1187 : i32
      %rem3A_1192 = vector.broadcast %select_n3A_1191 : i32 to vector<16xi32>
      %rem3A_1193 = arith.remsi %add3A_1014, %rem3A_1192 : vector<16xi32>
      %ne3A_1194 = arith.constant 0 : i32
      %ne3A_1195 = vector.broadcast %ne3A_1194 : i32 to vector<16xi32>
      %ne3A_1196 = arith.cmpi ne, %rem3A_1193, %ne3A_1195 : vector<16xi32>
      %lt3A_1197 = arith.constant 0 : i32
      %lt3A_1198 = vector.broadcast %lt3A_1197 : i32 to vector<16xi32>
      %lt3A_1199 = arith.cmpi slt, %rem3A_1193, %lt3A_1198 : vector<16xi32>
      %lt3A_1200 = arith.constant 0 : i32
      %lt3A_1201 = arith.cmpi slt, %select_n3A_1191, %lt3A_1200 : i32
      %ne3A_1202 = vector.broadcast %lt3A_1201 : i1 to vector<16xi1>
      %ne3A_1203 = vector.broadcast %ne3A_1202 : vector<16xi1> to vector<16xi1>
      %ne3A_1204 = arith.xori %lt3A_1199, %ne3A_1203 : vector<16xi1>
      %and3A_1205 = arith.andi %ne3A_1204, %ne3A_1196 : vector<16xi1>
      %add3A_1206 = vector.broadcast %select_n3A_1191 : i32 to vector<16xi32>
      %add3A_1207 = arith.addi %rem3A_1193, %add3A_1206 : vector<16xi32>
      %select_n3A_1208 = arith.select %and3A_1205, %add3A_1207, %rem3A_1193 : vector<16xi1>, vector<16xi32>
      %jit3A_1209 = arith.constant 8 : i32
      %eq3A_1210 = arith.constant 0 : i32
      %eq3A_1211 = arith.cmpi eq, %jit3A_1209, %eq3A_1210 : i32
      %jit3A_1212 = arith.constant 1 : i32
      %select_n3A_1213 = arith.select %eq3A_1211, %jit3A_1212, %jit3A_1209 : i32
      %rem3A_1214 = vector.broadcast %select_n3A_1213 : i32 to vector<16xi32>
      %rem3A_1215 = arith.remsi %add3A_1018, %rem3A_1214 : vector<16xi32>
      %ne3A_1216 = arith.constant 0 : i32
      %ne3A_1217 = vector.broadcast %ne3A_1216 : i32 to vector<16xi32>
      %ne3A_1218 = arith.cmpi ne, %rem3A_1215, %ne3A_1217 : vector<16xi32>
      %lt3A_1219 = arith.constant 0 : i32
      %lt3A_1220 = vector.broadcast %lt3A_1219 : i32 to vector<16xi32>
      %lt3A_1221 = arith.cmpi slt, %rem3A_1215, %lt3A_1220 : vector<16xi32>
      %lt3A_1222 = arith.constant 0 : i32
      %lt3A_1223 = arith.cmpi slt, %select_n3A_1213, %lt3A_1222 : i32
      %ne3A_1224 = vector.broadcast %lt3A_1223 : i1 to vector<16xi1>
      %ne3A_1225 = vector.broadcast %ne3A_1224 : vector<16xi1> to vector<16xi1>
      %ne3A_1226 = arith.xori %lt3A_1221, %ne3A_1225 : vector<16xi1>
      %and3A_1227 = arith.andi %ne3A_1226, %ne3A_1218 : vector<16xi1>
      %add3A_1228 = vector.broadcast %select_n3A_1213 : i32 to vector<16xi32>
      %add3A_1229 = arith.addi %rem3A_1215, %add3A_1228 : vector<16xi32>
      %select_n3A_1230 = arith.select %and3A_1227, %add3A_1229, %rem3A_1215 : vector<16xi1>, vector<16xi32>
      %mul3A_1231 = arith.constant 64 : i32
      %mul3A_1232 = arith.muli %add3A_976, %mul3A_1231 : i32
      %add3A_1233 = arith.constant 0 : i32
      %add3A_1234 = arith.addi %mul3A_1232, %add3A_1233 : i32
      %get3A_1235 = arith.index_cast %add3A_1234 : i32 to index
      %get3A_1236 = tpu.vector_load %arg7[%get3A_1235] {strides = array<i32>} : memref<12800xf32, #tpu.memory_space<vmem>>, vector<16xf32>,
      %mul3A_1237 = arith.constant 64 : i32
      %mul3A_1238 = arith.muli %add3A_976, %mul3A_1237 : i32
      %add3A_1239 = arith.constant 16 : i32
      %add3A_1240 = arith.addi %mul3A_1238, %add3A_1239 : i32
      %get3A_1241 = arith.index_cast %add3A_1240 : i32 to index
      %get3A_1242 = tpu.vector_load %arg7[%get3A_1241] {strides = array<i32>} : memref<12800xf32, #tpu.memory_space<vmem>>, vector<16xf32>,
      %mul3A_1243 = arith.constant 64 : i32
      %mul3A_1244 = arith.muli %add3A_976, %mul3A_1243 : i32
      %add3A_1245 = arith.constant 32 : i32
      %add3A_1246 = arith.addi %mul3A_1244, %add3A_1245 : i32
      %get3A_1247 = arith.index_cast %add3A_1246 : i32 to index
      %get3A_1248 = tpu.vector_load %arg7[%get3A_1247] {strides = array<i32>} : memref<12800xf32, #tpu.memory_space<vmem>>, vector<16xf32>,
      %mul3A_1249 = arith.constant 64 : i32
      %mul3A_1250 = arith.muli %add3A_976, %mul3A_1249 : i32
      %add3A_1251 = arith.constant 48 : i32
      %add3A_1252 = arith.addi %mul3A_1250, %add3A_1251 : i32
      %get3A_1253 = arith.index_cast %add3A_1252 : i32 to index
      %get3A_1254 = tpu.vector_load %arg7[%get3A_1253] {strides = array<i32>} : memref<12800xf32, #tpu.memory_space<vmem>>, vector<16xf32>,
      %parallel_loop3A_1255 = arith.constant 0 : i32
      %parallel_loop3A_1256 = arith.constant 128 : i32
      %parallel_loop3A_1257 = arith.constant 1 : i32
      scf.for %parallel_loop3A_2533 = %parallel_loop3A_1255 to %parallel_loop3A_1256 step %parallel_loop3A_1257  : i32 {
        %parallel_loop3A_2534 = vector.broadcast %parallel_loop3A_2533 : i32 to vector<16xi32>
        %parallel_loop3A_2535 = arith.index_cast %parallel_loop3A_2533 : i32 to index
        %parallel_loop3A_2536 = arith.constant 0 : index
        %parallel_loop3A_2537 = tpu.vector_load %arg11[%parallel_loop3A_2535, %parallel_loop3A_2536] {strides = array<i32>} : memref<128x64xf32, #tpu.memory_space<vmem>>, vector<16xf32>,
        %parallel_loop3A_2538 = arith.addf %parallel_loop3A_2537, %get3A_1236 : vector<16xf32>
        tpu.vector_store_idx %arg17[%select_n3A_1049, %select_n3A_1164, %parallel_loop3A_2534], %parallel_loop3A_2538 : memref<8x8x129xf32, #tpu.memory_space<vmem>>[vector<16xi32>, vector<16xi32>, vector<16xi32>], vector<16xf32>,
        %parallel_loop3A_2539 = arith.index_cast %parallel_loop3A_2533 : i32 to index
        %parallel_loop3A_2540 = arith.constant 16 : index
        %parallel_loop3A_2541 = tpu.vector_load %arg11[%parallel_loop3A_2539, %parallel_loop3A_2540] {strides = array<i32>} : memref<128x64xf32, #tpu.memory_space<vmem>>, vector<16xf32>,
        %parallel_loop3A_2542 = arith.addf %parallel_loop3A_2541, %get3A_1242 : vector<16xf32>
        tpu.vector_store_idx %arg17[%select_n3A_1080, %select_n3A_1186, %parallel_loop3A_2534], %parallel_loop3A_2542 : memref<8x8x129xf32, #tpu.memory_space<vmem>>[vector<16xi32>, vector<16xi32>, vector<16xi32>], vector<16xf32>,
        %parallel_loop3A_2543 = arith.index_cast %parallel_loop3A_2533 : i32 to index
        %parallel_loop3A_2544 = arith.constant 32 : index
        %parallel_loop3A_2545 = tpu.vector_load %arg11[%parallel_loop3A_2543, %parallel_loop3A_2544] {strides = array<i32>} : memref<128x64xf32, #tpu.memory_space<vmem>>, vector<16xf32>,
        %parallel_loop3A_2546 = arith.addf %parallel_loop3A_2545, %get3A_1248 : vector<16xf32>
        tpu.vector_store_idx %arg17[%select_n3A_1111, %select_n3A_1208, %parallel_loop3A_2534], %parallel_loop3A_2546 : memref<8x8x129xf32, #tpu.memory_space<vmem>>[vector<16xi32>, vector<16xi32>, vector<16xi32>], vector<16xf32>,
        %parallel_loop3A_2547 = arith.index_cast %parallel_loop3A_2533 : i32 to index
        %parallel_loop3A_2548 = arith.constant 48 : index
        %parallel_loop3A_2549 = tpu.vector_load %arg11[%parallel_loop3A_2547, %parallel_loop3A_2548] {strides = array<i32>} : memref<128x64xf32, #tpu.memory_space<vmem>>, vector<16xf32>,
        %parallel_loop3A_2550 = arith.addf %parallel_loop3A_2549, %get3A_1254 : vector<16xf32>
        tpu.vector_store_idx %arg17[%select_n3A_1142, %select_n3A_1230, %parallel_loop3A_2534], %parallel_loop3A_2550 : memref<8x8x129xf32, #tpu.memory_space<vmem>>[vector<16xi32>, vector<16xi32>, vector<16xi32>], vector<16xf32>,
      } {sc.loop_unroll_factor = 4 : i64, sc.parallel_access}
      %sub3A_1258 = arith.constant 1 : i32
      %sub3A_1259 = arith.subi %add3A_976, %sub3A_1258 : i32
      %dma_start3A_1260 = arith.constant 0 : i32
      %dma_start3A_1261 = arith.constant 0 : i32
      %dma_start3A_1262 = arith.constant 0 : i32
      %dma_start3A_1263 = tpu.memref_slice %arg16[%dma_start3A_1260, %dma_start3A_1261, %dma_start3A_1262] : memref<8x8x129xf32, #tpu.memory_space<vmem>> -> memref<8x8x128xf32, #tpu.memory_space<vmem>>
      %dma_start3A_1264 = arith.constant 0 : i32
      %dma_start3A_1265 = arith.constant 0 : i32
      %dma_start3A_1266 = arith.constant 0 : i32
      %dma_start3A_1267 = tpu.memref_slice %arg5[%sub3A_1259, %dma_start3A_1264, %add3A, %dma_start3A_1265, %dma_start3A_1266] : memref<200x8x32x8x128xf32, #tpu.memory_space<hbm>> -> memref<1x8x1x8x128xf32, #tpu.memory_space<hbm>>
      %dma_start3A_1268 = tpu.memref_squeeze %dma_start3A_1267 : memref<1x8x1x8x128xf32, #tpu.memory_space<hbm>> -> memref<8x8x128xf32, #tpu.memory_space<hbm>>
      %dma_start3A_1269 = arith.constant 0 : i32
      %dma_start3A_1270 = arith.constant 0 : i32
      %dma_start3A_1271 = arith.constant 0 : i32
      %dma_start3A_1272 = tpu.memref_slice %arg5[%sub3A_1259, %dma_start3A_1269, %add3A, %dma_start3A_1270, %dma_start3A_1271] : memref<200x8x32x8x128xf32, #tpu.memory_space<hbm>> -> memref<1x8x1x8x128xf32, #tpu.memory_space<hbm>>
      %dma_start3A_1273 = tpu.memref_squeeze %dma_start3A_1272 : memref<1x8x1x8x128xf32, #tpu.memory_space<hbm>> -> memref<8x8x128xf32, #tpu.memory_space<hbm>>
      %dma_start3A_1274 = arith.constant 0 : i32
      %dma_start3A_1275 = arith.constant 0 : i32
      %dma_start3A_1276 = arith.constant 0 : i32
      %dma_start3A_1277 = tpu.memref_slice %arg16[%dma_start3A_1274, %dma_start3A_1275, %dma_start3A_1276] : memref<8x8x129xf32, #tpu.memory_space<vmem>> -> memref<8x8x128xf32, #tpu.memory_space<vmem>>
      tpu.enqueue_dma source(%dma_start3A_1277 : memref<8x8x128xf32, #tpu.memory_space<vmem>>) target(%dma_start3A_1273 : memref<8x8x128xf32, #tpu.memory_space<hbm>>) target_semaphore(%arg26 : memref<!tpu.dma_semaphore, #tpu.memory_space<semaphore_mem>>)
      %add3A_1278 = arith.constant 4 : i32
      %add3A_1279 = arith.addi %add3A_976, %add3A_1278 : i32
      %lt3A_1280 = arith.constant 200 : i32
      %lt3A_1281 = arith.cmpi slt, %add3A_1279, %lt3A_1280 : i32
      %convert_element_type3A_1282 = arith.extui %lt3A_1281 : i1 to i32
      %cond3A_1283 = arith.constant 0 : i32
      %cond3A_1284 = arith.cmpi ne, %convert_element_type3A_1282, %cond3A_1283 : i32
      scf.if %cond3A_1284 {
        %add3A_2533 = arith.constant 4 : i32
        %add3A_2534 = arith.addi %add3A_976, %add3A_2533 : i32
        %jit3A_2535 = arith.constant 8 : i32
        %div3A_2536 = arith.divsi %add3A_2534, %jit3A_2535 : i32
        %sign3A_2537 = arith.constant 0 : i32
        %sign3A_2538 = arith.cmpi sgt, %add3A_2534, %sign3A_2537 : i32
        %sign3A_2539 = arith.extui %sign3A_2538 : i1 to i32
        %sign3A_2540 = arith.constant 0 : i32
        %sign3A_2541 = arith.cmpi slt, %add3A_2534, %sign3A_2540 : i32
        %sign3A_2542 = arith.extui %sign3A_2541 : i1 to i32
        %sign3A_2543 = arith.subi %sign3A_2539, %sign3A_2542 : i32
        %sign3A_2544 = arith.constant 0 : i32
        %sign3A_2545 = arith.cmpi sgt, %jit3A_2535, %sign3A_2544 : i32
        %sign3A_2546 = arith.extui %sign3A_2545 : i1 to i32
        %sign3A_2547 = arith.constant 0 : i32
        %sign3A_2548 = arith.cmpi slt, %jit3A_2535, %sign3A_2547 : i32
        %sign3A_2549 = arith.extui %sign3A_2548 : i1 to i32
        %sign3A_2550 = arith.subi %sign3A_2546, %sign3A_2549 : i32
        %ne3A_2551 = arith.cmpi ne, %sign3A_2543, %sign3A_2550 : i32
        %rem3A_2552 = arith.remsi %add3A_2534, %jit3A_2535 : i32
        %ne3A_2553 = arith.constant 0 : i32
        %ne3A_2554 = arith.cmpi ne, %rem3A_2552, %ne3A_2553 : i32
        %and3A_2555 = arith.andi %ne3A_2551, %ne3A_2554 : i1
        %sub3A_2556 = arith.constant 1 : i32
        %sub3A_2557 = arith.subi %div3A_2536, %sub3A_2556 : i32
        %select_n3A_2558 = arith.select %and3A_2555, %sub3A_2557, %div3A_2536 : i32
        %jit3A_2559 = arith.constant 8 : i32
        %eq3A_2560 = arith.constant 0 : i32
        %eq3A_2561 = arith.cmpi eq, %jit3A_2559, %eq3A_2560 : i32
        %jit3A_2562 = arith.constant 1 : i32
        %select_n3A_2563 = arith.select %eq3A_2561, %jit3A_2562, %jit3A_2559 : i32
        %rem3A_2564 = arith.remsi %add3A_2534, %select_n3A_2563 : i32
        %ne3A_2565 = arith.constant 0 : i32
        %ne3A_2566 = arith.cmpi ne, %rem3A_2564, %ne3A_2565 : i32
        %lt3A_2567 = arith.constant 0 : i32
        %lt3A_2568 = arith.cmpi slt, %rem3A_2564, %lt3A_2567 : i32
        %lt3A_2569 = arith.constant 0 : i32
        %lt3A_2570 = arith.cmpi slt, %select_n3A_2563, %lt3A_2569 : i32
        %ne3A_2571 = arith.xori %lt3A_2568, %lt3A_2570 : i1
        %and3A_2572 = arith.andi %ne3A_2571, %ne3A_2566 : i1
        %add3A_2573 = arith.addi %rem3A_2564, %select_n3A_2563 : i32
        %select_n3A_2574 = arith.select %and3A_2572, %add3A_2573, %rem3A_2564 : i32
        %dma_start3A_2575 = arith.constant 0 : i32
        %dma_start3A_2576 = tpu.memref_slice %arg6[%select_n3A_2558, %select_n3A_2574, %dma_start3A_2575] : memref<25x8x128xi32, #tpu.memory_space<vmem>> -> memref<1x1x128xi32, #tpu.memory_space<vmem>>
        %dma_start3A_2577 = tpu.memref_squeeze %dma_start3A_2576 : memref<1x1x128xi32, #tpu.memory_space<vmem>> -> memref<128xi32, #tpu.memory_space<vmem>>
        %dma_start3A_2578 = arith.constant 0 : i32
        %dma_start3A_2579 = arith.constant 0 : i32
        %dma_start3A_2580 = tpu.memref_slice %arg3[%dma_start3A_2578, %dma_start3A_2579] : memref<1000000x64xf32, #tpu.memory_space<hbm>> -> memref<1000000x64xf32, #tpu.memory_space<hbm>>
        tpu.enqueue_indirect_dma source(%dma_start3A_2580 : memref<1000000x64xf32, #tpu.memory_space<hbm>>) target(%arg15 : memref<128x64xf32, #tpu.memory_space<vmem>>) offsets(%dma_start3A_2577 : memref<128xi32, #tpu.memory_space<vmem>>) semaphore(%arg25 : memref<!tpu.dma_semaphore, #tpu.memory_space<semaphore_mem>>)
      } else {
      }
      %mul3A_1285 = arith.constant 8 : i32
      %mul3A_1286 = arith.muli %scan3A_97, %mul3A_1285 : i32
      %add3A_1287 = arith.constant 4 : i32
      %add3A_1288 = arith.addi %mul3A_1286, %add3A_1287 : i32
      %dma_wait3A_1289 = arith.constant 0 : i32
      %dma_wait3A_1290 = arith.constant 0 : i32
      %dma_wait3A_1291 = tpu.memref_slice %arg3[%dma_wait3A_1289, %dma_wait3A_1290] : memref<1000000x64xf32, #tpu.memory_space<hbm>> -> memref<128x64xf32, #tpu.memory_space<hbm>>
      %dma_wait3A_1292 = arith.constant 0 : i32
      %dma_wait3A_1293 = arith.constant 0 : i32
      %dma_wait3A_1294 = tpu.memref_slice %arg3[%dma_wait3A_1292, %dma_wait3A_1293] : memref<1000000x64xf32, #tpu.memory_space<hbm>> -> memref<128x64xf32, #tpu.memory_space<hbm>>
      tpu.wait_dma2 semaphore(%arg22 : memref<!tpu.dma_semaphore, #tpu.memory_space<semaphore_mem>>) src(%dma_wait3A_1294 : memref<128x64xf32, #tpu.memory_space<hbm>>) dst(%arg12 : memref<128x64xf32, #tpu.memory_space<vmem>>)
      %dma_wait3A_1295 = arith.constant 0 : i32
      %dma_wait3A_1296 = arith.constant 0 : i32
      %dma_wait3A_1297 = arith.constant 0 : i32
      %dma_wait3A_1298 = arith.constant 0 : i32
      %dma_wait3A_1299 = arith.constant 0 : i32
      %dma_wait3A_1300 = tpu.memref_slice %arg16[%dma_wait3A_1297, %dma_wait3A_1298, %dma_wait3A_1299] : memref<8x8x129xf32, #tpu.memory_space<vmem>> -> memref<8x8x128xf32, #tpu.memory_space<vmem>>
      %dma_wait3A_1301 = arith.constant 0 : i32
      %dma_wait3A_1302 = arith.constant 0 : i32
      %dma_wait3A_1303 = arith.constant 0 : i32
      %dma_wait3A_1304 = tpu.memref_slice %arg5[%dma_wait3A_1295, %dma_wait3A_1301, %dma_wait3A_1296, %dma_wait3A_1302, %dma_wait3A_1303] : memref<200x8x32x8x128xf32, #tpu.memory_space<hbm>> -> memref<1x8x1x8x128xf32, #tpu.memory_space<hbm>>
      %dma_wait3A_1305 = tpu.memref_squeeze %dma_wait3A_1304 : memref<1x8x1x8x128xf32, #tpu.memory_space<hbm>> -> memref<8x8x128xf32, #tpu.memory_space<hbm>>
      %dma_wait3A_1306 = arith.constant 0 : i32
      %dma_wait3A_1307 = arith.constant 0 : i32
      %dma_wait3A_1308 = arith.constant 0 : i32
      %dma_wait3A_1309 = tpu.memref_slice %arg5[%dma_wait3A_1295, %dma_wait3A_1306, %dma_wait3A_1296, %dma_wait3A_1307, %dma_wait3A_1308] : memref<200x8x32x8x128xf32, #tpu.memory_space<hbm>> -> memref<1x8x1x8x128xf32, #tpu.memory_space<hbm>>
      %dma_wait3A_1310 = tpu.memref_squeeze %dma_wait3A_1309 : memref<1x8x1x8x128xf32, #tpu.memory_space<hbm>> -> memref<8x8x128xf32, #tpu.memory_space<hbm>>
      %dma_wait3A_1311 = arith.constant 0 : i32
      %dma_wait3A_1312 = arith.constant 0 : i32
      %dma_wait3A_1313 = arith.constant 0 : i32
      %dma_wait3A_1314 = tpu.memref_slice %arg16[%dma_wait3A_1311, %dma_wait3A_1312, %dma_wait3A_1313] : memref<8x8x129xf32, #tpu.memory_space<vmem>> -> memref<8x8x128xf32, #tpu.memory_space<vmem>>
      tpu.wait_dma2 semaphore(%arg26 : memref<!tpu.dma_semaphore, #tpu.memory_space<semaphore_mem>>) src(%dma_wait3A_1314 : memref<8x8x128xf32, #tpu.memory_space<vmem>>) dst(%dma_wait3A_1310 : memref<8x8x128xf32, #tpu.memory_space<hbm>>)
      %iota3A_1315 = tpu.iota {dimensions = array<i32: 0>} : vector<16xi32>
      %add3A_1316 = arith.constant 0 : i32
      %add3A_1317 = vector.broadcast %add3A_1316 : i32 to vector<16xi32>
      %add3A_1318 = arith.addi %iota3A_1315, %add3A_1317 : vector<16xi32>
      %iota3A_1319 = tpu.iota {dimensions = array<i32: 0>} : vector<16xi32>
      %add3A_1320 = arith.constant 16 : i32
      %add3A_1321 = vector.broadcast %add3A_1320 : i32 to vector<16xi32>
      %add3A_1322 = arith.addi %iota3A_1319, %add3A_1321 : vector<16xi32>
      %iota3A_1323 = tpu.iota {dimensions = array<i32: 0>} : vector<16xi32>
      %add3A_1324 = arith.constant 32 : i32
      %add3A_1325 = vector.broadcast %add3A_1324 : i32 to vector<16xi32>
      %add3A_1326 = arith.addi %iota3A_1323, %add3A_1325 : vector<16xi32>
      %iota3A_1327 = tpu.iota {dimensions = array<i32: 0>} : vector<16xi32>
      %add3A_1328 = arith.constant 48 : i32
      %add3A_1329 = vector.broadcast %add3A_1328 : i32 to vector<16xi32>
      %add3A_1330 = arith.addi %iota3A_1327, %add3A_1329 : vector<16xi32>
      %jit3A_1331 = arith.constant 8 : i32
      %div3A_1332 = vector.broadcast %jit3A_1331 : i32 to vector<16xi32>
      %div3A_1333 = arith.divsi %add3A_1318, %div3A_1332 : vector<16xi32>
      %sign3A_1334 = arith.constant 0 : i32
      %sign3A_1335 = vector.broadcast %sign3A_1334 : i32 to vector<16xi32>
      %sign3A_1336 = arith.cmpi sgt, %add3A_1318, %sign3A_1335 : vector<16xi32>
      %sign3A_1337 = arith.extui %sign3A_1336 : vector<16xi1> to vector<16xi32>
      %sign3A_1338 = arith.constant 0 : i32
      %sign3A_1339 = vector.broadcast %sign3A_1338 : i32 to vector<16xi32>
      %sign3A_1340 = arith.cmpi slt, %add3A_1318, %sign3A_1339 : vector<16xi32>
      %sign3A_1341 = arith.extui %sign3A_1340 : vector<16xi1> to vector<16xi32>
      %sign3A_1342 = arith.subi %sign3A_1337, %sign3A_1341 : vector<16xi32>
      %sign3A_1343 = arith.constant 0 : i32
      %sign3A_1344 = arith.cmpi sgt, %jit3A_1331, %sign3A_1343 : i32
      %sign3A_1345 = arith.extui %sign3A_1344 : i1 to i32
      %sign3A_1346 = arith.constant 0 : i32
      %sign3A_1347 = arith.cmpi slt, %jit3A_1331, %sign3A_1346 : i32
      %sign3A_1348 = arith.extui %sign3A_1347 : i1 to i32
      %sign3A_1349 = arith.subi %sign3A_1345, %sign3A_1348 : i32
      %ne3A_1350 = vector.broadcast %sign3A_1349 : i32 to vector<16xi32>
      %ne3A_1351 = arith.cmpi ne, %sign3A_1342, %ne3A_1350 : vector<16xi32>
      %rem3A_1352 = vector.broadcast %jit3A_1331 : i32 to vector<16xi32>
      %rem3A_1353 = arith.remsi %add3A_1318, %rem3A_1352 : vector<16xi32>
      %ne3A_1354 = arith.constant 0 : i32
      %ne3A_1355 = vector.broadcast %ne3A_1354 : i32 to vector<16xi32>
      %ne3A_1356 = arith.cmpi ne, %rem3A_1353, %ne3A_1355 : vector<16xi32>
      %and3A_1357 = arith.andi %ne3A_1351, %ne3A_1356 : vector<16xi1>
      %sub3A_1358 = arith.constant 1 : i32
      %sub3A_1359 = vector.broadcast %sub3A_1358 : i32 to vector<16xi32>
      %sub3A_1360 = arith.subi %div3A_1333, %sub3A_1359 : vector<16xi32>
      %select_n3A_1361 = arith.select %and3A_1357, %sub3A_1360, %div3A_1333 : vector<16xi1>, vector<16xi32>
      %jit3A_1362 = arith.constant 8 : i32
      %div3A_1363 = vector.broadcast %jit3A_1362 : i32 to vector<16xi32>
      %div3A_1364 = arith.divsi %add3A_1322, %div3A_1363 : vector<16xi32>
      %sign3A_1365 = arith.constant 0 : i32
      %sign3A_1366 = vector.broadcast %sign3A_1365 : i32 to vector<16xi32>
      %sign3A_1367 = arith.cmpi sgt, %add3A_1322, %sign3A_1366 : vector<16xi32>
      %sign3A_1368 = arith.extui %sign3A_1367 : vector<16xi1> to vector<16xi32>
      %sign3A_1369 = arith.constant 0 : i32
      %sign3A_1370 = vector.broadcast %sign3A_1369 : i32 to vector<16xi32>
      %sign3A_1371 = arith.cmpi slt, %add3A_1322, %sign3A_1370 : vector<16xi32>
      %sign3A_1372 = arith.extui %sign3A_1371 : vector<16xi1> to vector<16xi32>
      %sign3A_1373 = arith.subi %sign3A_1368, %sign3A_1372 : vector<16xi32>
      %sign3A_1374 = arith.constant 0 : i32
      %sign3A_1375 = arith.cmpi sgt, %jit3A_1362, %sign3A_1374 : i32
      %sign3A_1376 = arith.extui %sign3A_1375 : i1 to i32
      %sign3A_1377 = arith.constant 0 : i32
      %sign3A_1378 = arith.cmpi slt, %jit3A_1362, %sign3A_1377 : i32
      %sign3A_1379 = arith.extui %sign3A_1378 : i1 to i32
      %sign3A_1380 = arith.subi %sign3A_1376, %sign3A_1379 : i32
      %ne3A_1381 = vector.broadcast %sign3A_1380 : i32 to vector<16xi32>
      %ne3A_1382 = arith.cmpi ne, %sign3A_1373, %ne3A_1381 : vector<16xi32>
      %rem3A_1383 = vector.broadcast %jit3A_1362 : i32 to vector<16xi32>
      %rem3A_1384 = arith.remsi %add3A_1322, %rem3A_1383 : vector<16xi32>
      %ne3A_1385 = arith.constant 0 : i32
      %ne3A_1386 = vector.broadcast %ne3A_1385 : i32 to vector<16xi32>
      %ne3A_1387 = arith.cmpi ne, %rem3A_1384, %ne3A_1386 : vector<16xi32>
      %and3A_1388 = arith.andi %ne3A_1382, %ne3A_1387 : vector<16xi1>
      %sub3A_1389 = arith.constant 1 : i32
      %sub3A_1390 = vector.broadcast %sub3A_1389 : i32 to vector<16xi32>
      %sub3A_1391 = arith.subi %div3A_1364, %sub3A_1390 : vector<16xi32>
      %select_n3A_1392 = arith.select %and3A_1388, %sub3A_1391, %div3A_1364 : vector<16xi1>, vector<16xi32>
      %jit3A_1393 = arith.constant 8 : i32
      %div3A_1394 = vector.broadcast %jit3A_1393 : i32 to vector<16xi32>
      %div3A_1395 = arith.divsi %add3A_1326, %div3A_1394 : vector<16xi32>
      %sign3A_1396 = arith.constant 0 : i32
      %sign3A_1397 = vector.broadcast %sign3A_1396 : i32 to vector<16xi32>
      %sign3A_1398 = arith.cmpi sgt, %add3A_1326, %sign3A_1397 : vector<16xi32>
      %sign3A_1399 = arith.extui %sign3A_1398 : vector<16xi1> to vector<16xi32>
      %sign3A_1400 = arith.constant 0 : i32
      %sign3A_1401 = vector.broadcast %sign3A_1400 : i32 to vector<16xi32>
      %sign3A_1402 = arith.cmpi slt, %add3A_1326, %sign3A_1401 : vector<16xi32>
      %sign3A_1403 = arith.extui %sign3A_1402 : vector<16xi1> to vector<16xi32>
      %sign3A_1404 = arith.subi %sign3A_1399, %sign3A_1403 : vector<16xi32>
      %sign3A_1405 = arith.constant 0 : i32
      %sign3A_1406 = arith.cmpi sgt, %jit3A_1393, %sign3A_1405 : i32
      %sign3A_1407 = arith.extui %sign3A_1406 : i1 to i32
      %sign3A_1408 = arith.constant 0 : i32
      %sign3A_1409 = arith.cmpi slt, %jit3A_1393, %sign3A_1408 : i32
      %sign3A_1410 = arith.extui %sign3A_1409 : i1 to i32
      %sign3A_1411 = arith.subi %sign3A_1407, %sign3A_1410 : i32
      %ne3A_1412 = vector.broadcast %sign3A_1411 : i32 to vector<16xi32>
      %ne3A_1413 = arith.cmpi ne, %sign3A_1404, %ne3A_1412 : vector<16xi32>
      %rem3A_1414 = vector.broadcast %jit3A_1393 : i32 to vector<16xi32>
      %rem3A_1415 = arith.remsi %add3A_1326, %rem3A_1414 : vector<16xi32>
      %ne3A_1416 = arith.constant 0 : i32
      %ne3A_1417 = vector.broadcast %ne3A_1416 : i32 to vector<16xi32>
      %ne3A_1418 = arith.cmpi ne, %rem3A_1415, %ne3A_1417 : vector<16xi32>
      %and3A_1419 = arith.andi %ne3A_1413, %ne3A_1418 : vector<16xi1>
      %sub3A_1420 = arith.constant 1 : i32
      %sub3A_1421 = vector.broadcast %sub3A_1420 : i32 to vector<16xi32>
      %sub3A_1422 = arith.subi %div3A_1395, %sub3A_1421 : vector<16xi32>
      %select_n3A_1423 = arith.select %and3A_1419, %sub3A_1422, %div3A_1395 : vector<16xi1>, vector<16xi32>
      %jit3A_1424 = arith.constant 8 : i32
      %div3A_1425 = vector.broadcast %jit3A_1424 : i32 to vector<16xi32>
      %div3A_1426 = arith.divsi %add3A_1330, %div3A_1425 : vector<16xi32>
      %sign3A_1427 = arith.constant 0 : i32
      %sign3A_1428 = vector.broadcast %sign3A_1427 : i32 to vector<16xi32>
      %sign3A_1429 = arith.cmpi sgt, %add3A_1330, %sign3A_1428 : vector<16xi32>
      %sign3A_1430 = arith.extui %sign3A_1429 : vector<16xi1> to vector<16xi32>
      %sign3A_1431 = arith.constant 0 : i32
      %sign3A_1432 = vector.broadcast %sign3A_1431 : i32 to vector<16xi32>
      %sign3A_1433 = arith.cmpi slt, %add3A_1330, %sign3A_1432 : vector<16xi32>
      %sign3A_1434 = arith.extui %sign3A_1433 : vector<16xi1> to vector<16xi32>
      %sign3A_1435 = arith.subi %sign3A_1430, %sign3A_1434 : vector<16xi32>
      %sign3A_1436 = arith.constant 0 : i32
      %sign3A_1437 = arith.cmpi sgt, %jit3A_1424, %sign3A_1436 : i32
      %sign3A_1438 = arith.extui %sign3A_1437 : i1 to i32
      %sign3A_1439 = arith.constant 0 : i32
      %sign3A_1440 = arith.cmpi slt, %jit3A_1424, %sign3A_1439 : i32
      %sign3A_1441 = arith.extui %sign3A_1440 : i1 to i32
      %sign3A_1442 = arith.subi %sign3A_1438, %sign3A_1441 : i32
      %ne3A_1443 = vector.broadcast %sign3A_1442 : i32 to vector<16xi32>
      %ne3A_1444 = arith.cmpi ne, %sign3A_1435, %ne3A_1443 : vector<16xi32>
      %rem3A_1445 = vector.broadcast %jit3A_1424 : i32 to vector<16xi32>
      %rem3A_1446 = arith.remsi %add3A_1330, %rem3A_1445 : vector<16xi32>
      %ne3A_1447 = arith.constant 0 : i32
      %ne3A_1448 = vector.broadcast %ne3A_1447 : i32 to vector<16xi32>
      %ne3A_1449 = arith.cmpi ne, %rem3A_1446, %ne3A_1448 : vector<16xi32>
      %and3A_1450 = arith.andi %ne3A_1444, %ne3A_1449 : vector<16xi1>
      %sub3A_1451 = arith.constant 1 : i32
      %sub3A_1452 = vector.broadcast %sub3A_1451 : i32 to vector<16xi32>
      %sub3A_1453 = arith.subi %div3A_1426, %sub3A_1452 : vector<16xi32>
      %select_n3A_1454 = arith.select %and3A_1450, %sub3A_1453, %div3A_1426 : vector<16xi1>, vector<16xi32>
      %jit3A_1455 = arith.constant 8 : i32
      %eq3A_1456 = arith.constant 0 : i32
      %eq3A_1457 = arith.cmpi eq, %jit3A_1455, %eq3A_1456 : i32
      %jit3A_1458 = arith.constant 1 : i32
      %select_n3A_1459 = arith.select %eq3A_1457, %jit3A_1458, %jit3A_1455 : i32
      %rem3A_1460 = vector.broadcast %select_n3A_1459 : i32 to vector<16xi32>
      %rem3A_1461 = arith.remsi %add3A_1318, %rem3A_1460 : vector<16xi32>
      %ne3A_1462 = arith.constant 0 : i32
      %ne3A_1463 = vector.broadcast %ne3A_1462 : i32 to vector<16xi32>
      %ne3A_1464 = arith.cmpi ne, %rem3A_1461, %ne3A_1463 : vector<16xi32>
      %lt3A_1465 = arith.constant 0 : i32
      %lt3A_1466 = vector.broadcast %lt3A_1465 : i32 to vector<16xi32>
      %lt3A_1467 = arith.cmpi slt, %rem3A_1461, %lt3A_1466 : vector<16xi32>
      %lt3A_1468 = arith.constant 0 : i32
      %lt3A_1469 = arith.cmpi slt, %select_n3A_1459, %lt3A_1468 : i32
      %ne3A_1470 = vector.broadcast %lt3A_1469 : i1 to vector<16xi1>
      %ne3A_1471 = vector.broadcast %ne3A_1470 : vector<16xi1> to vector<16xi1>
      %ne3A_1472 = arith.xori %lt3A_1467, %ne3A_1471 : vector<16xi1>
      %and3A_1473 = arith.andi %ne3A_1472, %ne3A_1464 : vector<16xi1>
      %add3A_1474 = vector.broadcast %select_n3A_1459 : i32 to vector<16xi32>
      %add3A_1475 = arith.addi %rem3A_1461, %add3A_1474 : vector<16xi32>
      %select_n3A_1476 = arith.select %and3A_1473, %add3A_1475, %rem3A_1461 : vector<16xi1>, vector<16xi32>
      %jit3A_1477 = arith.constant 8 : i32
      %eq3A_1478 = arith.constant 0 : i32
      %eq3A_1479 = arith.cmpi eq, %jit3A_1477, %eq3A_1478 : i32
      %jit3A_1480 = arith.constant 1 : i32
      %select_n3A_1481 = arith.select %eq3A_1479, %jit3A_1480, %jit3A_1477 : i32
      %rem3A_1482 = vector.broadcast %select_n3A_1481 : i32 to vector<16xi32>
      %rem3A_1483 = arith.remsi %add3A_1322, %rem3A_1482 : vector<16xi32>
      %ne3A_1484 = arith.constant 0 : i32
      %ne3A_1485 = vector.broadcast %ne3A_1484 : i32 to vector<16xi32>
      %ne3A_1486 = arith.cmpi ne, %rem3A_1483, %ne3A_1485 : vector<16xi32>
      %lt3A_1487 = arith.constant 0 : i32
      %lt3A_1488 = vector.broadcast %lt3A_1487 : i32 to vector<16xi32>
      %lt3A_1489 = arith.cmpi slt, %rem3A_1483, %lt3A_1488 : vector<16xi32>
      %lt3A_1490 = arith.constant 0 : i32
      %lt3A_1491 = arith.cmpi slt, %select_n3A_1481, %lt3A_1490 : i32
      %ne3A_1492 = vector.broadcast %lt3A_1491 : i1 to vector<16xi1>
      %ne3A_1493 = vector.broadcast %ne3A_1492 : vector<16xi1> to vector<16xi1>
      %ne3A_1494 = arith.xori %lt3A_1489, %ne3A_1493 : vector<16xi1>
      %and3A_1495 = arith.andi %ne3A_1494, %ne3A_1486 : vector<16xi1>
      %add3A_1496 = vector.broadcast %select_n3A_1481 : i32 to vector<16xi32>
      %add3A_1497 = arith.addi %rem3A_1483, %add3A_1496 : vector<16xi32>
      %select_n3A_1498 = arith.select %and3A_1495, %add3A_1497, %rem3A_1483 : vector<16xi1>, vector<16xi32>
      %jit3A_1499 = arith.constant 8 : i32
      %eq3A_1500 = arith.constant 0 : i32
      %eq3A_1501 = arith.cmpi eq, %jit3A_1499, %eq3A_1500 : i32
      %jit3A_1502 = arith.constant 1 : i32
      %select_n3A_1503 = arith.select %eq3A_1501, %jit3A_1502, %jit3A_1499 : i32
      %rem3A_1504 = vector.broadcast %select_n3A_1503 : i32 to vector<16xi32>
      %rem3A_1505 = arith.remsi %add3A_1326, %rem3A_1504 : vector<16xi32>
      %ne3A_1506 = arith.constant 0 : i32
      %ne3A_1507 = vector.broadcast %ne3A_1506 : i32 to vector<16xi32>
      %ne3A_1508 = arith.cmpi ne, %rem3A_1505, %ne3A_1507 : vector<16xi32>
      %lt3A_1509 = arith.constant 0 : i32
      %lt3A_1510 = vector.broadcast %lt3A_1509 : i32 to vector<16xi32>
      %lt3A_1511 = arith.cmpi slt, %rem3A_1505, %lt3A_1510 : vector<16xi32>
      %lt3A_1512 = arith.constant 0 : i32
      %lt3A_1513 = arith.cmpi slt, %select_n3A_1503, %lt3A_1512 : i32
      %ne3A_1514 = vector.broadcast %lt3A_1513 : i1 to vector<16xi1>
      %ne3A_1515 = vector.broadcast %ne3A_1514 : vector<16xi1> to vector<16xi1>
      %ne3A_1516 = arith.xori %lt3A_1511, %ne3A_1515 : vector<16xi1>
      %and3A_1517 = arith.andi %ne3A_1516, %ne3A_1508 : vector<16xi1>
      %add3A_1518 = vector.broadcast %select_n3A_1503 : i32 to vector<16xi32>
      %add3A_1519 = arith.addi %rem3A_1505, %add3A_1518 : vector<16xi32>
      %select_n3A_1520 = arith.select %and3A_1517, %add3A_1519, %rem3A_1505 : vector<16xi1>, vector<16xi32>
      %jit3A_1521 = arith.constant 8 : i32
      %eq3A_1522 = arith.constant 0 : i32
      %eq3A_1523 = arith.cmpi eq, %jit3A_1521, %eq3A_1522 : i32
      %jit3A_1524 = arith.constant 1 : i32
      %select_n3A_1525 = arith.select %eq3A_1523, %jit3A_1524, %jit3A_1521 : i32
      %rem3A_1526 = vector.broadcast %select_n3A_1525 : i32 to vector<16xi32>
      %rem3A_1527 = arith.remsi %add3A_1330, %rem3A_1526 : vector<16xi32>
      %ne3A_1528 = arith.constant 0 : i32
      %ne3A_1529 = vector.broadcast %ne3A_1528 : i32 to vector<16xi32>
      %ne3A_1530 = arith.cmpi ne, %rem3A_1527, %ne3A_1529 : vector<16xi32>
      %lt3A_1531 = arith.constant 0 : i32
      %lt3A_1532 = vector.broadcast %lt3A_1531 : i32 to vector<16xi32>
      %lt3A_1533 = arith.cmpi slt, %rem3A_1527, %lt3A_1532 : vector<16xi32>
      %lt3A_1534 = arith.constant 0 : i32
      %lt3A_1535 = arith.cmpi slt, %select_n3A_1525, %lt3A_1534 : i32
      %ne3A_1536 = vector.broadcast %lt3A_1535 : i1 to vector<16xi1>
      %ne3A_1537 = vector.broadcast %ne3A_1536 : vector<16xi1> to vector<16xi1>
      %ne3A_1538 = arith.xori %lt3A_1533, %ne3A_1537 : vector<16xi1>
      %and3A_1539 = arith.andi %ne3A_1538, %ne3A_1530 : vector<16xi1>
      %add3A_1540 = vector.broadcast %select_n3A_1525 : i32 to vector<16xi32>
      %add3A_1541 = arith.addi %rem3A_1527, %add3A_1540 : vector<16xi32>
      %select_n3A_1542 = arith.select %and3A_1539, %add3A_1541, %rem3A_1527 : vector<16xi1>, vector<16xi32>
      %mul3A_1543 = arith.constant 64 : i32
      %mul3A_1544 = arith.muli %add3A_1288, %mul3A_1543 : i32
      %add3A_1545 = arith.constant 0 : i32
      %add3A_1546 = arith.addi %mul3A_1544, %add3A_1545 : i32
      %get3A_1547 = arith.index_cast %add3A_1546 : i32 to index
      %get3A_1548 = tpu.vector_load %arg7[%get3A_1547] {strides = array<i32>} : memref<12800xf32, #tpu.memory_space<vmem>>, vector<16xf32>,
      %mul3A_1549 = arith.constant 64 : i32
      %mul3A_1550 = arith.muli %add3A_1288, %mul3A_1549 : i32
      %add3A_1551 = arith.constant 16 : i32
      %add3A_1552 = arith.addi %mul3A_1550, %add3A_1551 : i32
      %get3A_1553 = arith.index_cast %add3A_1552 : i32 to index
      %get3A_1554 = tpu.vector_load %arg7[%get3A_1553] {strides = array<i32>} : memref<12800xf32, #tpu.memory_space<vmem>>, vector<16xf32>,
      %mul3A_1555 = arith.constant 64 : i32
      %mul3A_1556 = arith.muli %add3A_1288, %mul3A_1555 : i32
      %add3A_1557 = arith.constant 32 : i32
      %add3A_1558 = arith.addi %mul3A_1556, %add3A_1557 : i32
      %get3A_1559 = arith.index_cast %add3A_1558 : i32 to index
      %get3A_1560 = tpu.vector_load %arg7[%get3A_1559] {strides = array<i32>} : memref<12800xf32, #tpu.memory_space<vmem>>, vector<16xf32>,
      %mul3A_1561 = arith.constant 64 : i32
      %mul3A_1562 = arith.muli %add3A_1288, %mul3A_1561 : i32
      %add3A_1563 = arith.constant 48 : i32
      %add3A_1564 = arith.addi %mul3A_1562, %add3A_1563 : i32
      %get3A_1565 = arith.index_cast %add3A_1564 : i32 to index
      %get3A_1566 = tpu.vector_load %arg7[%get3A_1565] {strides = array<i32>} : memref<12800xf32, #tpu.memory_space<vmem>>, vector<16xf32>,
      %parallel_loop3A_1567 = arith.constant 0 : i32
      %parallel_loop3A_1568 = arith.constant 128 : i32
      %parallel_loop3A_1569 = arith.constant 1 : i32
      scf.for %parallel_loop3A_2533 = %parallel_loop3A_1567 to %parallel_loop3A_1568 step %parallel_loop3A_1569  : i32 {
        %parallel_loop3A_2534 = vector.broadcast %parallel_loop3A_2533 : i32 to vector<16xi32>
        %parallel_loop3A_2535 = arith.index_cast %parallel_loop3A_2533 : i32 to index
        %parallel_loop3A_2536 = arith.constant 0 : index
        %parallel_loop3A_2537 = tpu.vector_load %arg12[%parallel_loop3A_2535, %parallel_loop3A_2536] {strides = array<i32>} : memref<128x64xf32, #tpu.memory_space<vmem>>, vector<16xf32>,
        %parallel_loop3A_2538 = arith.addf %parallel_loop3A_2537, %get3A_1548 : vector<16xf32>
        tpu.vector_store_idx %arg16[%select_n3A_1361, %select_n3A_1476, %parallel_loop3A_2534], %parallel_loop3A_2538 : memref<8x8x129xf32, #tpu.memory_space<vmem>>[vector<16xi32>, vector<16xi32>, vector<16xi32>], vector<16xf32>,
        %parallel_loop3A_2539 = arith.index_cast %parallel_loop3A_2533 : i32 to index
        %parallel_loop3A_2540 = arith.constant 16 : index
        %parallel_loop3A_2541 = tpu.vector_load %arg12[%parallel_loop3A_2539, %parallel_loop3A_2540] {strides = array<i32>} : memref<128x64xf32, #tpu.memory_space<vmem>>, vector<16xf32>,
        %parallel_loop3A_2542 = arith.addf %parallel_loop3A_2541, %get3A_1554 : vector<16xf32>
        tpu.vector_store_idx %arg16[%select_n3A_1392, %select_n3A_1498, %parallel_loop3A_2534], %parallel_loop3A_2542 : memref<8x8x129xf32, #tpu.memory_space<vmem>>[vector<16xi32>, vector<16xi32>, vector<16xi32>], vector<16xf32>,
        %parallel_loop3A_2543 = arith.index_cast %parallel_loop3A_2533 : i32 to index
        %parallel_loop3A_2544 = arith.constant 32 : index
        %parallel_loop3A_2545 = tpu.vector_load %arg12[%parallel_loop3A_2543, %parallel_loop3A_2544] {strides = array<i32>} : memref<128x64xf32, #tpu.memory_space<vmem>>, vector<16xf32>,
        %parallel_loop3A_2546 = arith.addf %parallel_loop3A_2545, %get3A_1560 : vector<16xf32>
        tpu.vector_store_idx %arg16[%select_n3A_1423, %select_n3A_1520, %parallel_loop3A_2534], %parallel_loop3A_2546 : memref<8x8x129xf32, #tpu.memory_space<vmem>>[vector<16xi32>, vector<16xi32>, vector<16xi32>], vector<16xf32>,
        %parallel_loop3A_2547 = arith.index_cast %parallel_loop3A_2533 : i32 to index
        %parallel_loop3A_2548 = arith.constant 48 : index
        %parallel_loop3A_2549 = tpu.vector_load %arg12[%parallel_loop3A_2547, %parallel_loop3A_2548] {strides = array<i32>} : memref<128x64xf32, #tpu.memory_space<vmem>>, vector<16xf32>,
        %parallel_loop3A_2550 = arith.addf %parallel_loop3A_2549, %get3A_1566 : vector<16xf32>
        tpu.vector_store_idx %arg16[%select_n3A_1454, %select_n3A_1542, %parallel_loop3A_2534], %parallel_loop3A_2550 : memref<8x8x129xf32, #tpu.memory_space<vmem>>[vector<16xi32>, vector<16xi32>, vector<16xi32>], vector<16xf32>,
      } {sc.loop_unroll_factor = 4 : i64, sc.parallel_access}
      %sub3A_1570 = arith.constant 1 : i32
      %sub3A_1571 = arith.subi %add3A_1288, %sub3A_1570 : i32
      %dma_start3A_1572 = arith.constant 0 : i32
      %dma_start3A_1573 = arith.constant 0 : i32
      %dma_start3A_1574 = arith.constant 0 : i32
      %dma_start3A_1575 = tpu.memref_slice %arg17[%dma_start3A_1572, %dma_start3A_1573, %dma_start3A_1574] : memref<8x8x129xf32, #tpu.memory_space<vmem>> -> memref<8x8x128xf32, #tpu.memory_space<vmem>>
      %dma_start3A_1576 = arith.constant 0 : i32
      %dma_start3A_1577 = arith.constant 0 : i32
      %dma_start3A_1578 = arith.constant 0 : i32
      %dma_start3A_1579 = tpu.memref_slice %arg5[%sub3A_1571, %dma_start3A_1576, %add3A, %dma_start3A_1577, %dma_start3A_1578] : memref<200x8x32x8x128xf32, #tpu.memory_space<hbm>> -> memref<1x8x1x8x128xf32, #tpu.memory_space<hbm>>
      %dma_start3A_1580 = tpu.memref_squeeze %dma_start3A_1579 : memref<1x8x1x8x128xf32, #tpu.memory_space<hbm>> -> memref<8x8x128xf32, #tpu.memory_space<hbm>>
      %dma_start3A_1581 = arith.constant 0 : i32
      %dma_start3A_1582 = arith.constant 0 : i32
      %dma_start3A_1583 = arith.constant 0 : i32
      %dma_start3A_1584 = tpu.memref_slice %arg5[%sub3A_1571, %dma_start3A_1581, %add3A, %dma_start3A_1582, %dma_start3A_1583] : memref<200x8x32x8x128xf32, #tpu.memory_space<hbm>> -> memref<1x8x1x8x128xf32, #tpu.memory_space<hbm>>
      %dma_start3A_1585 = tpu.memref_squeeze %dma_start3A_1584 : memref<1x8x1x8x128xf32, #tpu.memory_space<hbm>> -> memref<8x8x128xf32, #tpu.memory_space<hbm>>
      %dma_start3A_1586 = arith.constant 0 : i32
      %dma_start3A_1587 = arith.constant 0 : i32
      %dma_start3A_1588 = arith.constant 0 : i32
      %dma_start3A_1589 = tpu.memref_slice %arg17[%dma_start3A_1586, %dma_start3A_1587, %dma_start3A_1588] : memref<8x8x129xf32, #tpu.memory_space<vmem>> -> memref<8x8x128xf32, #tpu.memory_space<vmem>>
      tpu.enqueue_dma source(%dma_start3A_1589 : memref<8x8x128xf32, #tpu.memory_space<vmem>>) target(%dma_start3A_1585 : memref<8x8x128xf32, #tpu.memory_space<hbm>>) target_semaphore(%arg27 : memref<!tpu.dma_semaphore, #tpu.memory_space<semaphore_mem>>)
      %add3A_1590 = arith.constant 4 : i32
      %add3A_1591 = arith.addi %add3A_1288, %add3A_1590 : i32
      %lt3A_1592 = arith.constant 200 : i32
      %lt3A_1593 = arith.cmpi slt, %add3A_1591, %lt3A_1592 : i32
      %convert_element_type3A_1594 = arith.extui %lt3A_1593 : i1 to i32
      %cond3A_1595 = arith.constant 0 : i32
      %cond3A_1596 = arith.cmpi ne, %convert_element_type3A_1594, %cond3A_1595 : i32
      scf.if %cond3A_1596 {
        %add3A_2533 = arith.constant 4 : i32
        %add3A_2534 = arith.addi %add3A_1288, %add3A_2533 : i32
        %jit3A_2535 = arith.constant 8 : i32
        %div3A_2536 = arith.divsi %add3A_2534, %jit3A_2535 : i32
        %sign3A_2537 = arith.constant 0 : i32
        %sign3A_2538 = arith.cmpi sgt, %add3A_2534, %sign3A_2537 : i32
        %sign3A_2539 = arith.extui %sign3A_2538 : i1 to i32
        %sign3A_2540 = arith.constant 0 : i32
        %sign3A_2541 = arith.cmpi slt, %add3A_2534, %sign3A_2540 : i32
        %sign3A_2542 = arith.extui %sign3A_2541 : i1 to i32
        %sign3A_2543 = arith.subi %sign3A_2539, %sign3A_2542 : i32
        %sign3A_2544 = arith.constant 0 : i32
        %sign3A_2545 = arith.cmpi sgt, %jit3A_2535, %sign3A_2544 : i32
        %sign3A_2546 = arith.extui %sign3A_2545 : i1 to i32
        %sign3A_2547 = arith.constant 0 : i32
        %sign3A_2548 = arith.cmpi slt, %jit3A_2535, %sign3A_2547 : i32
        %sign3A_2549 = arith.extui %sign3A_2548 : i1 to i32
        %sign3A_2550 = arith.subi %sign3A_2546, %sign3A_2549 : i32
        %ne3A_2551 = arith.cmpi ne, %sign3A_2543, %sign3A_2550 : i32
        %rem3A_2552 = arith.remsi %add3A_2534, %jit3A_2535 : i32
        %ne3A_2553 = arith.constant 0 : i32
        %ne3A_2554 = arith.cmpi ne, %rem3A_2552, %ne3A_2553 : i32
        %and3A_2555 = arith.andi %ne3A_2551, %ne3A_2554 : i1
        %sub3A_2556 = arith.constant 1 : i32
        %sub3A_2557 = arith.subi %div3A_2536, %sub3A_2556 : i32
        %select_n3A_2558 = arith.select %and3A_2555, %sub3A_2557, %div3A_2536 : i32
        %jit3A_2559 = arith.constant 8 : i32
        %eq3A_2560 = arith.constant 0 : i32
        %eq3A_2561 = arith.cmpi eq, %jit3A_2559, %eq3A_2560 : i32
        %jit3A_2562 = arith.constant 1 : i32
        %select_n3A_2563 = arith.select %eq3A_2561, %jit3A_2562, %jit3A_2559 : i32
        %rem3A_2564 = arith.remsi %add3A_2534, %select_n3A_2563 : i32
        %ne3A_2565 = arith.constant 0 : i32
        %ne3A_2566 = arith.cmpi ne, %rem3A_2564, %ne3A_2565 : i32
        %lt3A_2567 = arith.constant 0 : i32
        %lt3A_2568 = arith.cmpi slt, %rem3A_2564, %lt3A_2567 : i32
        %lt3A_2569 = arith.constant 0 : i32
        %lt3A_2570 = arith.cmpi slt, %select_n3A_2563, %lt3A_2569 : i32
        %ne3A_2571 = arith.xori %lt3A_2568, %lt3A_2570 : i1
        %and3A_2572 = arith.andi %ne3A_2571, %ne3A_2566 : i1
        %add3A_2573 = arith.addi %rem3A_2564, %select_n3A_2563 : i32
        %select_n3A_2574 = arith.select %and3A_2572, %add3A_2573, %rem3A_2564 : i32
        %dma_start3A_2575 = arith.constant 0 : i32
        %dma_start3A_2576 = tpu.memref_slice %arg6[%select_n3A_2558, %select_n3A_2574, %dma_start3A_2575] : memref<25x8x128xi32, #tpu.memory_space<vmem>> -> memref<1x1x128xi32, #tpu.memory_space<vmem>>
        %dma_start3A_2577 = tpu.memref_squeeze %dma_start3A_2576 : memref<1x1x128xi32, #tpu.memory_space<vmem>> -> memref<128xi32, #tpu.memory_space<vmem>>
        %dma_start3A_2578 = arith.constant 0 : i32
        %dma_start3A_2579 = arith.constant 0 : i32
        %dma_start3A_2580 = tpu.memref_slice %arg3[%dma_start3A_2578, %dma_start3A_2579] : memref<1000000x64xf32, #tpu.memory_space<hbm>> -> memref<1000000x64xf32, #tpu.memory_space<hbm>>
        tpu.enqueue_indirect_dma source(%dma_start3A_2580 : memref<1000000x64xf32, #tpu.memory_space<hbm>>) target(%arg8 : memref<128x64xf32, #tpu.memory_space<vmem>>) offsets(%dma_start3A_2577 : memref<128xi32, #tpu.memory_space<vmem>>) semaphore(%arg18 : memref<!tpu.dma_semaphore, #tpu.memory_space<semaphore_mem>>)
      } else {
      }
      %mul3A_1597 = arith.constant 8 : i32
      %mul3A_1598 = arith.muli %scan3A_97, %mul3A_1597 : i32
      %add3A_1599 = arith.constant 5 : i32
      %add3A_1600 = arith.addi %mul3A_1598, %add3A_1599 : i32
      %dma_wait3A_1601 = arith.constant 0 : i32
      %dma_wait3A_1602 = arith.constant 0 : i32
      %dma_wait3A_1603 = tpu.memref_slice %arg3[%dma_wait3A_1601, %dma_wait3A_1602] : memref<1000000x64xf32, #tpu.memory_space<hbm>> -> memref<128x64xf32, #tpu.memory_space<hbm>>
      %dma_wait3A_1604 = arith.constant 0 : i32
      %dma_wait3A_1605 = arith.constant 0 : i32
      %dma_wait3A_1606 = tpu.memref_slice %arg3[%dma_wait3A_1604, %dma_wait3A_1605] : memref<1000000x64xf32, #tpu.memory_space<hbm>> -> memref<128x64xf32, #tpu.memory_space<hbm>>
      tpu.wait_dma2 semaphore(%arg23 : memref<!tpu.dma_semaphore, #tpu.memory_space<semaphore_mem>>) src(%dma_wait3A_1606 : memref<128x64xf32, #tpu.memory_space<hbm>>) dst(%arg13 : memref<128x64xf32, #tpu.memory_space<vmem>>)
      %dma_wait3A_1607 = arith.constant 0 : i32
      %dma_wait3A_1608 = arith.constant 0 : i32
      %dma_wait3A_1609 = arith.constant 0 : i32
      %dma_wait3A_1610 = arith.constant 0 : i32
      %dma_wait3A_1611 = arith.constant 0 : i32
      %dma_wait3A_1612 = tpu.memref_slice %arg17[%dma_wait3A_1609, %dma_wait3A_1610, %dma_wait3A_1611] : memref<8x8x129xf32, #tpu.memory_space<vmem>> -> memref<8x8x128xf32, #tpu.memory_space<vmem>>
      %dma_wait3A_1613 = arith.constant 0 : i32
      %dma_wait3A_1614 = arith.constant 0 : i32
      %dma_wait3A_1615 = arith.constant 0 : i32
      %dma_wait3A_1616 = tpu.memref_slice %arg5[%dma_wait3A_1607, %dma_wait3A_1613, %dma_wait3A_1608, %dma_wait3A_1614, %dma_wait3A_1615] : memref<200x8x32x8x128xf32, #tpu.memory_space<hbm>> -> memref<1x8x1x8x128xf32, #tpu.memory_space<hbm>>
      %dma_wait3A_1617 = tpu.memref_squeeze %dma_wait3A_1616 : memref<1x8x1x8x128xf32, #tpu.memory_space<hbm>> -> memref<8x8x128xf32, #tpu.memory_space<hbm>>
      %dma_wait3A_1618 = arith.constant 0 : i32
      %dma_wait3A_1619 = arith.constant 0 : i32
      %dma_wait3A_1620 = arith.constant 0 : i32
      %dma_wait3A_1621 = tpu.memref_slice %arg5[%dma_wait3A_1607, %dma_wait3A_1618, %dma_wait3A_1608, %dma_wait3A_1619, %dma_wait3A_1620] : memref<200x8x32x8x128xf32, #tpu.memory_space<hbm>> -> memref<1x8x1x8x128xf32, #tpu.memory_space<hbm>>
      %dma_wait3A_1622 = tpu.memref_squeeze %dma_wait3A_1621 : memref<1x8x1x8x128xf32, #tpu.memory_space<hbm>> -> memref<8x8x128xf32, #tpu.memory_space<hbm>>
      %dma_wait3A_1623 = arith.constant 0 : i32
      %dma_wait3A_1624 = arith.constant 0 : i32
      %dma_wait3A_1625 = arith.constant 0 : i32
      %dma_wait3A_1626 = tpu.memref_slice %arg17[%dma_wait3A_1623, %dma_wait3A_1624, %dma_wait3A_1625] : memref<8x8x129xf32, #tpu.memory_space<vmem>> -> memref<8x8x128xf32, #tpu.memory_space<vmem>>
      tpu.wait_dma2 semaphore(%arg27 : memref<!tpu.dma_semaphore, #tpu.memory_space<semaphore_mem>>) src(%dma_wait3A_1626 : memref<8x8x128xf32, #tpu.memory_space<vmem>>) dst(%dma_wait3A_1622 : memref<8x8x128xf32, #tpu.memory_space<hbm>>)
      %iota3A_1627 = tpu.iota {dimensions = array<i32: 0>} : vector<16xi32>
      %add3A_1628 = arith.constant 0 : i32
      %add3A_1629 = vector.broadcast %add3A_1628 : i32 to vector<16xi32>
      %add3A_1630 = arith.addi %iota3A_1627, %add3A_1629 : vector<16xi32>
      %iota3A_1631 = tpu.iota {dimensions = array<i32: 0>} : vector<16xi32>
      %add3A_1632 = arith.constant 16 : i32
      %add3A_1633 = vector.broadcast %add3A_1632 : i32 to vector<16xi32>
      %add3A_1634 = arith.addi %iota3A_1631, %add3A_1633 : vector<16xi32>
      %iota3A_1635 = tpu.iota {dimensions = array<i32: 0>} : vector<16xi32>
      %add3A_1636 = arith.constant 32 : i32
      %add3A_1637 = vector.broadcast %add3A_1636 : i32 to vector<16xi32>
      %add3A_1638 = arith.addi %iota3A_1635, %add3A_1637 : vector<16xi32>
      %iota3A_1639 = tpu.iota {dimensions = array<i32: 0>} : vector<16xi32>
      %add3A_1640 = arith.constant 48 : i32
      %add3A_1641 = vector.broadcast %add3A_1640 : i32 to vector<16xi32>
      %add3A_1642 = arith.addi %iota3A_1639, %add3A_1641 : vector<16xi32>
      %jit3A_1643 = arith.constant 8 : i32
      %div3A_1644 = vector.broadcast %jit3A_1643 : i32 to vector<16xi32>
      %div3A_1645 = arith.divsi %add3A_1630, %div3A_1644 : vector<16xi32>
      %sign3A_1646 = arith.constant 0 : i32
      %sign3A_1647 = vector.broadcast %sign3A_1646 : i32 to vector<16xi32>
      %sign3A_1648 = arith.cmpi sgt, %add3A_1630, %sign3A_1647 : vector<16xi32>
      %sign3A_1649 = arith.extui %sign3A_1648 : vector<16xi1> to vector<16xi32>
      %sign3A_1650 = arith.constant 0 : i32
      %sign3A_1651 = vector.broadcast %sign3A_1650 : i32 to vector<16xi32>
      %sign3A_1652 = arith.cmpi slt, %add3A_1630, %sign3A_1651 : vector<16xi32>
      %sign3A_1653 = arith.extui %sign3A_1652 : vector<16xi1> to vector<16xi32>
      %sign3A_1654 = arith.subi %sign3A_1649, %sign3A_1653 : vector<16xi32>
      %sign3A_1655 = arith.constant 0 : i32
      %sign3A_1656 = arith.cmpi sgt, %jit3A_1643, %sign3A_1655 : i32
      %sign3A_1657 = arith.extui %sign3A_1656 : i1 to i32
      %sign3A_1658 = arith.constant 0 : i32
      %sign3A_1659 = arith.cmpi slt, %jit3A_1643, %sign3A_1658 : i32
      %sign3A_1660 = arith.extui %sign3A_1659 : i1 to i32
      %sign3A_1661 = arith.subi %sign3A_1657, %sign3A_1660 : i32
      %ne3A_1662 = vector.broadcast %sign3A_1661 : i32 to vector<16xi32>
      %ne3A_1663 = arith.cmpi ne, %sign3A_1654, %ne3A_1662 : vector<16xi32>
      %rem3A_1664 = vector.broadcast %jit3A_1643 : i32 to vector<16xi32>
      %rem3A_1665 = arith.remsi %add3A_1630, %rem3A_1664 : vector<16xi32>
      %ne3A_1666 = arith.constant 0 : i32
      %ne3A_1667 = vector.broadcast %ne3A_1666 : i32 to vector<16xi32>
      %ne3A_1668 = arith.cmpi ne, %rem3A_1665, %ne3A_1667 : vector<16xi32>
      %and3A_1669 = arith.andi %ne3A_1663, %ne3A_1668 : vector<16xi1>
      %sub3A_1670 = arith.constant 1 : i32
      %sub3A_1671 = vector.broadcast %sub3A_1670 : i32 to vector<16xi32>
      %sub3A_1672 = arith.subi %div3A_1645, %sub3A_1671 : vector<16xi32>
      %select_n3A_1673 = arith.select %and3A_1669, %sub3A_1672, %div3A_1645 : vector<16xi1>, vector<16xi32>
      %jit3A_1674 = arith.constant 8 : i32
      %div3A_1675 = vector.broadcast %jit3A_1674 : i32 to vector<16xi32>
      %div3A_1676 = arith.divsi %add3A_1634, %div3A_1675 : vector<16xi32>
      %sign3A_1677 = arith.constant 0 : i32
      %sign3A_1678 = vector.broadcast %sign3A_1677 : i32 to vector<16xi32>
      %sign3A_1679 = arith.cmpi sgt, %add3A_1634, %sign3A_1678 : vector<16xi32>
      %sign3A_1680 = arith.extui %sign3A_1679 : vector<16xi1> to vector<16xi32>
      %sign3A_1681 = arith.constant 0 : i32
      %sign3A_1682 = vector.broadcast %sign3A_1681 : i32 to vector<16xi32>
      %sign3A_1683 = arith.cmpi slt, %add3A_1634, %sign3A_1682 : vector<16xi32>
      %sign3A_1684 = arith.extui %sign3A_1683 : vector<16xi1> to vector<16xi32>
      %sign3A_1685 = arith.subi %sign3A_1680, %sign3A_1684 : vector<16xi32>
      %sign3A_1686 = arith.constant 0 : i32
      %sign3A_1687 = arith.cmpi sgt, %jit3A_1674, %sign3A_1686 : i32
      %sign3A_1688 = arith.extui %sign3A_1687 : i1 to i32
      %sign3A_1689 = arith.constant 0 : i32
      %sign3A_1690 = arith.cmpi slt, %jit3A_1674, %sign3A_1689 : i32
      %sign3A_1691 = arith.extui %sign3A_1690 : i1 to i32
      %sign3A_1692 = arith.subi %sign3A_1688, %sign3A_1691 : i32
      %ne3A_1693 = vector.broadcast %sign3A_1692 : i32 to vector<16xi32>
      %ne3A_1694 = arith.cmpi ne, %sign3A_1685, %ne3A_1693 : vector<16xi32>
      %rem3A_1695 = vector.broadcast %jit3A_1674 : i32 to vector<16xi32>
      %rem3A_1696 = arith.remsi %add3A_1634, %rem3A_1695 : vector<16xi32>
      %ne3A_1697 = arith.constant 0 : i32
      %ne3A_1698 = vector.broadcast %ne3A_1697 : i32 to vector<16xi32>
      %ne3A_1699 = arith.cmpi ne, %rem3A_1696, %ne3A_1698 : vector<16xi32>
      %and3A_1700 = arith.andi %ne3A_1694, %ne3A_1699 : vector<16xi1>
      %sub3A_1701 = arith.constant 1 : i32
      %sub3A_1702 = vector.broadcast %sub3A_1701 : i32 to vector<16xi32>
      %sub3A_1703 = arith.subi %div3A_1676, %sub3A_1702 : vector<16xi32>
      %select_n3A_1704 = arith.select %and3A_1700, %sub3A_1703, %div3A_1676 : vector<16xi1>, vector<16xi32>
      %jit3A_1705 = arith.constant 8 : i32
      %div3A_1706 = vector.broadcast %jit3A_1705 : i32 to vector<16xi32>
      %div3A_1707 = arith.divsi %add3A_1638, %div3A_1706 : vector<16xi32>
      %sign3A_1708 = arith.constant 0 : i32
      %sign3A_1709 = vector.broadcast %sign3A_1708 : i32 to vector<16xi32>
      %sign3A_1710 = arith.cmpi sgt, %add3A_1638, %sign3A_1709 : vector<16xi32>
      %sign3A_1711 = arith.extui %sign3A_1710 : vector<16xi1> to vector<16xi32>
      %sign3A_1712 = arith.constant 0 : i32
      %sign3A_1713 = vector.broadcast %sign3A_1712 : i32 to vector<16xi32>
      %sign3A_1714 = arith.cmpi slt, %add3A_1638, %sign3A_1713 : vector<16xi32>
      %sign3A_1715 = arith.extui %sign3A_1714 : vector<16xi1> to vector<16xi32>
      %sign3A_1716 = arith.subi %sign3A_1711, %sign3A_1715 : vector<16xi32>
      %sign3A_1717 = arith.constant 0 : i32
      %sign3A_1718 = arith.cmpi sgt, %jit3A_1705, %sign3A_1717 : i32
      %sign3A_1719 = arith.extui %sign3A_1718 : i1 to i32
      %sign3A_1720 = arith.constant 0 : i32
      %sign3A_1721 = arith.cmpi slt, %jit3A_1705, %sign3A_1720 : i32
      %sign3A_1722 = arith.extui %sign3A_1721 : i1 to i32
      %sign3A_1723 = arith.subi %sign3A_1719, %sign3A_1722 : i32
      %ne3A_1724 = vector.broadcast %sign3A_1723 : i32 to vector<16xi32>
      %ne3A_1725 = arith.cmpi ne, %sign3A_1716, %ne3A_1724 : vector<16xi32>
      %rem3A_1726 = vector.broadcast %jit3A_1705 : i32 to vector<16xi32>
      %rem3A_1727 = arith.remsi %add3A_1638, %rem3A_1726 : vector<16xi32>
      %ne3A_1728 = arith.constant 0 : i32
      %ne3A_1729 = vector.broadcast %ne3A_1728 : i32 to vector<16xi32>
      %ne3A_1730 = arith.cmpi ne, %rem3A_1727, %ne3A_1729 : vector<16xi32>
      %and3A_1731 = arith.andi %ne3A_1725, %ne3A_1730 : vector<16xi1>
      %sub3A_1732 = arith.constant 1 : i32
      %sub3A_1733 = vector.broadcast %sub3A_1732 : i32 to vector<16xi32>
      %sub3A_1734 = arith.subi %div3A_1707, %sub3A_1733 : vector<16xi32>
      %select_n3A_1735 = arith.select %and3A_1731, %sub3A_1734, %div3A_1707 : vector<16xi1>, vector<16xi32>
      %jit3A_1736 = arith.constant 8 : i32
      %div3A_1737 = vector.broadcast %jit3A_1736 : i32 to vector<16xi32>
      %div3A_1738 = arith.divsi %add3A_1642, %div3A_1737 : vector<16xi32>
      %sign3A_1739 = arith.constant 0 : i32
      %sign3A_1740 = vector.broadcast %sign3A_1739 : i32 to vector<16xi32>
      %sign3A_1741 = arith.cmpi sgt, %add3A_1642, %sign3A_1740 : vector<16xi32>
      %sign3A_1742 = arith.extui %sign3A_1741 : vector<16xi1> to vector<16xi32>
      %sign3A_1743 = arith.constant 0 : i32
      %sign3A_1744 = vector.broadcast %sign3A_1743 : i32 to vector<16xi32>
      %sign3A_1745 = arith.cmpi slt, %add3A_1642, %sign3A_1744 : vector<16xi32>
      %sign3A_1746 = arith.extui %sign3A_1745 : vector<16xi1> to vector<16xi32>
      %sign3A_1747 = arith.subi %sign3A_1742, %sign3A_1746 : vector<16xi32>
      %sign3A_1748 = arith.constant 0 : i32
      %sign3A_1749 = arith.cmpi sgt, %jit3A_1736, %sign3A_1748 : i32
      %sign3A_1750 = arith.extui %sign3A_1749 : i1 to i32
      %sign3A_1751 = arith.constant 0 : i32
      %sign3A_1752 = arith.cmpi slt, %jit3A_1736, %sign3A_1751 : i32
      %sign3A_1753 = arith.extui %sign3A_1752 : i1 to i32
      %sign3A_1754 = arith.subi %sign3A_1750, %sign3A_1753 : i32
      %ne3A_1755 = vector.broadcast %sign3A_1754 : i32 to vector<16xi32>
      %ne3A_1756 = arith.cmpi ne, %sign3A_1747, %ne3A_1755 : vector<16xi32>
      %rem3A_1757 = vector.broadcast %jit3A_1736 : i32 to vector<16xi32>
      %rem3A_1758 = arith.remsi %add3A_1642, %rem3A_1757 : vector<16xi32>
      %ne3A_1759 = arith.constant 0 : i32
      %ne3A_1760 = vector.broadcast %ne3A_1759 : i32 to vector<16xi32>
      %ne3A_1761 = arith.cmpi ne, %rem3A_1758, %ne3A_1760 : vector<16xi32>
      %and3A_1762 = arith.andi %ne3A_1756, %ne3A_1761 : vector<16xi1>
      %sub3A_1763 = arith.constant 1 : i32
      %sub3A_1764 = vector.broadcast %sub3A_1763 : i32 to vector<16xi32>
      %sub3A_1765 = arith.subi %div3A_1738, %sub3A_1764 : vector<16xi32>
      %select_n3A_1766 = arith.select %and3A_1762, %sub3A_1765, %div3A_1738 : vector<16xi1>, vector<16xi32>
      %jit3A_1767 = arith.constant 8 : i32
      %eq3A_1768 = arith.constant 0 : i32
      %eq3A_1769 = arith.cmpi eq, %jit3A_1767, %eq3A_1768 : i32
      %jit3A_1770 = arith.constant 1 : i32
      %select_n3A_1771 = arith.select %eq3A_1769, %jit3A_1770, %jit3A_1767 : i32
      %rem3A_1772 = vector.broadcast %select_n3A_1771 : i32 to vector<16xi32>
      %rem3A_1773 = arith.remsi %add3A_1630, %rem3A_1772 : vector<16xi32>
      %ne3A_1774 = arith.constant 0 : i32
      %ne3A_1775 = vector.broadcast %ne3A_1774 : i32 to vector<16xi32>
      %ne3A_1776 = arith.cmpi ne, %rem3A_1773, %ne3A_1775 : vector<16xi32>
      %lt3A_1777 = arith.constant 0 : i32
      %lt3A_1778 = vector.broadcast %lt3A_1777 : i32 to vector<16xi32>
      %lt3A_1779 = arith.cmpi slt, %rem3A_1773, %lt3A_1778 : vector<16xi32>
      %lt3A_1780 = arith.constant 0 : i32
      %lt3A_1781 = arith.cmpi slt, %select_n3A_1771, %lt3A_1780 : i32
      %ne3A_1782 = vector.broadcast %lt3A_1781 : i1 to vector<16xi1>
      %ne3A_1783 = vector.broadcast %ne3A_1782 : vector<16xi1> to vector<16xi1>
      %ne3A_1784 = arith.xori %lt3A_1779, %ne3A_1783 : vector<16xi1>
      %and3A_1785 = arith.andi %ne3A_1784, %ne3A_1776 : vector<16xi1>
      %add3A_1786 = vector.broadcast %select_n3A_1771 : i32 to vector<16xi32>
      %add3A_1787 = arith.addi %rem3A_1773, %add3A_1786 : vector<16xi32>
      %select_n3A_1788 = arith.select %and3A_1785, %add3A_1787, %rem3A_1773 : vector<16xi1>, vector<16xi32>
      %jit3A_1789 = arith.constant 8 : i32
      %eq3A_1790 = arith.constant 0 : i32
      %eq3A_1791 = arith.cmpi eq, %jit3A_1789, %eq3A_1790 : i32
      %jit3A_1792 = arith.constant 1 : i32
      %select_n3A_1793 = arith.select %eq3A_1791, %jit3A_1792, %jit3A_1789 : i32
      %rem3A_1794 = vector.broadcast %select_n3A_1793 : i32 to vector<16xi32>
      %rem3A_1795 = arith.remsi %add3A_1634, %rem3A_1794 : vector<16xi32>
      %ne3A_1796 = arith.constant 0 : i32
      %ne3A_1797 = vector.broadcast %ne3A_1796 : i32 to vector<16xi32>
      %ne3A_1798 = arith.cmpi ne, %rem3A_1795, %ne3A_1797 : vector<16xi32>
      %lt3A_1799 = arith.constant 0 : i32
      %lt3A_1800 = vector.broadcast %lt3A_1799 : i32 to vector<16xi32>
      %lt3A_1801 = arith.cmpi slt, %rem3A_1795, %lt3A_1800 : vector<16xi32>
      %lt3A_1802 = arith.constant 0 : i32
      %lt3A_1803 = arith.cmpi slt, %select_n3A_1793, %lt3A_1802 : i32
      %ne3A_1804 = vector.broadcast %lt3A_1803 : i1 to vector<16xi1>
      %ne3A_1805 = vector.broadcast %ne3A_1804 : vector<16xi1> to vector<16xi1>
      %ne3A_1806 = arith.xori %lt3A_1801, %ne3A_1805 : vector<16xi1>
      %and3A_1807 = arith.andi %ne3A_1806, %ne3A_1798 : vector<16xi1>
      %add3A_1808 = vector.broadcast %select_n3A_1793 : i32 to vector<16xi32>
      %add3A_1809 = arith.addi %rem3A_1795, %add3A_1808 : vector<16xi32>
      %select_n3A_1810 = arith.select %and3A_1807, %add3A_1809, %rem3A_1795 : vector<16xi1>, vector<16xi32>
      %jit3A_1811 = arith.constant 8 : i32
      %eq3A_1812 = arith.constant 0 : i32
      %eq3A_1813 = arith.cmpi eq, %jit3A_1811, %eq3A_1812 : i32
      %jit3A_1814 = arith.constant 1 : i32
      %select_n3A_1815 = arith.select %eq3A_1813, %jit3A_1814, %jit3A_1811 : i32
      %rem3A_1816 = vector.broadcast %select_n3A_1815 : i32 to vector<16xi32>
      %rem3A_1817 = arith.remsi %add3A_1638, %rem3A_1816 : vector<16xi32>
      %ne3A_1818 = arith.constant 0 : i32
      %ne3A_1819 = vector.broadcast %ne3A_1818 : i32 to vector<16xi32>
      %ne3A_1820 = arith.cmpi ne, %rem3A_1817, %ne3A_1819 : vector<16xi32>
      %lt3A_1821 = arith.constant 0 : i32
      %lt3A_1822 = vector.broadcast %lt3A_1821 : i32 to vector<16xi32>
      %lt3A_1823 = arith.cmpi slt, %rem3A_1817, %lt3A_1822 : vector<16xi32>
      %lt3A_1824 = arith.constant 0 : i32
      %lt3A_1825 = arith.cmpi slt, %select_n3A_1815, %lt3A_1824 : i32
      %ne3A_1826 = vector.broadcast %lt3A_1825 : i1 to vector<16xi1>
      %ne3A_1827 = vector.broadcast %ne3A_1826 : vector<16xi1> to vector<16xi1>
      %ne3A_1828 = arith.xori %lt3A_1823, %ne3A_1827 : vector<16xi1>
      %and3A_1829 = arith.andi %ne3A_1828, %ne3A_1820 : vector<16xi1>
      %add3A_1830 = vector.broadcast %select_n3A_1815 : i32 to vector<16xi32>
      %add3A_1831 = arith.addi %rem3A_1817, %add3A_1830 : vector<16xi32>
      %select_n3A_1832 = arith.select %and3A_1829, %add3A_1831, %rem3A_1817 : vector<16xi1>, vector<16xi32>
      %jit3A_1833 = arith.constant 8 : i32
      %eq3A_1834 = arith.constant 0 : i32
      %eq3A_1835 = arith.cmpi eq, %jit3A_1833, %eq3A_1834 : i32
      %jit3A_1836 = arith.constant 1 : i32
      %select_n3A_1837 = arith.select %eq3A_1835, %jit3A_1836, %jit3A_1833 : i32
      %rem3A_1838 = vector.broadcast %select_n3A_1837 : i32 to vector<16xi32>
      %rem3A_1839 = arith.remsi %add3A_1642, %rem3A_1838 : vector<16xi32>
      %ne3A_1840 = arith.constant 0 : i32
      %ne3A_1841 = vector.broadcast %ne3A_1840 : i32 to vector<16xi32>
      %ne3A_1842 = arith.cmpi ne, %rem3A_1839, %ne3A_1841 : vector<16xi32>
      %lt3A_1843 = arith.constant 0 : i32
      %lt3A_1844 = vector.broadcast %lt3A_1843 : i32 to vector<16xi32>
      %lt3A_1845 = arith.cmpi slt, %rem3A_1839, %lt3A_1844 : vector<16xi32>
      %lt3A_1846 = arith.constant 0 : i32
      %lt3A_1847 = arith.cmpi slt, %select_n3A_1837, %lt3A_1846 : i32
      %ne3A_1848 = vector.broadcast %lt3A_1847 : i1 to vector<16xi1>
      %ne3A_1849 = vector.broadcast %ne3A_1848 : vector<16xi1> to vector<16xi1>
      %ne3A_1850 = arith.xori %lt3A_1845, %ne3A_1849 : vector<16xi1>
      %and3A_1851 = arith.andi %ne3A_1850, %ne3A_1842 : vector<16xi1>
      %add3A_1852 = vector.broadcast %select_n3A_1837 : i32 to vector<16xi32>
      %add3A_1853 = arith.addi %rem3A_1839, %add3A_1852 : vector<16xi32>
      %select_n3A_1854 = arith.select %and3A_1851, %add3A_1853, %rem3A_1839 : vector<16xi1>, vector<16xi32>
      %mul3A_1855 = arith.constant 64 : i32
      %mul3A_1856 = arith.muli %add3A_1600, %mul3A_1855 : i32
      %add3A_1857 = arith.constant 0 : i32
      %add3A_1858 = arith.addi %mul3A_1856, %add3A_1857 : i32
      %get3A_1859 = arith.index_cast %add3A_1858 : i32 to index
      %get3A_1860 = tpu.vector_load %arg7[%get3A_1859] {strides = array<i32>} : memref<12800xf32, #tpu.memory_space<vmem>>, vector<16xf32>,
      %mul3A_1861 = arith.constant 64 : i32
      %mul3A_1862 = arith.muli %add3A_1600, %mul3A_1861 : i32
      %add3A_1863 = arith.constant 16 : i32
      %add3A_1864 = arith.addi %mul3A_1862, %add3A_1863 : i32
      %get3A_1865 = arith.index_cast %add3A_1864 : i32 to index
      %get3A_1866 = tpu.vector_load %arg7[%get3A_1865] {strides = array<i32>} : memref<12800xf32, #tpu.memory_space<vmem>>, vector<16xf32>,
      %mul3A_1867 = arith.constant 64 : i32
      %mul3A_1868 = arith.muli %add3A_1600, %mul3A_1867 : i32
      %add3A_1869 = arith.constant 32 : i32
      %add3A_1870 = arith.addi %mul3A_1868, %add3A_1869 : i32
      %get3A_1871 = arith.index_cast %add3A_1870 : i32 to index
      %get3A_1872 = tpu.vector_load %arg7[%get3A_1871] {strides = array<i32>} : memref<12800xf32, #tpu.memory_space<vmem>>, vector<16xf32>,
      %mul3A_1873 = arith.constant 64 : i32
      %mul3A_1874 = arith.muli %add3A_1600, %mul3A_1873 : i32
      %add3A_1875 = arith.constant 48 : i32
      %add3A_1876 = arith.addi %mul3A_1874, %add3A_1875 : i32
      %get3A_1877 = arith.index_cast %add3A_1876 : i32 to index
      %get3A_1878 = tpu.vector_load %arg7[%get3A_1877] {strides = array<i32>} : memref<12800xf32, #tpu.memory_space<vmem>>, vector<16xf32>,
      %parallel_loop3A_1879 = arith.constant 0 : i32
      %parallel_loop3A_1880 = arith.constant 128 : i32
      %parallel_loop3A_1881 = arith.constant 1 : i32
      scf.for %parallel_loop3A_2533 = %parallel_loop3A_1879 to %parallel_loop3A_1880 step %parallel_loop3A_1881  : i32 {
        %parallel_loop3A_2534 = vector.broadcast %parallel_loop3A_2533 : i32 to vector<16xi32>
        %parallel_loop3A_2535 = arith.index_cast %parallel_loop3A_2533 : i32 to index
        %parallel_loop3A_2536 = arith.constant 0 : index
        %parallel_loop3A_2537 = tpu.vector_load %arg13[%parallel_loop3A_2535, %parallel_loop3A_2536] {strides = array<i32>} : memref<128x64xf32, #tpu.memory_space<vmem>>, vector<16xf32>,
        %parallel_loop3A_2538 = arith.addf %parallel_loop3A_2537, %get3A_1860 : vector<16xf32>
        tpu.vector_store_idx %arg17[%select_n3A_1673, %select_n3A_1788, %parallel_loop3A_2534], %parallel_loop3A_2538 : memref<8x8x129xf32, #tpu.memory_space<vmem>>[vector<16xi32>, vector<16xi32>, vector<16xi32>], vector<16xf32>,
        %parallel_loop3A_2539 = arith.index_cast %parallel_loop3A_2533 : i32 to index
        %parallel_loop3A_2540 = arith.constant 16 : index
        %parallel_loop3A_2541 = tpu.vector_load %arg13[%parallel_loop3A_2539, %parallel_loop3A_2540] {strides = array<i32>} : memref<128x64xf32, #tpu.memory_space<vmem>>, vector<16xf32>,
        %parallel_loop3A_2542 = arith.addf %parallel_loop3A_2541, %get3A_1866 : vector<16xf32>
        tpu.vector_store_idx %arg17[%select_n3A_1704, %select_n3A_1810, %parallel_loop3A_2534], %parallel_loop3A_2542 : memref<8x8x129xf32, #tpu.memory_space<vmem>>[vector<16xi32>, vector<16xi32>, vector<16xi32>], vector<16xf32>,
        %parallel_loop3A_2543 = arith.index_cast %parallel_loop3A_2533 : i32 to index
        %parallel_loop3A_2544 = arith.constant 32 : index
        %parallel_loop3A_2545 = tpu.vector_load %arg13[%parallel_loop3A_2543, %parallel_loop3A_2544] {strides = array<i32>} : memref<128x64xf32, #tpu.memory_space<vmem>>, vector<16xf32>,
        %parallel_loop3A_2546 = arith.addf %parallel_loop3A_2545, %get3A_1872 : vector<16xf32>
        tpu.vector_store_idx %arg17[%select_n3A_1735, %select_n3A_1832, %parallel_loop3A_2534], %parallel_loop3A_2546 : memref<8x8x129xf32, #tpu.memory_space<vmem>>[vector<16xi32>, vector<16xi32>, vector<16xi32>], vector<16xf32>,
        %parallel_loop3A_2547 = arith.index_cast %parallel_loop3A_2533 : i32 to index
        %parallel_loop3A_2548 = arith.constant 48 : index
        %parallel_loop3A_2549 = tpu.vector_load %arg13[%parallel_loop3A_2547, %parallel_loop3A_2548] {strides = array<i32>} : memref<128x64xf32, #tpu.memory_space<vmem>>, vector<16xf32>,
        %parallel_loop3A_2550 = arith.addf %parallel_loop3A_2549, %get3A_1878 : vector<16xf32>
        tpu.vector_store_idx %arg17[%select_n3A_1766, %select_n3A_1854, %parallel_loop3A_2534], %parallel_loop3A_2550 : memref<8x8x129xf32, #tpu.memory_space<vmem>>[vector<16xi32>, vector<16xi32>, vector<16xi32>], vector<16xf32>,
      } {sc.loop_unroll_factor = 4 : i64, sc.parallel_access}
      %sub3A_1882 = arith.constant 1 : i32
      %sub3A_1883 = arith.subi %add3A_1600, %sub3A_1882 : i32
      %dma_start3A_1884 = arith.constant 0 : i32
      %dma_start3A_1885 = arith.constant 0 : i32
      %dma_start3A_1886 = arith.constant 0 : i32
      %dma_start3A_1887 = tpu.memref_slice %arg16[%dma_start3A_1884, %dma_start3A_1885, %dma_start3A_1886] : memref<8x8x129xf32, #tpu.memory_space<vmem>> -> memref<8x8x128xf32, #tpu.memory_space<vmem>>
      %dma_start3A_1888 = arith.constant 0 : i32
      %dma_start3A_1889 = arith.constant 0 : i32
      %dma_start3A_1890 = arith.constant 0 : i32
      %dma_start3A_1891 = tpu.memref_slice %arg5[%sub3A_1883, %dma_start3A_1888, %add3A, %dma_start3A_1889, %dma_start3A_1890] : memref<200x8x32x8x128xf32, #tpu.memory_space<hbm>> -> memref<1x8x1x8x128xf32, #tpu.memory_space<hbm>>
      %dma_start3A_1892 = tpu.memref_squeeze %dma_start3A_1891 : memref<1x8x1x8x128xf32, #tpu.memory_space<hbm>> -> memref<8x8x128xf32, #tpu.memory_space<hbm>>
      %dma_start3A_1893 = arith.constant 0 : i32
      %dma_start3A_1894 = arith.constant 0 : i32
      %dma_start3A_1895 = arith.constant 0 : i32
      %dma_start3A_1896 = tpu.memref_slice %arg5[%sub3A_1883, %dma_start3A_1893, %add3A, %dma_start3A_1894, %dma_start3A_1895] : memref<200x8x32x8x128xf32, #tpu.memory_space<hbm>> -> memref<1x8x1x8x128xf32, #tpu.memory_space<hbm>>
      %dma_start3A_1897 = tpu.memref_squeeze %dma_start3A_1896 : memref<1x8x1x8x128xf32, #tpu.memory_space<hbm>> -> memref<8x8x128xf32, #tpu.memory_space<hbm>>
      %dma_start3A_1898 = arith.constant 0 : i32
      %dma_start3A_1899 = arith.constant 0 : i32
      %dma_start3A_1900 = arith.constant 0 : i32
      %dma_start3A_1901 = tpu.memref_slice %arg16[%dma_start3A_1898, %dma_start3A_1899, %dma_start3A_1900] : memref<8x8x129xf32, #tpu.memory_space<vmem>> -> memref<8x8x128xf32, #tpu.memory_space<vmem>>
      tpu.enqueue_dma source(%dma_start3A_1901 : memref<8x8x128xf32, #tpu.memory_space<vmem>>) target(%dma_start3A_1897 : memref<8x8x128xf32, #tpu.memory_space<hbm>>) target_semaphore(%arg26 : memref<!tpu.dma_semaphore, #tpu.memory_space<semaphore_mem>>)
      %add3A_1902 = arith.constant 4 : i32
      %add3A_1903 = arith.addi %add3A_1600, %add3A_1902 : i32
      %lt3A_1904 = arith.constant 200 : i32
      %lt3A_1905 = arith.cmpi slt, %add3A_1903, %lt3A_1904 : i32
      %convert_element_type3A_1906 = arith.extui %lt3A_1905 : i1 to i32
      %cond3A_1907 = arith.constant 0 : i32
      %cond3A_1908 = arith.cmpi ne, %convert_element_type3A_1906, %cond3A_1907 : i32
      scf.if %cond3A_1908 {
        %add3A_2533 = arith.constant 4 : i32
        %add3A_2534 = arith.addi %add3A_1600, %add3A_2533 : i32
        %jit3A_2535 = arith.constant 8 : i32
        %div3A_2536 = arith.divsi %add3A_2534, %jit3A_2535 : i32
        %sign3A_2537 = arith.constant 0 : i32
        %sign3A_2538 = arith.cmpi sgt, %add3A_2534, %sign3A_2537 : i32
        %sign3A_2539 = arith.extui %sign3A_2538 : i1 to i32
        %sign3A_2540 = arith.constant 0 : i32
        %sign3A_2541 = arith.cmpi slt, %add3A_2534, %sign3A_2540 : i32
        %sign3A_2542 = arith.extui %sign3A_2541 : i1 to i32
        %sign3A_2543 = arith.subi %sign3A_2539, %sign3A_2542 : i32
        %sign3A_2544 = arith.constant 0 : i32
        %sign3A_2545 = arith.cmpi sgt, %jit3A_2535, %sign3A_2544 : i32
        %sign3A_2546 = arith.extui %sign3A_2545 : i1 to i32
        %sign3A_2547 = arith.constant 0 : i32
        %sign3A_2548 = arith.cmpi slt, %jit3A_2535, %sign3A_2547 : i32
        %sign3A_2549 = arith.extui %sign3A_2548 : i1 to i32
        %sign3A_2550 = arith.subi %sign3A_2546, %sign3A_2549 : i32
        %ne3A_2551 = arith.cmpi ne, %sign3A_2543, %sign3A_2550 : i32
        %rem3A_2552 = arith.remsi %add3A_2534, %jit3A_2535 : i32
        %ne3A_2553 = arith.constant 0 : i32
        %ne3A_2554 = arith.cmpi ne, %rem3A_2552, %ne3A_2553 : i32
        %and3A_2555 = arith.andi %ne3A_2551, %ne3A_2554 : i1
        %sub3A_2556 = arith.constant 1 : i32
        %sub3A_2557 = arith.subi %div3A_2536, %sub3A_2556 : i32
        %select_n3A_2558 = arith.select %and3A_2555, %sub3A_2557, %div3A_2536 : i32
        %jit3A_2559 = arith.constant 8 : i32
        %eq3A_2560 = arith.constant 0 : i32
        %eq3A_2561 = arith.cmpi eq, %jit3A_2559, %eq3A_2560 : i32
        %jit3A_2562 = arith.constant 1 : i32
        %select_n3A_2563 = arith.select %eq3A_2561, %jit3A_2562, %jit3A_2559 : i32
        %rem3A_2564 = arith.remsi %add3A_2534, %select_n3A_2563 : i32
        %ne3A_2565 = arith.constant 0 : i32
        %ne3A_2566 = arith.cmpi ne, %rem3A_2564, %ne3A_2565 : i32
        %lt3A_2567 = arith.constant 0 : i32
        %lt3A_2568 = arith.cmpi slt, %rem3A_2564, %lt3A_2567 : i32
        %lt3A_2569 = arith.constant 0 : i32
        %lt3A_2570 = arith.cmpi slt, %select_n3A_2563, %lt3A_2569 : i32
        %ne3A_2571 = arith.xori %lt3A_2568, %lt3A_2570 : i1
        %and3A_2572 = arith.andi %ne3A_2571, %ne3A_2566 : i1
        %add3A_2573 = arith.addi %rem3A_2564, %select_n3A_2563 : i32
        %select_n3A_2574 = arith.select %and3A_2572, %add3A_2573, %rem3A_2564 : i32
        %dma_start3A_2575 = arith.constant 0 : i32
        %dma_start3A_2576 = tpu.memref_slice %arg6[%select_n3A_2558, %select_n3A_2574, %dma_start3A_2575] : memref<25x8x128xi32, #tpu.memory_space<vmem>> -> memref<1x1x128xi32, #tpu.memory_space<vmem>>
        %dma_start3A_2577 = tpu.memref_squeeze %dma_start3A_2576 : memref<1x1x128xi32, #tpu.memory_space<vmem>> -> memref<128xi32, #tpu.memory_space<vmem>>
        %dma_start3A_2578 = arith.constant 0 : i32
        %dma_start3A_2579 = arith.constant 0 : i32
        %dma_start3A_2580 = tpu.memref_slice %arg3[%dma_start3A_2578, %dma_start3A_2579] : memref<1000000x64xf32, #tpu.memory_space<hbm>> -> memref<1000000x64xf32, #tpu.memory_space<hbm>>
        tpu.enqueue_indirect_dma source(%dma_start3A_2580 : memref<1000000x64xf32, #tpu.memory_space<hbm>>) target(%arg9 : memref<128x64xf32, #tpu.memory_space<vmem>>) offsets(%dma_start3A_2577 : memref<128xi32, #tpu.memory_space<vmem>>) semaphore(%arg19 : memref<!tpu.dma_semaphore, #tpu.memory_space<semaphore_mem>>)
      } else {
      }
      %mul3A_1909 = arith.constant 8 : i32
      %mul3A_1910 = arith.muli %scan3A_97, %mul3A_1909 : i32
      %add3A_1911 = arith.constant 6 : i32
      %add3A_1912 = arith.addi %mul3A_1910, %add3A_1911 : i32
      %dma_wait3A_1913 = arith.constant 0 : i32
      %dma_wait3A_1914 = arith.constant 0 : i32
      %dma_wait3A_1915 = tpu.memref_slice %arg3[%dma_wait3A_1913, %dma_wait3A_1914] : memref<1000000x64xf32, #tpu.memory_space<hbm>> -> memref<128x64xf32, #tpu.memory_space<hbm>>
      %dma_wait3A_1916 = arith.constant 0 : i32
      %dma_wait3A_1917 = arith.constant 0 : i32
      %dma_wait3A_1918 = tpu.memref_slice %arg3[%dma_wait3A_1916, %dma_wait3A_1917] : memref<1000000x64xf32, #tpu.memory_space<hbm>> -> memref<128x64xf32, #tpu.memory_space<hbm>>
      tpu.wait_dma2 semaphore(%arg24 : memref<!tpu.dma_semaphore, #tpu.memory_space<semaphore_mem>>) src(%dma_wait3A_1918 : memref<128x64xf32, #tpu.memory_space<hbm>>) dst(%arg14 : memref<128x64xf32, #tpu.memory_space<vmem>>)
      %dma_wait3A_1919 = arith.constant 0 : i32
      %dma_wait3A_1920 = arith.constant 0 : i32
      %dma_wait3A_1921 = arith.constant 0 : i32
      %dma_wait3A_1922 = arith.constant 0 : i32
      %dma_wait3A_1923 = arith.constant 0 : i32
      %dma_wait3A_1924 = tpu.memref_slice %arg16[%dma_wait3A_1921, %dma_wait3A_1922, %dma_wait3A_1923] : memref<8x8x129xf32, #tpu.memory_space<vmem>> -> memref<8x8x128xf32, #tpu.memory_space<vmem>>
      %dma_wait3A_1925 = arith.constant 0 : i32
      %dma_wait3A_1926 = arith.constant 0 : i32
      %dma_wait3A_1927 = arith.constant 0 : i32
      %dma_wait3A_1928 = tpu.memref_slice %arg5[%dma_wait3A_1919, %dma_wait3A_1925, %dma_wait3A_1920, %dma_wait3A_1926, %dma_wait3A_1927] : memref<200x8x32x8x128xf32, #tpu.memory_space<hbm>> -> memref<1x8x1x8x128xf32, #tpu.memory_space<hbm>>
      %dma_wait3A_1929 = tpu.memref_squeeze %dma_wait3A_1928 : memref<1x8x1x8x128xf32, #tpu.memory_space<hbm>> -> memref<8x8x128xf32, #tpu.memory_space<hbm>>
      %dma_wait3A_1930 = arith.constant 0 : i32
      %dma_wait3A_1931 = arith.constant 0 : i32
      %dma_wait3A_1932 = arith.constant 0 : i32
      %dma_wait3A_1933 = tpu.memref_slice %arg5[%dma_wait3A_1919, %dma_wait3A_1930, %dma_wait3A_1920, %dma_wait3A_1931, %dma_wait3A_1932] : memref<200x8x32x8x128xf32, #tpu.memory_space<hbm>> -> memref<1x8x1x8x128xf32, #tpu.memory_space<hbm>>
      %dma_wait3A_1934 = tpu.memref_squeeze %dma_wait3A_1933 : memref<1x8x1x8x128xf32, #tpu.memory_space<hbm>> -> memref<8x8x128xf32, #tpu.memory_space<hbm>>
      %dma_wait3A_1935 = arith.constant 0 : i32
      %dma_wait3A_1936 = arith.constant 0 : i32
      %dma_wait3A_1937 = arith.constant 0 : i32
      %dma_wait3A_1938 = tpu.memref_slice %arg16[%dma_wait3A_1935, %dma_wait3A_1936, %dma_wait3A_1937] : memref<8x8x129xf32, #tpu.memory_space<vmem>> -> memref<8x8x128xf32, #tpu.memory_space<vmem>>
      tpu.wait_dma2 semaphore(%arg26 : memref<!tpu.dma_semaphore, #tpu.memory_space<semaphore_mem>>) src(%dma_wait3A_1938 : memref<8x8x128xf32, #tpu.memory_space<vmem>>) dst(%dma_wait3A_1934 : memref<8x8x128xf32, #tpu.memory_space<hbm>>)
      %iota3A_1939 = tpu.iota {dimensions = array<i32: 0>} : vector<16xi32>
      %add3A_1940 = arith.constant 0 : i32
      %add3A_1941 = vector.broadcast %add3A_1940 : i32 to vector<16xi32>
      %add3A_1942 = arith.addi %iota3A_1939, %add3A_1941 : vector<16xi32>
      %iota3A_1943 = tpu.iota {dimensions = array<i32: 0>} : vector<16xi32>
      %add3A_1944 = arith.constant 16 : i32
      %add3A_1945 = vector.broadcast %add3A_1944 : i32 to vector<16xi32>
      %add3A_1946 = arith.addi %iota3A_1943, %add3A_1945 : vector<16xi32>
      %iota3A_1947 = tpu.iota {dimensions = array<i32: 0>} : vector<16xi32>
      %add3A_1948 = arith.constant 32 : i32
      %add3A_1949 = vector.broadcast %add3A_1948 : i32 to vector<16xi32>
      %add3A_1950 = arith.addi %iota3A_1947, %add3A_1949 : vector<16xi32>
      %iota3A_1951 = tpu.iota {dimensions = array<i32: 0>} : vector<16xi32>
      %add3A_1952 = arith.constant 48 : i32
      %add3A_1953 = vector.broadcast %add3A_1952 : i32 to vector<16xi32>
      %add3A_1954 = arith.addi %iota3A_1951, %add3A_1953 : vector<16xi32>
      %jit3A_1955 = arith.constant 8 : i32
      %div3A_1956 = vector.broadcast %jit3A_1955 : i32 to vector<16xi32>
      %div3A_1957 = arith.divsi %add3A_1942, %div3A_1956 : vector<16xi32>
      %sign3A_1958 = arith.constant 0 : i32
      %sign3A_1959 = vector.broadcast %sign3A_1958 : i32 to vector<16xi32>
      %sign3A_1960 = arith.cmpi sgt, %add3A_1942, %sign3A_1959 : vector<16xi32>
      %sign3A_1961 = arith.extui %sign3A_1960 : vector<16xi1> to vector<16xi32>
      %sign3A_1962 = arith.constant 0 : i32
      %sign3A_1963 = vector.broadcast %sign3A_1962 : i32 to vector<16xi32>
      %sign3A_1964 = arith.cmpi slt, %add3A_1942, %sign3A_1963 : vector<16xi32>
      %sign3A_1965 = arith.extui %sign3A_1964 : vector<16xi1> to vector<16xi32>
      %sign3A_1966 = arith.subi %sign3A_1961, %sign3A_1965 : vector<16xi32>
      %sign3A_1967 = arith.constant 0 : i32
      %sign3A_1968 = arith.cmpi sgt, %jit3A_1955, %sign3A_1967 : i32
      %sign3A_1969 = arith.extui %sign3A_1968 : i1 to i32
      %sign3A_1970 = arith.constant 0 : i32
      %sign3A_1971 = arith.cmpi slt, %jit3A_1955, %sign3A_1970 : i32
      %sign3A_1972 = arith.extui %sign3A_1971 : i1 to i32
      %sign3A_1973 = arith.subi %sign3A_1969, %sign3A_1972 : i32
      %ne3A_1974 = vector.broadcast %sign3A_1973 : i32 to vector<16xi32>
      %ne3A_1975 = arith.cmpi ne, %sign3A_1966, %ne3A_1974 : vector<16xi32>
      %rem3A_1976 = vector.broadcast %jit3A_1955 : i32 to vector<16xi32>
      %rem3A_1977 = arith.remsi %add3A_1942, %rem3A_1976 : vector<16xi32>
      %ne3A_1978 = arith.constant 0 : i32
      %ne3A_1979 = vector.broadcast %ne3A_1978 : i32 to vector<16xi32>
      %ne3A_1980 = arith.cmpi ne, %rem3A_1977, %ne3A_1979 : vector<16xi32>
      %and3A_1981 = arith.andi %ne3A_1975, %ne3A_1980 : vector<16xi1>
      %sub3A_1982 = arith.constant 1 : i32
      %sub3A_1983 = vector.broadcast %sub3A_1982 : i32 to vector<16xi32>
      %sub3A_1984 = arith.subi %div3A_1957, %sub3A_1983 : vector<16xi32>
      %select_n3A_1985 = arith.select %and3A_1981, %sub3A_1984, %div3A_1957 : vector<16xi1>, vector<16xi32>
      %jit3A_1986 = arith.constant 8 : i32
      %div3A_1987 = vector.broadcast %jit3A_1986 : i32 to vector<16xi32>
      %div3A_1988 = arith.divsi %add3A_1946, %div3A_1987 : vector<16xi32>
      %sign3A_1989 = arith.constant 0 : i32
      %sign3A_1990 = vector.broadcast %sign3A_1989 : i32 to vector<16xi32>
      %sign3A_1991 = arith.cmpi sgt, %add3A_1946, %sign3A_1990 : vector<16xi32>
      %sign3A_1992 = arith.extui %sign3A_1991 : vector<16xi1> to vector<16xi32>
      %sign3A_1993 = arith.constant 0 : i32
      %sign3A_1994 = vector.broadcast %sign3A_1993 : i32 to vector<16xi32>
      %sign3A_1995 = arith.cmpi slt, %add3A_1946, %sign3A_1994 : vector<16xi32>
      %sign3A_1996 = arith.extui %sign3A_1995 : vector<16xi1> to vector<16xi32>
      %sign3A_1997 = arith.subi %sign3A_1992, %sign3A_1996 : vector<16xi32>
      %sign3A_1998 = arith.constant 0 : i32
      %sign3A_1999 = arith.cmpi sgt, %jit3A_1986, %sign3A_1998 : i32
      %sign3A_2000 = arith.extui %sign3A_1999 : i1 to i32
      %sign3A_2001 = arith.constant 0 : i32
      %sign3A_2002 = arith.cmpi slt, %jit3A_1986, %sign3A_2001 : i32
      %sign3A_2003 = arith.extui %sign3A_2002 : i1 to i32
      %sign3A_2004 = arith.subi %sign3A_2000, %sign3A_2003 : i32
      %ne3A_2005 = vector.broadcast %sign3A_2004 : i32 to vector<16xi32>
      %ne3A_2006 = arith.cmpi ne, %sign3A_1997, %ne3A_2005 : vector<16xi32>
      %rem3A_2007 = vector.broadcast %jit3A_1986 : i32 to vector<16xi32>
      %rem3A_2008 = arith.remsi %add3A_1946, %rem3A_2007 : vector<16xi32>
      %ne3A_2009 = arith.constant 0 : i32
      %ne3A_2010 = vector.broadcast %ne3A_2009 : i32 to vector<16xi32>
      %ne3A_2011 = arith.cmpi ne, %rem3A_2008, %ne3A_2010 : vector<16xi32>
      %and3A_2012 = arith.andi %ne3A_2006, %ne3A_2011 : vector<16xi1>
      %sub3A_2013 = arith.constant 1 : i32
      %sub3A_2014 = vector.broadcast %sub3A_2013 : i32 to vector<16xi32>
      %sub3A_2015 = arith.subi %div3A_1988, %sub3A_2014 : vector<16xi32>
      %select_n3A_2016 = arith.select %and3A_2012, %sub3A_2015, %div3A_1988 : vector<16xi1>, vector<16xi32>
      %jit3A_2017 = arith.constant 8 : i32
      %div3A_2018 = vector.broadcast %jit3A_2017 : i32 to vector<16xi32>
      %div3A_2019 = arith.divsi %add3A_1950, %div3A_2018 : vector<16xi32>
      %sign3A_2020 = arith.constant 0 : i32
      %sign3A_2021 = vector.broadcast %sign3A_2020 : i32 to vector<16xi32>
      %sign3A_2022 = arith.cmpi sgt, %add3A_1950, %sign3A_2021 : vector<16xi32>
      %sign3A_2023 = arith.extui %sign3A_2022 : vector<16xi1> to vector<16xi32>
      %sign3A_2024 = arith.constant 0 : i32
      %sign3A_2025 = vector.broadcast %sign3A_2024 : i32 to vector<16xi32>
      %sign3A_2026 = arith.cmpi slt, %add3A_1950, %sign3A_2025 : vector<16xi32>
      %sign3A_2027 = arith.extui %sign3A_2026 : vector<16xi1> to vector<16xi32>
      %sign3A_2028 = arith.subi %sign3A_2023, %sign3A_2027 : vector<16xi32>
      %sign3A_2029 = arith.constant 0 : i32
      %sign3A_2030 = arith.cmpi sgt, %jit3A_2017, %sign3A_2029 : i32
      %sign3A_2031 = arith.extui %sign3A_2030 : i1 to i32
      %sign3A_2032 = arith.constant 0 : i32
      %sign3A_2033 = arith.cmpi slt, %jit3A_2017, %sign3A_2032 : i32
      %sign3A_2034 = arith.extui %sign3A_2033 : i1 to i32
      %sign3A_2035 = arith.subi %sign3A_2031, %sign3A_2034 : i32
      %ne3A_2036 = vector.broadcast %sign3A_2035 : i32 to vector<16xi32>
      %ne3A_2037 = arith.cmpi ne, %sign3A_2028, %ne3A_2036 : vector<16xi32>
      %rem3A_2038 = vector.broadcast %jit3A_2017 : i32 to vector<16xi32>
      %rem3A_2039 = arith.remsi %add3A_1950, %rem3A_2038 : vector<16xi32>
      %ne3A_2040 = arith.constant 0 : i32
      %ne3A_2041 = vector.broadcast %ne3A_2040 : i32 to vector<16xi32>
      %ne3A_2042 = arith.cmpi ne, %rem3A_2039, %ne3A_2041 : vector<16xi32>
      %and3A_2043 = arith.andi %ne3A_2037, %ne3A_2042 : vector<16xi1>
      %sub3A_2044 = arith.constant 1 : i32
      %sub3A_2045 = vector.broadcast %sub3A_2044 : i32 to vector<16xi32>
      %sub3A_2046 = arith.subi %div3A_2019, %sub3A_2045 : vector<16xi32>
      %select_n3A_2047 = arith.select %and3A_2043, %sub3A_2046, %div3A_2019 : vector<16xi1>, vector<16xi32>
      %jit3A_2048 = arith.constant 8 : i32
      %div3A_2049 = vector.broadcast %jit3A_2048 : i32 to vector<16xi32>
      %div3A_2050 = arith.divsi %add3A_1954, %div3A_2049 : vector<16xi32>
      %sign3A_2051 = arith.constant 0 : i32
      %sign3A_2052 = vector.broadcast %sign3A_2051 : i32 to vector<16xi32>
      %sign3A_2053 = arith.cmpi sgt, %add3A_1954, %sign3A_2052 : vector<16xi32>
      %sign3A_2054 = arith.extui %sign3A_2053 : vector<16xi1> to vector<16xi32>
      %sign3A_2055 = arith.constant 0 : i32
      %sign3A_2056 = vector.broadcast %sign3A_2055 : i32 to vector<16xi32>
      %sign3A_2057 = arith.cmpi slt, %add3A_1954, %sign3A_2056 : vector<16xi32>
      %sign3A_2058 = arith.extui %sign3A_2057 : vector<16xi1> to vector<16xi32>
      %sign3A_2059 = arith.subi %sign3A_2054, %sign3A_2058 : vector<16xi32>
      %sign3A_2060 = arith.constant 0 : i32
      %sign3A_2061 = arith.cmpi sgt, %jit3A_2048, %sign3A_2060 : i32
      %sign3A_2062 = arith.extui %sign3A_2061 : i1 to i32
      %sign3A_2063 = arith.constant 0 : i32
      %sign3A_2064 = arith.cmpi slt, %jit3A_2048, %sign3A_2063 : i32
      %sign3A_2065 = arith.extui %sign3A_2064 : i1 to i32
      %sign3A_2066 = arith.subi %sign3A_2062, %sign3A_2065 : i32
      %ne3A_2067 = vector.broadcast %sign3A_2066 : i32 to vector<16xi32>
      %ne3A_2068 = arith.cmpi ne, %sign3A_2059, %ne3A_2067 : vector<16xi32>
      %rem3A_2069 = vector.broadcast %jit3A_2048 : i32 to vector<16xi32>
      %rem3A_2070 = arith.remsi %add3A_1954, %rem3A_2069 : vector<16xi32>
      %ne3A_2071 = arith.constant 0 : i32
      %ne3A_2072 = vector.broadcast %ne3A_2071 : i32 to vector<16xi32>
      %ne3A_2073 = arith.cmpi ne, %rem3A_2070, %ne3A_2072 : vector<16xi32>
      %and3A_2074 = arith.andi %ne3A_2068, %ne3A_2073 : vector<16xi1>
      %sub3A_2075 = arith.constant 1 : i32
      %sub3A_2076 = vector.broadcast %sub3A_2075 : i32 to vector<16xi32>
      %sub3A_2077 = arith.subi %div3A_2050, %sub3A_2076 : vector<16xi32>
      %select_n3A_2078 = arith.select %and3A_2074, %sub3A_2077, %div3A_2050 : vector<16xi1>, vector<16xi32>
      %jit3A_2079 = arith.constant 8 : i32
      %eq3A_2080 = arith.constant 0 : i32
      %eq3A_2081 = arith.cmpi eq, %jit3A_2079, %eq3A_2080 : i32
      %jit3A_2082 = arith.constant 1 : i32
      %select_n3A_2083 = arith.select %eq3A_2081, %jit3A_2082, %jit3A_2079 : i32
      %rem3A_2084 = vector.broadcast %select_n3A_2083 : i32 to vector<16xi32>
      %rem3A_2085 = arith.remsi %add3A_1942, %rem3A_2084 : vector<16xi32>
      %ne3A_2086 = arith.constant 0 : i32
      %ne3A_2087 = vector.broadcast %ne3A_2086 : i32 to vector<16xi32>
      %ne3A_2088 = arith.cmpi ne, %rem3A_2085, %ne3A_2087 : vector<16xi32>
      %lt3A_2089 = arith.constant 0 : i32
      %lt3A_2090 = vector.broadcast %lt3A_2089 : i32 to vector<16xi32>
      %lt3A_2091 = arith.cmpi slt, %rem3A_2085, %lt3A_2090 : vector<16xi32>
      %lt3A_2092 = arith.constant 0 : i32
      %lt3A_2093 = arith.cmpi slt, %select_n3A_2083, %lt3A_2092 : i32
      %ne3A_2094 = vector.broadcast %lt3A_2093 : i1 to vector<16xi1>
      %ne3A_2095 = vector.broadcast %ne3A_2094 : vector<16xi1> to vector<16xi1>
      %ne3A_2096 = arith.xori %lt3A_2091, %ne3A_2095 : vector<16xi1>
      %and3A_2097 = arith.andi %ne3A_2096, %ne3A_2088 : vector<16xi1>
      %add3A_2098 = vector.broadcast %select_n3A_2083 : i32 to vector<16xi32>
      %add3A_2099 = arith.addi %rem3A_2085, %add3A_2098 : vector<16xi32>
      %select_n3A_2100 = arith.select %and3A_2097, %add3A_2099, %rem3A_2085 : vector<16xi1>, vector<16xi32>
      %jit3A_2101 = arith.constant 8 : i32
      %eq3A_2102 = arith.constant 0 : i32
      %eq3A_2103 = arith.cmpi eq, %jit3A_2101, %eq3A_2102 : i32
      %jit3A_2104 = arith.constant 1 : i32
      %select_n3A_2105 = arith.select %eq3A_2103, %jit3A_2104, %jit3A_2101 : i32
      %rem3A_2106 = vector.broadcast %select_n3A_2105 : i32 to vector<16xi32>
      %rem3A_2107 = arith.remsi %add3A_1946, %rem3A_2106 : vector<16xi32>
      %ne3A_2108 = arith.constant 0 : i32
      %ne3A_2109 = vector.broadcast %ne3A_2108 : i32 to vector<16xi32>
      %ne3A_2110 = arith.cmpi ne, %rem3A_2107, %ne3A_2109 : vector<16xi32>
      %lt3A_2111 = arith.constant 0 : i32
      %lt3A_2112 = vector.broadcast %lt3A_2111 : i32 to vector<16xi32>
      %lt3A_2113 = arith.cmpi slt, %rem3A_2107, %lt3A_2112 : vector<16xi32>
      %lt3A_2114 = arith.constant 0 : i32
      %lt3A_2115 = arith.cmpi slt, %select_n3A_2105, %lt3A_2114 : i32
      %ne3A_2116 = vector.broadcast %lt3A_2115 : i1 to vector<16xi1>
      %ne3A_2117 = vector.broadcast %ne3A_2116 : vector<16xi1> to vector<16xi1>
      %ne3A_2118 = arith.xori %lt3A_2113, %ne3A_2117 : vector<16xi1>
      %and3A_2119 = arith.andi %ne3A_2118, %ne3A_2110 : vector<16xi1>
      %add3A_2120 = vector.broadcast %select_n3A_2105 : i32 to vector<16xi32>
      %add3A_2121 = arith.addi %rem3A_2107, %add3A_2120 : vector<16xi32>
      %select_n3A_2122 = arith.select %and3A_2119, %add3A_2121, %rem3A_2107 : vector<16xi1>, vector<16xi32>
      %jit3A_2123 = arith.constant 8 : i32
      %eq3A_2124 = arith.constant 0 : i32
      %eq3A_2125 = arith.cmpi eq, %jit3A_2123, %eq3A_2124 : i32
      %jit3A_2126 = arith.constant 1 : i32
      %select_n3A_2127 = arith.select %eq3A_2125, %jit3A_2126, %jit3A_2123 : i32
      %rem3A_2128 = vector.broadcast %select_n3A_2127 : i32 to vector<16xi32>
      %rem3A_2129 = arith.remsi %add3A_1950, %rem3A_2128 : vector<16xi32>
      %ne3A_2130 = arith.constant 0 : i32
      %ne3A_2131 = vector.broadcast %ne3A_2130 : i32 to vector<16xi32>
      %ne3A_2132 = arith.cmpi ne, %rem3A_2129, %ne3A_2131 : vector<16xi32>
      %lt3A_2133 = arith.constant 0 : i32
      %lt3A_2134 = vector.broadcast %lt3A_2133 : i32 to vector<16xi32>
      %lt3A_2135 = arith.cmpi slt, %rem3A_2129, %lt3A_2134 : vector<16xi32>
      %lt3A_2136 = arith.constant 0 : i32
      %lt3A_2137 = arith.cmpi slt, %select_n3A_2127, %lt3A_2136 : i32
      %ne3A_2138 = vector.broadcast %lt3A_2137 : i1 to vector<16xi1>
      %ne3A_2139 = vector.broadcast %ne3A_2138 : vector<16xi1> to vector<16xi1>
      %ne3A_2140 = arith.xori %lt3A_2135, %ne3A_2139 : vector<16xi1>
      %and3A_2141 = arith.andi %ne3A_2140, %ne3A_2132 : vector<16xi1>
      %add3A_2142 = vector.broadcast %select_n3A_2127 : i32 to vector<16xi32>
      %add3A_2143 = arith.addi %rem3A_2129, %add3A_2142 : vector<16xi32>
      %select_n3A_2144 = arith.select %and3A_2141, %add3A_2143, %rem3A_2129 : vector<16xi1>, vector<16xi32>
      %jit3A_2145 = arith.constant 8 : i32
      %eq3A_2146 = arith.constant 0 : i32
      %eq3A_2147 = arith.cmpi eq, %jit3A_2145, %eq3A_2146 : i32
      %jit3A_2148 = arith.constant 1 : i32
      %select_n3A_2149 = arith.select %eq3A_2147, %jit3A_2148, %jit3A_2145 : i32
      %rem3A_2150 = vector.broadcast %select_n3A_2149 : i32 to vector<16xi32>
      %rem3A_2151 = arith.remsi %add3A_1954, %rem3A_2150 : vector<16xi32>
      %ne3A_2152 = arith.constant 0 : i32
      %ne3A_2153 = vector.broadcast %ne3A_2152 : i32 to vector<16xi32>
      %ne3A_2154 = arith.cmpi ne, %rem3A_2151, %ne3A_2153 : vector<16xi32>
      %lt3A_2155 = arith.constant 0 : i32
      %lt3A_2156 = vector.broadcast %lt3A_2155 : i32 to vector<16xi32>
      %lt3A_2157 = arith.cmpi slt, %rem3A_2151, %lt3A_2156 : vector<16xi32>
      %lt3A_2158 = arith.constant 0 : i32
      %lt3A_2159 = arith.cmpi slt, %select_n3A_2149, %lt3A_2158 : i32
      %ne3A_2160 = vector.broadcast %lt3A_2159 : i1 to vector<16xi1>
      %ne3A_2161 = vector.broadcast %ne3A_2160 : vector<16xi1> to vector<16xi1>
      %ne3A_2162 = arith.xori %lt3A_2157, %ne3A_2161 : vector<16xi1>
      %and3A_2163 = arith.andi %ne3A_2162, %ne3A_2154 : vector<16xi1>
      %add3A_2164 = vector.broadcast %select_n3A_2149 : i32 to vector<16xi32>
      %add3A_2165 = arith.addi %rem3A_2151, %add3A_2164 : vector<16xi32>
      %select_n3A_2166 = arith.select %and3A_2163, %add3A_2165, %rem3A_2151 : vector<16xi1>, vector<16xi32>
      %mul3A_2167 = arith.constant 64 : i32
      %mul3A_2168 = arith.muli %add3A_1912, %mul3A_2167 : i32
      %add3A_2169 = arith.constant 0 : i32
      %add3A_2170 = arith.addi %mul3A_2168, %add3A_2169 : i32
      %get3A_2171 = arith.index_cast %add3A_2170 : i32 to index
      %get3A_2172 = tpu.vector_load %arg7[%get3A_2171] {strides = array<i32>} : memref<12800xf32, #tpu.memory_space<vmem>>, vector<16xf32>,
      %mul3A_2173 = arith.constant 64 : i32
      %mul3A_2174 = arith.muli %add3A_1912, %mul3A_2173 : i32
      %add3A_2175 = arith.constant 16 : i32
      %add3A_2176 = arith.addi %mul3A_2174, %add3A_2175 : i32
      %get3A_2177 = arith.index_cast %add3A_2176 : i32 to index
      %get3A_2178 = tpu.vector_load %arg7[%get3A_2177] {strides = array<i32>} : memref<12800xf32, #tpu.memory_space<vmem>>, vector<16xf32>,
      %mul3A_2179 = arith.constant 64 : i32
      %mul3A_2180 = arith.muli %add3A_1912, %mul3A_2179 : i32
      %add3A_2181 = arith.constant 32 : i32
      %add3A_2182 = arith.addi %mul3A_2180, %add3A_2181 : i32
      %get3A_2183 = arith.index_cast %add3A_2182 : i32 to index
      %get3A_2184 = tpu.vector_load %arg7[%get3A_2183] {strides = array<i32>} : memref<12800xf32, #tpu.memory_space<vmem>>, vector<16xf32>,
      %mul3A_2185 = arith.constant 64 : i32
      %mul3A_2186 = arith.muli %add3A_1912, %mul3A_2185 : i32
      %add3A_2187 = arith.constant 48 : i32
      %add3A_2188 = arith.addi %mul3A_2186, %add3A_2187 : i32
      %get3A_2189 = arith.index_cast %add3A_2188 : i32 to index
      %get3A_2190 = tpu.vector_load %arg7[%get3A_2189] {strides = array<i32>} : memref<12800xf32, #tpu.memory_space<vmem>>, vector<16xf32>,
      %parallel_loop3A_2191 = arith.constant 0 : i32
      %parallel_loop3A_2192 = arith.constant 128 : i32
      %parallel_loop3A_2193 = arith.constant 1 : i32
      scf.for %parallel_loop3A_2533 = %parallel_loop3A_2191 to %parallel_loop3A_2192 step %parallel_loop3A_2193  : i32 {
        %parallel_loop3A_2534 = vector.broadcast %parallel_loop3A_2533 : i32 to vector<16xi32>
        %parallel_loop3A_2535 = arith.index_cast %parallel_loop3A_2533 : i32 to index
        %parallel_loop3A_2536 = arith.constant 0 : index
        %parallel_loop3A_2537 = tpu.vector_load %arg14[%parallel_loop3A_2535, %parallel_loop3A_2536] {strides = array<i32>} : memref<128x64xf32, #tpu.memory_space<vmem>>, vector<16xf32>,
        %parallel_loop3A_2538 = arith.addf %parallel_loop3A_2537, %get3A_2172 : vector<16xf32>
        tpu.vector_store_idx %arg16[%select_n3A_1985, %select_n3A_2100, %parallel_loop3A_2534], %parallel_loop3A_2538 : memref<8x8x129xf32, #tpu.memory_space<vmem>>[vector<16xi32>, vector<16xi32>, vector<16xi32>], vector<16xf32>,
        %parallel_loop3A_2539 = arith.index_cast %parallel_loop3A_2533 : i32 to index
        %parallel_loop3A_2540 = arith.constant 16 : index
        %parallel_loop3A_2541 = tpu.vector_load %arg14[%parallel_loop3A_2539, %parallel_loop3A_2540] {strides = array<i32>} : memref<128x64xf32, #tpu.memory_space<vmem>>, vector<16xf32>,
        %parallel_loop3A_2542 = arith.addf %parallel_loop3A_2541, %get3A_2178 : vector<16xf32>
        tpu.vector_store_idx %arg16[%select_n3A_2016, %select_n3A_2122, %parallel_loop3A_2534], %parallel_loop3A_2542 : memref<8x8x129xf32, #tpu.memory_space<vmem>>[vector<16xi32>, vector<16xi32>, vector<16xi32>], vector<16xf32>,
        %parallel_loop3A_2543 = arith.index_cast %parallel_loop3A_2533 : i32 to index
        %parallel_loop3A_2544 = arith.constant 32 : index
        %parallel_loop3A_2545 = tpu.vector_load %arg14[%parallel_loop3A_2543, %parallel_loop3A_2544] {strides = array<i32>} : memref<128x64xf32, #tpu.memory_space<vmem>>, vector<16xf32>,
        %parallel_loop3A_2546 = arith.addf %parallel_loop3A_2545, %get3A_2184 : vector<16xf32>
        tpu.vector_store_idx %arg16[%select_n3A_2047, %select_n3A_2144, %parallel_loop3A_2534], %parallel_loop3A_2546 : memref<8x8x129xf32, #tpu.memory_space<vmem>>[vector<16xi32>, vector<16xi32>, vector<16xi32>], vector<16xf32>,
        %parallel_loop3A_2547 = arith.index_cast %parallel_loop3A_2533 : i32 to index
        %parallel_loop3A_2548 = arith.constant 48 : index
        %parallel_loop3A_2549 = tpu.vector_load %arg14[%parallel_loop3A_2547, %parallel_loop3A_2548] {strides = array<i32>} : memref<128x64xf32, #tpu.memory_space<vmem>>, vector<16xf32>,
        %parallel_loop3A_2550 = arith.addf %parallel_loop3A_2549, %get3A_2190 : vector<16xf32>
        tpu.vector_store_idx %arg16[%select_n3A_2078, %select_n3A_2166, %parallel_loop3A_2534], %parallel_loop3A_2550 : memref<8x8x129xf32, #tpu.memory_space<vmem>>[vector<16xi32>, vector<16xi32>, vector<16xi32>], vector<16xf32>,
      } {sc.loop_unroll_factor = 4 : i64, sc.parallel_access}
      %sub3A_2194 = arith.constant 1 : i32
      %sub3A_2195 = arith.subi %add3A_1912, %sub3A_2194 : i32
      %dma_start3A_2196 = arith.constant 0 : i32
      %dma_start3A_2197 = arith.constant 0 : i32
      %dma_start3A_2198 = arith.constant 0 : i32
      %dma_start3A_2199 = tpu.memref_slice %arg17[%dma_start3A_2196, %dma_start3A_2197, %dma_start3A_2198] : memref<8x8x129xf32, #tpu.memory_space<vmem>> -> memref<8x8x128xf32, #tpu.memory_space<vmem>>
      %dma_start3A_2200 = arith.constant 0 : i32
      %dma_start3A_2201 = arith.constant 0 : i32
      %dma_start3A_2202 = arith.constant 0 : i32
      %dma_start3A_2203 = tpu.memref_slice %arg5[%sub3A_2195, %dma_start3A_2200, %add3A, %dma_start3A_2201, %dma_start3A_2202] : memref<200x8x32x8x128xf32, #tpu.memory_space<hbm>> -> memref<1x8x1x8x128xf32, #tpu.memory_space<hbm>>
      %dma_start3A_2204 = tpu.memref_squeeze %dma_start3A_2203 : memref<1x8x1x8x128xf32, #tpu.memory_space<hbm>> -> memref<8x8x128xf32, #tpu.memory_space<hbm>>
      %dma_start3A_2205 = arith.constant 0 : i32
      %dma_start3A_2206 = arith.constant 0 : i32
      %dma_start3A_2207 = arith.constant 0 : i32
      %dma_start3A_2208 = tpu.memref_slice %arg5[%sub3A_2195, %dma_start3A_2205, %add3A, %dma_start3A_2206, %dma_start3A_2207] : memref<200x8x32x8x128xf32, #tpu.memory_space<hbm>> -> memref<1x8x1x8x128xf32, #tpu.memory_space<hbm>>
      %dma_start3A_2209 = tpu.memref_squeeze %dma_start3A_2208 : memref<1x8x1x8x128xf32, #tpu.memory_space<hbm>> -> memref<8x8x128xf32, #tpu.memory_space<hbm>>
      %dma_start3A_2210 = arith.constant 0 : i32
      %dma_start3A_2211 = arith.constant 0 : i32
      %dma_start3A_2212 = arith.constant 0 : i32
      %dma_start3A_2213 = tpu.memref_slice %arg17[%dma_start3A_2210, %dma_start3A_2211, %dma_start3A_2212] : memref<8x8x129xf32, #tpu.memory_space<vmem>> -> memref<8x8x128xf32, #tpu.memory_space<vmem>>
      tpu.enqueue_dma source(%dma_start3A_2213 : memref<8x8x128xf32, #tpu.memory_space<vmem>>) target(%dma_start3A_2209 : memref<8x8x128xf32, #tpu.memory_space<hbm>>) target_semaphore(%arg27 : memref<!tpu.dma_semaphore, #tpu.memory_space<semaphore_mem>>)
      %add3A_2214 = arith.constant 4 : i32
      %add3A_2215 = arith.addi %add3A_1912, %add3A_2214 : i32
      %lt3A_2216 = arith.constant 200 : i32
      %lt3A_2217 = arith.cmpi slt, %add3A_2215, %lt3A_2216 : i32
      %convert_element_type3A_2218 = arith.extui %lt3A_2217 : i1 to i32
      %cond3A_2219 = arith.constant 0 : i32
      %cond3A_2220 = arith.cmpi ne, %convert_element_type3A_2218, %cond3A_2219 : i32
      scf.if %cond3A_2220 {
        %add3A_2533 = arith.constant 4 : i32
        %add3A_2534 = arith.addi %add3A_1912, %add3A_2533 : i32
        %jit3A_2535 = arith.constant 8 : i32
        %div3A_2536 = arith.divsi %add3A_2534, %jit3A_2535 : i32
        %sign3A_2537 = arith.constant 0 : i32
        %sign3A_2538 = arith.cmpi sgt, %add3A_2534, %sign3A_2537 : i32
        %sign3A_2539 = arith.extui %sign3A_2538 : i1 to i32
        %sign3A_2540 = arith.constant 0 : i32
        %sign3A_2541 = arith.cmpi slt, %add3A_2534, %sign3A_2540 : i32
        %sign3A_2542 = arith.extui %sign3A_2541 : i1 to i32
        %sign3A_2543 = arith.subi %sign3A_2539, %sign3A_2542 : i32
        %sign3A_2544 = arith.constant 0 : i32
        %sign3A_2545 = arith.cmpi sgt, %jit3A_2535, %sign3A_2544 : i32
        %sign3A_2546 = arith.extui %sign3A_2545 : i1 to i32
        %sign3A_2547 = arith.constant 0 : i32
        %sign3A_2548 = arith.cmpi slt, %jit3A_2535, %sign3A_2547 : i32
        %sign3A_2549 = arith.extui %sign3A_2548 : i1 to i32
        %sign3A_2550 = arith.subi %sign3A_2546, %sign3A_2549 : i32
        %ne3A_2551 = arith.cmpi ne, %sign3A_2543, %sign3A_2550 : i32
        %rem3A_2552 = arith.remsi %add3A_2534, %jit3A_2535 : i32
        %ne3A_2553 = arith.constant 0 : i32
        %ne3A_2554 = arith.cmpi ne, %rem3A_2552, %ne3A_2553 : i32
        %and3A_2555 = arith.andi %ne3A_2551, %ne3A_2554 : i1
        %sub3A_2556 = arith.constant 1 : i32
        %sub3A_2557 = arith.subi %div3A_2536, %sub3A_2556 : i32
        %select_n3A_2558 = arith.select %and3A_2555, %sub3A_2557, %div3A_2536 : i32
        %jit3A_2559 = arith.constant 8 : i32
        %eq3A_2560 = arith.constant 0 : i32
        %eq3A_2561 = arith.cmpi eq, %jit3A_2559, %eq3A_2560 : i32
        %jit3A_2562 = arith.constant 1 : i32
        %select_n3A_2563 = arith.select %eq3A_2561, %jit3A_2562, %jit3A_2559 : i32
        %rem3A_2564 = arith.remsi %add3A_2534, %select_n3A_2563 : i32
        %ne3A_2565 = arith.constant 0 : i32
        %ne3A_2566 = arith.cmpi ne, %rem3A_2564, %ne3A_2565 : i32
        %lt3A_2567 = arith.constant 0 : i32
        %lt3A_2568 = arith.cmpi slt, %rem3A_2564, %lt3A_2567 : i32
        %lt3A_2569 = arith.constant 0 : i32
        %lt3A_2570 = arith.cmpi slt, %select_n3A_2563, %lt3A_2569 : i32
        %ne3A_2571 = arith.xori %lt3A_2568, %lt3A_2570 : i1
        %and3A_2572 = arith.andi %ne3A_2571, %ne3A_2566 : i1
        %add3A_2573 = arith.addi %rem3A_2564, %select_n3A_2563 : i32
        %select_n3A_2574 = arith.select %and3A_2572, %add3A_2573, %rem3A_2564 : i32
        %dma_start3A_2575 = arith.constant 0 : i32
        %dma_start3A_2576 = tpu.memref_slice %arg6[%select_n3A_2558, %select_n3A_2574, %dma_start3A_2575] : memref<25x8x128xi32, #tpu.memory_space<vmem>> -> memref<1x1x128xi32, #tpu.memory_space<vmem>>
        %dma_start3A_2577 = tpu.memref_squeeze %dma_start3A_2576 : memref<1x1x128xi32, #tpu.memory_space<vmem>> -> memref<128xi32, #tpu.memory_space<vmem>>
        %dma_start3A_2578 = arith.constant 0 : i32
        %dma_start3A_2579 = arith.constant 0 : i32
        %dma_start3A_2580 = tpu.memref_slice %arg3[%dma_start3A_2578, %dma_start3A_2579] : memref<1000000x64xf32, #tpu.memory_space<hbm>> -> memref<1000000x64xf32, #tpu.memory_space<hbm>>
        tpu.enqueue_indirect_dma source(%dma_start3A_2580 : memref<1000000x64xf32, #tpu.memory_space<hbm>>) target(%arg10 : memref<128x64xf32, #tpu.memory_space<vmem>>) offsets(%dma_start3A_2577 : memref<128xi32, #tpu.memory_space<vmem>>) semaphore(%arg20 : memref<!tpu.dma_semaphore, #tpu.memory_space<semaphore_mem>>)
      } else {
      }
      %mul3A_2221 = arith.constant 8 : i32
      %mul3A_2222 = arith.muli %scan3A_97, %mul3A_2221 : i32
      %add3A_2223 = arith.constant 7 : i32
      %add3A_2224 = arith.addi %mul3A_2222, %add3A_2223 : i32
      %dma_wait3A_2225 = arith.constant 0 : i32
      %dma_wait3A_2226 = arith.constant 0 : i32
      %dma_wait3A_2227 = tpu.memref_slice %arg3[%dma_wait3A_2225, %dma_wait3A_2226] : memref<1000000x64xf32, #tpu.memory_space<hbm>> -> memref<128x64xf32, #tpu.memory_space<hbm>>
      %dma_wait3A_2228 = arith.constant 0 : i32
      %dma_wait3A_2229 = arith.constant 0 : i32
      %dma_wait3A_2230 = tpu.memref_slice %arg3[%dma_wait3A_2228, %dma_wait3A_2229] : memref<1000000x64xf32, #tpu.memory_space<hbm>> -> memref<128x64xf32, #tpu.memory_space<hbm>>
      tpu.wait_dma2 semaphore(%arg25 : memref<!tpu.dma_semaphore, #tpu.memory_space<semaphore_mem>>) src(%dma_wait3A_2230 : memref<128x64xf32, #tpu.memory_space<hbm>>) dst(%arg15 : memref<128x64xf32, #tpu.memory_space<vmem>>)
      %dma_wait3A_2231 = arith.constant 0 : i32
      %dma_wait3A_2232 = arith.constant 0 : i32
      %dma_wait3A_2233 = arith.constant 0 : i32
      %dma_wait3A_2234 = arith.constant 0 : i32
      %dma_wait3A_2235 = arith.constant 0 : i32
      %dma_wait3A_2236 = tpu.memref_slice %arg17[%dma_wait3A_2233, %dma_wait3A_2234, %dma_wait3A_2235] : memref<8x8x129xf32, #tpu.memory_space<vmem>> -> memref<8x8x128xf32, #tpu.memory_space<vmem>>
      %dma_wait3A_2237 = arith.constant 0 : i32
      %dma_wait3A_2238 = arith.constant 0 : i32
      %dma_wait3A_2239 = arith.constant 0 : i32
      %dma_wait3A_2240 = tpu.memref_slice %arg5[%dma_wait3A_2231, %dma_wait3A_2237, %dma_wait3A_2232, %dma_wait3A_2238, %dma_wait3A_2239] : memref<200x8x32x8x128xf32, #tpu.memory_space<hbm>> -> memref<1x8x1x8x128xf32, #tpu.memory_space<hbm>>
      %dma_wait3A_2241 = tpu.memref_squeeze %dma_wait3A_2240 : memref<1x8x1x8x128xf32, #tpu.memory_space<hbm>> -> memref<8x8x128xf32, #tpu.memory_space<hbm>>
      %dma_wait3A_2242 = arith.constant 0 : i32
      %dma_wait3A_2243 = arith.constant 0 : i32
      %dma_wait3A_2244 = arith.constant 0 : i32
      %dma_wait3A_2245 = tpu.memref_slice %arg5[%dma_wait3A_2231, %dma_wait3A_2242, %dma_wait3A_2232, %dma_wait3A_2243, %dma_wait3A_2244] : memref<200x8x32x8x128xf32, #tpu.memory_space<hbm>> -> memref<1x8x1x8x128xf32, #tpu.memory_space<hbm>>
      %dma_wait3A_2246 = tpu.memref_squeeze %dma_wait3A_2245 : memref<1x8x1x8x128xf32, #tpu.memory_space<hbm>> -> memref<8x8x128xf32, #tpu.memory_space<hbm>>
      %dma_wait3A_2247 = arith.constant 0 : i32
      %dma_wait3A_2248 = arith.constant 0 : i32
      %dma_wait3A_2249 = arith.constant 0 : i32
      %dma_wait3A_2250 = tpu.memref_slice %arg17[%dma_wait3A_2247, %dma_wait3A_2248, %dma_wait3A_2249] : memref<8x8x129xf32, #tpu.memory_space<vmem>> -> memref<8x8x128xf32, #tpu.memory_space<vmem>>
      tpu.wait_dma2 semaphore(%arg27 : memref<!tpu.dma_semaphore, #tpu.memory_space<semaphore_mem>>) src(%dma_wait3A_2250 : memref<8x8x128xf32, #tpu.memory_space<vmem>>) dst(%dma_wait3A_2246 : memref<8x8x128xf32, #tpu.memory_space<hbm>>)
      %iota3A_2251 = tpu.iota {dimensions = array<i32: 0>} : vector<16xi32>
      %add3A_2252 = arith.constant 0 : i32
      %add3A_2253 = vector.broadcast %add3A_2252 : i32 to vector<16xi32>
      %add3A_2254 = arith.addi %iota3A_2251, %add3A_2253 : vector<16xi32>
      %iota3A_2255 = tpu.iota {dimensions = array<i32: 0>} : vector<16xi32>
      %add3A_2256 = arith.constant 16 : i32
      %add3A_2257 = vector.broadcast %add3A_2256 : i32 to vector<16xi32>
      %add3A_2258 = arith.addi %iota3A_2255, %add3A_2257 : vector<16xi32>
      %iota3A_2259 = tpu.iota {dimensions = array<i32: 0>} : vector<16xi32>
      %add3A_2260 = arith.constant 32 : i32
      %add3A_2261 = vector.broadcast %add3A_2260 : i32 to vector<16xi32>
      %add3A_2262 = arith.addi %iota3A_2259, %add3A_2261 : vector<16xi32>
      %iota3A_2263 = tpu.iota {dimensions = array<i32: 0>} : vector<16xi32>
      %add3A_2264 = arith.constant 48 : i32
      %add3A_2265 = vector.broadcast %add3A_2264 : i32 to vector<16xi32>
      %add3A_2266 = arith.addi %iota3A_2263, %add3A_2265 : vector<16xi32>
      %jit3A_2267 = arith.constant 8 : i32
      %div3A_2268 = vector.broadcast %jit3A_2267 : i32 to vector<16xi32>
      %div3A_2269 = arith.divsi %add3A_2254, %div3A_2268 : vector<16xi32>
      %sign3A_2270 = arith.constant 0 : i32
      %sign3A_2271 = vector.broadcast %sign3A_2270 : i32 to vector<16xi32>
      %sign3A_2272 = arith.cmpi sgt, %add3A_2254, %sign3A_2271 : vector<16xi32>
      %sign3A_2273 = arith.extui %sign3A_2272 : vector<16xi1> to vector<16xi32>
      %sign3A_2274 = arith.constant 0 : i32
      %sign3A_2275 = vector.broadcast %sign3A_2274 : i32 to vector<16xi32>
      %sign3A_2276 = arith.cmpi slt, %add3A_2254, %sign3A_2275 : vector<16xi32>
      %sign3A_2277 = arith.extui %sign3A_2276 : vector<16xi1> to vector<16xi32>
      %sign3A_2278 = arith.subi %sign3A_2273, %sign3A_2277 : vector<16xi32>
      %sign3A_2279 = arith.constant 0 : i32
      %sign3A_2280 = arith.cmpi sgt, %jit3A_2267, %sign3A_2279 : i32
      %sign3A_2281 = arith.extui %sign3A_2280 : i1 to i32
      %sign3A_2282 = arith.constant 0 : i32
      %sign3A_2283 = arith.cmpi slt, %jit3A_2267, %sign3A_2282 : i32
      %sign3A_2284 = arith.extui %sign3A_2283 : i1 to i32
      %sign3A_2285 = arith.subi %sign3A_2281, %sign3A_2284 : i32
      %ne3A_2286 = vector.broadcast %sign3A_2285 : i32 to vector<16xi32>
      %ne3A_2287 = arith.cmpi ne, %sign3A_2278, %ne3A_2286 : vector<16xi32>
      %rem3A_2288 = vector.broadcast %jit3A_2267 : i32 to vector<16xi32>
      %rem3A_2289 = arith.remsi %add3A_2254, %rem3A_2288 : vector<16xi32>
      %ne3A_2290 = arith.constant 0 : i32
      %ne3A_2291 = vector.broadcast %ne3A_2290 : i32 to vector<16xi32>
      %ne3A_2292 = arith.cmpi ne, %rem3A_2289, %ne3A_2291 : vector<16xi32>
      %and3A_2293 = arith.andi %ne3A_2287, %ne3A_2292 : vector<16xi1>
      %sub3A_2294 = arith.constant 1 : i32
      %sub3A_2295 = vector.broadcast %sub3A_2294 : i32 to vector<16xi32>
      %sub3A_2296 = arith.subi %div3A_2269, %sub3A_2295 : vector<16xi32>
      %select_n3A_2297 = arith.select %and3A_2293, %sub3A_2296, %div3A_2269 : vector<16xi1>, vector<16xi32>
      %jit3A_2298 = arith.constant 8 : i32
      %div3A_2299 = vector.broadcast %jit3A_2298 : i32 to vector<16xi32>
      %div3A_2300 = arith.divsi %add3A_2258, %div3A_2299 : vector<16xi32>
      %sign3A_2301 = arith.constant 0 : i32
      %sign3A_2302 = vector.broadcast %sign3A_2301 : i32 to vector<16xi32>
      %sign3A_2303 = arith.cmpi sgt, %add3A_2258, %sign3A_2302 : vector<16xi32>
      %sign3A_2304 = arith.extui %sign3A_2303 : vector<16xi1> to vector<16xi32>
      %sign3A_2305 = arith.constant 0 : i32
      %sign3A_2306 = vector.broadcast %sign3A_2305 : i32 to vector<16xi32>
      %sign3A_2307 = arith.cmpi slt, %add3A_2258, %sign3A_2306 : vector<16xi32>
      %sign3A_2308 = arith.extui %sign3A_2307 : vector<16xi1> to vector<16xi32>
      %sign3A_2309 = arith.subi %sign3A_2304, %sign3A_2308 : vector<16xi32>
      %sign3A_2310 = arith.constant 0 : i32
      %sign3A_2311 = arith.cmpi sgt, %jit3A_2298, %sign3A_2310 : i32
      %sign3A_2312 = arith.extui %sign3A_2311 : i1 to i32
      %sign3A_2313 = arith.constant 0 : i32
      %sign3A_2314 = arith.cmpi slt, %jit3A_2298, %sign3A_2313 : i32
      %sign3A_2315 = arith.extui %sign3A_2314 : i1 to i32
      %sign3A_2316 = arith.subi %sign3A_2312, %sign3A_2315 : i32
      %ne3A_2317 = vector.broadcast %sign3A_2316 : i32 to vector<16xi32>
      %ne3A_2318 = arith.cmpi ne, %sign3A_2309, %ne3A_2317 : vector<16xi32>
      %rem3A_2319 = vector.broadcast %jit3A_2298 : i32 to vector<16xi32>
      %rem3A_2320 = arith.remsi %add3A_2258, %rem3A_2319 : vector<16xi32>
      %ne3A_2321 = arith.constant 0 : i32
      %ne3A_2322 = vector.broadcast %ne3A_2321 : i32 to vector<16xi32>
      %ne3A_2323 = arith.cmpi ne, %rem3A_2320, %ne3A_2322 : vector<16xi32>
      %and3A_2324 = arith.andi %ne3A_2318, %ne3A_2323 : vector<16xi1>
      %sub3A_2325 = arith.constant 1 : i32
      %sub3A_2326 = vector.broadcast %sub3A_2325 : i32 to vector<16xi32>
      %sub3A_2327 = arith.subi %div3A_2300, %sub3A_2326 : vector<16xi32>
      %select_n3A_2328 = arith.select %and3A_2324, %sub3A_2327, %div3A_2300 : vector<16xi1>, vector<16xi32>
      %jit3A_2329 = arith.constant 8 : i32
      %div3A_2330 = vector.broadcast %jit3A_2329 : i32 to vector<16xi32>
      %div3A_2331 = arith.divsi %add3A_2262, %div3A_2330 : vector<16xi32>
      %sign3A_2332 = arith.constant 0 : i32
      %sign3A_2333 = vector.broadcast %sign3A_2332 : i32 to vector<16xi32>
      %sign3A_2334 = arith.cmpi sgt, %add3A_2262, %sign3A_2333 : vector<16xi32>
      %sign3A_2335 = arith.extui %sign3A_2334 : vector<16xi1> to vector<16xi32>
      %sign3A_2336 = arith.constant 0 : i32
      %sign3A_2337 = vector.broadcast %sign3A_2336 : i32 to vector<16xi32>
      %sign3A_2338 = arith.cmpi slt, %add3A_2262, %sign3A_2337 : vector<16xi32>
      %sign3A_2339 = arith.extui %sign3A_2338 : vector<16xi1> to vector<16xi32>
      %sign3A_2340 = arith.subi %sign3A_2335, %sign3A_2339 : vector<16xi32>
      %sign3A_2341 = arith.constant 0 : i32
      %sign3A_2342 = arith.cmpi sgt, %jit3A_2329, %sign3A_2341 : i32
      %sign3A_2343 = arith.extui %sign3A_2342 : i1 to i32
      %sign3A_2344 = arith.constant 0 : i32
      %sign3A_2345 = arith.cmpi slt, %jit3A_2329, %sign3A_2344 : i32
      %sign3A_2346 = arith.extui %sign3A_2345 : i1 to i32
      %sign3A_2347 = arith.subi %sign3A_2343, %sign3A_2346 : i32
      %ne3A_2348 = vector.broadcast %sign3A_2347 : i32 to vector<16xi32>
      %ne3A_2349 = arith.cmpi ne, %sign3A_2340, %ne3A_2348 : vector<16xi32>
      %rem3A_2350 = vector.broadcast %jit3A_2329 : i32 to vector<16xi32>
      %rem3A_2351 = arith.remsi %add3A_2262, %rem3A_2350 : vector<16xi32>
      %ne3A_2352 = arith.constant 0 : i32
      %ne3A_2353 = vector.broadcast %ne3A_2352 : i32 to vector<16xi32>
      %ne3A_2354 = arith.cmpi ne, %rem3A_2351, %ne3A_2353 : vector<16xi32>
      %and3A_2355 = arith.andi %ne3A_2349, %ne3A_2354 : vector<16xi1>
      %sub3A_2356 = arith.constant 1 : i32
      %sub3A_2357 = vector.broadcast %sub3A_2356 : i32 to vector<16xi32>
      %sub3A_2358 = arith.subi %div3A_2331, %sub3A_2357 : vector<16xi32>
      %select_n3A_2359 = arith.select %and3A_2355, %sub3A_2358, %div3A_2331 : vector<16xi1>, vector<16xi32>
      %jit3A_2360 = arith.constant 8 : i32
      %div3A_2361 = vector.broadcast %jit3A_2360 : i32 to vector<16xi32>
      %div3A_2362 = arith.divsi %add3A_2266, %div3A_2361 : vector<16xi32>
      %sign3A_2363 = arith.constant 0 : i32
      %sign3A_2364 = vector.broadcast %sign3A_2363 : i32 to vector<16xi32>
      %sign3A_2365 = arith.cmpi sgt, %add3A_2266, %sign3A_2364 : vector<16xi32>
      %sign3A_2366 = arith.extui %sign3A_2365 : vector<16xi1> to vector<16xi32>
      %sign3A_2367 = arith.constant 0 : i32
      %sign3A_2368 = vector.broadcast %sign3A_2367 : i32 to vector<16xi32>
      %sign3A_2369 = arith.cmpi slt, %add3A_2266, %sign3A_2368 : vector<16xi32>
      %sign3A_2370 = arith.extui %sign3A_2369 : vector<16xi1> to vector<16xi32>
      %sign3A_2371 = arith.subi %sign3A_2366, %sign3A_2370 : vector<16xi32>
      %sign3A_2372 = arith.constant 0 : i32
      %sign3A_2373 = arith.cmpi sgt, %jit3A_2360, %sign3A_2372 : i32
      %sign3A_2374 = arith.extui %sign3A_2373 : i1 to i32
      %sign3A_2375 = arith.constant 0 : i32
      %sign3A_2376 = arith.cmpi slt, %jit3A_2360, %sign3A_2375 : i32
      %sign3A_2377 = arith.extui %sign3A_2376 : i1 to i32
      %sign3A_2378 = arith.subi %sign3A_2374, %sign3A_2377 : i32
      %ne3A_2379 = vector.broadcast %sign3A_2378 : i32 to vector<16xi32>
      %ne3A_2380 = arith.cmpi ne, %sign3A_2371, %ne3A_2379 : vector<16xi32>
      %rem3A_2381 = vector.broadcast %jit3A_2360 : i32 to vector<16xi32>
      %rem3A_2382 = arith.remsi %add3A_2266, %rem3A_2381 : vector<16xi32>
      %ne3A_2383 = arith.constant 0 : i32
      %ne3A_2384 = vector.broadcast %ne3A_2383 : i32 to vector<16xi32>
      %ne3A_2385 = arith.cmpi ne, %rem3A_2382, %ne3A_2384 : vector<16xi32>
      %and3A_2386 = arith.andi %ne3A_2380, %ne3A_2385 : vector<16xi1>
      %sub3A_2387 = arith.constant 1 : i32
      %sub3A_2388 = vector.broadcast %sub3A_2387 : i32 to vector<16xi32>
      %sub3A_2389 = arith.subi %div3A_2362, %sub3A_2388 : vector<16xi32>
      %select_n3A_2390 = arith.select %and3A_2386, %sub3A_2389, %div3A_2362 : vector<16xi1>, vector<16xi32>
      %jit3A_2391 = arith.constant 8 : i32
      %eq3A_2392 = arith.constant 0 : i32
      %eq3A_2393 = arith.cmpi eq, %jit3A_2391, %eq3A_2392 : i32
      %jit3A_2394 = arith.constant 1 : i32
      %select_n3A_2395 = arith.select %eq3A_2393, %jit3A_2394, %jit3A_2391 : i32
      %rem3A_2396 = vector.broadcast %select_n3A_2395 : i32 to vector<16xi32>
      %rem3A_2397 = arith.remsi %add3A_2254, %rem3A_2396 : vector<16xi32>
      %ne3A_2398 = arith.constant 0 : i32
      %ne3A_2399 = vector.broadcast %ne3A_2398 : i32 to vector<16xi32>
      %ne3A_2400 = arith.cmpi ne, %rem3A_2397, %ne3A_2399 : vector<16xi32>
      %lt3A_2401 = arith.constant 0 : i32
      %lt3A_2402 = vector.broadcast %lt3A_2401 : i32 to vector<16xi32>
      %lt3A_2403 = arith.cmpi slt, %rem3A_2397, %lt3A_2402 : vector<16xi32>
      %lt3A_2404 = arith.constant 0 : i32
      %lt3A_2405 = arith.cmpi slt, %select_n3A_2395, %lt3A_2404 : i32
      %ne3A_2406 = vector.broadcast %lt3A_2405 : i1 to vector<16xi1>
      %ne3A_2407 = vector.broadcast %ne3A_2406 : vector<16xi1> to vector<16xi1>
      %ne3A_2408 = arith.xori %lt3A_2403, %ne3A_2407 : vector<16xi1>
      %and3A_2409 = arith.andi %ne3A_2408, %ne3A_2400 : vector<16xi1>
      %add3A_2410 = vector.broadcast %select_n3A_2395 : i32 to vector<16xi32>
      %add3A_2411 = arith.addi %rem3A_2397, %add3A_2410 : vector<16xi32>
      %select_n3A_2412 = arith.select %and3A_2409, %add3A_2411, %rem3A_2397 : vector<16xi1>, vector<16xi32>
      %jit3A_2413 = arith.constant 8 : i32
      %eq3A_2414 = arith.constant 0 : i32
      %eq3A_2415 = arith.cmpi eq, %jit3A_2413, %eq3A_2414 : i32
      %jit3A_2416 = arith.constant 1 : i32
      %select_n3A_2417 = arith.select %eq3A_2415, %jit3A_2416, %jit3A_2413 : i32
      %rem3A_2418 = vector.broadcast %select_n3A_2417 : i32 to vector<16xi32>
      %rem3A_2419 = arith.remsi %add3A_2258, %rem3A_2418 : vector<16xi32>
      %ne3A_2420 = arith.constant 0 : i32
      %ne3A_2421 = vector.broadcast %ne3A_2420 : i32 to vector<16xi32>
      %ne3A_2422 = arith.cmpi ne, %rem3A_2419, %ne3A_2421 : vector<16xi32>
      %lt3A_2423 = arith.constant 0 : i32
      %lt3A_2424 = vector.broadcast %lt3A_2423 : i32 to vector<16xi32>
      %lt3A_2425 = arith.cmpi slt, %rem3A_2419, %lt3A_2424 : vector<16xi32>
      %lt3A_2426 = arith.constant 0 : i32
      %lt3A_2427 = arith.cmpi slt, %select_n3A_2417, %lt3A_2426 : i32
      %ne3A_2428 = vector.broadcast %lt3A_2427 : i1 to vector<16xi1>
      %ne3A_2429 = vector.broadcast %ne3A_2428 : vector<16xi1> to vector<16xi1>
      %ne3A_2430 = arith.xori %lt3A_2425, %ne3A_2429 : vector<16xi1>
      %and3A_2431 = arith.andi %ne3A_2430, %ne3A_2422 : vector<16xi1>
      %add3A_2432 = vector.broadcast %select_n3A_2417 : i32 to vector<16xi32>
      %add3A_2433 = arith.addi %rem3A_2419, %add3A_2432 : vector<16xi32>
      %select_n3A_2434 = arith.select %and3A_2431, %add3A_2433, %rem3A_2419 : vector<16xi1>, vector<16xi32>
      %jit3A_2435 = arith.constant 8 : i32
      %eq3A_2436 = arith.constant 0 : i32
      %eq3A_2437 = arith.cmpi eq, %jit3A_2435, %eq3A_2436 : i32
      %jit3A_2438 = arith.constant 1 : i32
      %select_n3A_2439 = arith.select %eq3A_2437, %jit3A_2438, %jit3A_2435 : i32
      %rem3A_2440 = vector.broadcast %select_n3A_2439 : i32 to vector<16xi32>
      %rem3A_2441 = arith.remsi %add3A_2262, %rem3A_2440 : vector<16xi32>
      %ne3A_2442 = arith.constant 0 : i32
      %ne3A_2443 = vector.broadcast %ne3A_2442 : i32 to vector<16xi32>
      %ne3A_2444 = arith.cmpi ne, %rem3A_2441, %ne3A_2443 : vector<16xi32>
      %lt3A_2445 = arith.constant 0 : i32
      %lt3A_2446 = vector.broadcast %lt3A_2445 : i32 to vector<16xi32>
      %lt3A_2447 = arith.cmpi slt, %rem3A_2441, %lt3A_2446 : vector<16xi32>
      %lt3A_2448 = arith.constant 0 : i32
      %lt3A_2449 = arith.cmpi slt, %select_n3A_2439, %lt3A_2448 : i32
      %ne3A_2450 = vector.broadcast %lt3A_2449 : i1 to vector<16xi1>
      %ne3A_2451 = vector.broadcast %ne3A_2450 : vector<16xi1> to vector<16xi1>
      %ne3A_2452 = arith.xori %lt3A_2447, %ne3A_2451 : vector<16xi1>
      %and3A_2453 = arith.andi %ne3A_2452, %ne3A_2444 : vector<16xi1>
      %add3A_2454 = vector.broadcast %select_n3A_2439 : i32 to vector<16xi32>
      %add3A_2455 = arith.addi %rem3A_2441, %add3A_2454 : vector<16xi32>
      %select_n3A_2456 = arith.select %and3A_2453, %add3A_2455, %rem3A_2441 : vector<16xi1>, vector<16xi32>
      %jit3A_2457 = arith.constant 8 : i32
      %eq3A_2458 = arith.constant 0 : i32
      %eq3A_2459 = arith.cmpi eq, %jit3A_2457, %eq3A_2458 : i32
      %jit3A_2460 = arith.constant 1 : i32
      %select_n3A_2461 = arith.select %eq3A_2459, %jit3A_2460, %jit3A_2457 : i32
      %rem3A_2462 = vector.broadcast %select_n3A_2461 : i32 to vector<16xi32>
      %rem3A_2463 = arith.remsi %add3A_2266, %rem3A_2462 : vector<16xi32>
      %ne3A_2464 = arith.constant 0 : i32
      %ne3A_2465 = vector.broadcast %ne3A_2464 : i32 to vector<16xi32>
      %ne3A_2466 = arith.cmpi ne, %rem3A_2463, %ne3A_2465 : vector<16xi32>
      %lt3A_2467 = arith.constant 0 : i32
      %lt3A_2468 = vector.broadcast %lt3A_2467 : i32 to vector<16xi32>
      %lt3A_2469 = arith.cmpi slt, %rem3A_2463, %lt3A_2468 : vector<16xi32>
      %lt3A_2470 = arith.constant 0 : i32
      %lt3A_2471 = arith.cmpi slt, %select_n3A_2461, %lt3A_2470 : i32
      %ne3A_2472 = vector.broadcast %lt3A_2471 : i1 to vector<16xi1>
      %ne3A_2473 = vector.broadcast %ne3A_2472 : vector<16xi1> to vector<16xi1>
      %ne3A_2474 = arith.xori %lt3A_2469, %ne3A_2473 : vector<16xi1>
      %and3A_2475 = arith.andi %ne3A_2474, %ne3A_2466 : vector<16xi1>
      %add3A_2476 = vector.broadcast %select_n3A_2461 : i32 to vector<16xi32>
      %add3A_2477 = arith.addi %rem3A_2463, %add3A_2476 : vector<16xi32>
      %select_n3A_2478 = arith.select %and3A_2475, %add3A_2477, %rem3A_2463 : vector<16xi1>, vector<16xi32>
      %mul3A_2479 = arith.constant 64 : i32
      %mul3A_2480 = arith.muli %add3A_2224, %mul3A_2479 : i32
      %add3A_2481 = arith.constant 0 : i32
      %add3A_2482 = arith.addi %mul3A_2480, %add3A_2481 : i32
      %get3A_2483 = arith.index_cast %add3A_2482 : i32 to index
      %get3A_2484 = tpu.vector_load %arg7[%get3A_2483] {strides = array<i32>} : memref<12800xf32, #tpu.memory_space<vmem>>, vector<16xf32>,
      %mul3A_2485 = arith.constant 64 : i32
      %mul3A_2486 = arith.muli %add3A_2224, %mul3A_2485 : i32
      %add3A_2487 = arith.constant 16 : i32
      %add3A_2488 = arith.addi %mul3A_2486, %add3A_2487 : i32
      %get3A_2489 = arith.index_cast %add3A_2488 : i32 to index
      %get3A_2490 = tpu.vector_load %arg7[%get3A_2489] {strides = array<i32>} : memref<12800xf32, #tpu.memory_space<vmem>>, vector<16xf32>,
      %mul3A_2491 = arith.constant 64 : i32
      %mul3A_2492 = arith.muli %add3A_2224, %mul3A_2491 : i32
      %add3A_2493 = arith.constant 32 : i32
      %add3A_2494 = arith.addi %mul3A_2492, %add3A_2493 : i32
      %get3A_2495 = arith.index_cast %add3A_2494 : i32 to index
      %get3A_2496 = tpu.vector_load %arg7[%get3A_2495] {strides = array<i32>} : memref<12800xf32, #tpu.memory_space<vmem>>, vector<16xf32>,
      %mul3A_2497 = arith.constant 64 : i32
      %mul3A_2498 = arith.muli %add3A_2224, %mul3A_2497 : i32
      %add3A_2499 = arith.constant 48 : i32
      %add3A_2500 = arith.addi %mul3A_2498, %add3A_2499 : i32
      %get3A_2501 = arith.index_cast %add3A_2500 : i32 to index
      %get3A_2502 = tpu.vector_load %arg7[%get3A_2501] {strides = array<i32>} : memref<12800xf32, #tpu.memory_space<vmem>>, vector<16xf32>,
      %parallel_loop3A_2503 = arith.constant 0 : i32
      %parallel_loop3A_2504 = arith.constant 128 : i32
      %parallel_loop3A_2505 = arith.constant 1 : i32
      scf.for %parallel_loop3A_2533 = %parallel_loop3A_2503 to %parallel_loop3A_2504 step %parallel_loop3A_2505  : i32 {
        %parallel_loop3A_2534 = vector.broadcast %parallel_loop3A_2533 : i32 to vector<16xi32>
        %parallel_loop3A_2535 = arith.index_cast %parallel_loop3A_2533 : i32 to index
        %parallel_loop3A_2536 = arith.constant 0 : index
        %parallel_loop3A_2537 = tpu.vector_load %arg15[%parallel_loop3A_2535, %parallel_loop3A_2536] {strides = array<i32>} : memref<128x64xf32, #tpu.memory_space<vmem>>, vector<16xf32>,
        %parallel_loop3A_2538 = arith.addf %parallel_loop3A_2537, %get3A_2484 : vector<16xf32>
        tpu.vector_store_idx %arg17[%select_n3A_2297, %select_n3A_2412, %parallel_loop3A_2534], %parallel_loop3A_2538 : memref<8x8x129xf32, #tpu.memory_space<vmem>>[vector<16xi32>, vector<16xi32>, vector<16xi32>], vector<16xf32>,
        %parallel_loop3A_2539 = arith.index_cast %parallel_loop3A_2533 : i32 to index
        %parallel_loop3A_2540 = arith.constant 16 : index
        %parallel_loop3A_2541 = tpu.vector_load %arg15[%parallel_loop3A_2539, %parallel_loop3A_2540] {strides = array<i32>} : memref<128x64xf32, #tpu.memory_space<vmem>>, vector<16xf32>,
        %parallel_loop3A_2542 = arith.addf %parallel_loop3A_2541, %get3A_2490 : vector<16xf32>
        tpu.vector_store_idx %arg17[%select_n3A_2328, %select_n3A_2434, %parallel_loop3A_2534], %parallel_loop3A_2542 : memref<8x8x129xf32, #tpu.memory_space<vmem>>[vector<16xi32>, vector<16xi32>, vector<16xi32>], vector<16xf32>,
        %parallel_loop3A_2543 = arith.index_cast %parallel_loop3A_2533 : i32 to index
        %parallel_loop3A_2544 = arith.constant 32 : index
        %parallel_loop3A_2545 = tpu.vector_load %arg15[%parallel_loop3A_2543, %parallel_loop3A_2544] {strides = array<i32>} : memref<128x64xf32, #tpu.memory_space<vmem>>, vector<16xf32>,
        %parallel_loop3A_2546 = arith.addf %parallel_loop3A_2545, %get3A_2496 : vector<16xf32>
        tpu.vector_store_idx %arg17[%select_n3A_2359, %select_n3A_2456, %parallel_loop3A_2534], %parallel_loop3A_2546 : memref<8x8x129xf32, #tpu.memory_space<vmem>>[vector<16xi32>, vector<16xi32>, vector<16xi32>], vector<16xf32>,
        %parallel_loop3A_2547 = arith.index_cast %parallel_loop3A_2533 : i32 to index
        %parallel_loop3A_2548 = arith.constant 48 : index
        %parallel_loop3A_2549 = tpu.vector_load %arg15[%parallel_loop3A_2547, %parallel_loop3A_2548] {strides = array<i32>} : memref<128x64xf32, #tpu.memory_space<vmem>>, vector<16xf32>,
        %parallel_loop3A_2550 = arith.addf %parallel_loop3A_2549, %get3A_2502 : vector<16xf32>
        tpu.vector_store_idx %arg17[%select_n3A_2390, %select_n3A_2478, %parallel_loop3A_2534], %parallel_loop3A_2550 : memref<8x8x129xf32, #tpu.memory_space<vmem>>[vector<16xi32>, vector<16xi32>, vector<16xi32>], vector<16xf32>,
      } {sc.loop_unroll_factor = 4 : i64, sc.parallel_access}
      %sub3A_2506 = arith.constant 1 : i32
      %sub3A_2507 = arith.subi %add3A_2224, %sub3A_2506 : i32
      %dma_start3A_2508 = arith.constant 0 : i32
      %dma_start3A_2509 = arith.constant 0 : i32
      %dma_start3A_2510 = arith.constant 0 : i32
      %dma_start3A_2511 = tpu.memref_slice %arg16[%dma_start3A_2508, %dma_start3A_2509, %dma_start3A_2510] : memref<8x8x129xf32, #tpu.memory_space<vmem>> -> memref<8x8x128xf32, #tpu.memory_space<vmem>>
      %dma_start3A_2512 = arith.constant 0 : i32
      %dma_start3A_2513 = arith.constant 0 : i32
      %dma_start3A_2514 = arith.constant 0 : i32
      %dma_start3A_2515 = tpu.memref_slice %arg5[%sub3A_2507, %dma_start3A_2512, %add3A, %dma_start3A_2513, %dma_start3A_2514] : memref<200x8x32x8x128xf32, #tpu.memory_space<hbm>> -> memref<1x8x1x8x128xf32, #tpu.memory_space<hbm>>
      %dma_start3A_2516 = tpu.memref_squeeze %dma_start3A_2515 : memref<1x8x1x8x128xf32, #tpu.memory_space<hbm>> -> memref<8x8x128xf32, #tpu.memory_space<hbm>>
      %dma_start3A_2517 = arith.constant 0 : i32
      %dma_start3A_2518 = arith.constant 0 : i32
      %dma_start3A_2519 = arith.constant 0 : i32
      %dma_start3A_2520 = tpu.memref_slice %arg5[%sub3A_2507, %dma_start3A_2517, %add3A, %dma_start3A_2518, %dma_start3A_2519] : memref<200x8x32x8x128xf32, #tpu.memory_space<hbm>> -> memref<1x8x1x8x128xf32, #tpu.memory_space<hbm>>
      %dma_start3A_2521 = tpu.memref_squeeze %dma_start3A_2520 : memref<1x8x1x8x128xf32, #tpu.memory_space<hbm>> -> memref<8x8x128xf32, #tpu.memory_space<hbm>>
      %dma_start3A_2522 = arith.constant 0 : i32
      %dma_start3A_2523 = arith.constant 0 : i32
      %dma_start3A_2524 = arith.constant 0 : i32
      %dma_start3A_2525 = tpu.memref_slice %arg16[%dma_start3A_2522, %dma_start3A_2523, %dma_start3A_2524] : memref<8x8x129xf32, #tpu.memory_space<vmem>> -> memref<8x8x128xf32, #tpu.memory_space<vmem>>
      tpu.enqueue_dma source(%dma_start3A_2525 : memref<8x8x128xf32, #tpu.memory_space<vmem>>) target(%dma_start3A_2521 : memref<8x8x128xf32, #tpu.memory_space<hbm>>) target_semaphore(%arg26 : memref<!tpu.dma_semaphore, #tpu.memory_space<semaphore_mem>>)
      %add3A_2526 = arith.constant 4 : i32
      %add3A_2527 = arith.addi %add3A_2224, %add3A_2526 : i32
      %lt3A_2528 = arith.constant 200 : i32
      %lt3A_2529 = arith.cmpi slt, %add3A_2527, %lt3A_2528 : i32
      %convert_element_type3A_2530 = arith.extui %lt3A_2529 : i1 to i32
      %cond3A_2531 = arith.constant 0 : i32
      %cond3A_2532 = arith.cmpi ne, %convert_element_type3A_2530, %cond3A_2531 : i32
      scf.if %cond3A_2532 {
        %add3A_2533 = arith.constant 4 : i32
        %add3A_2534 = arith.addi %add3A_2224, %add3A_2533 : i32
        %jit3A_2535 = arith.constant 8 : i32
        %div3A_2536 = arith.divsi %add3A_2534, %jit3A_2535 : i32
        %sign3A_2537 = arith.constant 0 : i32
        %sign3A_2538 = arith.cmpi sgt, %add3A_2534, %sign3A_2537 : i32
        %sign3A_2539 = arith.extui %sign3A_2538 : i1 to i32
        %sign3A_2540 = arith.constant 0 : i32
        %sign3A_2541 = arith.cmpi slt, %add3A_2534, %sign3A_2540 : i32
        %sign3A_2542 = arith.extui %sign3A_2541 : i1 to i32
        %sign3A_2543 = arith.subi %sign3A_2539, %sign3A_2542 : i32
        %sign3A_2544 = arith.constant 0 : i32
        %sign3A_2545 = arith.cmpi sgt, %jit3A_2535, %sign3A_2544 : i32
        %sign3A_2546 = arith.extui %sign3A_2545 : i1 to i32
        %sign3A_2547 = arith.constant 0 : i32
        %sign3A_2548 = arith.cmpi slt, %jit3A_2535, %sign3A_2547 : i32
        %sign3A_2549 = arith.extui %sign3A_2548 : i1 to i32
        %sign3A_2550 = arith.subi %sign3A_2546, %sign3A_2549 : i32
        %ne3A_2551 = arith.cmpi ne, %sign3A_2543, %sign3A_2550 : i32
        %rem3A_2552 = arith.remsi %add3A_2534, %jit3A_2535 : i32
        %ne3A_2553 = arith.constant 0 : i32
        %ne3A_2554 = arith.cmpi ne, %rem3A_2552, %ne3A_2553 : i32
        %and3A_2555 = arith.andi %ne3A_2551, %ne3A_2554 : i1
        %sub3A_2556 = arith.constant 1 : i32
        %sub3A_2557 = arith.subi %div3A_2536, %sub3A_2556 : i32
        %select_n3A_2558 = arith.select %and3A_2555, %sub3A_2557, %div3A_2536 : i32
        %jit3A_2559 = arith.constant 8 : i32
        %eq3A_2560 = arith.constant 0 : i32
        %eq3A_2561 = arith.cmpi eq, %jit3A_2559, %eq3A_2560 : i32
        %jit3A_2562 = arith.constant 1 : i32
        %select_n3A_2563 = arith.select %eq3A_2561, %jit3A_2562, %jit3A_2559 : i32
        %rem3A_2564 = arith.remsi %add3A_2534, %select_n3A_2563 : i32
        %ne3A_2565 = arith.constant 0 : i32
        %ne3A_2566 = arith.cmpi ne, %rem3A_2564, %ne3A_2565 : i32
        %lt3A_2567 = arith.constant 0 : i32
        %lt3A_2568 = arith.cmpi slt, %rem3A_2564, %lt3A_2567 : i32
        %lt3A_2569 = arith.constant 0 : i32
        %lt3A_2570 = arith.cmpi slt, %select_n3A_2563, %lt3A_2569 : i32
        %ne3A_2571 = arith.xori %lt3A_2568, %lt3A_2570 : i1
        %and3A_2572 = arith.andi %ne3A_2571, %ne3A_2566 : i1
        %add3A_2573 = arith.addi %rem3A_2564, %select_n3A_2563 : i32
        %select_n3A_2574 = arith.select %and3A_2572, %add3A_2573, %rem3A_2564 : i32
        %dma_start3A_2575 = arith.constant 0 : i32
        %dma_start3A_2576 = tpu.memref_slice %arg6[%select_n3A_2558, %select_n3A_2574, %dma_start3A_2575] : memref<25x8x128xi32, #tpu.memory_space<vmem>> -> memref<1x1x128xi32, #tpu.memory_space<vmem>>
        %dma_start3A_2577 = tpu.memref_squeeze %dma_start3A_2576 : memref<1x1x128xi32, #tpu.memory_space<vmem>> -> memref<128xi32, #tpu.memory_space<vmem>>
        %dma_start3A_2578 = arith.constant 0 : i32
        %dma_start3A_2579 = arith.constant 0 : i32
        %dma_start3A_2580 = tpu.memref_slice %arg3[%dma_start3A_2578, %dma_start3A_2579] : memref<1000000x64xf32, #tpu.memory_space<hbm>> -> memref<1000000x64xf32, #tpu.memory_space<hbm>>
        tpu.enqueue_indirect_dma source(%dma_start3A_2580 : memref<1000000x64xf32, #tpu.memory_space<hbm>>) target(%arg11 : memref<128x64xf32, #tpu.memory_space<vmem>>) offsets(%dma_start3A_2577 : memref<128xi32, #tpu.memory_space<vmem>>) semaphore(%arg21 : memref<!tpu.dma_semaphore, #tpu.memory_space<semaphore_mem>>)
      } else {
      }
    }
    %scan3A_38 = arith.constant 25 : i32
    %dma_start3A_39 = arith.constant 199 : i32
    %dma_start3A_40 = arith.constant 0 : i32
    %dma_start3A_41 = arith.constant 0 : i32
    %dma_start3A_42 = arith.constant 0 : i32
    %dma_start3A_43 = tpu.memref_slice %arg17[%dma_start3A_40, %dma_start3A_41, %dma_start3A_42] : memref<8x8x129xf32, #tpu.memory_space<vmem>> -> memref<8x8x128xf32, #tpu.memory_space<vmem>>
    %dma_start3A_44 = arith.constant 0 : i32
    %dma_start3A_45 = arith.constant 0 : i32
    %dma_start3A_46 = arith.constant 0 : i32
    %dma_start3A_47 = tpu.memref_slice %arg5[%dma_start3A_39, %dma_start3A_44, %add3A, %dma_start3A_45, %dma_start3A_46] : memref<200x8x32x8x128xf32, #tpu.memory_space<hbm>> -> memref<1x8x1x8x128xf32, #tpu.memory_space<hbm>>
    %dma_start3A_48 = tpu.memref_squeeze %dma_start3A_47 : memref<1x8x1x8x128xf32, #tpu.memory_space<hbm>> -> memref<8x8x128xf32, #tpu.memory_space<hbm>>
    %dma_start3A_49 = arith.constant 0 : i32
    %dma_start3A_50 = arith.constant 0 : i32
    %dma_start3A_51 = arith.constant 0 : i32
    %dma_start3A_52 = tpu.memref_slice %arg5[%dma_start3A_39, %dma_start3A_49, %add3A, %dma_start3A_50, %dma_start3A_51] : memref<200x8x32x8x128xf32, #tpu.memory_space<hbm>> -> memref<1x8x1x8x128xf32, #tpu.memory_space<hbm>>
    %dma_start3A_53 = tpu.memref_squeeze %dma_start3A_52 : memref<1x8x1x8x128xf32, #tpu.memory_space<hbm>> -> memref<8x8x128xf32, #tpu.memory_space<hbm>>
    %dma_start3A_54 = arith.constant 0 : i32
    %dma_start3A_55 = arith.constant 0 : i32
    %dma_start3A_56 = arith.constant 0 : i32
    %dma_start3A_57 = tpu.memref_slice %arg17[%dma_start3A_54, %dma_start3A_55, %dma_start3A_56] : memref<8x8x129xf32, #tpu.memory_space<vmem>> -> memref<8x8x128xf32, #tpu.memory_space<vmem>>
    tpu.enqueue_dma source(%dma_start3A_57 : memref<8x8x128xf32, #tpu.memory_space<vmem>>) target(%dma_start3A_53 : memref<8x8x128xf32, #tpu.memory_space<hbm>>) target_semaphore(%arg27 : memref<!tpu.dma_semaphore, #tpu.memory_space<semaphore_mem>>)
    %dma_wait3A = arith.constant 0 : i32
    %dma_wait3A_58 = arith.constant 0 : i32
    %dma_wait3A_59 = arith.constant 0 : i32
    %dma_wait3A_60 = arith.constant 0 : i32
    %dma_wait3A_61 = arith.constant 0 : i32
    %dma_wait3A_62 = tpu.memref_slice %arg16[%dma_wait3A_59, %dma_wait3A_60, %dma_wait3A_61] : memref<8x8x129xf32, #tpu.memory_space<vmem>> -> memref<8x8x128xf32, #tpu.memory_space<vmem>>
    %dma_wait3A_63 = arith.constant 0 : i32
    %dma_wait3A_64 = arith.constant 0 : i32
    %dma_wait3A_65 = arith.constant 0 : i32
    %dma_wait3A_66 = tpu.memref_slice %arg5[%dma_wait3A, %dma_wait3A_63, %dma_wait3A_58, %dma_wait3A_64, %dma_wait3A_65] : memref<200x8x32x8x128xf32, #tpu.memory_space<hbm>> -> memref<1x8x1x8x128xf32, #tpu.memory_space<hbm>>
    %dma_wait3A_67 = tpu.memref_squeeze %dma_wait3A_66 : memref<1x8x1x8x128xf32, #tpu.memory_space<hbm>> -> memref<8x8x128xf32, #tpu.memory_space<hbm>>
    %dma_wait3A_68 = arith.constant 0 : i32
    %dma_wait3A_69 = arith.constant 0 : i32
    %dma_wait3A_70 = arith.constant 0 : i32
    %dma_wait3A_71 = tpu.memref_slice %arg5[%dma_wait3A, %dma_wait3A_68, %dma_wait3A_58, %dma_wait3A_69, %dma_wait3A_70] : memref<200x8x32x8x128xf32, #tpu.memory_space<hbm>> -> memref<1x8x1x8x128xf32, #tpu.memory_space<hbm>>
    %dma_wait3A_72 = tpu.memref_squeeze %dma_wait3A_71 : memref<1x8x1x8x128xf32, #tpu.memory_space<hbm>> -> memref<8x8x128xf32, #tpu.memory_space<hbm>>
    %dma_wait3A_73 = arith.constant 0 : i32
    %dma_wait3A_74 = arith.constant 0 : i32
    %dma_wait3A_75 = arith.constant 0 : i32
    %dma_wait3A_76 = tpu.memref_slice %arg16[%dma_wait3A_73, %dma_wait3A_74, %dma_wait3A_75] : memref<8x8x129xf32, #tpu.memory_space<vmem>> -> memref<8x8x128xf32, #tpu.memory_space<vmem>>
    tpu.wait_dma2 semaphore(%arg26 : memref<!tpu.dma_semaphore, #tpu.memory_space<semaphore_mem>>) src(%dma_wait3A_76 : memref<8x8x128xf32, #tpu.memory_space<vmem>>) dst(%dma_wait3A_72 : memref<8x8x128xf32, #tpu.memory_space<hbm>>)
    %dma_wait3A_77 = arith.constant 0 : i32
    %dma_wait3A_78 = arith.constant 0 : i32
    %dma_wait3A_79 = arith.constant 0 : i32
    %dma_wait3A_80 = arith.constant 0 : i32
    %dma_wait3A_81 = arith.constant 0 : i32
    %dma_wait3A_82 = tpu.memref_slice %arg17[%dma_wait3A_79, %dma_wait3A_80, %dma_wait3A_81] : memref<8x8x129xf32, #tpu.memory_space<vmem>> -> memref<8x8x128xf32, #tpu.memory_space<vmem>>
    %dma_wait3A_83 = arith.constant 0 : i32
    %dma_wait3A_84 = arith.constant 0 : i32
    %dma_wait3A_85 = arith.constant 0 : i32
    %dma_wait3A_86 = tpu.memref_slice %arg5[%dma_wait3A_77, %dma_wait3A_83, %dma_wait3A_78, %dma_wait3A_84, %dma_wait3A_85] : memref<200x8x32x8x128xf32, #tpu.memory_space<hbm>> -> memref<1x8x1x8x128xf32, #tpu.memory_space<hbm>>
    %dma_wait3A_87 = tpu.memref_squeeze %dma_wait3A_86 : memref<1x8x1x8x128xf32, #tpu.memory_space<hbm>> -> memref<8x8x128xf32, #tpu.memory_space<hbm>>
    %dma_wait3A_88 = arith.constant 0 : i32
    %dma_wait3A_89 = arith.constant 0 : i32
    %dma_wait3A_90 = arith.constant 0 : i32
    %dma_wait3A_91 = tpu.memref_slice %arg5[%dma_wait3A_77, %dma_wait3A_88, %dma_wait3A_78, %dma_wait3A_89, %dma_wait3A_90] : memref<200x8x32x8x128xf32, #tpu.memory_space<hbm>> -> memref<1x8x1x8x128xf32, #tpu.memory_space<hbm>>
    %dma_wait3A_92 = tpu.memref_squeeze %dma_wait3A_91 : memref<1x8x1x8x128xf32, #tpu.memory_space<hbm>> -> memref<8x8x128xf32, #tpu.memory_space<hbm>>
    %dma_wait3A_93 = arith.constant 0 : i32
    %dma_wait3A_94 = arith.constant 0 : i32
    %dma_wait3A_95 = arith.constant 0 : i32
    %dma_wait3A_96 = tpu.memref_slice %arg17[%dma_wait3A_93, %dma_wait3A_94, %dma_wait3A_95] : memref<8x8x129xf32, #tpu.memory_space<vmem>> -> memref<8x8x128xf32, #tpu.memory_space<vmem>>
    tpu.wait_dma2 semaphore(%arg27 : memref<!tpu.dma_semaphore, #tpu.memory_space<semaphore_mem>>) src(%dma_wait3A_96 : memref<8x8x128xf32, #tpu.memory_space<vmem>>) dst(%dma_wait3A_92 : memref<8x8x128xf32, #tpu.memory_space<hbm>>)
    return
  }
}

</mosaic_0001>

<sc_bundles>
// kernel: embed_gather.3.cloned.1.call-start
scs
__scs_entry_jumppad:
0x0: {  	(pc) =	sbr.rel $0x88, $3  }
0x1: {  	(tag) =	ssettag $0x0;
	lr =	simm.s32 $0x1  }
0x2: {  	[smem:$0x3F9E] =	sst lr;
	_ =	strace $0xD0000000  }
0x3: {  	_ = 	snop  }
0x4: {  	_ = 	snop  }
0x5: {  	_ = 	snop  }
0x6: {  	_ = 	snop  }
0x7: {  	_ = 	snop  }
__scs_overlays_trampoline_lowered:
0x8: {  	[smem:$0x3FAD] =	sst s0  }
0x9: {  	[smem:$0x3FAE] =	sst s1  }
0xa: {  	[smem:$0x3FAF] =	sst s2  }
0xb: {  	[smem:$0x3FB0] =	sst s3  }
0xc: {  	[smem:$0x3FB1] =	sst s4  }
0xd: {  	[smem:$0x3FB2] =	sst s5  }
0xe: {  	[smem:$0x3FB3] =	sst s6  }
0xf: {  	[smem:$0x3FB4] =	sst s7  }
0x10: {  	[smem:$0x3FB5] =	sst s8  }
0x11: {  	[smem:$0x3FB6] =	sst s9;
	s0 =	simm.s32 @!p0 $0x0  }
0x12: {  	s1 =	sld [smem:$0x3F9C];
	s0 =	simm.s32 @p0 $0x1  }
0x13: {  	[smem:$0x3FB7] =	sst s0;
	s0 =	simm.s32 @!p1 $0x0  }
0x14: {  	s2 =	sld [smem:$0x3F9B];
	s0 =	simm.s32 @p1 $0x1  }
0x15: {  	[smem:$0x3FB8] =	sst s0;
	s0 =	simm.s32 @!p2 $0x0  }
0x16: {  	s3 =	sld [smem:$0x3FDB];
	s0 =	simm.s32 @p2 $0x1  }
0x17: {  	s4 =	simm.s32 $0x1BF5;
	[smem:$0x3FBA] =	sst s0  }
0x18: {  	s0 =	sld [smem:$0x3F9D];
	_ =	swait.ge [sflag:s4], $0x0  }
0x19: {  	s7 =	sld [smem:$0x3F9E]  }
0x1a: {  	s8 =	sadd.s32 $0xFFFFE003, lr  }
0x1b: {  	s9 =	sadd.s32 $0xFFFFFEF7, lr;
	s5 =	simm.s32 $0xFFFFFFFF;
	p2 =	slt.u32 s8, $0xFFFFF086  }
0x1c: {  	p1 =	slt.u32 s9, $0xF7A;
	s5 =	simm.s32 @!p2 $0x0  }
0x1d: {  	s5 =	simm.s32 @p1 $0x1;
	p0 =	seq.s32 s7, s2  }
0x1e: {  	s7 =	smul.u32 @!p0 $0xF7A, s2;
	p2 =	seq.s32 @!p0 s5, $0x0  }
0x1f: {  	s9 =	smul.u32 $0xF7A, s1;
	s8 =	simm.s32 @!p0 $0x1BF5;
	p2 =	por !p2, p0  }
0x20: {  	[sflag:s8] =	ssyncset.s32 @!p0 $0xFFFFF086;
	s6 =	sadd.s32 @!p0 s3, s7;
	s7 =	simm.s32 @!p0 $0x108  }
0x21: {  	s3 =	sadd.s32 s3, s9;
	s6 =	sadd.s32 @!p0 $0x88, s6;
	s7 =	simm.s32 @p2 $0x1082  }
0x22: {  	[simem:s7], [sflag:s8] =	dma.local @!p0 [hbm:s6], $0xF7A  }
0x23: {  	s9 =	sor.u32 $0xD0000000, s2;
	s6 =	simm.s32 $0x108;
	_ =	swait.ge @!p0 [sflag:s8], $0x0  }
0x24: {  	s3 =	sadd.s32 $0x88, s3;
	s6 =	simm.s32 @!p1 $0x1082;
	[sflag:s4] =	ssyncset.s32 $0xFFFFF086  }
0x25: {  	[simem:s6], [sflag:s4] =	dma.local [hbm:s3], $0xF7A  }
0x26: {  	[smem:$0x3F9E] =	sst s1;
	(tag) =	ssettag s2;
	_ =	strace s9  }
0x27: {  	s1 =	sld [smem:$0x3FAE]  }
0x28: {  	s2 =	sld [smem:$0x3FAF]  }
0x29: {  	s4 =	sld [smem:$0x3FB1]  }
0x2a: {  	p0 =	seq.s32 s5, $0x0;
	s5 =	sld [smem:$0x3FB2]  }
0x2b: {  	s6 =	sld [smem:$0x3FB3]  }
0x2c: {  	s7 =	sld [smem:$0x3FB4]  }
0x2d: {  	s3 =	simm.s32 $0x108;
	s8 =	sld [smem:$0x3FB5]  }
0x2e: {  	s3 =	simm.s32 @!p0 $0x1082;
	s9 =	sld [smem:$0x3FB6]  }
0x2f: {  	lr =	sadd.s32 s0, s3;
	s0 =	sld [smem:$0x3FAD]  }
0x30: {  	s3 =	sld [smem:$0x3FB0]  }
0x31: {  	[smem:$0x3FB9] =	sst s10  }
0x32: {  	s10 =	sld [smem:$0x3FB7];
	_ =	sdelay $0x3  }
0x33: {  	p0 =	seq.s32 s10, $0x1;
	s10 =	sld [smem:$0x3FB9];
	_ =	sdelay $0x3  }
0x34: {  	[smem:$0x3FB9] =	sst s10  }
0x35: {  	s10 =	sld [smem:$0x3FB8];
	_ =	sdelay $0x3  }
0x36: {  	p1 =	seq.s32 s10, $0x1;
	s10 =	sld [smem:$0x3FB9];
	_ =	sdelay $0x3  }
0x37: {  	[smem:$0x3FB9] =	sst s10  }
0x38: {  	s10 =	sld [smem:$0x3FBA]  }
0x39: {  	_ = 	snop;
	(pc) =	sbr.ind lr, $3  }
0x3a: {  	_ = 	snop  }
0x3b: {  	_ = 	snop  }
0x3c: {  	p2 =	seq.s32 s10, $0x1;
	s10 =	sld [smem:$0x3FB9]  }
0x3d: {  	_ =	shalt  }
0x3e: {  	_ =	shalt  }
0x3f: {  	_ =	shalt  }
0x40: {  	_ =	shalt  }
0x41: {  	_ =	shalt  }
0x42: {  	_ =	shalt  }
0x43: {  	_ =	shalt  }
0x44: {  	_ =	shalt  }
0x45: {  	_ =	shalt  }
0x46: {  	_ =	shalt  }
0x47: {  	_ =	shalt  }
0x48: {  	_ =	shalt  }
0x49: {  	_ =	shalt  }
0x4a: {  	_ =	shalt  }
0x4b: {  	_ =	shalt  }
0x4c: {  	_ =	shalt  }
0x4d: {  	_ =	shalt  }
0x4e: {  	_ =	shalt  }
0x4f: {  	_ =	shalt  }
0x50: {  	_ =	shalt  }
0x51: {  	_ =	shalt  }
0x52: {  	_ =	shalt  }
0x53: {  	_ =	shalt  }
0x54: {  	_ =	shalt  }
0x55: {  	_ =	shalt  }
0x56: {  	_ =	shalt  }
0x57: {  	_ =	shalt  }
0x58: {  	_ =	shalt  }
0x59: {  	_ =	shalt  }
0x5a: {  	_ =	shalt  }
0x5b: {  	_ =	shalt  }
0x5c: {  	_ =	shalt  }
0x5d: {  	_ =	shalt  }
0x5e: {  	_ =	shalt  }
0x5f: {  	_ =	shalt  }
0x60: {  	_ =	shalt  }
0x61: {  	_ =	shalt  }
0x62: {  	_ =	shalt  }
0x63: {  	_ =	shalt  }
0x64: {  	_ =	shalt  }
0x65: {  	_ =	shalt  }
0x66: {  	_ =	shalt  }
0x67: {  	_ =	shalt  }
0x68: {  	_ =	shalt  }
0x69: {  	_ =	shalt  }
0x6a: {  	_ =	shalt  }
0x6b: {  	_ =	shalt  }
0x6c: {  	_ =	shalt  }
0x6d: {  	_ =	shalt  }
0x6e: {  	_ =	shalt  }
0x6f: {  	_ =	shalt  }
0x70: {  	_ =	shalt  }
0x71: {  	_ =	shalt  }
0x72: {  	_ =	shalt  }
0x73: {  	_ =	shalt  }
0x74: {  	_ =	shalt  }
0x75: {  	_ =	shalt  }
0x76: {  	_ =	shalt  }
0x77: {  	_ =	shalt  }
0x78: {  	_ =	shalt  }
0x79: {  	_ =	shalt  }
0x7a: {  	_ =	shalt  }
0x7b: {  	_ =	shalt  }
0x7c: {  	_ =	shalt  }
0x7d: {  	_ =	shalt  }
0x7e: {  	_ =	shalt  }
0x7f: {  	_ =	shalt  }
0x80: {  	_ =	shalt  }
0x81: {  	_ =	shalt  }
0x82: {  	_ =	shalt  }
0x83: {  	_ =	shalt  }
0x84: {  	_ =	shalt  }
0x85: {  	_ =	shalt  }
0x86: {  	_ =	shalt  }
0x87: {  	_ =	shalt  }
.Lfunc_end0:
.L_simem_size_0:
called_computation_lowered:
.L_overlay_start_0:
0x88: {  	s2 =	sld [smem:$0x3FD9]  }
0x89: {  	s3 =	sld [smem:$0x3FFE];
	_ =	sdelay $0x1  }
0x8a: {  	s1 =	srdreg.scid  }
0x8b: {  	s0 =	sand.u32 $0x1, s1  }
0x8c: {  	s17 =	sshll.u32 s0, $0xA;
	s2 =	sadd.s32 s3, s2  }
0x8d: {  	s2 =	sadd.s32 s2, s17  }
0x8e: {  	[smem:$0x3FC5] =	sst s2  }
0x8f: {  	_ = 	snop  }
0x90: {  	s2 =	sld [smem:$0x3FC9]  }
0x91: {  	s18 =	sld [smem:$0x3FD0];
	(tm) =	ssettm $0x1  }
0x92: {  	s4 =	sld [smem:$0x3FFB];
	_ =	sdelay $0x3  }
0x93: {  	_ =	strace s4  }
0x94: {  	s4 =	sld [smem:$0x3FFC];
	_ =	sdelay $0x3  }
0x95: {  	_ =	strace s4  }
0x96: {  	s4 =	sld [smem:$0x3FFD];
	_ =	sdelay $0x3  }
0x97: {  	_ =	strace s4  }
0x98: {  	_ =	strace $0x8FFFFFFF  }
0x99: {  	s19 =	sld [smem:$0x3FDB];
	_ =	sdelay $0x1  }
0x9a: {  	s5 =	simm.s32 $_scs_section_size  }
0x9b: {  	s6 =	simm.s32 $_size__tile_overlayer_lowered;
	s7 =	simm.s32 $_tile_overlayer_lowered  }
0x9c: {  	s22 =	simm.s32 $0x1BFF;
	s21 =	sshll.u32 s7, $0x1;
	s4 =	sadd.s32 s5, s19  }
0x9d: {  	s8 =	simm.s32 $0x0;
	s20 =	sshll.u32 s6, $0x1;
	s6 =	sadd.s32 s21, s4  }
0x9e: {  	[timem:s8], [sflag:s22] =	dma.local [hbm:s6], s20  }
0x9f: {  	_ =	swait.ge [sflag:s22], s20  }
0xa0: {  	s5 =	ssub.s32 $0x0, s20;
	[sflag:s22] =	ssyncset.done $0x0  }
0xa1: {  	[sflag:s22] =	ssyncadd.s32 s5;
	_ =	sdelay $0x1  }
0xa2: {  	s23 =	simm.s32 $0x1B8B  }
0xa3: {  	_ =	swait.ge [sflag:s23], $0x1  }
0xa4: {  	[sflag:s23] =	ssyncset.done $0x0  }
0xa5: {  	s25 =	simm.s32 $0x1B8E;
	s24 =	sld [smem:$0x3FFE];
	[sflag:s23] =	ssyncadd.s32 $0xFFFFFFFF  }
0xa6: {  	s26 =	simm.s32 $execute0_lowered;
	[smem:$0x3FD2] =	sst s25  }
0xa7: {  	s6 =	sshll.u32 s26, $0x1;
	_ =	strace $0x80000046;
	[dreg:$0x1] =	wrdreg $0xFFFFFFFF  }
0xa8: {  	s28 =	simm.s32 $_size_execute0_lowered;
	s4 =	sadd.s32 s4, s6;
	[dreg:$0x0] =	wrdreg $0x0  }
0xa9: {  	s6 =	sshll.u32 s28, $0x1;
	[dreg:$0x2] =	wrdreg s4  }
0xaa: {  	[dreg:$0x3] =	wrdreg s6  }
0xab: {  	[dreg:$0x4] =	wrdreg $0xC0  }
0xac: {  	_ =	task [dreg:s8], $0x5FFFF  }
0xad: {  	[dreg:$0x1] =	wrdreg $0xFFFFFFFF  }
0xae: {  	[dreg:$0x0] =	wrdreg $0x60  }
0xaf: {  	[dreg:$0x2] =	wrdreg s2  }
0xb0: {  	[dreg:$0x3] =	wrdreg s24  }
0xb1: {  	[dreg:$0x4] =	wrdreg s18  }
0xb2: {  	[dreg:$0x5] =	wrdreg $0x9  }
0xb3: {  	_ =	task.clear_ibuf [dreg:s8], $0x6FFFF;
	_ =	strace $0x90000046  }
0xb4: {  	s29 =	simm.s32 $0x9;
	_ =	strace $0x80000048  }
0xb5: {  	_ =	swait.ge [sflag:s29], $0x1  }
0xb6: {  	[sflag:s29] =	ssyncadd.s32 $0xFFFFFFFF  }
0xb7: {  	_ =	strace $0x90000048  }
0xb8: {  	_ =	sfence  }
0xb9: {  	s30 =	sld [smem:$0x0];
	_ =	sdelay $0x2  }
0xba: {  	s31 =	sshll.u32 s1, $0xD;
	s1 =	sshrl.u32 s1, $0x2  }
0xbb: {  	s3 =	sand.u32 $0x4000, s31;
	s1 =	sadd.s32 s1, s30  }
0xbc: {  	s0 =	sor.u32 s3, s0;
	s1 =	sshll.u32 s1, $0x11  }
0xbd: {  	s0 =	sor.u32 s1, s0  }
0xbe: {  	s0 =	sadd.s32 $0x8F2B, s0  }
0xbf: {  	[sflag:s0] =	ssyncadd.remote.s32 $0x1  }
0xc0: {  	_ =	sfence.sel $0xFFFF  }
0xc1: {  	[dreg:$0x0] =	wrdreg $0xFFFFFFFF;
	(pc) =	sbr.abs _section_cstart, $3  }
0xc2: {  	[dreg:$0x1] =	wrdreg $0xFFFFFFFF  }
0xc3: {  	_ =	task.clear_ibuf [dreg:s8], $0x2FFFF;
	_ =	strace $0x9FFFFFFF  }
0xc4: {  	(tm) =	ssettm $0x7FFFFFFF  }
0xc5: {  	_ =	shalt  }
tec
execute0_lowered:
.L_overlay_start_1:
0x0: {  	(tag) =	ssettag $0x1  }
0x1: {  	s0 =	rddreg [dreg:$0x0]  }
0x2: {  	s2 =	rddreg [dreg:$0x1]  }
0x3: {  	s1 =	rddreg [dreg:$0x2]  }
0x4: {  	s3 =	simm.s32 $0x0;
	s4 =	srdreg.scid;
	s5 =	stileid.u32  }
0x5: {  	s15 =	simm.s32 $0x80;
	s22 =	simm.s32 $0x1;
	s23 =	simm.s32 $0x19600  }
0x6: {  	s29 =	simm.s32 $0x3;
	s30 =	simm.s32 $0x9;
	s11 =	simm.s32 $0x17600  }
0x7: {  	s13 =	simm.s32 $0x5;
	s14 =	simm.s32 $0x6;
	s16 =	simm.s32 $0x7  }
0x8: {  	s17 =	simm.s32 $0x8;
	[smem:$0x7FF] =	sst s3;
	s4 =	sand.u32 $0x1, s4  }
0x9: {  	s5 =	sshll.u32 s5, $0xB;
	_ =	strace $0x80000047;
	s6 =	ssub.s32 $0x2, s4  }
0xa: {  	s7 =	sshll.u32 s4, $0xA;
	s4 =	sadd.s32 $0xF42A00, s2;
	s2 =	sadd.s32 $0x600, s2  }
0xb: {  	s8 =	sshrl.u32 s6, $0x1;
	s5 =	sor.u32 s7, s5;
	[dreg:$0x4] =	wrdreg s2  }
0xc: {  	s2 =	simm.s32 $0xA;
	s7 =	simm.s32 $0x0;
	s26 =	sshrl.u32 s5, $0x3  }
0xd: {  	v0 =	vlaneseq.u32;
	s25 =	ssub.s32 s6, s8;
	s8 =	sor.u32 $0xFFFC0000, s5;
	s0 =	sadd.s32 s0, s26  }
0xe: {  	v0 =	vmul.u32 $0x88, v0;
	s28 =	sadd.s32 s26, s1;
	s31 =	smax.u32 s25, $0x1;
	[dreg:$0x5] =	wrdreg s0  }
0xf: {  	s25 =	simm.s32 $0x2;
	s0 =	sadd.s32 $0x638000, s28;
	[dreg:$0x7] =	wrdreg s31  }
0x10: {  	v1 =	vadd.s32 $0x880, v0;
	v2 =	vadd.s32 $0x1100, v0;
	v3 =	vadd.s32 $0x1980, v0;
	s26 =	simm.s32 $0x1B800;
	[dreg:$0x6] =	wrdreg s0;
	s0 =	simm.s32 $0x4  }
.LBB2_1:
0x11: {  	[dreg:$0x8] =	wrdreg s7  }
0x12: {  	s6 =	rddreg [dreg:$0x4];
	s10 =	simm.s32 $0x6400;
	s12 =	simm.s32 $0xB  }
0x13: {  	[tilespmem:s10], [sflag:$0xB] =	stream.linear.gather [hbm4b:s6+s3], $0x3200, $0x38;
	[tilespmem:$0x1DA00] =	vst v63  }
0x14: {  	_ =	swait.ge [sflag:s12], $0x3200  }
0x15: {  	s9 =	simm.s32 $0x400;
	[sflag:s12] =	ssyncset.done $0x0  }
0x16: {  	s10 =	simm.s32 $0x8000;
	s18 =	rddreg [dreg:$0x5];
	[sflag:s12] =	ssyncadd.s32 $0xFFFFCE00  }
0x17: {  	[tilespmem:s3], [sflag:$0xB] =	stream.strided.gather [hbm4b:s18+s9], $0x6400, s10, s9, $0x38;
	[tilespmem:$0x1DA00] =	vst v63  }
0x18: {  	_ =	swait.ge [sflag:s12], $0x6400  }
0x19: {  	[sflag:s12] =	ssyncset.done $0x0  }
0x1a: {  	s19 =	simm.s32 $0x9600;
	[sflag:s12] =	ssyncadd.s32 $0xFFFF9C00  }
0x1b: {  	[tilespmem:s19], [sflag:$0x1] =	stream.indirect.gather [hbm4b:s4+s15], $0x40, s3, s15, $0xb8;
	[tilespmem:$0x1DA00] =	vst v63  }
0x1c: {  	s20 =	simm.s32 $0xB600  }
0x1d: {  	[tilespmem:s20], [sflag:$0x2] =	stream.indirect.gather [hbm4b:s4+s15], $0x40, s15, s15, $0xb8;
	[tilespmem:$0x1DA00] =	vst v63  }
0x1e: {  	s21 =	simm.s32 $0x100;
	s24 =	simm.s32 $0xD600  }
0x1f: {  	[tilespmem:s24], [sflag:$0x3] =	stream.indirect.gather [hbm4b:s4+s15], $0x40, s21, s15, $0xb8;
	[tilespmem:$0x1DA00] =	vst v63  }
0x20: {  	s28 =	simm.s32 $0x180;
	s31 =	simm.s32 $0xF600;
	s19 =	simm.s32 $0x0  }
0x21: {  	[tilespmem:s31], [sflag:$0x4] =	stream.indirect.gather [hbm4b:s4+s15], $0x40, s28, s15, $0xb8;
	[tilespmem:$0x1DA00] =	vst v63  }
.LBB2_2:
0x22: {  	_ =	swait.ge [sflag:s22], $0x2000  }
0x23: {  	p0 =	seq.s32 s19, $0x0;
	[sflag:s22] =	ssyncset.done $0x0  }
0x24: {  	s6 =	simm.s32 @!p0 $0x9;
	[sflag:s22] =	ssyncadd.s32 $0xFFFFE000  }
0x25: {  	_ =	swait.ge @!p0 [sflag:s6], $0x2000  }
0x26: {  	s7 =	sshll.u32 s19, $0xB;
	[sflag:s6] =	ssyncset.done @!p0 $0x0  }
0x27: {  	s20 =	sshra.s32 s7, $0x2;
	[sflag:s6] =	ssyncadd.s32 @!p0 $0xFFFFE000  }
0x28: {  	s12 =	simm.s32 $0x3;
	s7 =	simm.s32 $0x9680;
	v9 =	vld [tilespmem:s20+$0x6400]  }
0x29: {  	v4 =	vmov s12;
	v7 =	vld [tilespmem:s7+$0x40]  }
0x2a: {  	v13 =	vand.u32 $0x7F, v4  }
0x2b: {  	s18 =	simm.s32 $0x0;
	v8 =	vadd.s32 v0, v13;
	v6 =	vld [tilespmem:s20+$0x6410]  }
0x2c: {  	s21 =	simm.s32 $0x1;
	s9 =	simm.s32 $0x2;
	v4 =	vmov s18;
	v10 =	vld [tilespmem:s7+$0xFFFFFF80]  }
0x2d: {  	v14 =	vmov s9;
	v12 =	vand.u32 $0x7C, v4;
	v4 =	vmov s21;
	v11 =	vld [tilespmem:s7+$0xFFFFFFC0]  }
0x2e: {  	v15 =	vadd.s32 v0, v12;
	v19 =	vand.u32 $0x7D, v4;
	v16 =	vld [tilespmem:s7+$0x0];
	v7 =	vadd.f32 v7, v9  }
0x2f: {  	v20 =	vand.u32 $0x7E, v14;
	v17 =	vadd.s32 v0, v19;
	v5 =	vld [tilespmem:s20+$0x6420]  }
0x30: {  	v14 =	vadd.s32 v0, v20;
	v4 =	vld [tilespmem:s20+$0x6430];
	[tilespmem:v8+s23+$0x0] =	vst.idx.msk $0xffff, v7  }
0x31: {  	v7 =	vadd.f32 v10, v9;
	v8 =	vld [tilespmem:s7+$0x50]  }
0x32: {  	v10 =	vadd.f32 v11, v9  }
0x33: {  	v11 =	vadd.s32 v1, v13;
	[tilespmem:v15+s23+$0x0] =	vst.idx.msk $0xffff, v7;
	v7 =	vadd.f32 v16, v9  }
0x34: {  	[tilespmem:v17+s23+$0x0] =	vst.idx.msk $0xffff, v10;
	v15 =	vld [tilespmem:s7+$0xFFFFFF90]  }
0x35: {  	v10 =	vld [tilespmem:s7+$0xFFFFFFD0];
	[tilespmem:v14+s23+$0x0] =	vst.idx.msk $0xffff, v7  }
0x36: {  	v14 =	vld [tilespmem:s7+$0x10];
	v7 =	vadd.f32 v8, v6  }
0x37: {  	s10 =	simm.s32 $0x7;
	s6 =	simm.s32 $0x9780;
	v16 =	vadd.s32 v1, v19  }
0x38: {  	s24 =	simm.s32 $0x4;
	v26 =	vadd.s32 v2, v13;
	v18 =	vld [tilespmem:s6+$0x40];
	v17 =	vadd.s32 v1, v20;
	[tilespmem:v11+s23+$0x0] =	vst.idx.msk $0xffff, v7;
	v7 =	vmov s10  }
0x39: {  	v21 =	vadd.s32 v1, v12;
	v8 =	vmov s24;
	v7 =	vand.u32 $0x7F, v7;
	v22 =	vld [tilespmem:s7+$0x60]  }
0x3a: {  	s28 =	simm.s32 $0x5;
	v23 =	vld [tilespmem:s6+$0xFFFFFF80];
	v8 =	vand.u32 $0x7C, v8;
	v10 =	vadd.f32 v10, v6;
	v24 =	vadd.s32 v0, v7  }
0x3b: {  	s31 =	simm.s32 $0x6;
	v25 =	vld [tilespmem:s6+$0xFFFFFFC0];
	v15 =	vadd.f32 v15, v6;
	v11 =	vadd.f32 v14, v6;
	v14 =	vmov s28  }
0x3c: {  	v27 =	vadd.s32 v0, v8;
	[tilespmem:v16+s23+$0x0] =	vst.idx.msk $0xffff, v10;
	v16 =	vmov s31;
	v10 =	vand.u32 $0x7D, v14;
	v14 =	vld [tilespmem:s6+$0x0]  }
0x3d: {  	[tilespmem:v17+s23+$0x0] =	vst.idx.msk $0xffff, v11;
	v17 =	vadd.s32 v0, v10;
	v11 =	vand.u32 $0x7E, v16;
	v16 =	vadd.f32 v18, v9;
	v18 =	vld [tilespmem:s7+$0xFFFFFFE0]  }
0x3e: {  	[tilespmem:v21+s23+$0x0] =	vst.idx.msk $0xffff, v15;
	v15 =	vadd.s32 v0, v11;
	v21 =	vld [tilespmem:s7+$0x20];
	v22 =	vadd.f32 v22, v5  }
0x3f: {  	v23 =	vadd.f32 v23, v9;
	[tilespmem:v24+s23+$0x0] =	vst.idx.msk $0xffff, v16;
	v16 =	vld [tilespmem:s7+$0xFFFFFFA0];
	v24 =	vadd.s32 v2, v19  }
0x40: {  	v29 =	vadd.s32 v2, v20;
	v25 =	vadd.f32 v25, v9;
	v28 =	vld [tilespmem:s6+$0x50];
	[tilespmem:v26+s23+$0x0] =	vst.idx.msk $0xffff, v22  }
0x41: {  	[tilespmem:v27+s23+$0x0] =	vst.idx.msk $0xffff, v23;
	v23 =	vadd.s32 v2, v12;
	v14 =	vadd.f32 v14, v9;
	v26 =	vld [tilespmem:s7+$0x70]  }
0x42: {  	v27 =	vld [tilespmem:s6+$0xFFFFFF90];
	[tilespmem:v17+s23+$0x0] =	vst.idx.msk $0xffff, v25;
	v25 =	vadd.s32 v1, v7;
	v18 =	vadd.f32 v18, v5  }
0x43: {  	v31 =	vadd.s32 v3, v13;
	v30 =	vld [tilespmem:s6+$0xFFFFFFD0];
	[tilespmem:v15+s23+$0x0] =	vst.idx.msk $0xffff, v14;
	v14 =	vadd.f32 v21, v5  }
0x44: {  	v22 =	vadd.s32 v1, v8;
	v17 =	vld [tilespmem:s6+$0x10];
	v13 =	vadd.f32 v16, v5;
	[tilespmem:v24+s23+$0x0] =	vst.idx.msk $0xffff, v18  }
0x45: {  	s10 =	simm.s32 $0x8;
	v21 =	vadd.s32 v1, v10;
	[tilespmem:v29+s23+$0x0] =	vst.idx.msk $0xffff, v14;
	v18 =	vadd.f32 v28, v6;
	v16 =	vld [tilespmem:s7+$0xFFFFFFF0]  }
0x46: {  	v24 =	vmov s10;
	v14 =	vadd.s32 v1, v11;
	v15 =	vld [tilespmem:s7+$0x30];
	[tilespmem:v23+s23+$0x0] =	vst.idx.msk $0xffff, v13;
	v63 =	vadd.f32 v26, v4  }
0x47: {  	s12 =	simm.s32 $0xB;
	s9 =	simm.s32 $0x9880;
	v19 =	vadd.s32 v3, v19;
	v13 =	vand.u32 $0x7C, v24;
	v24 =	vadd.f32 v27, v6;
	[tilespmem:v25+s23+$0x0] =	vst.idx.msk $0xffff, v18;
	v18 =	vld [tilespmem:s7+$0xFFFFFFB0]  }
0x48: {  	v20 =	vadd.s32 v3, v20;
	v26 =	vmov s12;
	v23 =	vld [tilespmem:s9+$0x40];
	s12 =	simm.s32 $0xC;
	s7 =	sshll.u32 s19, $0x3;
	v25 =	vadd.f32 v30, v6;
	[tilespmem:v31+s23+$0x0] =	vst.idx.msk $0xffff, v63  }
.LBB2_3:
0x49: {  	p1 =	slt.u32 s12, $0x7C;
	s18 =	sadd.s32 $0x1, s10;
	v26 =	vand.u32 $0x7F, v26;
	[tilespmem:v22+s23+$0x0] =	vst.idx.msk $0xffff, v24;
	v17 =	vadd.f32 v17, v6;
	v22 =	vld [tilespmem:s6+$0x60];
	v24 =	vadd.s32 v3, v12  }
0x4a: {  	v30 =	vmovc v11;
	v27 =	vld [tilespmem:s9+$0xFFFFFF80];
	v28 =	vmov s18;
	s18 =	sadd.s32 $0x2, s10;
	v29 =	vadd.s32 v0, v26;
	[tilespmem:v21+s23+$0x0] =	vst.idx.msk $0xffff, v25;
	v16 =	vadd.f32 v16, v4;
	s10 =	smov.u32 s12  }
0x4b: {  	v12 =	vmovc v8;
	v21 =	vld [tilespmem:s9+$0xFFFFFFC0];
	v11 =	vmov s18;
	[tilespmem:v14+s23+$0x0] =	vst.idx.msk $0xffff, v17;
	v14 =	vadd.s32 v2, v7;
	v15 =	vadd.f32 v15, v4  }
0x4c: {  	v17 =	vadd.s32 v0, v13;
	v28 =	vand.u32 $0x7D, v28;
	v25 =	vld [tilespmem:s9+$0x0];
	v31 =	vadd.f32 v18, v4;
	[tilespmem:v19+s23+$0x0] =	vst.idx.msk $0xffff, v16  }
0x4d: {  	v16 =	vadd.s32 v0, v28;
	v11 =	vand.u32 $0x7E, v11;
	v18 =	vadd.f32 v23, v9;
	v19 =	vld [tilespmem:s6+$0xFFFFFFE0];
	[tilespmem:v20+s23+$0x0] =	vst.idx.msk $0xffff, v15  }
0x4e: {  	v8 =	vmov v13;
	v15 =	vadd.s32 v0, v11;
	v20 =	vld [tilespmem:s6+$0x20];
	v22 =	vadd.f32 v22, v5;
	[tilespmem:v24+s23+$0x0] =	vst.idx.msk $0xffff, v31  }
0x4f: {  	v23 =	vadd.s32 v2, v10;
	v13 =	vadd.f32 v27, v9;
	[tilespmem:v29+s23+$0x0] =	vst.idx.msk $0xffff, v18;
	v18 =	vld [tilespmem:s6+$0xFFFFFFA0]  }
0x50: {  	v27 =	vadd.s32 v2, v30;
	v21 =	vadd.f32 v21, v9;
	v24 =	vld [tilespmem:s9+$0x50];
	[tilespmem:v14+s23+$0x0] =	vst.idx.msk $0xffff, v22  }
0x51: {  	[tilespmem:v17+s23+$0x0] =	vst.idx.msk $0xffff, v13;
	v13 =	vadd.f32 v25, v9;
	v25 =	vadd.s32 v2, v12;
	v29 =	vld [tilespmem:s6+$0x70]  }
0x52: {  	v32 =	vadd.s32 v1, v26;
	v31 =	vld [tilespmem:s9+$0xFFFFFF90];
	[tilespmem:v16+s23+$0x0] =	vst.idx.msk $0xffff, v21;
	v14 =	vadd.f32 v19, v5  }
0x53: {  	v34 =	vadd.s32 v3, v7;
	v7 =	vmov v26;
	v33 =	vld [tilespmem:s9+$0xFFFFFFD0];
	[tilespmem:v15+s23+$0x0] =	vst.idx.msk $0xffff, v13;
	v13 =	vadd.f32 v20, v5  }
.Ltmp0:
0x54: {  	v22 =	vadd.s32 v1, v8;
	v17 =	vld [tilespmem:s9+$0x10];
	v15 =	vadd.f32 v18, v5;
	[tilespmem:v23+s23+$0x0] =	vst.idx.msk $0xffff, v14;
	(pc) =	sbr.rel @p1 .LBB2_3-.Ltmp0, $4  }
0x55: {  	v21 =	vadd.s32 v1, v28;
	v18 =	vadd.f32 v24, v6;
	v16 =	vld [tilespmem:s6+$0xFFFFFFF0];
	[tilespmem:v27+s23+$0x0] =	vst.idx.msk $0xffff, v13  }
0x56: {  	v14 =	vadd.s32 v1, v11;
	v13 =	vmov s12;
	[tilespmem:v25+s23+$0x0] =	vst.idx.msk $0xffff, v15;
	v15 =	vld [tilespmem:s6+$0x30];
	v27 =	vadd.f32 v29, v4  }
0x57: {  	s18 =	sadd.s32 $0x3, s12;
	v19 =	vadd.s32 v3, v10;
	v13 =	vand.u32 $0x7C, v13;
	v24 =	vadd.f32 v31, v6;
	[tilespmem:v32+s23+$0x0] =	vst.idx.msk $0xffff, v18;
	v18 =	vld [tilespmem:s6+$0xFFFFFFB0];
	s6 =	smov.u32 s9;
	s9 =	sadd.s32 $0x100, s9  }
0x58: {  	v26 =	vmov s18;
	v10 =	vmovc v28;
	v20 =	vadd.s32 v3, v30;
	s12 =	sadd.s32 $0x4, s12;
	v23 =	vld [tilespmem:s9+$0x40];
	v25 =	vadd.f32 v33, v6;
	[tilespmem:v34+s23+$0x0] =	vst.idx.msk $0xffff, v27  }
0x59: {  	s12 =	sadd.s32 $0x1, s10  }
0x5a: {  	v26 =	vand.u32 $0x7F, v26;
	s31 =	sadd.s32 $0x2, s10;
	v28 =	vld [tilespmem:s9+$0xFFFFFFC0];
	v27 =	vmov s12  }
0x5b: {  	v31 =	vld [tilespmem:s9+$0x0];
	v29 =	vadd.s32 v0, v26;
	v30 =	vmov s31;
	v27 =	vand.u32 $0x7D, v27  }
0x5c: {  	v32 =	vld [tilespmem:s9+$0xFFFFFF80];
	v30 =	vand.u32 $0x7E, v30;
	v33 =	vadd.s32 v0, v27  }
0x5d: {  	v34 =	vadd.s32 v0, v30  }
0x5e: {  	[tilespmem:v22+s23+$0x0] =	vst.idx.msk $0xffff, v24;
	v44 =	vadd.s32 v0, v13;
	v23 =	vadd.f32 v23, v9  }
0x5f: {  	[tilespmem:v21+s23+$0x0] =	vst.idx.msk $0xffff, v25;
	v45 =	vadd.f32 v28, v9  }
0x60: {  	v46 =	vadd.f32 v31, v9;
	[tilespmem:v29+s23+$0x0] =	vst.idx.msk $0xffff, v23  }
0x61: {  	v47 =	vadd.f32 v32, v9;
	v48 =	vld [tilespmem:s9+$0x50];
	[tilespmem:v33+s23+$0x0] =	vst.idx.msk $0xffff, v45  }
0x62: {  	v17 =	vadd.f32 v17, v6;
	v12 =	vadd.s32 v3, v12;
	[tilespmem:v34+s23+$0x0] =	vst.idx.msk $0xffff, v46;
	v21 =	vld [tilespmem:s9+$0xFFFFFFD0]  }
0x63: {  	v16 =	vadd.f32 v16, v4;
	v49 =	vadd.s32 v1, v26;
	[tilespmem:v44+s23+$0x0] =	vst.idx.msk $0xffff, v47;
	v50 =	vld [tilespmem:s9+$0x10]  }
0x64: {  	[tilespmem:v14+s23+$0x0] =	vst.idx.msk $0xffff, v17;
	v51 =	vadd.f32 v15, v4;
	v53 =	vadd.s32 v1, v27;
	v52 =	vld [tilespmem:s9+$0xFFFFFF90]  }
0x65: {  	v54 =	vld [tilespmem:s6+$0x60];
	v18 =	vadd.f32 v18, v4;
	[tilespmem:v19+s23+$0x0] =	vst.idx.msk $0xffff, v16;
	v55 =	vadd.s32 v1, v30  }
0x66: {  	v57 =	vadd.s32 v1, v13;
	v60 =	vld [tilespmem:s6+$0x20];
	[tilespmem:v20+s23+$0x0] =	vst.idx.msk $0xffff, v51;
	v58 =	vadd.f32 v48, v6  }
0x67: {  	v59 =	vadd.s32 v2, v7;
	v56 =	vld [tilespmem:s6+$0xFFFFFFE0];
	[tilespmem:v12+s23+$0x0] =	vst.idx.msk $0xffff, v18;
	v61 =	vadd.f32 v21, v6  }
0x68: {  	v62 =	vld [tilespmem:s6+$0xFFFFFFA0];
	v29 =	vadd.s32 v2, v11;
	[tilespmem:v49+s23+$0x0] =	vst.idx.msk $0xffff, v58;
	v28 =	vadd.f32 v50, v6  }
0x69: {  	v63 =	vadd.s32 v2, v10;
	v31 =	vadd.f32 v52, v6;
	v32 =	vld [tilespmem:s9+$0x60];
	[tilespmem:v53+s23+$0x0] =	vst.idx.msk $0xffff, v61  }
0x6a: {  	v33 =	vadd.f32 v54, v5;
	v34 =	vadd.s32 v2, v8;
	[tilespmem:v55+s23+$0x0] =	vst.idx.msk $0xffff, v28;
	v35 =	vld [tilespmem:s9+$0xFFFFFFE0]  }
0x6b: {  	v37 =	vadd.s32 v2, v26;
	v39 =	vadd.f32 v60, v5;
	[tilespmem:v57+s23+$0x0] =	vst.idx.msk $0xffff, v31;
	v38 =	vld [tilespmem:s9+$0x20]  }
0x6c: {  	v41 =	vadd.s32 v2, v27;
	v36 =	vadd.f32 v56, v5;
	[tilespmem:v59+s23+$0x0] =	vst.idx.msk $0xffff, v33;
	v40 =	vld [tilespmem:s9+$0xFFFFFFA0]  }
0x6d: {  	v43 =	vadd.s32 v2, v30;
	v18 =	vadd.f32 v62, v5;
	v42 =	vld [tilespmem:s6+$0x70];
	[tilespmem:v29+s23+$0x0] =	vst.idx.msk $0xffff, v39  }
0x6e: {  	v45 =	vadd.s32 v2, v13;
	[tilespmem:v63+s23+$0x0] =	vst.idx.msk $0xffff, v36;
	v47 =	vld [tilespmem:s6+$0x30];
	v44 =	vadd.f32 v32, v5  }
0x6f: {  	v46 =	vadd.s32 v3, v7;
	[tilespmem:v34+s23+$0x0] =	vst.idx.msk $0xffff, v18;
	v21 =	vld [tilespmem:s6+$0xFFFFFFF0];
	v9 =	vadd.f32 v35, v5  }
0x70: {  	v18 =	vld [tilespmem:s6+$0xFFFFFFB0];
	v50 =	vadd.s32 v3, v11;
	[tilespmem:v37+s23+$0x0] =	vst.idx.msk $0xffff, v44;
	v49 =	vadd.f32 v38, v5  }
0x71: {  	v48 =	vadd.s32 v3, v10;
	v5 =	vadd.f32 v40, v5;
	v12 =	vld [tilespmem:s9+$0x70];
	[tilespmem:v41+s23+$0x0] =	vst.idx.msk $0xffff, v9  }
0x72: {  	v52 =	vadd.s32 v3, v8;
	v51 =	vadd.f32 v42, v4;
	[tilespmem:v43+s23+$0x0] =	vst.idx.msk $0xffff, v49;
	v53 =	vld [tilespmem:s9+$0xFFFFFFF0]  }
0x73: {  	v55 =	vadd.s32 v3, v26;
	v56 =	vadd.f32 v47, v4;
	[tilespmem:v45+s23+$0x0] =	vst.idx.msk $0xffff, v5;
	v5 =	vld [tilespmem:s9+$0x30]  }
0x74: {  	v58 =	vadd.s32 v3, v27;
	[tilespmem:v46+s23+$0x0] =	vst.idx.msk $0xffff, v51;
	v54 =	vadd.f32 v21, v4;
	v57 =	vld [tilespmem:s9+$0xFFFFFFB0]  }
0x75: {  	v60 =	vadd.s32 v3, v30;
	v59 =	vadd.f32 v18, v4;
	[tilespmem:v50+s23+$0x0] =	vst.idx.msk $0xffff, v56  }
0x76: {  	v62 =	vadd.s32 v3, v13;
	[tilespmem:v48+s23+$0x0] =	vst.idx.msk $0xffff, v54;
	v61 =	vadd.f32 v12, v4  }
.Ltmp1:
0x77: {  	[tilespmem:v52+s23+$0x0] =	vst.idx.msk $0xffff, v59;
	v63 =	vadd.f32 v53, v4;
	(pc) =	sbr.rel @p0 .LBB2_8-.Ltmp1, $4  }
0x78: {  	[tilespmem:v55+s23+$0x0] =	vst.idx.msk $0xffff, v61;
	v5 =	vadd.f32 v5, v4  }
0x79: {  	v4 =	vadd.f32 v57, v4;
	[tilespmem:v58+s23+$0x0] =	vst.idx.msk $0xffff, v63  }
0x7a: {  	[tilespmem:v60+s23+$0x0] =	vst.idx.msk $0xffff, v5  }
0x7b: {  	[tilespmem:v62+s23+$0x0] =	vst.idx.msk $0xffff, v4  }
0x7c: {  	s6 =	sshll.u32 s19, $0x15  }
0x7d: {  	s6 =	sadd.s32 s8, s6  }
0x7e: {  	s6 =	sshrl.u32 s6, $0x3  }
0x7f: {  	s12 =	simm.s32 $0x1B800;
	s9 =	sadd.s32 s1, s6  }
0x80: {  	[hbm4b:s9+s3] =	stream.linear.scatter [tilespmem:s12], [sflag:$0xA], $0x80, $0x38;
	[tilespmem:$0x1DA00] =	vst v63  }
0x81: {  	s18 =	simm.s32 $0x1B888;
	s10 =	sadd.s32 $0x10, s9  }
0x82: {  	[hbm4b:s10+s3] =	stream.linear.scatter [tilespmem:s18], [sflag:$0xA], $0x80, $0x38;
	[tilespmem:$0x1DA00] =	vst v63  }
0x83: {  	s21 =	simm.s32 $0x1B910;
	s28 =	simm.s32 $0x1B998;
	s24 =	sadd.s32 $0x20, s9  }
0x84: {  	[hbm4b:s24+s3] =	stream.linear.scatter [tilespmem:s21], [sflag:$0xA], $0x80, $0x38;
	[tilespmem:$0x1DA00] =	vst v63  }
0x85: {  	s6 =	simm.s32 $0x440;
	s31 =	sadd.s32 $0x30, s9;
	s12 =	simm.s32 $0x1BA20  }
0x86: {  	[hbm4b:s31+s3] =	stream.linear.scatter [tilespmem:s28], [sflag:$0xA], $0x80, $0x38;
	[tilespmem:$0x1DA00] =	vst v63  }
0x87: {  	s18 =	sadd.s32 $0x40, s9;
	s10 =	simm.s32 $0x2200;
	s21 =	simm.s32 $0x1BAA8  }
0x88: {  	[hbm4b:s18+s3] =	stream.linear.scatter [tilespmem:s12], [sflag:$0xA], $0x80, $0x38;
	[tilespmem:$0x1DA00] =	vst v63  }
0x89: {  	s24 =	sadd.s32 $0x50, s9;
	s28 =	simm.s32 $0x1BB30;
	s31 =	sadd.s32 $0x60, s9  }
0x8a: {  	[hbm4b:s24+s3] =	stream.linear.scatter [tilespmem:s21], [sflag:$0xA], $0x80, $0x38;
	[tilespmem:$0x1DA00] =	vst v63  }
0x8b: {  	s12 =	simm.s32 $0x1BBB8;
	s18 =	sadd.s32 $0x70, s9;
	s9 =	sadd.s32 $0x1000, s9  }
0x8c: {  	[hbm4b:s31+s3] =	stream.linear.scatter [tilespmem:s28], [sflag:$0xA], $0x80, $0x38;
	[tilespmem:$0x1DA00] =	vst v63  }
.LBB2_6:
0x8d: {  	[hbm4b:s18+s3] =	stream.linear.scatter [tilespmem:s12], [sflag:$0xA], $0x80, $0x38;
	[tilespmem:$0x1DA00] =	vst v63  }
0x8e: {  	s12 =	smov.u32 s6;
	s6 =	smov.u32 s10  }
0x8f: {  	s21 =	sadd.s32 $0x1100, s10;
	s6 =	sshra.s32 s6, $0x2;
	s18 =	sadd.s32 $0x1B800, s12  }
0x90: {  	[hbm4b:s9+s3] =	stream.linear.scatter [tilespmem:s18], [sflag:$0xA], $0x80, $0x38;
	[tilespmem:$0x1DA00] =	vst v63  }
0x91: {  	p1 =	sne.s32 s10, $0x7700;
	s10 =	sadd.s32 $0x1B888, s12;
	s18 =	sadd.s32 $0x10, s9  }
0x92: {  	[hbm4b:s18+s3] =	stream.linear.scatter [tilespmem:s10], [sflag:$0xA], $0x80, $0x38;
	[tilespmem:$0x1DA00] =	vst v63  }
0x93: {  	s10 =	sadd.s32 $0x1B910, s12;
	s18 =	sadd.s32 $0x20, s9  }
0x94: {  	[hbm4b:s18+s3] =	stream.linear.scatter [tilespmem:s10], [sflag:$0xA], $0x80, $0x38;
	[tilespmem:$0x1DA00] =	vst v63  }
0x95: {  	s10 =	sadd.s32 $0x1B998, s12;
	s18 =	sadd.s32 $0x30, s9  }
0x96: {  	[hbm4b:s18+s3] =	stream.linear.scatter [tilespmem:s10], [sflag:$0xA], $0x80, $0x38;
	[tilespmem:$0x1DA00] =	vst v63  }
0x97: {  	s10 =	sadd.s32 $0x1BA20, s12;
	s18 =	sadd.s32 $0x40, s9  }
0x98: {  	[hbm4b:s18+s3] =	stream.linear.scatter [tilespmem:s10], [sflag:$0xA], $0x80, $0x38;
	[tilespmem:$0x1DA00] =	vst v63  }
.Ltmp2:
0x99: {  	s10 =	sadd.s32 $0x1BAA8, s12;
	s18 =	sadd.s32 $0x50, s9;
	(pc) =	sbr.rel @p1 .LBB2_6-.Ltmp2, $4  }
0x9a: {  	[hbm4b:s18+s3] =	stream.linear.scatter [tilespmem:s10], [sflag:$0xA], $0x80, $0x38;
	[tilespmem:$0x1DA00] =	vst v63  }
0x9b: {  	s10 =	sadd.s32 $0x1BB30, s12;
	s18 =	sadd.s32 $0x60, s9;
	s12 =	sadd.s32 $0x1BBB8, s12  }
0x9c: {  	[hbm4b:s18+s3] =	stream.linear.scatter [tilespmem:s10], [sflag:$0xA], $0x80, $0x38;
	[tilespmem:$0x1DA00] =	vst v63  }
0x9d: {  	s18 =	sadd.s32 $0x70, s9;
	s9 =	sadd.s32 $0x1000, s9;
	s10 =	smov.u32 s21  }
0x9e: {  	[hbm4b:s18+s3] =	stream.linear.scatter [tilespmem:s12], [sflag:$0xA], $0x80, $0x38;
	[tilespmem:$0x1DA00] =	vst v63  }
0x9f: {  	s10 =	sadd.s32 $0x1B800, s6  }
0xa0: {  	[hbm4b:s9+s3] =	stream.linear.scatter [tilespmem:s10], [sflag:$0xA], $0x80, $0x38;
	[tilespmem:$0x1DA00] =	vst v63  }
0xa1: {  	s28 =	sadd.s32 $0x1B888, s6;
	s31 =	sadd.s32 $0x10, s9  }
0xa2: {  	[hbm4b:s31+s3] =	stream.linear.scatter [tilespmem:s28], [sflag:$0xA], $0x80, $0x38;
	[tilespmem:$0x1DA00] =	vst v63  }
0xa3: {  	s12 =	sadd.s32 $0x1B910, s6;
	s18 =	sadd.s32 $0x20, s9  }
0xa4: {  	[hbm4b:s18+s3] =	stream.linear.scatter [tilespmem:s12], [sflag:$0xA], $0x80, $0x38;
	[tilespmem:$0x1DA00] =	vst v63  }
0xa5: {  	s21 =	sadd.s32 $0x1B998, s6;
	s24 =	sadd.s32 $0x30, s9  }
0xa6: {  	[hbm4b:s24+s3] =	stream.linear.scatter [tilespmem:s21], [sflag:$0xA], $0x80, $0x38;
	[tilespmem:$0x1DA00] =	vst v63  }
0xa7: {  	s28 =	sadd.s32 $0x1BA20, s6;
	s31 =	sadd.s32 $0x40, s9  }
0xa8: {  	[hbm4b:s31+s3] =	stream.linear.scatter [tilespmem:s28], [sflag:$0xA], $0x80, $0x38;
	[tilespmem:$0x1DA00] =	vst v63  }
0xa9: {  	s12 =	sadd.s32 $0x1BAA8, s6;
	s18 =	sadd.s32 $0x50, s9  }
0xaa: {  	[hbm4b:s18+s3] =	stream.linear.scatter [tilespmem:s12], [sflag:$0xA], $0x80, $0x38;
	[tilespmem:$0x1DA00] =	vst v63  }
0xab: {  	s21 =	sadd.s32 $0x1BB30, s6;
	s24 =	sadd.s32 $0x60, s9  }
0xac: {  	[hbm4b:s24+s3] =	stream.linear.scatter [tilespmem:s21], [sflag:$0xA], $0x80, $0x38;
	[tilespmem:$0x1DA00] =	vst v63  }
0xad: {  	s28 =	sadd.s32 $0x1BBB8, s6;
	s31 =	sadd.s32 $0x70, s9  }
0xae: {  	[hbm4b:s31+s3] =	stream.linear.scatter [tilespmem:s28], [sflag:$0xA], $0x80, $0x38;
	[tilespmem:$0x1DA00] =	vst v63  }
.LBB2_8:
0xaf: {  	s6 =	sshll.u32 s19, $0xA  }
0xb0: {  	s6 =	sand.u32 $0x3FFFFC00, s6  }
0xb1: {  	s10 =	simm.s32 $0x11600;
	s9 =	sor.u32 $0x200, s6  }
0xb2: {  	[tilespmem:s10], [sflag:$0x5] =	stream.indirect.gather [hbm4b:s4+s15], $0x40, s9, s15, $0xb8;
	[tilespmem:$0x1DA00] =	vst v63  }
0xb3: {  	_ =	swait.ge [sflag:s25], $0x2000  }
0xb4: {  	[sflag:s25] =	ssyncset.done $0x0  }
0xb5: {  	s9 =	simm.s32 @!p0 $0xA;
	[sflag:s25] =	ssyncadd.s32 $0xFFFFE000  }
0xb6: {  	s12 =	sor.u32 $0x1, s7;
	_ =	swait.ge @!p0 [sflag:s9], $0x2000  }
0xb7: {  	s21 =	sshll.u32 s12, $0x6;
	[sflag:s9] =	ssyncset.done @!p0 $0x0  }
0xb8: {  	s24 =	sand.u32 $0x3FFFFFC0, s21;
	[sflag:s9] =	ssyncadd.s32 @!p0 $0xFFFFE000  }
0xb9: {  	s18 =	simm.s32 $0x3;
	s10 =	simm.s32 $0xB680;
	v9 =	vld [tilespmem:s24+$0x6400]  }
0xba: {  	v4 =	vmov s18;
	v7 =	vld [tilespmem:s10+$0x40]  }
0xbb: {  	v13 =	vand.u32 $0x7F, v4  }
0xbc: {  	s28 =	simm.s32 $0x0;
	v8 =	vadd.s32 v0, v13;
	v6 =	vld [tilespmem:s24+$0x6410]  }
0xbd: {  	s31 =	simm.s32 $0x1;
	v4 =	vmov s28;
	s21 =	simm.s32 $0x2;
	v10 =	vld [tilespmem:s10+$0xFFFFFF80]  }
0xbe: {  	v12 =	vand.u32 $0x7C, v4;
	v4 =	vmov s31;
	v14 =	vmov s21;
	v11 =	vld [tilespmem:s10+$0xFFFFFFC0]  }
0xbf: {  	v15 =	vadd.s32 v0, v12;
	v19 =	vand.u32 $0x7D, v4;
	v16 =	vld [tilespmem:s10+$0x0];
	v7 =	vadd.f32 v7, v9  }
0xc0: {  	v20 =	vand.u32 $0x7E, v14;
	v17 =	vadd.s32 v0, v19;
	v5 =	vld [tilespmem:s24+$0x6420]  }
0xc1: {  	v14 =	vadd.s32 v0, v20;
	v4 =	vld [tilespmem:s24+$0x6430];
	[tilespmem:v8+s26+$0x0] =	vst.idx.msk $0xffff, v7  }
0xc2: {  	v7 =	vadd.f32 v10, v9;
	v8 =	vld [tilespmem:s10+$0x50]  }
0xc3: {  	v10 =	vadd.f32 v11, v9  }
0xc4: {  	v11 =	vadd.s32 v1, v13;
	[tilespmem:v15+s26+$0x0] =	vst.idx.msk $0xffff, v7;
	v7 =	vadd.f32 v16, v9  }
0xc5: {  	[tilespmem:v17+s26+$0x0] =	vst.idx.msk $0xffff, v10;
	v15 =	vld [tilespmem:s10+$0xFFFFFF90]  }
0xc6: {  	v10 =	vld [tilespmem:s10+$0xFFFFFFD0];
	[tilespmem:v14+s26+$0x0] =	vst.idx.msk $0xffff, v7  }
0xc7: {  	v14 =	vld [tilespmem:s10+$0x10];
	v7 =	vadd.f32 v8, v6  }
0xc8: {  	s18 =	simm.s32 $0xB780;
	s24 =	simm.s32 $0x7;
	v16 =	vadd.s32 v1, v19  }
0xc9: {  	s21 =	simm.s32 $0x4;
	v26 =	vadd.s32 v2, v13;
	v18 =	vld [tilespmem:s18+$0x40];
	v17 =	vadd.s32 v1, v20;
	[tilespmem:v11+s26+$0x0] =	vst.idx.msk $0xffff, v7;
	v7 =	vmov s24  }
0xca: {  	v21 =	vadd.s32 v1, v12;
	v8 =	vmov s21;
	v7 =	vand.u32 $0x7F, v7;
	v22 =	vld [tilespmem:s10+$0x60]  }
0xcb: {  	s28 =	simm.s32 $0x5;
	v23 =	vld [tilespmem:s18+$0xFFFFFF80];
	v8 =	vand.u32 $0x7C, v8;
	v10 =	vadd.f32 v10, v6;
	v24 =	vadd.s32 v0, v7  }
0xcc: {  	s31 =	simm.s32 $0x6;
	v25 =	vld [tilespmem:s18+$0xFFFFFFC0];
	v15 =	vadd.f32 v15, v6;
	v11 =	vadd.f32 v14, v6;
	v14 =	vmov s28  }
0xcd: {  	v27 =	vadd.s32 v0, v8;
	[tilespmem:v16+s26+$0x0] =	vst.idx.msk $0xffff, v10;
	v16 =	vmov s31;
	v10 =	vand.u32 $0x7D, v14;
	v14 =	vld [tilespmem:s18+$0x0]  }
0xce: {  	[tilespmem:v17+s26+$0x0] =	vst.idx.msk $0xffff, v11;
	v17 =	vadd.s32 v0, v10;
	v11 =	vand.u32 $0x7E, v16;
	v16 =	vadd.f32 v18, v9;
	v18 =	vld [tilespmem:s10+$0xFFFFFFE0]  }
0xcf: {  	[tilespmem:v21+s26+$0x0] =	vst.idx.msk $0xffff, v15;
	v15 =	vadd.s32 v0, v11;
	v21 =	vld [tilespmem:s10+$0x20];
	v22 =	vadd.f32 v22, v5  }
0xd0: {  	v23 =	vadd.f32 v23, v9;
	[tilespmem:v24+s26+$0x0] =	vst.idx.msk $0xffff, v16;
	v16 =	vld [tilespmem:s10+$0xFFFFFFA0];
	v24 =	vadd.s32 v2, v19  }
0xd1: {  	v29 =	vadd.s32 v2, v20;
	v25 =	vadd.f32 v25, v9;
	v28 =	vld [tilespmem:s18+$0x50];
	[tilespmem:v26+s26+$0x0] =	vst.idx.msk $0xffff, v22  }
0xd2: {  	[tilespmem:v27+s26+$0x0] =	vst.idx.msk $0xffff, v23;
	v23 =	vadd.s32 v2, v12;
	v14 =	vadd.f32 v14, v9;
	v26 =	vld [tilespmem:s10+$0x70]  }
0xd3: {  	v27 =	vld [tilespmem:s18+$0xFFFFFF90];
	[tilespmem:v17+s26+$0x0] =	vst.idx.msk $0xffff, v25;
	v25 =	vadd.s32 v1, v7;
	v18 =	vadd.f32 v18, v5  }
0xd4: {  	v31 =	vadd.s32 v3, v13;
	v30 =	vld [tilespmem:s18+$0xFFFFFFD0];
	[tilespmem:v15+s26+$0x0] =	vst.idx.msk $0xffff, v14;
	v14 =	vadd.f32 v21, v5  }
0xd5: {  	v22 =	vadd.s32 v1, v8;
	v17 =	vld [tilespmem:s18+$0x10];
	v13 =	vadd.f32 v16, v5;
	[tilespmem:v24+s26+$0x0] =	vst.idx.msk $0xffff, v18  }
0xd6: {  	s21 =	simm.s32 $0x8;
	v21 =	vadd.s32 v1, v10;
	[tilespmem:v29+s26+$0x0] =	vst.idx.msk $0xffff, v14;
	v18 =	vadd.f32 v28, v6;
	v16 =	vld [tilespmem:s10+$0xFFFFFFF0]  }
0xd7: {  	v24 =	vmov s21;
	v14 =	vadd.s32 v1, v11;
	v15 =	vld [tilespmem:s10+$0x30];
	[tilespmem:v23+s26+$0x0] =	vst.idx.msk $0xffff, v13;
	v63 =	vadd.f32 v26, v4  }
0xd8: {  	s9 =	simm.s32 $0xB880;
	s24 =	simm.s32 $0xB;
	v19 =	vadd.s32 v3, v19;
	v13 =	vand.u32 $0x7C, v24;
	v24 =	vadd.f32 v27, v6;
	[tilespmem:v25+s26+$0x0] =	vst.idx.msk $0xffff, v18;
	v18 =	vld [tilespmem:s10+$0xFFFFFFB0]  }
0xd9: {  	v20 =	vadd.s32 v3, v20;
	v26 =	vmov s24;
	v23 =	vld [tilespmem:s9+$0x40];
	s24 =	simm.s32 $0xC;
	s10 =	sor.u32 $0x4, s7;
	v25 =	vadd.f32 v30, v6;
	[tilespmem:v31+s26+$0x0] =	vst.idx.msk $0xffff, v63  }
.LBB2_9:
0xda: {  	p0 =	slt.u32 s24, $0x7C;
	s28 =	sadd.s32 $0x1, s21;
	v26 =	vand.u32 $0x7F, v26;
	[tilespmem:v22+s26+$0x0] =	vst.idx.msk $0xffff, v24;
	v17 =	vadd.f32 v17, v6;
	v22 =	vld [tilespmem:s18+$0x60];
	v24 =	vadd.s32 v3, v12  }
0xdb: {  	v30 =	vmovc v11;
	v27 =	vld [tilespmem:s9+$0xFFFFFF80];
	v28 =	vmov s28;
	s28 =	sadd.s32 $0x2, s21;
	v29 =	vadd.s32 v0, v26;
	[tilespmem:v21+s26+$0x0] =	vst.idx.msk $0xffff, v25;
	v16 =	vadd.f32 v16, v4;
	s21 =	smov.u32 s24  }
0xdc: {  	v12 =	vmovc v8;
	v21 =	vld [tilespmem:s9+$0xFFFFFFC0];
	v11 =	vmov s28;
	[tilespmem:v14+s26+$0x0] =	vst.idx.msk $0xffff, v17;
	v14 =	vadd.s32 v2, v7;
	v15 =	vadd.f32 v15, v4  }
0xdd: {  	v17 =	vadd.s32 v0, v13;
	v28 =	vand.u32 $0x7D, v28;
	v25 =	vld [tilespmem:s9+$0x0];
	v31 =	vadd.f32 v18, v4;
	[tilespmem:v19+s26+$0x0] =	vst.idx.msk $0xffff, v16  }
0xde: {  	v16 =	vadd.s32 v0, v28;
	v11 =	vand.u32 $0x7E, v11;
	v18 =	vadd.f32 v23, v9;
	v19 =	vld [tilespmem:s18+$0xFFFFFFE0];
	[tilespmem:v20+s26+$0x0] =	vst.idx.msk $0xffff, v15  }
0xdf: {  	v8 =	vmov v13;
	v15 =	vadd.s32 v0, v11;
	v20 =	vld [tilespmem:s18+$0x20];
	v22 =	vadd.f32 v22, v5;
	[tilespmem:v24+s26+$0x0] =	vst.idx.msk $0xffff, v31  }
0xe0: {  	v23 =	vadd.s32 v2, v10;
	v13 =	vadd.f32 v27, v9;
	[tilespmem:v29+s26+$0x0] =	vst.idx.msk $0xffff, v18;
	v18 =	vld [tilespmem:s18+$0xFFFFFFA0]  }
0xe1: {  	v27 =	vadd.s32 v2, v30;
	v21 =	vadd.f32 v21, v9;
	v24 =	vld [tilespmem:s9+$0x50];
	[tilespmem:v14+s26+$0x0] =	vst.idx.msk $0xffff, v22  }
0xe2: {  	[tilespmem:v17+s26+$0x0] =	vst.idx.msk $0xffff, v13;
	v13 =	vadd.f32 v25, v9;
	v25 =	vadd.s32 v2, v12;
	v29 =	vld [tilespmem:s18+$0x70]  }
0xe3: {  	v32 =	vadd.s32 v1, v26;
	v31 =	vld [tilespmem:s9+$0xFFFFFF90];
	[tilespmem:v16+s26+$0x0] =	vst.idx.msk $0xffff, v21;
	v14 =	vadd.f32 v19, v5  }
0xe4: {  	v34 =	vadd.s32 v3, v7;
	v7 =	vmov v26;
	v33 =	vld [tilespmem:s9+$0xFFFFFFD0];
	[tilespmem:v15+s26+$0x0] =	vst.idx.msk $0xffff, v13;
	v13 =	vadd.f32 v20, v5  }
.Ltmp3:
0xe5: {  	v22 =	vadd.s32 v1, v8;
	v17 =	vld [tilespmem:s9+$0x10];
	v15 =	vadd.f32 v18, v5;
	[tilespmem:v23+s26+$0x0] =	vst.idx.msk $0xffff, v14;
	(pc) =	sbr.rel @p0 .LBB2_9-.Ltmp3, $4  }
0xe6: {  	v21 =	vadd.s32 v1, v28;
	v18 =	vadd.f32 v24, v6;
	v16 =	vld [tilespmem:s18+$0xFFFFFFF0];
	[tilespmem:v27+s26+$0x0] =	vst.idx.msk $0xffff, v13  }
0xe7: {  	v14 =	vadd.s32 v1, v11;
	v13 =	vmov s24;
	[tilespmem:v25+s26+$0x0] =	vst.idx.msk $0xffff, v15;
	v15 =	vld [tilespmem:s18+$0x30];
	v27 =	vadd.f32 v29, v4  }
0xe8: {  	s28 =	sadd.s32 $0x3, s24;
	v19 =	vadd.s32 v3, v10;
	v13 =	vand.u32 $0x7C, v13;
	v24 =	vadd.f32 v31, v6;
	[tilespmem:v32+s26+$0x0] =	vst.idx.msk $0xffff, v18;
	v18 =	vld [tilespmem:s18+$0xFFFFFFB0];
	s18 =	smov.u32 s9;
	s9 =	sadd.s32 $0x100, s9  }
0xe9: {  	v26 =	vmov s28;
	v10 =	vmovc v28;
	v20 =	vadd.s32 v3, v30;
	s24 =	sadd.s32 $0x4, s24;
	v23 =	vld [tilespmem:s9+$0x40];
	v25 =	vadd.f32 v33, v6;
	[tilespmem:v34+s26+$0x0] =	vst.idx.msk $0xffff, v27  }
0xea: {  	s24 =	sadd.s32 $0x1, s21  }
0xeb: {  	v26 =	vand.u32 $0x7F, v26;
	s31 =	sadd.s32 $0x2, s21;
	v28 =	vld [tilespmem:s9+$0xFFFFFFC0];
	v27 =	vmov s24  }
0xec: {  	v31 =	vld [tilespmem:s9+$0x0];
	v29 =	vadd.s32 v0, v26;
	v30 =	vmov s31;
	v27 =	vand.u32 $0x7D, v27  }
0xed: {  	v32 =	vld [tilespmem:s9+$0xFFFFFF80];
	v30 =	vand.u32 $0x7E, v30;
	v33 =	vadd.s32 v0, v27  }
0xee: {  	v34 =	vadd.s32 v0, v30  }
0xef: {  	[tilespmem:v22+s26+$0x0] =	vst.idx.msk $0xffff, v24;
	v44 =	vadd.s32 v0, v13;
	v23 =	vadd.f32 v23, v9  }
0xf0: {  	[tilespmem:v21+s26+$0x0] =	vst.idx.msk $0xffff, v25;
	v45 =	vadd.f32 v28, v9  }
0xf1: {  	v46 =	vadd.f32 v31, v9;
	[tilespmem:v29+s26+$0x0] =	vst.idx.msk $0xffff, v23  }
0xf2: {  	v47 =	vadd.f32 v32, v9;
	v48 =	vld [tilespmem:s9+$0x50];
	[tilespmem:v33+s26+$0x0] =	vst.idx.msk $0xffff, v45  }
0xf3: {  	v17 =	vadd.f32 v17, v6;
	v12 =	vadd.s32 v3, v12;
	[tilespmem:v34+s26+$0x0] =	vst.idx.msk $0xffff, v46;
	v21 =	vld [tilespmem:s9+$0xFFFFFFD0]  }
0xf4: {  	v16 =	vadd.f32 v16, v4;
	v49 =	vadd.s32 v1, v26;
	[tilespmem:v44+s26+$0x0] =	vst.idx.msk $0xffff, v47;
	v50 =	vld [tilespmem:s9+$0x10]  }
0xf5: {  	[tilespmem:v14+s26+$0x0] =	vst.idx.msk $0xffff, v17;
	v51 =	vadd.f32 v15, v4;
	v53 =	vadd.s32 v1, v27;
	v52 =	vld [tilespmem:s9+$0xFFFFFF90]  }
0xf6: {  	v54 =	vld [tilespmem:s18+$0x60];
	v18 =	vadd.f32 v18, v4;
	[tilespmem:v19+s26+$0x0] =	vst.idx.msk $0xffff, v16;
	v55 =	vadd.s32 v1, v30  }
0xf7: {  	v57 =	vadd.s32 v1, v13;
	v60 =	vld [tilespmem:s18+$0x20];
	[tilespmem:v20+s26+$0x0] =	vst.idx.msk $0xffff, v51;
	v58 =	vadd.f32 v48, v6  }
0xf8: {  	v59 =	vadd.s32 v2, v7;
	v56 =	vld [tilespmem:s18+$0xFFFFFFE0];
	[tilespmem:v12+s26+$0x0] =	vst.idx.msk $0xffff, v18;
	v61 =	vadd.f32 v21, v6  }
0xf9: {  	v62 =	vld [tilespmem:s18+$0xFFFFFFA0];
	v29 =	vadd.s32 v2, v11;
	[tilespmem:v49+s26+$0x0] =	vst.idx.msk $0xffff, v58;
	v28 =	vadd.f32 v50, v6  }
0xfa: {  	v63 =	vadd.s32 v2, v10;
	v31 =	vadd.f32 v52, v6;
	v32 =	vld [tilespmem:s9+$0x60];
	[tilespmem:v53+s26+$0x0] =	vst.idx.msk $0xffff, v61  }
0xfb: {  	v33 =	vadd.f32 v54, v5;
	v34 =	vadd.s32 v2, v8;
	[tilespmem:v55+s26+$0x0] =	vst.idx.msk $0xffff, v28;
	v35 =	vld [tilespmem:s9+$0xFFFFFFE0]  }
0xfc: {  	v37 =	vadd.s32 v2, v26;
	v39 =	vadd.f32 v60, v5;
	[tilespmem:v57+s26+$0x0] =	vst.idx.msk $0xffff, v31;
	v38 =	vld [tilespmem:s9+$0x20]  }
0xfd: {  	v41 =	vadd.s32 v2, v27;
	v36 =	vadd.f32 v56, v5;
	[tilespmem:v59+s26+$0x0] =	vst.idx.msk $0xffff, v33;
	v40 =	vld [tilespmem:s9+$0xFFFFFFA0]  }
0xfe: {  	v43 =	vadd.s32 v2, v30;
	v18 =	vadd.f32 v62, v5;
	v42 =	vld [tilespmem:s18+$0x70];
	[tilespmem:v29+s26+$0x0] =	vst.idx.msk $0xffff, v39  }
0xff: {  	v45 =	vadd.s32 v2, v13;
	[tilespmem:v63+s26+$0x0] =	vst.idx.msk $0xffff, v36;
	v47 =	vld [tilespmem:s18+$0x30];
	v44 =	vadd.f32 v32, v5  }
0x100: {  	v46 =	vadd.s32 v3, v7;
	[tilespmem:v34+s26+$0x0] =	vst.idx.msk $0xffff, v18;
	v21 =	vld [tilespmem:s18+$0xFFFFFFF0];
	v9 =	vadd.f32 v35, v5  }
0x101: {  	v18 =	vld [tilespmem:s18+$0xFFFFFFB0];
	v50 =	vadd.s32 v3, v11;
	[tilespmem:v37+s26+$0x0] =	vst.idx.msk $0xffff, v44;
	v49 =	vadd.f32 v38, v5  }
0x102: {  	v48 =	vadd.s32 v3, v10;
	v5 =	vadd.f32 v40, v5;
	v12 =	vld [tilespmem:s9+$0x70];
	[tilespmem:v41+s26+$0x0] =	vst.idx.msk $0xffff, v9  }
0x103: {  	v52 =	vadd.s32 v3, v8;
	v51 =	vadd.f32 v42, v4;
	[tilespmem:v43+s26+$0x0] =	vst.idx.msk $0xffff, v49;
	v53 =	vld [tilespmem:s9+$0xFFFFFFF0]  }
0x104: {  	v55 =	vadd.s32 v3, v26;
	v56 =	vadd.f32 v47, v4;
	[tilespmem:v45+s26+$0x0] =	vst.idx.msk $0xffff, v5;
	v5 =	vld [tilespmem:s9+$0x30]  }
0x105: {  	v58 =	vadd.s32 v3, v27;
	[tilespmem:v46+s26+$0x0] =	vst.idx.msk $0xffff, v51;
	v54 =	vadd.f32 v21, v4;
	v57 =	vld [tilespmem:s9+$0xFFFFFFB0]  }
0x106: {  	v60 =	vadd.s32 v3, v30;
	v59 =	vadd.f32 v18, v4;
	[tilespmem:v50+s26+$0x0] =	vst.idx.msk $0xffff, v56  }
0x107: {  	v62 =	vadd.s32 v3, v13;
	[tilespmem:v48+s26+$0x0] =	vst.idx.msk $0xffff, v54;
	v61 =	vadd.f32 v12, v4  }
0x108: {  	[tilespmem:v52+s26+$0x0] =	vst.idx.msk $0xffff, v59;
	v63 =	vadd.f32 v53, v4  }
0x109: {  	s18 =	sshll.u32 s19, $0x15;
	[tilespmem:v55+s26+$0x0] =	vst.idx.msk $0xffff, v61;
	v5 =	vadd.f32 v5, v4  }
0x10a: {  	s9 =	sor.u32 s5, s18;
	v4 =	vadd.f32 v57, v4;
	[tilespmem:v58+s26+$0x0] =	vst.idx.msk $0xffff, v63  }
0x10b: {  	s9 =	sshrl.u32 s9, $0x3;
	[tilespmem:v60+s26+$0x0] =	vst.idx.msk $0xffff, v5  }
0x10c: {  	s21 =	simm.s32 $0x19600;
	s18 =	sadd.s32 s1, s9;
	[tilespmem:v62+s26+$0x0] =	vst.idx.msk $0xffff, v4  }
0x10d: {  	[hbm4b:s18+s3] =	stream.linear.scatter [tilespmem:s21], [sflag:$0x9], $0x80, $0x38;
	[tilespmem:$0x1DA00] =	vst v63  }
0x10e: {  	s24 =	simm.s32 $0x19688;
	s31 =	sadd.s32 $0x10, s18  }
0x10f: {  	[hbm4b:s31+s3] =	stream.linear.scatter [tilespmem:s24], [sflag:$0x9], $0x80, $0x38;
	[tilespmem:$0x1DA00] =	vst v63  }
0x110: {  	s24 =	simm.s32 $0x19710;
	s31 =	sadd.s32 $0x20, s18  }
0x111: {  	[hbm4b:s31+s3] =	stream.linear.scatter [tilespmem:s24], [sflag:$0x9], $0x80, $0x38;
	[tilespmem:$0x1DA00] =	vst v63  }
0x112: {  	s24 =	simm.s32 $0x19798;
	s31 =	sadd.s32 $0x30, s18  }
0x113: {  	[hbm4b:s31+s3] =	stream.linear.scatter [tilespmem:s24], [sflag:$0x9], $0x80, $0x38;
	[tilespmem:$0x1DA00] =	vst v63  }
0x114: {  	s24 =	simm.s32 $0x19820;
	s31 =	sadd.s32 $0x40, s18  }
0x115: {  	[hbm4b:s31+s3] =	stream.linear.scatter [tilespmem:s24], [sflag:$0x9], $0x80, $0x38;
	[tilespmem:$0x1DA00] =	vst v63  }
0x116: {  	s9 =	simm.s32 $0x440;
	s24 =	simm.s32 $0x198A8;
	s31 =	sadd.s32 $0x50, s18  }
0x117: {  	[hbm4b:s31+s3] =	stream.linear.scatter [tilespmem:s24], [sflag:$0x9], $0x80, $0x38;
	[tilespmem:$0x1DA00] =	vst v63  }
0x118: {  	s28 =	sadd.s32 $0x70, s18;
	s24 =	simm.s32 $0x19930;
	s31 =	sadd.s32 $0x60, s18  }
0x119: {  	[hbm4b:s31+s3] =	stream.linear.scatter [tilespmem:s24], [sflag:$0x9], $0x80, $0x38;
	[tilespmem:$0x1DA00] =	vst v63  }
0x11a: {  	s21 =	simm.s32 $0x2200;
	s18 =	sadd.s32 $0x1000, s18;
	s24 =	simm.s32 $0x199B8  }
.LBB2_11:
0x11b: {  	[hbm4b:s28+s3] =	stream.linear.scatter [tilespmem:s24], [sflag:$0x9], $0x80, $0x38;
	[tilespmem:$0x1DA00] =	vst v63  }
0x11c: {  	s24 =	smov.u32 s9;
	s9 =	smov.u32 s21  }
0x11d: {  	s31 =	sadd.s32 $0x1100, s21;
	s9 =	sshra.s32 s9, $0x2;
	s28 =	sadd.s32 $0x19600, s24  }
0x11e: {  	[hbm4b:s18+s3] =	stream.linear.scatter [tilespmem:s28], [sflag:$0x9], $0x80, $0x38;
	[tilespmem:$0x1DA00] =	vst v63  }
0x11f: {  	p0 =	sne.s32 s21, $0x7700;
	s21 =	sadd.s32 $0x19688, s24;
	s28 =	sadd.s32 $0x10, s18  }
0x120: {  	[hbm4b:s28+s3] =	stream.linear.scatter [tilespmem:s21], [sflag:$0x9], $0x80, $0x38;
	[tilespmem:$0x1DA00] =	vst v63  }
0x121: {  	s21 =	sadd.s32 $0x19710, s24;
	s28 =	sadd.s32 $0x20, s18  }
0x122: {  	[hbm4b:s28+s3] =	stream.linear.scatter [tilespmem:s21], [sflag:$0x9], $0x80, $0x38;
	[tilespmem:$0x1DA00] =	vst v63  }
0x123: {  	s21 =	sadd.s32 $0x19798, s24;
	s28 =	sadd.s32 $0x30, s18  }
0x124: {  	[hbm4b:s28+s3] =	stream.linear.scatter [tilespmem:s21], [sflag:$0x9], $0x80, $0x38;
	[tilespmem:$0x1DA00] =	vst v63  }
0x125: {  	s21 =	sadd.s32 $0x19820, s24;
	s28 =	sadd.s32 $0x40, s18  }
0x126: {  	[hbm4b:s28+s3] =	stream.linear.scatter [tilespmem:s21], [sflag:$0x9], $0x80, $0x38;
	[tilespmem:$0x1DA00] =	vst v63  }
.Ltmp4:
0x127: {  	s21 =	sadd.s32 $0x198A8, s24;
	s28 =	sadd.s32 $0x50, s18;
	(pc) =	sbr.rel @p0 .LBB2_11-.Ltmp4, $4  }
0x128: {  	[hbm4b:s28+s3] =	stream.linear.scatter [tilespmem:s21], [sflag:$0x9], $0x80, $0x38;
	[tilespmem:$0x1DA00] =	vst v63  }
0x129: {  	s21 =	sadd.s32 $0x19930, s24;
	s28 =	sadd.s32 $0x60, s18;
	s24 =	sadd.s32 $0x199B8, s24  }
0x12a: {  	[hbm4b:s28+s3] =	stream.linear.scatter [tilespmem:s21], [sflag:$0x9], $0x80, $0x38;
	[tilespmem:$0x1DA00] =	vst v63  }
0x12b: {  	s28 =	sadd.s32 $0x70, s18;
	s18 =	sadd.s32 $0x1000, s18;
	s21 =	smov.u32 s31  }
0x12c: {  	[hbm4b:s28+s3] =	stream.linear.scatter [tilespmem:s24], [sflag:$0x9], $0x80, $0x38;
	[tilespmem:$0x1DA00] =	vst v63  }
0x12d: {  	s21 =	sadd.s32 $0x19600, s9  }
0x12e: {  	[hbm4b:s18+s3] =	stream.linear.scatter [tilespmem:s21], [sflag:$0x9], $0x80, $0x38;
	[tilespmem:$0x1DA00] =	vst v63  }
0x12f: {  	s24 =	sadd.s32 $0x19688, s9;
	s31 =	sadd.s32 $0x10, s18  }
0x130: {  	[hbm4b:s31+s3] =	stream.linear.scatter [tilespmem:s24], [sflag:$0x9], $0x80, $0x38;
	[tilespmem:$0x1DA00] =	vst v63  }
0x131: {  	s24 =	sadd.s32 $0x19710, s9;
	s31 =	sadd.s32 $0x20, s18  }
0x132: {  	[hbm4b:s31+s3] =	stream.linear.scatter [tilespmem:s24], [sflag:$0x9], $0x80, $0x38;
	[tilespmem:$0x1DA00] =	vst v63  }
0x133: {  	s24 =	sadd.s32 $0x19798, s9;
	s31 =	sadd.s32 $0x30, s18  }
0x134: {  	[hbm4b:s31+s3] =	stream.linear.scatter [tilespmem:s24], [sflag:$0x9], $0x80, $0x38;
	[tilespmem:$0x1DA00] =	vst v63  }
0x135: {  	s24 =	sadd.s32 $0x19820, s9;
	s31 =	sadd.s32 $0x40, s18  }
0x136: {  	[hbm4b:s31+s3] =	stream.linear.scatter [tilespmem:s24], [sflag:$0x9], $0x80, $0x38;
	[tilespmem:$0x1DA00] =	vst v63  }
0x137: {  	s24 =	sadd.s32 $0x198A8, s9;
	s31 =	sadd.s32 $0x50, s18  }
0x138: {  	[hbm4b:s31+s3] =	stream.linear.scatter [tilespmem:s24], [sflag:$0x9], $0x80, $0x38;
	[tilespmem:$0x1DA00] =	vst v63  }
0x139: {  	s24 =	sadd.s32 $0x19930, s9;
	s31 =	sadd.s32 $0x60, s18  }
0x13a: {  	[hbm4b:s31+s3] =	stream.linear.scatter [tilespmem:s24], [sflag:$0x9], $0x80, $0x38;
	[tilespmem:$0x1DA00] =	vst v63  }
0x13b: {  	s21 =	sadd.s32 $0x70, s18;
	s31 =	sadd.s32 $0x199B8, s9  }
0x13c: {  	[hbm4b:s21+s3] =	stream.linear.scatter [tilespmem:s31], [sflag:$0x9], $0x80, $0x38;
	[tilespmem:$0x1DA00] =	vst v63  }
0x13d: {  	s24 =	sadd.s32 $0x280, s6;
	s31 =	simm.s32 $0x13600  }
0x13e: {  	[tilespmem:s31], [sflag:$0x6] =	stream.indirect.gather [hbm4b:s4+s15], $0x40, s24, s15, $0xb8;
	[tilespmem:$0x1DA00] =	vst v63  }
0x13f: {  	_ =	swait.ge [sflag:s29], $0x2000  }
0x140: {  	[sflag:s29] =	ssyncset.done $0x0  }
0x141: {  	[sflag:s29] =	ssyncadd.s32 $0xFFFFE000  }
0x142: {  	s18 =	sor.u32 $0x2, s7;
	_ =	swait.ge [sflag:s30], $0x2000  }
0x143: {  	s21 =	sshll.u32 s18, $0x6;
	[sflag:s30] =	ssyncset.done $0x0  }
0x144: {  	s9 =	sand.u32 $0x3FFFFFC0, s21;
	[sflag:s30] =	ssyncadd.s32 $0xFFFFE000  }
0x145: {  	s28 =	simm.s32 $0xD680;
	s24 =	simm.s32 $0x3;
	v9 =	vld [tilespmem:s9+$0x6400]  }
0x146: {  	v4 =	vmov s24;
	v7 =	vld [tilespmem:s28+$0x40]  }
0x147: {  	v13 =	vand.u32 $0x7F, v4  }
0x148: {  	s31 =	simm.s32 $0x0;
	v8 =	vadd.s32 v0, v13;
	v6 =	vld [tilespmem:s9+$0x6410]  }
0x149: {  	s24 =	simm.s32 $0x1;
	v4 =	vmov s31;
	s31 =	simm.s32 $0x2;
	v10 =	vld [tilespmem:s28+$0xFFFFFF80]  }
0x14a: {  	v12 =	vand.u32 $0x7C, v4;
	v4 =	vmov s24;
	v14 =	vmov s31;
	v11 =	vld [tilespmem:s28+$0xFFFFFFC0]  }
0x14b: {  	v15 =	vadd.s32 v0, v12;
	v19 =	vand.u32 $0x7D, v4;
	v16 =	vld [tilespmem:s28+$0x0];
	v7 =	vadd.f32 v7, v9  }
0x14c: {  	v20 =	vand.u32 $0x7E, v14;
	v17 =	vadd.s32 v0, v19;
	v5 =	vld [tilespmem:s9+$0x6420]  }
0x14d: {  	v14 =	vadd.s32 v0, v20;
	v4 =	vld [tilespmem:s9+$0x6430];
	[tilespmem:v8+s23+$0x0] =	vst.idx.msk $0xffff, v7  }
0x14e: {  	v7 =	vadd.f32 v10, v9;
	v8 =	vld [tilespmem:s28+$0x50]  }
0x14f: {  	v10 =	vadd.f32 v11, v9  }
0x150: {  	v11 =	vadd.s32 v1, v13;
	[tilespmem:v15+s23+$0x0] =	vst.idx.msk $0xffff, v7;
	v7 =	vadd.f32 v16, v9  }
0x151: {  	[tilespmem:v17+s23+$0x0] =	vst.idx.msk $0xffff, v10;
	v15 =	vld [tilespmem:s28+$0xFFFFFF90]  }
0x152: {  	v10 =	vld [tilespmem:s28+$0xFFFFFFD0];
	[tilespmem:v14+s23+$0x0] =	vst.idx.msk $0xffff, v7  }
0x153: {  	v14 =	vld [tilespmem:s28+$0x10];
	v7 =	vadd.f32 v8, v6  }
0x154: {  	s31 =	simm.s32 $0x7;
	s9 =	simm.s32 $0xD780;
	v16 =	vadd.s32 v1, v19  }
0x155: {  	s24 =	simm.s32 $0x4;
	v26 =	vadd.s32 v2, v13;
	v18 =	vld [tilespmem:s9+$0x40];
	v17 =	vadd.s32 v1, v20;
	[tilespmem:v11+s23+$0x0] =	vst.idx.msk $0xffff, v7;
	v7 =	vmov s31  }
0x156: {  	v21 =	vadd.s32 v1, v12;
	v8 =	vmov s24;
	v7 =	vand.u32 $0x7F, v7;
	v22 =	vld [tilespmem:s28+$0x60]  }
0x157: {  	v23 =	vld [tilespmem:s9+$0xFFFFFF80];
	s24 =	simm.s32 $0x5;
	v8 =	vand.u32 $0x7C, v8;
	v10 =	vadd.f32 v10, v6;
	v24 =	vadd.s32 v0, v7  }
0x158: {  	v25 =	vld [tilespmem:s9+$0xFFFFFFC0];
	v15 =	vadd.f32 v15, v6;
	s31 =	simm.s32 $0x6;
	v11 =	vadd.f32 v14, v6;
	v14 =	vmov s24  }
0x159: {  	v27 =	vadd.s32 v0, v8;
	[tilespmem:v16+s23+$0x0] =	vst.idx.msk $0xffff, v10;
	v16 =	vmov s31;
	v10 =	vand.u32 $0x7D, v14;
	v14 =	vld [tilespmem:s9+$0x0]  }
0x15a: {  	[tilespmem:v17+s23+$0x0] =	vst.idx.msk $0xffff, v11;
	v17 =	vadd.s32 v0, v10;
	v11 =	vand.u32 $0x7E, v16;
	v16 =	vadd.f32 v18, v9;
	v18 =	vld [tilespmem:s28+$0xFFFFFFE0]  }
0x15b: {  	[tilespmem:v21+s23+$0x0] =	vst.idx.msk $0xffff, v15;
	v15 =	vadd.s32 v0, v11;
	v21 =	vld [tilespmem:s28+$0x20];
	v22 =	vadd.f32 v22, v5  }
0x15c: {  	v23 =	vadd.f32 v23, v9;
	[tilespmem:v24+s23+$0x0] =	vst.idx.msk $0xffff, v16;
	v16 =	vld [tilespmem:s28+$0xFFFFFFA0];
	v24 =	vadd.s32 v2, v19  }
0x15d: {  	v29 =	vadd.s32 v2, v20;
	v25 =	vadd.f32 v25, v9;
	v28 =	vld [tilespmem:s9+$0x50];
	[tilespmem:v26+s23+$0x0] =	vst.idx.msk $0xffff, v22  }
0x15e: {  	[tilespmem:v27+s23+$0x0] =	vst.idx.msk $0xffff, v23;
	v23 =	vadd.s32 v2, v12;
	v14 =	vadd.f32 v14, v9;
	v26 =	vld [tilespmem:s28+$0x70]  }
0x15f: {  	v27 =	vld [tilespmem:s9+$0xFFFFFF90];
	[tilespmem:v17+s23+$0x0] =	vst.idx.msk $0xffff, v25;
	v25 =	vadd.s32 v1, v7;
	v18 =	vadd.f32 v18, v5  }
0x160: {  	v31 =	vadd.s32 v3, v13;
	v30 =	vld [tilespmem:s9+$0xFFFFFFD0];
	[tilespmem:v15+s23+$0x0] =	vst.idx.msk $0xffff, v14;
	v14 =	vadd.f32 v21, v5  }
0x161: {  	v22 =	vadd.s32 v1, v8;
	v17 =	vld [tilespmem:s9+$0x10];
	v13 =	vadd.f32 v16, v5;
	[tilespmem:v24+s23+$0x0] =	vst.idx.msk $0xffff, v18  }
0x162: {  	s24 =	simm.s32 $0x8;
	v21 =	vadd.s32 v1, v10;
	[tilespmem:v29+s23+$0x0] =	vst.idx.msk $0xffff, v14;
	v18 =	vadd.f32 v28, v6;
	v16 =	vld [tilespmem:s28+$0xFFFFFFF0]  }
0x163: {  	v24 =	vmov s24;
	v14 =	vadd.s32 v1, v11;
	v15 =	vld [tilespmem:s28+$0x30];
	[tilespmem:v23+s23+$0x0] =	vst.idx.msk $0xffff, v13;
	v63 =	vadd.f32 v26, v4  }
0x164: {  	s21 =	simm.s32 $0xD880;
	s31 =	simm.s32 $0xB;
	v19 =	vadd.s32 v3, v19;
	v13 =	vand.u32 $0x7C, v24;
	v24 =	vadd.f32 v27, v6;
	[tilespmem:v25+s23+$0x0] =	vst.idx.msk $0xffff, v18;
	v18 =	vld [tilespmem:s28+$0xFFFFFFB0]  }
0x165: {  	v20 =	vadd.s32 v3, v20;
	v26 =	vmov s31;
	v23 =	vld [tilespmem:s21+$0x40];
	s28 =	simm.s32 $0xC;
	v25 =	vadd.f32 v30, v6;
	[tilespmem:v31+s23+$0x0] =	vst.idx.msk $0xffff, v63  }
.LBB2_13:
0x166: {  	p0 =	slt.u32 s28, $0x7C;
	s31 =	sadd.s32 $0x1, s24;
	v26 =	vand.u32 $0x7F, v26;
	[tilespmem:v22+s23+$0x0] =	vst.idx.msk $0xffff, v24;
	v17 =	vadd.f32 v17, v6;
	v22 =	vld [tilespmem:s9+$0x60];
	v24 =	vadd.s32 v3, v12  }
0x167: {  	v30 =	vmovc v11;
	v27 =	vld [tilespmem:s21+$0xFFFFFF80];
	v28 =	vmov s31;
	s31 =	sadd.s32 $0x2, s24;
	v29 =	vadd.s32 v0, v26;
	[tilespmem:v21+s23+$0x0] =	vst.idx.msk $0xffff, v25;
	v16 =	vadd.f32 v16, v4;
	s24 =	smov.u32 s28  }
0x168: {  	v12 =	vmovc v8;
	v21 =	vld [tilespmem:s21+$0xFFFFFFC0];
	v11 =	vmov s31;
	[tilespmem:v14+s23+$0x0] =	vst.idx.msk $0xffff, v17;
	v14 =	vadd.s32 v2, v7;
	v15 =	vadd.f32 v15, v4  }
0x169: {  	v17 =	vadd.s32 v0, v13;
	v28 =	vand.u32 $0x7D, v28;
	v25 =	vld [tilespmem:s21+$0x0];
	v31 =	vadd.f32 v18, v4;
	[tilespmem:v19+s23+$0x0] =	vst.idx.msk $0xffff, v16  }
0x16a: {  	v16 =	vadd.s32 v0, v28;
	v11 =	vand.u32 $0x7E, v11;
	v18 =	vadd.f32 v23, v9;
	v19 =	vld [tilespmem:s9+$0xFFFFFFE0];
	[tilespmem:v20+s23+$0x0] =	vst.idx.msk $0xffff, v15  }
0x16b: {  	v8 =	vmov v13;
	v15 =	vadd.s32 v0, v11;
	v20 =	vld [tilespmem:s9+$0x20];
	v22 =	vadd.f32 v22, v5;
	[tilespmem:v24+s23+$0x0] =	vst.idx.msk $0xffff, v31  }
0x16c: {  	v23 =	vadd.s32 v2, v10;
	v13 =	vadd.f32 v27, v9;
	[tilespmem:v29+s23+$0x0] =	vst.idx.msk $0xffff, v18;
	v18 =	vld [tilespmem:s9+$0xFFFFFFA0]  }
0x16d: {  	v27 =	vadd.s32 v2, v30;
	v21 =	vadd.f32 v21, v9;
	v24 =	vld [tilespmem:s21+$0x50];
	[tilespmem:v14+s23+$0x0] =	vst.idx.msk $0xffff, v22  }
0x16e: {  	[tilespmem:v17+s23+$0x0] =	vst.idx.msk $0xffff, v13;
	v13 =	vadd.f32 v25, v9;
	v25 =	vadd.s32 v2, v12;
	v29 =	vld [tilespmem:s9+$0x70]  }
0x16f: {  	v32 =	vadd.s32 v1, v26;
	v31 =	vld [tilespmem:s21+$0xFFFFFF90];
	[tilespmem:v16+s23+$0x0] =	vst.idx.msk $0xffff, v21;
	v14 =	vadd.f32 v19, v5  }
0x170: {  	v34 =	vadd.s32 v3, v7;
	v7 =	vmov v26;
	v33 =	vld [tilespmem:s21+$0xFFFFFFD0];
	[tilespmem:v15+s23+$0x0] =	vst.idx.msk $0xffff, v13;
	v13 =	vadd.f32 v20, v5  }
.Ltmp5:
0x171: {  	v22 =	vadd.s32 v1, v8;
	v17 =	vld [tilespmem:s21+$0x10];
	v15 =	vadd.f32 v18, v5;
	[tilespmem:v23+s23+$0x0] =	vst.idx.msk $0xffff, v14;
	(pc) =	sbr.rel @p0 .LBB2_13-.Ltmp5, $4  }
0x172: {  	v21 =	vadd.s32 v1, v28;
	v18 =	vadd.f32 v24, v6;
	v16 =	vld [tilespmem:s9+$0xFFFFFFF0];
	[tilespmem:v27+s23+$0x0] =	vst.idx.msk $0xffff, v13  }
0x173: {  	v14 =	vadd.s32 v1, v11;
	v13 =	vmov s28;
	[tilespmem:v25+s23+$0x0] =	vst.idx.msk $0xffff, v15;
	v15 =	vld [tilespmem:s9+$0x30];
	v27 =	vadd.f32 v29, v4  }
0x174: {  	s31 =	sadd.s32 $0x3, s28;
	v19 =	vadd.s32 v3, v10;
	v13 =	vand.u32 $0x7C, v13;
	v24 =	vadd.f32 v31, v6;
	[tilespmem:v32+s23+$0x0] =	vst.idx.msk $0xffff, v18;
	v18 =	vld [tilespmem:s9+$0xFFFFFFB0];
	s9 =	smov.u32 s21;
	s21 =	sadd.s32 $0x100, s21  }
0x175: {  	v26 =	vmov s31;
	v10 =	vmovc v28;
	v20 =	vadd.s32 v3, v30;
	s28 =	sadd.s32 $0x4, s28;
	v23 =	vld [tilespmem:s21+$0x40];
	v25 =	vadd.f32 v33, v6;
	[tilespmem:v34+s23+$0x0] =	vst.idx.msk $0xffff, v27  }
0x176: {  	s28 =	sadd.s32 $0x1, s24  }
0x177: {  	v26 =	vand.u32 $0x7F, v26;
	s31 =	sadd.s32 $0x2, s24;
	v28 =	vld [tilespmem:s21+$0xFFFFFFC0];
	v27 =	vmov s28  }
0x178: {  	v31 =	vld [tilespmem:s21+$0x0];
	v29 =	vadd.s32 v0, v26;
	v30 =	vmov s31;
	v27 =	vand.u32 $0x7D, v27  }
0x179: {  	v32 =	vld [tilespmem:s21+$0xFFFFFF80];
	v30 =	vand.u32 $0x7E, v30;
	v33 =	vadd.s32 v0, v27  }
0x17a: {  	v34 =	vadd.s32 v0, v30  }
0x17b: {  	[tilespmem:v22+s23+$0x0] =	vst.idx.msk $0xffff, v24;
	v44 =	vadd.s32 v0, v13;
	v23 =	vadd.f32 v23, v9  }
0x17c: {  	[tilespmem:v21+s23+$0x0] =	vst.idx.msk $0xffff, v25;
	v45 =	vadd.f32 v28, v9  }
0x17d: {  	v46 =	vadd.f32 v31, v9;
	[tilespmem:v29+s23+$0x0] =	vst.idx.msk $0xffff, v23  }
0x17e: {  	v47 =	vadd.f32 v32, v9;
	v48 =	vld [tilespmem:s21+$0x50];
	[tilespmem:v33+s23+$0x0] =	vst.idx.msk $0xffff, v45  }
0x17f: {  	v17 =	vadd.f32 v17, v6;
	v12 =	vadd.s32 v3, v12;
	[tilespmem:v34+s23+$0x0] =	vst.idx.msk $0xffff, v46;
	v21 =	vld [tilespmem:s21+$0xFFFFFFD0]  }
0x180: {  	v16 =	vadd.f32 v16, v4;
	v49 =	vadd.s32 v1, v26;
	[tilespmem:v44+s23+$0x0] =	vst.idx.msk $0xffff, v47;
	v50 =	vld [tilespmem:s21+$0x10]  }
0x181: {  	[tilespmem:v14+s23+$0x0] =	vst.idx.msk $0xffff, v17;
	v51 =	vadd.f32 v15, v4;
	v53 =	vadd.s32 v1, v27;
	v52 =	vld [tilespmem:s21+$0xFFFFFF90]  }
0x182: {  	v54 =	vld [tilespmem:s9+$0x60];
	v18 =	vadd.f32 v18, v4;
	[tilespmem:v19+s23+$0x0] =	vst.idx.msk $0xffff, v16;
	v55 =	vadd.s32 v1, v30  }
0x183: {  	v57 =	vadd.s32 v1, v13;
	v60 =	vld [tilespmem:s9+$0x20];
	[tilespmem:v20+s23+$0x0] =	vst.idx.msk $0xffff, v51;
	v58 =	vadd.f32 v48, v6  }
0x184: {  	v59 =	vadd.s32 v2, v7;
	v56 =	vld [tilespmem:s9+$0xFFFFFFE0];
	[tilespmem:v12+s23+$0x0] =	vst.idx.msk $0xffff, v18;
	v61 =	vadd.f32 v21, v6  }
0x185: {  	v62 =	vld [tilespmem:s9+$0xFFFFFFA0];
	v29 =	vadd.s32 v2, v11;
	[tilespmem:v49+s23+$0x0] =	vst.idx.msk $0xffff, v58;
	v28 =	vadd.f32 v50, v6  }
0x186: {  	v63 =	vadd.s32 v2, v10;
	v31 =	vadd.f32 v52, v6;
	v32 =	vld [tilespmem:s21+$0x60];
	[tilespmem:v53+s23+$0x0] =	vst.idx.msk $0xffff, v61  }
0x187: {  	v33 =	vadd.f32 v54, v5;
	v34 =	vadd.s32 v2, v8;
	[tilespmem:v55+s23+$0x0] =	vst.idx.msk $0xffff, v28;
	v35 =	vld [tilespmem:s21+$0xFFFFFFE0]  }
0x188: {  	v37 =	vadd.s32 v2, v26;
	v39 =	vadd.f32 v60, v5;
	[tilespmem:v57+s23+$0x0] =	vst.idx.msk $0xffff, v31;
	v38 =	vld [tilespmem:s21+$0x20]  }
0x189: {  	v41 =	vadd.s32 v2, v27;
	v36 =	vadd.f32 v56, v5;
	[tilespmem:v59+s23+$0x0] =	vst.idx.msk $0xffff, v33;
	v40 =	vld [tilespmem:s21+$0xFFFFFFA0]  }
0x18a: {  	v43 =	vadd.s32 v2, v30;
	v18 =	vadd.f32 v62, v5;
	v42 =	vld [tilespmem:s9+$0x70];
	[tilespmem:v29+s23+$0x0] =	vst.idx.msk $0xffff, v39  }
0x18b: {  	v45 =	vadd.s32 v2, v13;
	[tilespmem:v63+s23+$0x0] =	vst.idx.msk $0xffff, v36;
	v47 =	vld [tilespmem:s9+$0x30];
	v44 =	vadd.f32 v32, v5  }
0x18c: {  	v46 =	vadd.s32 v3, v7;
	[tilespmem:v34+s23+$0x0] =	vst.idx.msk $0xffff, v18;
	v21 =	vld [tilespmem:s9+$0xFFFFFFF0];
	v9 =	vadd.f32 v35, v5  }
0x18d: {  	v18 =	vld [tilespmem:s9+$0xFFFFFFB0];
	v50 =	vadd.s32 v3, v11;
	[tilespmem:v37+s23+$0x0] =	vst.idx.msk $0xffff, v44;
	v49 =	vadd.f32 v38, v5  }
0x18e: {  	v48 =	vadd.s32 v3, v10;
	v5 =	vadd.f32 v40, v5;
	v12 =	vld [tilespmem:s21+$0x70];
	[tilespmem:v41+s23+$0x0] =	vst.idx.msk $0xffff, v9  }
0x18f: {  	v52 =	vadd.s32 v3, v8;
	v51 =	vadd.f32 v42, v4;
	[tilespmem:v43+s23+$0x0] =	vst.idx.msk $0xffff, v49;
	v53 =	vld [tilespmem:s21+$0xFFFFFFF0]  }
0x190: {  	v55 =	vadd.s32 v3, v26;
	v56 =	vadd.f32 v47, v4;
	[tilespmem:v45+s23+$0x0] =	vst.idx.msk $0xffff, v5;
	v5 =	vld [tilespmem:s21+$0x30]  }
0x191: {  	v58 =	vadd.s32 v3, v27;
	[tilespmem:v46+s23+$0x0] =	vst.idx.msk $0xffff, v51;
	v54 =	vadd.f32 v21, v4;
	v57 =	vld [tilespmem:s21+$0xFFFFFFB0]  }
0x192: {  	v60 =	vadd.s32 v3, v30;
	v59 =	vadd.f32 v18, v4;
	[tilespmem:v50+s23+$0x0] =	vst.idx.msk $0xffff, v56  }
0x193: {  	v62 =	vadd.s32 v3, v13;
	[tilespmem:v48+s23+$0x0] =	vst.idx.msk $0xffff, v54;
	v61 =	vadd.f32 v12, v4  }
0x194: {  	[tilespmem:v52+s23+$0x0] =	vst.idx.msk $0xffff, v59;
	v63 =	vadd.f32 v53, v4  }
0x195: {  	s12 =	sshll.u32 s12, $0x12;
	[tilespmem:v55+s23+$0x0] =	vst.idx.msk $0xffff, v61;
	v5 =	vadd.f32 v5, v4  }
0x196: {  	s9 =	sor.u32 s5, s12;
	v4 =	vadd.f32 v57, v4;
	[tilespmem:v58+s23+$0x0] =	vst.idx.msk $0xffff, v63  }
0x197: {  	s9 =	sshrl.u32 s9, $0x3;
	[tilespmem:v60+s23+$0x0] =	vst.idx.msk $0xffff, v5  }
0x198: {  	s12 =	sadd.s32 s1, s9;
	s21 =	simm.s32 $0x1B800;
	[tilespmem:v62+s23+$0x0] =	vst.idx.msk $0xffff, v4  }
0x199: {  	[hbm4b:s12+s3] =	stream.linear.scatter [tilespmem:s21], [sflag:$0xA], $0x80, $0x38;
	[tilespmem:$0x1DA00] =	vst v63  }
0x19a: {  	s24 =	simm.s32 $0x1B888;
	s31 =	sadd.s32 $0x10, s12  }
0x19b: {  	[hbm4b:s31+s3] =	stream.linear.scatter [tilespmem:s24], [sflag:$0xA], $0x80, $0x38;
	[tilespmem:$0x1DA00] =	vst v63  }
0x19c: {  	s24 =	simm.s32 $0x1B910;
	s31 =	sadd.s32 $0x20, s12  }
0x19d: {  	[hbm4b:s31+s3] =	stream.linear.scatter [tilespmem:s24], [sflag:$0xA], $0x80, $0x38;
	[tilespmem:$0x1DA00] =	vst v63  }
0x19e: {  	s24 =	simm.s32 $0x1B998;
	s31 =	sadd.s32 $0x30, s12  }
0x19f: {  	[hbm4b:s31+s3] =	stream.linear.scatter [tilespmem:s24], [sflag:$0xA], $0x80, $0x38;
	[tilespmem:$0x1DA00] =	vst v63  }
0x1a0: {  	s24 =	simm.s32 $0x1BA20;
	s31 =	sadd.s32 $0x40, s12  }
0x1a1: {  	[hbm4b:s31+s3] =	stream.linear.scatter [tilespmem:s24], [sflag:$0xA], $0x80, $0x38;
	[tilespmem:$0x1DA00] =	vst v63  }
0x1a2: {  	s9 =	simm.s32 $0x440;
	s24 =	simm.s32 $0x1BAA8;
	s31 =	sadd.s32 $0x50, s12  }
0x1a3: {  	[hbm4b:s31+s3] =	stream.linear.scatter [tilespmem:s24], [sflag:$0xA], $0x80, $0x38;
	[tilespmem:$0x1DA00] =	vst v63  }
0x1a4: {  	s28 =	sadd.s32 $0x70, s12;
	s24 =	simm.s32 $0x1BB30;
	s31 =	sadd.s32 $0x60, s12  }
0x1a5: {  	[hbm4b:s31+s3] =	stream.linear.scatter [tilespmem:s24], [sflag:$0xA], $0x80, $0x38;
	[tilespmem:$0x1DA00] =	vst v63  }
0x1a6: {  	s21 =	simm.s32 $0x2200;
	s12 =	sadd.s32 $0x1000, s12;
	s24 =	simm.s32 $0x1BBB8  }
.LBB2_15:
0x1a7: {  	[hbm4b:s28+s3] =	stream.linear.scatter [tilespmem:s24], [sflag:$0xA], $0x80, $0x38;
	[tilespmem:$0x1DA00] =	vst v63  }
0x1a8: {  	s24 =	smov.u32 s9;
	s9 =	smov.u32 s21  }
0x1a9: {  	s31 =	sadd.s32 $0x1100, s21;
	s9 =	sshra.s32 s9, $0x2;
	s28 =	sadd.s32 $0x1B800, s24  }
0x1aa: {  	[hbm4b:s12+s3] =	stream.linear.scatter [tilespmem:s28], [sflag:$0xA], $0x80, $0x38;
	[tilespmem:$0x1DA00] =	vst v63  }
0x1ab: {  	p0 =	sne.s32 s21, $0x7700;
	s21 =	sadd.s32 $0x1B888, s24;
	s28 =	sadd.s32 $0x10, s12  }
0x1ac: {  	[hbm4b:s28+s3] =	stream.linear.scatter [tilespmem:s21], [sflag:$0xA], $0x80, $0x38;
	[tilespmem:$0x1DA00] =	vst v63  }
0x1ad: {  	s21 =	sadd.s32 $0x1B910, s24;
	s28 =	sadd.s32 $0x20, s12  }
0x1ae: {  	[hbm4b:s28+s3] =	stream.linear.scatter [tilespmem:s21], [sflag:$0xA], $0x80, $0x38;
	[tilespmem:$0x1DA00] =	vst v63  }
0x1af: {  	s21 =	sadd.s32 $0x1B998, s24;
	s28 =	sadd.s32 $0x30, s12  }
0x1b0: {  	[hbm4b:s28+s3] =	stream.linear.scatter [tilespmem:s21], [sflag:$0xA], $0x80, $0x38;
	[tilespmem:$0x1DA00] =	vst v63  }
0x1b1: {  	s21 =	sadd.s32 $0x1BA20, s24;
	s28 =	sadd.s32 $0x40, s12  }
0x1b2: {  	[hbm4b:s28+s3] =	stream.linear.scatter [tilespmem:s21], [sflag:$0xA], $0x80, $0x38;
	[tilespmem:$0x1DA00] =	vst v63  }
.Ltmp6:
0x1b3: {  	s21 =	sadd.s32 $0x1BAA8, s24;
	s28 =	sadd.s32 $0x50, s12;
	(pc) =	sbr.rel @p0 .LBB2_15-.Ltmp6, $4  }
0x1b4: {  	[hbm4b:s28+s3] =	stream.linear.scatter [tilespmem:s21], [sflag:$0xA], $0x80, $0x38;
	[tilespmem:$0x1DA00] =	vst v63  }
0x1b5: {  	s21 =	sadd.s32 $0x1BB30, s24;
	s28 =	sadd.s32 $0x60, s12;
	s24 =	sadd.s32 $0x1BBB8, s24  }
0x1b6: {  	[hbm4b:s28+s3] =	stream.linear.scatter [tilespmem:s21], [sflag:$0xA], $0x80, $0x38;
	[tilespmem:$0x1DA00] =	vst v63  }
0x1b7: {  	s28 =	sadd.s32 $0x70, s12;
	s12 =	sadd.s32 $0x1000, s12;
	s21 =	smov.u32 s31  }
0x1b8: {  	[hbm4b:s28+s3] =	stream.linear.scatter [tilespmem:s24], [sflag:$0xA], $0x80, $0x38;
	[tilespmem:$0x1DA00] =	vst v63  }
0x1b9: {  	s21 =	sadd.s32 $0x1B800, s9  }
0x1ba: {  	[hbm4b:s12+s3] =	stream.linear.scatter [tilespmem:s21], [sflag:$0xA], $0x80, $0x38;
	[tilespmem:$0x1DA00] =	vst v63  }
0x1bb: {  	s24 =	sadd.s32 $0x1B888, s9;
	s31 =	sadd.s32 $0x10, s12  }
0x1bc: {  	[hbm4b:s31+s3] =	stream.linear.scatter [tilespmem:s24], [sflag:$0xA], $0x80, $0x38;
	[tilespmem:$0x1DA00] =	vst v63  }
0x1bd: {  	s24 =	sadd.s32 $0x1B910, s9;
	s31 =	sadd.s32 $0x20, s12  }
0x1be: {  	[hbm4b:s31+s3] =	stream.linear.scatter [tilespmem:s24], [sflag:$0xA], $0x80, $0x38;
	[tilespmem:$0x1DA00] =	vst v63  }
0x1bf: {  	s24 =	sadd.s32 $0x1B998, s9;
	s31 =	sadd.s32 $0x30, s12  }
0x1c0: {  	[hbm4b:s31+s3] =	stream.linear.scatter [tilespmem:s24], [sflag:$0xA], $0x80, $0x38;
	[tilespmem:$0x1DA00] =	vst v63  }
0x1c1: {  	s24 =	sadd.s32 $0x1BA20, s9;
	s31 =	sadd.s32 $0x40, s12  }
0x1c2: {  	[hbm4b:s31+s3] =	stream.linear.scatter [tilespmem:s24], [sflag:$0xA], $0x80, $0x38;
	[tilespmem:$0x1DA00] =	vst v63  }
0x1c3: {  	s24 =	sadd.s32 $0x1BAA8, s9;
	s31 =	sadd.s32 $0x50, s12  }
0x1c4: {  	[hbm4b:s31+s3] =	stream.linear.scatter [tilespmem:s24], [sflag:$0xA], $0x80, $0x38;
	[tilespmem:$0x1DA00] =	vst v63  }
0x1c5: {  	s24 =	sadd.s32 $0x1BB30, s9;
	s31 =	sadd.s32 $0x60, s12  }
0x1c6: {  	[hbm4b:s31+s3] =	stream.linear.scatter [tilespmem:s24], [sflag:$0xA], $0x80, $0x38;
	[tilespmem:$0x1DA00] =	vst v63  }
0x1c7: {  	s21 =	sadd.s32 $0x70, s12;
	s31 =	sadd.s32 $0x1BBB8, s9  }
0x1c8: {  	[hbm4b:s21+s3] =	stream.linear.scatter [tilespmem:s31], [sflag:$0xA], $0x80, $0x38;
	[tilespmem:$0x1DA00] =	vst v63  }
0x1c9: {  	s24 =	sadd.s32 $0x300, s6;
	s31 =	simm.s32 $0x15600  }
0x1ca: {  	[tilespmem:s31], [sflag:$0x7] =	stream.indirect.gather [hbm4b:s4+s15], $0x40, s24, s15, $0xb8;
	[tilespmem:$0x1DA00] =	vst v63  }
0x1cb: {  	_ =	swait.ge [sflag:s0], $0x2000  }
0x1cc: {  	[sflag:s0] =	ssyncset.done $0x0  }
0x1cd: {  	[sflag:s0] =	ssyncadd.s32 $0xFFFFE000  }
0x1ce: {  	s12 =	sor.u32 $0x3, s7;
	_ =	swait.ge [sflag:s2], $0x2000  }
0x1cf: {  	s21 =	sshll.u32 s12, $0x6;
	[sflag:s2] =	ssyncset.done $0x0  }
0x1d0: {  	s9 =	sand.u32 $0x3FFFFFC0, s21;
	[sflag:s2] =	ssyncadd.s32 $0xFFFFE000  }
0x1d1: {  	s28 =	simm.s32 $0xF680;
	s24 =	simm.s32 $0x3;
	v9 =	vld [tilespmem:s9+$0x6400]  }
0x1d2: {  	v4 =	vmov s24;
	v7 =	vld [tilespmem:s28+$0x40]  }
0x1d3: {  	v13 =	vand.u32 $0x7F, v4  }
0x1d4: {  	s31 =	simm.s32 $0x0;
	v8 =	vadd.s32 v0, v13;
	v6 =	vld [tilespmem:s9+$0x6410]  }
0x1d5: {  	s24 =	simm.s32 $0x1;
	v4 =	vmov s31;
	s31 =	simm.s32 $0x2;
	v10 =	vld [tilespmem:s28+$0xFFFFFF80]  }
0x1d6: {  	v12 =	vand.u32 $0x7C, v4;
	v4 =	vmov s24;
	v14 =	vmov s31;
	v11 =	vld [tilespmem:s28+$0xFFFFFFC0]  }
0x1d7: {  	v15 =	vadd.s32 v0, v12;
	v19 =	vand.u32 $0x7D, v4;
	v16 =	vld [tilespmem:s28+$0x0];
	v7 =	vadd.f32 v7, v9  }
0x1d8: {  	v20 =	vand.u32 $0x7E, v14;
	v17 =	vadd.s32 v0, v19;
	v5 =	vld [tilespmem:s9+$0x6420]  }
0x1d9: {  	v14 =	vadd.s32 v0, v20;
	v4 =	vld [tilespmem:s9+$0x6430];
	[tilespmem:v8+s26+$0x0] =	vst.idx.msk $0xffff, v7  }
0x1da: {  	v7 =	vadd.f32 v10, v9;
	v8 =	vld [tilespmem:s28+$0x50]  }
0x1db: {  	v10 =	vadd.f32 v11, v9  }
0x1dc: {  	v11 =	vadd.s32 v1, v13;
	[tilespmem:v15+s26+$0x0] =	vst.idx.msk $0xffff, v7;
	v7 =	vadd.f32 v16, v9  }
0x1dd: {  	[tilespmem:v17+s26+$0x0] =	vst.idx.msk $0xffff, v10;
	v15 =	vld [tilespmem:s28+$0xFFFFFF90]  }
0x1de: {  	v10 =	vld [tilespmem:s28+$0xFFFFFFD0];
	[tilespmem:v14+s26+$0x0] =	vst.idx.msk $0xffff, v7  }
0x1df: {  	v14 =	vld [tilespmem:s28+$0x10];
	v7 =	vadd.f32 v8, v6  }
0x1e0: {  	s31 =	simm.s32 $0x7;
	s9 =	simm.s32 $0xF780;
	v16 =	vadd.s32 v1, v19  }
0x1e1: {  	s24 =	simm.s32 $0x4;
	v26 =	vadd.s32 v2, v13;
	v18 =	vld [tilespmem:s9+$0x40];
	v17 =	vadd.s32 v1, v20;
	[tilespmem:v11+s26+$0x0] =	vst.idx.msk $0xffff, v7;
	v7 =	vmov s31  }
0x1e2: {  	v21 =	vadd.s32 v1, v12;
	v8 =	vmov s24;
	v7 =	vand.u32 $0x7F, v7;
	v22 =	vld [tilespmem:s28+$0x60]  }
0x1e3: {  	v23 =	vld [tilespmem:s9+$0xFFFFFF80];
	s24 =	simm.s32 $0x5;
	v8 =	vand.u32 $0x7C, v8;
	v10 =	vadd.f32 v10, v6;
	v24 =	vadd.s32 v0, v7  }
0x1e4: {  	v25 =	vld [tilespmem:s9+$0xFFFFFFC0];
	v15 =	vadd.f32 v15, v6;
	s31 =	simm.s32 $0x6;
	v11 =	vadd.f32 v14, v6;
	v14 =	vmov s24  }
0x1e5: {  	v27 =	vadd.s32 v0, v8;
	[tilespmem:v16+s26+$0x0] =	vst.idx.msk $0xffff, v10;
	v16 =	vmov s31;
	v10 =	vand.u32 $0x7D, v14;
	v14 =	vld [tilespmem:s9+$0x0]  }
0x1e6: {  	[tilespmem:v17+s26+$0x0] =	vst.idx.msk $0xffff, v11;
	v17 =	vadd.s32 v0, v10;
	v11 =	vand.u32 $0x7E, v16;
	v16 =	vadd.f32 v18, v9;
	v18 =	vld [tilespmem:s28+$0xFFFFFFE0]  }
0x1e7: {  	[tilespmem:v21+s26+$0x0] =	vst.idx.msk $0xffff, v15;
	v15 =	vadd.s32 v0, v11;
	v21 =	vld [tilespmem:s28+$0x20];
	v22 =	vadd.f32 v22, v5  }
0x1e8: {  	v23 =	vadd.f32 v23, v9;
	[tilespmem:v24+s26+$0x0] =	vst.idx.msk $0xffff, v16;
	v16 =	vld [tilespmem:s28+$0xFFFFFFA0];
	v24 =	vadd.s32 v2, v19  }
0x1e9: {  	v29 =	vadd.s32 v2, v20;
	v25 =	vadd.f32 v25, v9;
	v28 =	vld [tilespmem:s9+$0x50];
	[tilespmem:v26+s26+$0x0] =	vst.idx.msk $0xffff, v22  }
0x1ea: {  	[tilespmem:v27+s26+$0x0] =	vst.idx.msk $0xffff, v23;
	v23 =	vadd.s32 v2, v12;
	v14 =	vadd.f32 v14, v9;
	v26 =	vld [tilespmem:s28+$0x70]  }
0x1eb: {  	v27 =	vld [tilespmem:s9+$0xFFFFFF90];
	[tilespmem:v17+s26+$0x0] =	vst.idx.msk $0xffff, v25;
	v25 =	vadd.s32 v1, v7;
	v18 =	vadd.f32 v18, v5  }
0x1ec: {  	v31 =	vadd.s32 v3, v13;
	v30 =	vld [tilespmem:s9+$0xFFFFFFD0];
	[tilespmem:v15+s26+$0x0] =	vst.idx.msk $0xffff, v14;
	v14 =	vadd.f32 v21, v5  }
0x1ed: {  	v22 =	vadd.s32 v1, v8;
	v17 =	vld [tilespmem:s9+$0x10];
	v13 =	vadd.f32 v16, v5;
	[tilespmem:v24+s26+$0x0] =	vst.idx.msk $0xffff, v18  }
0x1ee: {  	s24 =	simm.s32 $0x8;
	v21 =	vadd.s32 v1, v10;
	[tilespmem:v29+s26+$0x0] =	vst.idx.msk $0xffff, v14;
	v18 =	vadd.f32 v28, v6;
	v16 =	vld [tilespmem:s28+$0xFFFFFFF0]  }
0x1ef: {  	v24 =	vmov s24;
	v14 =	vadd.s32 v1, v11;
	v15 =	vld [tilespmem:s28+$0x30];
	[tilespmem:v23+s26+$0x0] =	vst.idx.msk $0xffff, v13;
	v63 =	vadd.f32 v26, v4  }
0x1f0: {  	s21 =	simm.s32 $0xF880;
	s31 =	simm.s32 $0xB;
	v19 =	vadd.s32 v3, v19;
	v13 =	vand.u32 $0x7C, v24;
	v24 =	vadd.f32 v27, v6;
	[tilespmem:v25+s26+$0x0] =	vst.idx.msk $0xffff, v18;
	v18 =	vld [tilespmem:s28+$0xFFFFFFB0]  }
0x1f1: {  	v20 =	vadd.s32 v3, v20;
	v26 =	vmov s31;
	v23 =	vld [tilespmem:s21+$0x40];
	s28 =	simm.s32 $0xC;
	v25 =	vadd.f32 v30, v6;
	[tilespmem:v31+s26+$0x0] =	vst.idx.msk $0xffff, v63  }
.LBB2_17:
0x1f2: {  	p0 =	slt.u32 s28, $0x7C;
	s31 =	sadd.s32 $0x1, s24;
	v26 =	vand.u32 $0x7F, v26;
	[tilespmem:v22+s26+$0x0] =	vst.idx.msk $0xffff, v24;
	v17 =	vadd.f32 v17, v6;
	v22 =	vld [tilespmem:s9+$0x60];
	v24 =	vadd.s32 v3, v12  }
0x1f3: {  	v30 =	vmovc v11;
	v27 =	vld [tilespmem:s21+$0xFFFFFF80];
	v28 =	vmov s31;
	s31 =	sadd.s32 $0x2, s24;
	v29 =	vadd.s32 v0, v26;
	[tilespmem:v21+s26+$0x0] =	vst.idx.msk $0xffff, v25;
	v16 =	vadd.f32 v16, v4;
	s24 =	smov.u32 s28  }
0x1f4: {  	v12 =	vmovc v8;
	v21 =	vld [tilespmem:s21+$0xFFFFFFC0];
	v11 =	vmov s31;
	[tilespmem:v14+s26+$0x0] =	vst.idx.msk $0xffff, v17;
	v14 =	vadd.s32 v2, v7;
	v15 =	vadd.f32 v15, v4  }
0x1f5: {  	v17 =	vadd.s32 v0, v13;
	v28 =	vand.u32 $0x7D, v28;
	v25 =	vld [tilespmem:s21+$0x0];
	v31 =	vadd.f32 v18, v4;
	[tilespmem:v19+s26+$0x0] =	vst.idx.msk $0xffff, v16  }
0x1f6: {  	v16 =	vadd.s32 v0, v28;
	v11 =	vand.u32 $0x7E, v11;
	v18 =	vadd.f32 v23, v9;
	v19 =	vld [tilespmem:s9+$0xFFFFFFE0];
	[tilespmem:v20+s26+$0x0] =	vst.idx.msk $0xffff, v15  }
0x1f7: {  	v8 =	vmov v13;
	v15 =	vadd.s32 v0, v11;
	v20 =	vld [tilespmem:s9+$0x20];
	v22 =	vadd.f32 v22, v5;
	[tilespmem:v24+s26+$0x0] =	vst.idx.msk $0xffff, v31  }
0x1f8: {  	v23 =	vadd.s32 v2, v10;
	v13 =	vadd.f32 v27, v9;
	[tilespmem:v29+s26+$0x0] =	vst.idx.msk $0xffff, v18;
	v18 =	vld [tilespmem:s9+$0xFFFFFFA0]  }
0x1f9: {  	v27 =	vadd.s32 v2, v30;
	v21 =	vadd.f32 v21, v9;
	v24 =	vld [tilespmem:s21+$0x50];
	[tilespmem:v14+s26+$0x0] =	vst.idx.msk $0xffff, v22  }
0x1fa: {  	[tilespmem:v17+s26+$0x0] =	vst.idx.msk $0xffff, v13;
	v13 =	vadd.f32 v25, v9;
	v25 =	vadd.s32 v2, v12;
	v29 =	vld [tilespmem:s9+$0x70]  }
0x1fb: {  	v32 =	vadd.s32 v1, v26;
	v31 =	vld [tilespmem:s21+$0xFFFFFF90];
	[tilespmem:v16+s26+$0x0] =	vst.idx.msk $0xffff, v21;
	v14 =	vadd.f32 v19, v5  }
0x1fc: {  	v34 =	vadd.s32 v3, v7;
	v7 =	vmov v26;
	v33 =	vld [tilespmem:s21+$0xFFFFFFD0];
	[tilespmem:v15+s26+$0x0] =	vst.idx.msk $0xffff, v13;
	v13 =	vadd.f32 v20, v5  }
.Ltmp7:
0x1fd: {  	v22 =	vadd.s32 v1, v8;
	v17 =	vld [tilespmem:s21+$0x10];
	v15 =	vadd.f32 v18, v5;
	[tilespmem:v23+s26+$0x0] =	vst.idx.msk $0xffff, v14;
	(pc) =	sbr.rel @p0 .LBB2_17-.Ltmp7, $4  }
0x1fe: {  	v21 =	vadd.s32 v1, v28;
	v18 =	vadd.f32 v24, v6;
	v16 =	vld [tilespmem:s9+$0xFFFFFFF0];
	[tilespmem:v27+s26+$0x0] =	vst.idx.msk $0xffff, v13  }
0x1ff: {  	v14 =	vadd.s32 v1, v11;
	v13 =	vmov s28;
	[tilespmem:v25+s26+$0x0] =	vst.idx.msk $0xffff, v15;
	v15 =	vld [tilespmem:s9+$0x30];
	v27 =	vadd.f32 v29, v4  }
0x200: {  	s31 =	sadd.s32 $0x3, s28;
	v19 =	vadd.s32 v3, v10;
	v13 =	vand.u32 $0x7C, v13;
	v24 =	vadd.f32 v31, v6;
	[tilespmem:v32+s26+$0x0] =	vst.idx.msk $0xffff, v18;
	v18 =	vld [tilespmem:s9+$0xFFFFFFB0];
	s9 =	smov.u32 s21;
	s21 =	sadd.s32 $0x100, s21  }
0x201: {  	v26 =	vmov s31;
	v10 =	vmovc v28;
	v20 =	vadd.s32 v3, v30;
	s28 =	sadd.s32 $0x4, s28;
	v23 =	vld [tilespmem:s21+$0x40];
	v25 =	vadd.f32 v33, v6;
	[tilespmem:v34+s26+$0x0] =	vst.idx.msk $0xffff, v27  }
0x202: {  	s28 =	sadd.s32 $0x1, s24  }
0x203: {  	v26 =	vand.u32 $0x7F, v26;
	s31 =	sadd.s32 $0x2, s24;
	v28 =	vld [tilespmem:s21+$0xFFFFFFC0];
	v27 =	vmov s28  }
0x204: {  	v31 =	vld [tilespmem:s21+$0x0];
	v29 =	vadd.s32 v0, v26;
	v30 =	vmov s31;
	v27 =	vand.u32 $0x7D, v27  }
0x205: {  	v32 =	vld [tilespmem:s21+$0xFFFFFF80];
	v30 =	vand.u32 $0x7E, v30;
	v33 =	vadd.s32 v0, v27  }
0x206: {  	v34 =	vadd.s32 v0, v30  }
0x207: {  	[tilespmem:v22+s26+$0x0] =	vst.idx.msk $0xffff, v24;
	v44 =	vadd.s32 v0, v13;
	v23 =	vadd.f32 v23, v9  }
0x208: {  	[tilespmem:v21+s26+$0x0] =	vst.idx.msk $0xffff, v25;
	v45 =	vadd.f32 v28, v9  }
0x209: {  	v46 =	vadd.f32 v31, v9;
	[tilespmem:v29+s26+$0x0] =	vst.idx.msk $0xffff, v23  }
0x20a: {  	v47 =	vadd.f32 v32, v9;
	v48 =	vld [tilespmem:s21+$0x50];
	[tilespmem:v33+s26+$0x0] =	vst.idx.msk $0xffff, v45  }
0x20b: {  	v17 =	vadd.f32 v17, v6;
	v12 =	vadd.s32 v3, v12;
	[tilespmem:v34+s26+$0x0] =	vst.idx.msk $0xffff, v46;
	v21 =	vld [tilespmem:s21+$0xFFFFFFD0]  }
0x20c: {  	v16 =	vadd.f32 v16, v4;
	v49 =	vadd.s32 v1, v26;
	[tilespmem:v44+s26+$0x0] =	vst.idx.msk $0xffff, v47;
	v50 =	vld [tilespmem:s21+$0x10]  }
0x20d: {  	[tilespmem:v14+s26+$0x0] =	vst.idx.msk $0xffff, v17;
	v51 =	vadd.f32 v15, v4;
	v53 =	vadd.s32 v1, v27;
	v52 =	vld [tilespmem:s21+$0xFFFFFF90]  }
0x20e: {  	v54 =	vld [tilespmem:s9+$0x60];
	v18 =	vadd.f32 v18, v4;
	[tilespmem:v19+s26+$0x0] =	vst.idx.msk $0xffff, v16;
	v55 =	vadd.s32 v1, v30  }
0x20f: {  	v57 =	vadd.s32 v1, v13;
	v60 =	vld [tilespmem:s9+$0x20];
	[tilespmem:v20+s26+$0x0] =	vst.idx.msk $0xffff, v51;
	v58 =	vadd.f32 v48, v6  }
0x210: {  	v59 =	vadd.s32 v2, v7;
	v56 =	vld [tilespmem:s9+$0xFFFFFFE0];
	[tilespmem:v12+s26+$0x0] =	vst.idx.msk $0xffff, v18;
	v61 =	vadd.f32 v21, v6  }
0x211: {  	v62 =	vld [tilespmem:s9+$0xFFFFFFA0];
	v29 =	vadd.s32 v2, v11;
	[tilespmem:v49+s26+$0x0] =	vst.idx.msk $0xffff, v58;
	v28 =	vadd.f32 v50, v6  }
0x212: {  	v63 =	vadd.s32 v2, v10;
	v31 =	vadd.f32 v52, v6;
	v32 =	vld [tilespmem:s21+$0x60];
	[tilespmem:v53+s26+$0x0] =	vst.idx.msk $0xffff, v61  }
0x213: {  	v33 =	vadd.f32 v54, v5;
	v34 =	vadd.s32 v2, v8;
	[tilespmem:v55+s26+$0x0] =	vst.idx.msk $0xffff, v28;
	v35 =	vld [tilespmem:s21+$0xFFFFFFE0]  }
0x214: {  	v37 =	vadd.s32 v2, v26;
	v39 =	vadd.f32 v60, v5;
	[tilespmem:v57+s26+$0x0] =	vst.idx.msk $0xffff, v31;
	v38 =	vld [tilespmem:s21+$0x20]  }
0x215: {  	v41 =	vadd.s32 v2, v27;
	v36 =	vadd.f32 v56, v5;
	[tilespmem:v59+s26+$0x0] =	vst.idx.msk $0xffff, v33;
	v40 =	vld [tilespmem:s21+$0xFFFFFFA0]  }
0x216: {  	v43 =	vadd.s32 v2, v30;
	v18 =	vadd.f32 v62, v5;
	v42 =	vld [tilespmem:s9+$0x70];
	[tilespmem:v29+s26+$0x0] =	vst.idx.msk $0xffff, v39  }
0x217: {  	v45 =	vadd.s32 v2, v13;
	[tilespmem:v63+s26+$0x0] =	vst.idx.msk $0xffff, v36;
	v47 =	vld [tilespmem:s9+$0x30];
	v44 =	vadd.f32 v32, v5  }
0x218: {  	v46 =	vadd.s32 v3, v7;
	[tilespmem:v34+s26+$0x0] =	vst.idx.msk $0xffff, v18;
	v21 =	vld [tilespmem:s9+$0xFFFFFFF0];
	v9 =	vadd.f32 v35, v5  }
0x219: {  	v18 =	vld [tilespmem:s9+$0xFFFFFFB0];
	v50 =	vadd.s32 v3, v11;
	[tilespmem:v37+s26+$0x0] =	vst.idx.msk $0xffff, v44;
	v49 =	vadd.f32 v38, v5  }
0x21a: {  	v48 =	vadd.s32 v3, v10;
	v5 =	vadd.f32 v40, v5;
	v12 =	vld [tilespmem:s21+$0x70];
	[tilespmem:v41+s26+$0x0] =	vst.idx.msk $0xffff, v9  }
0x21b: {  	v52 =	vadd.s32 v3, v8;
	v51 =	vadd.f32 v42, v4;
	[tilespmem:v43+s26+$0x0] =	vst.idx.msk $0xffff, v49;
	v53 =	vld [tilespmem:s21+$0xFFFFFFF0]  }
0x21c: {  	v55 =	vadd.s32 v3, v26;
	v56 =	vadd.f32 v47, v4;
	[tilespmem:v45+s26+$0x0] =	vst.idx.msk $0xffff, v5;
	v5 =	vld [tilespmem:s21+$0x30]  }
0x21d: {  	v58 =	vadd.s32 v3, v27;
	[tilespmem:v46+s26+$0x0] =	vst.idx.msk $0xffff, v51;
	v54 =	vadd.f32 v21, v4;
	v57 =	vld [tilespmem:s21+$0xFFFFFFB0]  }
0x21e: {  	v60 =	vadd.s32 v3, v30;
	v59 =	vadd.f32 v18, v4;
	[tilespmem:v50+s26+$0x0] =	vst.idx.msk $0xffff, v56  }
0x21f: {  	v62 =	vadd.s32 v3, v13;
	[tilespmem:v48+s26+$0x0] =	vst.idx.msk $0xffff, v54;
	v61 =	vadd.f32 v12, v4  }
0x220: {  	[tilespmem:v52+s26+$0x0] =	vst.idx.msk $0xffff, v59;
	v63 =	vadd.f32 v53, v4  }
0x221: {  	s18 =	sshll.u32 s18, $0x12;
	[tilespmem:v55+s26+$0x0] =	vst.idx.msk $0xffff, v61;
	v5 =	vadd.f32 v5, v4  }
0x222: {  	s9 =	sor.u32 s5, s18;
	v4 =	vadd.f32 v57, v4;
	[tilespmem:v58+s26+$0x0] =	vst.idx.msk $0xffff, v63  }
0x223: {  	s9 =	sshrl.u32 s9, $0x3;
	[tilespmem:v60+s26+$0x0] =	vst.idx.msk $0xffff, v5  }
0x224: {  	s18 =	sadd.s32 s1, s9;
	s21 =	simm.s32 $0x19600;
	[tilespmem:v62+s26+$0x0] =	vst.idx.msk $0xffff, v4  }
0x225: {  	[hbm4b:s18+s3] =	stream.linear.scatter [tilespmem:s21], [sflag:$0x9], $0x80, $0x38;
	[tilespmem:$0x1DA00] =	vst v63  }
0x226: {  	s24 =	simm.s32 $0x19688;
	s31 =	sadd.s32 $0x10, s18  }
0x227: {  	[hbm4b:s31+s3] =	stream.linear.scatter [tilespmem:s24], [sflag:$0x9], $0x80, $0x38;
	[tilespmem:$0x1DA00] =	vst v63  }
0x228: {  	s24 =	simm.s32 $0x19710;
	s31 =	sadd.s32 $0x20, s18  }
0x229: {  	[hbm4b:s31+s3] =	stream.linear.scatter [tilespmem:s24], [sflag:$0x9], $0x80, $0x38;
	[tilespmem:$0x1DA00] =	vst v63  }
0x22a: {  	s24 =	simm.s32 $0x19798;
	s31 =	sadd.s32 $0x30, s18  }
0x22b: {  	[hbm4b:s31+s3] =	stream.linear.scatter [tilespmem:s24], [sflag:$0x9], $0x80, $0x38;
	[tilespmem:$0x1DA00] =	vst v63  }
0x22c: {  	s24 =	simm.s32 $0x19820;
	s31 =	sadd.s32 $0x40, s18  }
0x22d: {  	[hbm4b:s31+s3] =	stream.linear.scatter [tilespmem:s24], [sflag:$0x9], $0x80, $0x38;
	[tilespmem:$0x1DA00] =	vst v63  }
0x22e: {  	s9 =	simm.s32 $0x440;
	s24 =	simm.s32 $0x198A8;
	s31 =	sadd.s32 $0x50, s18  }
0x22f: {  	[hbm4b:s31+s3] =	stream.linear.scatter [tilespmem:s24], [sflag:$0x9], $0x80, $0x38;
	[tilespmem:$0x1DA00] =	vst v63  }
0x230: {  	s28 =	sadd.s32 $0x70, s18;
	s24 =	simm.s32 $0x19930;
	s31 =	sadd.s32 $0x60, s18  }
0x231: {  	[hbm4b:s31+s3] =	stream.linear.scatter [tilespmem:s24], [sflag:$0x9], $0x80, $0x38;
	[tilespmem:$0x1DA00] =	vst v63  }
0x232: {  	s21 =	simm.s32 $0x2200;
	s18 =	sadd.s32 $0x1000, s18;
	s24 =	simm.s32 $0x199B8  }
.LBB2_19:
0x233: {  	[hbm4b:s28+s3] =	stream.linear.scatter [tilespmem:s24], [sflag:$0x9], $0x80, $0x38;
	[tilespmem:$0x1DA00] =	vst v63  }
0x234: {  	s24 =	smov.u32 s9;
	s9 =	smov.u32 s21  }
0x235: {  	s31 =	sadd.s32 $0x1100, s21;
	s9 =	sshra.s32 s9, $0x2;
	s28 =	sadd.s32 $0x19600, s24  }
0x236: {  	[hbm4b:s18+s3] =	stream.linear.scatter [tilespmem:s28], [sflag:$0x9], $0x80, $0x38;
	[tilespmem:$0x1DA00] =	vst v63  }
0x237: {  	p0 =	sne.s32 s21, $0x7700;
	s21 =	sadd.s32 $0x19688, s24;
	s28 =	sadd.s32 $0x10, s18  }
0x238: {  	[hbm4b:s28+s3] =	stream.linear.scatter [tilespmem:s21], [sflag:$0x9], $0x80, $0x38;
	[tilespmem:$0x1DA00] =	vst v63  }
0x239: {  	s21 =	sadd.s32 $0x19710, s24;
	s28 =	sadd.s32 $0x20, s18  }
0x23a: {  	[hbm4b:s28+s3] =	stream.linear.scatter [tilespmem:s21], [sflag:$0x9], $0x80, $0x38;
	[tilespmem:$0x1DA00] =	vst v63  }
0x23b: {  	s21 =	sadd.s32 $0x19798, s24;
	s28 =	sadd.s32 $0x30, s18  }
0x23c: {  	[hbm4b:s28+s3] =	stream.linear.scatter [tilespmem:s21], [sflag:$0x9], $0x80, $0x38;
	[tilespmem:$0x1DA00] =	vst v63  }
0x23d: {  	s21 =	sadd.s32 $0x19820, s24;
	s28 =	sadd.s32 $0x40, s18  }
0x23e: {  	[hbm4b:s28+s3] =	stream.linear.scatter [tilespmem:s21], [sflag:$0x9], $0x80, $0x38;
	[tilespmem:$0x1DA00] =	vst v63  }
.Ltmp8:
0x23f: {  	s21 =	sadd.s32 $0x198A8, s24;
	s28 =	sadd.s32 $0x50, s18;
	(pc) =	sbr.rel @p0 .LBB2_19-.Ltmp8, $4  }
0x240: {  	[hbm4b:s28+s3] =	stream.linear.scatter [tilespmem:s21], [sflag:$0x9], $0x80, $0x38;
	[tilespmem:$0x1DA00] =	vst v63  }
0x241: {  	s21 =	sadd.s32 $0x19930, s24;
	s28 =	sadd.s32 $0x60, s18;
	s24 =	sadd.s32 $0x199B8, s24  }
0x242: {  	[hbm4b:s28+s3] =	stream.linear.scatter [tilespmem:s21], [sflag:$0x9], $0x80, $0x38;
	[tilespmem:$0x1DA00] =	vst v63  }
0x243: {  	s28 =	sadd.s32 $0x70, s18;
	s18 =	sadd.s32 $0x1000, s18;
	s21 =	smov.u32 s31  }
0x244: {  	[hbm4b:s28+s3] =	stream.linear.scatter [tilespmem:s24], [sflag:$0x9], $0x80, $0x38;
	[tilespmem:$0x1DA00] =	vst v63  }
0x245: {  	s21 =	sadd.s32 $0x19600, s9  }
0x246: {  	[hbm4b:s18+s3] =	stream.linear.scatter [tilespmem:s21], [sflag:$0x9], $0x80, $0x38;
	[tilespmem:$0x1DA00] =	vst v63  }
0x247: {  	s28 =	sadd.s32 $0x19688, s9;
	s31 =	sadd.s32 $0x10, s18  }
0x248: {  	[hbm4b:s31+s3] =	stream.linear.scatter [tilespmem:s28], [sflag:$0x9], $0x80, $0x38;
	[tilespmem:$0x1DA00] =	vst v63  }
0x249: {  	s28 =	sadd.s32 $0x19710, s9;
	s31 =	sadd.s32 $0x20, s18  }
0x24a: {  	[hbm4b:s31+s3] =	stream.linear.scatter [tilespmem:s28], [sflag:$0x9], $0x80, $0x38;
	[tilespmem:$0x1DA00] =	vst v63  }
0x24b: {  	s28 =	sadd.s32 $0x19798, s9;
	s31 =	sadd.s32 $0x30, s18  }
0x24c: {  	[hbm4b:s31+s3] =	stream.linear.scatter [tilespmem:s28], [sflag:$0x9], $0x80, $0x38;
	[tilespmem:$0x1DA00] =	vst v63  }
0x24d: {  	s28 =	sadd.s32 $0x19820, s9;
	s31 =	sadd.s32 $0x40, s18  }
0x24e: {  	[hbm4b:s31+s3] =	stream.linear.scatter [tilespmem:s28], [sflag:$0x9], $0x80, $0x38;
	[tilespmem:$0x1DA00] =	vst v63  }
0x24f: {  	s28 =	sadd.s32 $0x198A8, s9;
	s31 =	sadd.s32 $0x50, s18  }
0x250: {  	[hbm4b:s31+s3] =	stream.linear.scatter [tilespmem:s28], [sflag:$0x9], $0x80, $0x38;
	[tilespmem:$0x1DA00] =	vst v63  }
0x251: {  	s24 =	sadd.s32 $0x19930, s9;
	s28 =	sadd.s32 $0x60, s18  }
0x252: {  	[hbm4b:s28+s3] =	stream.linear.scatter [tilespmem:s24], [sflag:$0x9], $0x80, $0x38;
	[tilespmem:$0x1DA00] =	vst v63  }
0x253: {  	s21 =	sadd.s32 $0x70, s18;
	s31 =	sadd.s32 $0x199B8, s9  }
0x254: {  	[hbm4b:s21+s3] =	stream.linear.scatter [tilespmem:s31], [sflag:$0x9], $0x80, $0x38;
	[tilespmem:$0x1DA00] =	vst v63  }
0x255: {  	s24 =	sadd.s32 $0x380, s6  }
0x256: {  	[tilespmem:s11], [sflag:$0x8] =	stream.indirect.gather [hbm4b:s4+s15], $0x40, s24, s15, $0xb8;
	[tilespmem:$0x1DA00] =	vst v63  }
0x257: {  	_ =	swait.ge [sflag:s13], $0x2000  }
0x258: {  	[sflag:s13] =	ssyncset.done $0x0  }
0x259: {  	[sflag:s13] =	ssyncadd.s32 $0xFFFFE000  }
0x25a: {  	_ =	swait.ge [sflag:s30], $0x2000  }
0x25b: {  	s28 =	sshll.u32 s10, $0x6;
	[sflag:s30] =	ssyncset.done $0x0  }
0x25c: {  	s9 =	sand.u32 $0x3FFFFFC0, s28;
	[sflag:s30] =	ssyncadd.s32 $0xFFFFE000  }
0x25d: {  	s31 =	simm.s32 $0x3;
	s24 =	simm.s32 $0x11680;
	v9 =	vld [tilespmem:s9+$0x6400]  }
0x25e: {  	v4 =	vmov s31;
	v7 =	vld [tilespmem:s24+$0x40]  }
0x25f: {  	v13 =	vand.u32 $0x7F, v4  }
0x260: {  	s21 =	simm.s32 $0x0;
	v8 =	vadd.s32 v0, v13;
	v6 =	vld [tilespmem:s9+$0x6410]  }
0x261: {  	s28 =	simm.s32 $0x1;
	s31 =	simm.s32 $0x2;
	v4 =	vmov s21;
	v10 =	vld [tilespmem:s24+$0xFFFFFF80]  }
0x262: {  	v14 =	vmov s31;
	v12 =	vand.u32 $0x7C, v4;
	v4 =	vmov s28;
	v11 =	vld [tilespmem:s24+$0xFFFFFFC0]  }
0x263: {  	v15 =	vadd.s32 v0, v12;
	v19 =	vand.u32 $0x7D, v4;
	v16 =	vld [tilespmem:s24+$0x0];
	v7 =	vadd.f32 v7, v9  }
0x264: {  	v20 =	vand.u32 $0x7E, v14;
	v17 =	vadd.s32 v0, v19;
	v5 =	vld [tilespmem:s9+$0x6420]  }
0x265: {  	v14 =	vadd.s32 v0, v20;
	v4 =	vld [tilespmem:s9+$0x6430];
	[tilespmem:v8+s23+$0x0] =	vst.idx.msk $0xffff, v7  }
0x266: {  	v7 =	vadd.f32 v10, v9;
	v8 =	vld [tilespmem:s24+$0x50]  }
0x267: {  	v10 =	vadd.f32 v11, v9  }
0x268: {  	v11 =	vadd.s32 v1, v13;
	[tilespmem:v15+s23+$0x0] =	vst.idx.msk $0xffff, v7;
	v7 =	vadd.f32 v16, v9  }
0x269: {  	[tilespmem:v17+s23+$0x0] =	vst.idx.msk $0xffff, v10;
	v15 =	vld [tilespmem:s24+$0xFFFFFF90]  }
0x26a: {  	v10 =	vld [tilespmem:s24+$0xFFFFFFD0];
	[tilespmem:v14+s23+$0x0] =	vst.idx.msk $0xffff, v7  }
0x26b: {  	v14 =	vld [tilespmem:s24+$0x10];
	v7 =	vadd.f32 v8, v6  }
0x26c: {  	s31 =	simm.s32 $0x7;
	s9 =	simm.s32 $0x11780;
	v16 =	vadd.s32 v1, v19  }
0x26d: {  	s28 =	simm.s32 $0x4;
	v26 =	vadd.s32 v2, v13;
	v18 =	vld [tilespmem:s9+$0x40];
	v17 =	vadd.s32 v1, v20;
	[tilespmem:v11+s23+$0x0] =	vst.idx.msk $0xffff, v7;
	v7 =	vmov s31  }
0x26e: {  	v21 =	vadd.s32 v1, v12;
	v8 =	vmov s28;
	v7 =	vand.u32 $0x7F, v7;
	v22 =	vld [tilespmem:s24+$0x60]  }
0x26f: {  	s21 =	simm.s32 $0x5;
	v23 =	vld [tilespmem:s9+$0xFFFFFF80];
	v8 =	vand.u32 $0x7C, v8;
	v10 =	vadd.f32 v10, v6;
	v24 =	vadd.s32 v0, v7  }
0x270: {  	v25 =	vld [tilespmem:s9+$0xFFFFFFC0];
	s28 =	simm.s32 $0x6;
	v15 =	vadd.f32 v15, v6;
	v11 =	vadd.f32 v14, v6;
	v14 =	vmov s21  }
0x271: {  	v27 =	vadd.s32 v0, v8;
	[tilespmem:v16+s23+$0x0] =	vst.idx.msk $0xffff, v10;
	v16 =	vmov s28;
	v10 =	vand.u32 $0x7D, v14;
	v14 =	vld [tilespmem:s9+$0x0]  }
0x272: {  	[tilespmem:v17+s23+$0x0] =	vst.idx.msk $0xffff, v11;
	v17 =	vadd.s32 v0, v10;
	v11 =	vand.u32 $0x7E, v16;
	v16 =	vadd.f32 v18, v9;
	v18 =	vld [tilespmem:s24+$0xFFFFFFE0]  }
0x273: {  	[tilespmem:v21+s23+$0x0] =	vst.idx.msk $0xffff, v15;
	v15 =	vadd.s32 v0, v11;
	v21 =	vld [tilespmem:s24+$0x20];
	v22 =	vadd.f32 v22, v5  }
0x274: {  	v23 =	vadd.f32 v23, v9;
	[tilespmem:v24+s23+$0x0] =	vst.idx.msk $0xffff, v16;
	v16 =	vld [tilespmem:s24+$0xFFFFFFA0];
	v24 =	vadd.s32 v2, v19  }
0x275: {  	v29 =	vadd.s32 v2, v20;
	v25 =	vadd.f32 v25, v9;
	v28 =	vld [tilespmem:s9+$0x50];
	[tilespmem:v26+s23+$0x0] =	vst.idx.msk $0xffff, v22  }
0x276: {  	[tilespmem:v27+s23+$0x0] =	vst.idx.msk $0xffff, v23;
	v23 =	vadd.s32 v2, v12;
	v14 =	vadd.f32 v14, v9;
	v26 =	vld [tilespmem:s24+$0x70]  }
0x277: {  	v27 =	vld [tilespmem:s9+$0xFFFFFF90];
	[tilespmem:v17+s23+$0x0] =	vst.idx.msk $0xffff, v25;
	v25 =	vadd.s32 v1, v7;
	v18 =	vadd.f32 v18, v5  }
0x278: {  	v31 =	vadd.s32 v3, v13;
	v30 =	vld [tilespmem:s9+$0xFFFFFFD0];
	[tilespmem:v15+s23+$0x0] =	vst.idx.msk $0xffff, v14;
	v14 =	vadd.f32 v21, v5  }
0x279: {  	v22 =	vadd.s32 v1, v8;
	v17 =	vld [tilespmem:s9+$0x10];
	v13 =	vadd.f32 v16, v5;
	[tilespmem:v24+s23+$0x0] =	vst.idx.msk $0xffff, v18  }
0x27a: {  	s21 =	simm.s32 $0x8;
	v21 =	vadd.s32 v1, v10;
	[tilespmem:v29+s23+$0x0] =	vst.idx.msk $0xffff, v14;
	v18 =	vadd.f32 v28, v6;
	v16 =	vld [tilespmem:s24+$0xFFFFFFF0]  }
0x27b: {  	v24 =	vmov s21;
	v14 =	vadd.s32 v1, v11;
	v15 =	vld [tilespmem:s24+$0x30];
	[tilespmem:v23+s23+$0x0] =	vst.idx.msk $0xffff, v13;
	v63 =	vadd.f32 v26, v4  }
0x27c: {  	s18 =	simm.s32 $0x11880;
	s31 =	simm.s32 $0xB;
	v19 =	vadd.s32 v3, v19;
	v13 =	vand.u32 $0x7C, v24;
	v24 =	vadd.f32 v27, v6;
	[tilespmem:v25+s23+$0x0] =	vst.idx.msk $0xffff, v18;
	v18 =	vld [tilespmem:s24+$0xFFFFFFB0]  }
0x27d: {  	v20 =	vadd.s32 v3, v20;
	v26 =	vmov s31;
	v23 =	vld [tilespmem:s18+$0x40];
	s24 =	simm.s32 $0xC;
	v25 =	vadd.f32 v30, v6;
	[tilespmem:v31+s23+$0x0] =	vst.idx.msk $0xffff, v63  }
.LBB2_21:
0x27e: {  	p0 =	slt.u32 s24, $0x7C;
	s28 =	sadd.s32 $0x1, s21;
	v26 =	vand.u32 $0x7F, v26;
	[tilespmem:v22+s23+$0x0] =	vst.idx.msk $0xffff, v24;
	v17 =	vadd.f32 v17, v6;
	v22 =	vld [tilespmem:s9+$0x60];
	v24 =	vadd.s32 v3, v12  }
0x27f: {  	v30 =	vmovc v11;
	v27 =	vld [tilespmem:s18+$0xFFFFFF80];
	v28 =	vmov s28;
	s28 =	sadd.s32 $0x2, s21;
	v29 =	vadd.s32 v0, v26;
	[tilespmem:v21+s23+$0x0] =	vst.idx.msk $0xffff, v25;
	v16 =	vadd.f32 v16, v4;
	s21 =	smov.u32 s24  }
0x280: {  	v12 =	vmovc v8;
	v21 =	vld [tilespmem:s18+$0xFFFFFFC0];
	v11 =	vmov s28;
	[tilespmem:v14+s23+$0x0] =	vst.idx.msk $0xffff, v17;
	v14 =	vadd.s32 v2, v7;
	v15 =	vadd.f32 v15, v4  }
0x281: {  	v17 =	vadd.s32 v0, v13;
	v28 =	vand.u32 $0x7D, v28;
	v25 =	vld [tilespmem:s18+$0x0];
	v31 =	vadd.f32 v18, v4;
	[tilespmem:v19+s23+$0x0] =	vst.idx.msk $0xffff, v16  }
0x282: {  	v16 =	vadd.s32 v0, v28;
	v11 =	vand.u32 $0x7E, v11;
	v18 =	vadd.f32 v23, v9;
	v19 =	vld [tilespmem:s9+$0xFFFFFFE0];
	[tilespmem:v20+s23+$0x0] =	vst.idx.msk $0xffff, v15  }
0x283: {  	v8 =	vmov v13;
	v15 =	vadd.s32 v0, v11;
	v20 =	vld [tilespmem:s9+$0x20];
	v22 =	vadd.f32 v22, v5;
	[tilespmem:v24+s23+$0x0] =	vst.idx.msk $0xffff, v31  }
0x284: {  	v23 =	vadd.s32 v2, v10;
	v13 =	vadd.f32 v27, v9;
	[tilespmem:v29+s23+$0x0] =	vst.idx.msk $0xffff, v18;
	v18 =	vld [tilespmem:s9+$0xFFFFFFA0]  }
0x285: {  	v27 =	vadd.s32 v2, v30;
	v21 =	vadd.f32 v21, v9;
	v24 =	vld [tilespmem:s18+$0x50];
	[tilespmem:v14+s23+$0x0] =	vst.idx.msk $0xffff, v22  }
0x286: {  	[tilespmem:v17+s23+$0x0] =	vst.idx.msk $0xffff, v13;
	v13 =	vadd.f32 v25, v9;
	v25 =	vadd.s32 v2, v12;
	v29 =	vld [tilespmem:s9+$0x70]  }
0x287: {  	v32 =	vadd.s32 v1, v26;
	v31 =	vld [tilespmem:s18+$0xFFFFFF90];
	[tilespmem:v16+s23+$0x0] =	vst.idx.msk $0xffff, v21;
	v14 =	vadd.f32 v19, v5  }
0x288: {  	v34 =	vadd.s32 v3, v7;
	v7 =	vmov v26;
	v33 =	vld [tilespmem:s18+$0xFFFFFFD0];
	[tilespmem:v15+s23+$0x0] =	vst.idx.msk $0xffff, v13;
	v13 =	vadd.f32 v20, v5  }
.Ltmp9:
0x289: {  	v22 =	vadd.s32 v1, v8;
	v17 =	vld [tilespmem:s18+$0x10];
	v15 =	vadd.f32 v18, v5;
	[tilespmem:v23+s23+$0x0] =	vst.idx.msk $0xffff, v14;
	(pc) =	sbr.rel @p0 .LBB2_21-.Ltmp9, $4  }
0x28a: {  	v21 =	vadd.s32 v1, v28;
	v18 =	vadd.f32 v24, v6;
	v16 =	vld [tilespmem:s9+$0xFFFFFFF0];
	[tilespmem:v27+s23+$0x0] =	vst.idx.msk $0xffff, v13  }
0x28b: {  	v14 =	vadd.s32 v1, v11;
	v13 =	vmov s24;
	[tilespmem:v25+s23+$0x0] =	vst.idx.msk $0xffff, v15;
	v15 =	vld [tilespmem:s9+$0x30];
	v27 =	vadd.f32 v29, v4  }
0x28c: {  	s28 =	sadd.s32 $0x3, s24;
	v19 =	vadd.s32 v3, v10;
	v13 =	vand.u32 $0x7C, v13;
	v24 =	vadd.f32 v31, v6;
	[tilespmem:v32+s23+$0x0] =	vst.idx.msk $0xffff, v18;
	v18 =	vld [tilespmem:s9+$0xFFFFFFB0];
	s9 =	smov.u32 s18;
	s18 =	sadd.s32 $0x100, s18  }
0x28d: {  	v26 =	vmov s28;
	v10 =	vmovc v28;
	v20 =	vadd.s32 v3, v30;
	s24 =	sadd.s32 $0x4, s24;
	v23 =	vld [tilespmem:s18+$0x40];
	v25 =	vadd.f32 v33, v6;
	[tilespmem:v34+s23+$0x0] =	vst.idx.msk $0xffff, v27  }
0x28e: {  	s24 =	sadd.s32 $0x1, s21  }
0x28f: {  	v26 =	vand.u32 $0x7F, v26;
	s31 =	sadd.s32 $0x2, s21;
	v28 =	vld [tilespmem:s18+$0xFFFFFFC0];
	v27 =	vmov s24  }
0x290: {  	v31 =	vld [tilespmem:s18+$0x0];
	v29 =	vadd.s32 v0, v26;
	v30 =	vmov s31;
	v27 =	vand.u32 $0x7D, v27  }
0x291: {  	v32 =	vld [tilespmem:s18+$0xFFFFFF80];
	v30 =	vand.u32 $0x7E, v30;
	v33 =	vadd.s32 v0, v27  }
0x292: {  	v34 =	vadd.s32 v0, v30  }
0x293: {  	[tilespmem:v22+s23+$0x0] =	vst.idx.msk $0xffff, v24;
	v44 =	vadd.s32 v0, v13;
	v23 =	vadd.f32 v23, v9  }
0x294: {  	[tilespmem:v21+s23+$0x0] =	vst.idx.msk $0xffff, v25;
	v45 =	vadd.f32 v28, v9  }
0x295: {  	v46 =	vadd.f32 v31, v9;
	[tilespmem:v29+s23+$0x0] =	vst.idx.msk $0xffff, v23  }
0x296: {  	v47 =	vadd.f32 v32, v9;
	v48 =	vld [tilespmem:s18+$0x50];
	[tilespmem:v33+s23+$0x0] =	vst.idx.msk $0xffff, v45  }
0x297: {  	v17 =	vadd.f32 v17, v6;
	v12 =	vadd.s32 v3, v12;
	[tilespmem:v34+s23+$0x0] =	vst.idx.msk $0xffff, v46;
	v21 =	vld [tilespmem:s18+$0xFFFFFFD0]  }
0x298: {  	v16 =	vadd.f32 v16, v4;
	v49 =	vadd.s32 v1, v26;
	[tilespmem:v44+s23+$0x0] =	vst.idx.msk $0xffff, v47;
	v50 =	vld [tilespmem:s18+$0x10]  }
0x299: {  	[tilespmem:v14+s23+$0x0] =	vst.idx.msk $0xffff, v17;
	v51 =	vadd.f32 v15, v4;
	v53 =	vadd.s32 v1, v27;
	v52 =	vld [tilespmem:s18+$0xFFFFFF90]  }
0x29a: {  	v54 =	vld [tilespmem:s9+$0x60];
	v18 =	vadd.f32 v18, v4;
	[tilespmem:v19+s23+$0x0] =	vst.idx.msk $0xffff, v16;
	v55 =	vadd.s32 v1, v30  }
0x29b: {  	v57 =	vadd.s32 v1, v13;
	v60 =	vld [tilespmem:s9+$0x20];
	[tilespmem:v20+s23+$0x0] =	vst.idx.msk $0xffff, v51;
	v58 =	vadd.f32 v48, v6  }
0x29c: {  	v59 =	vadd.s32 v2, v7;
	v56 =	vld [tilespmem:s9+$0xFFFFFFE0];
	[tilespmem:v12+s23+$0x0] =	vst.idx.msk $0xffff, v18;
	v61 =	vadd.f32 v21, v6  }
0x29d: {  	v62 =	vld [tilespmem:s9+$0xFFFFFFA0];
	v29 =	vadd.s32 v2, v11;
	[tilespmem:v49+s23+$0x0] =	vst.idx.msk $0xffff, v58;
	v28 =	vadd.f32 v50, v6  }
0x29e: {  	v63 =	vadd.s32 v2, v10;
	v31 =	vadd.f32 v52, v6;
	v32 =	vld [tilespmem:s18+$0x60];
	[tilespmem:v53+s23+$0x0] =	vst.idx.msk $0xffff, v61  }
0x29f: {  	v33 =	vadd.f32 v54, v5;
	v34 =	vadd.s32 v2, v8;
	[tilespmem:v55+s23+$0x0] =	vst.idx.msk $0xffff, v28;
	v35 =	vld [tilespmem:s18+$0xFFFFFFE0]  }
0x2a0: {  	v37 =	vadd.s32 v2, v26;
	v39 =	vadd.f32 v60, v5;
	[tilespmem:v57+s23+$0x0] =	vst.idx.msk $0xffff, v31;
	v38 =	vld [tilespmem:s18+$0x20]  }
0x2a1: {  	v41 =	vadd.s32 v2, v27;
	v36 =	vadd.f32 v56, v5;
	[tilespmem:v59+s23+$0x0] =	vst.idx.msk $0xffff, v33;
	v40 =	vld [tilespmem:s18+$0xFFFFFFA0]  }
0x2a2: {  	v43 =	vadd.s32 v2, v30;
	v18 =	vadd.f32 v62, v5;
	v42 =	vld [tilespmem:s9+$0x70];
	[tilespmem:v29+s23+$0x0] =	vst.idx.msk $0xffff, v39  }
0x2a3: {  	v45 =	vadd.s32 v2, v13;
	[tilespmem:v63+s23+$0x0] =	vst.idx.msk $0xffff, v36;
	v47 =	vld [tilespmem:s9+$0x30];
	v44 =	vadd.f32 v32, v5  }
0x2a4: {  	v46 =	vadd.s32 v3, v7;
	[tilespmem:v34+s23+$0x0] =	vst.idx.msk $0xffff, v18;
	v21 =	vld [tilespmem:s9+$0xFFFFFFF0];
	v9 =	vadd.f32 v35, v5  }
0x2a5: {  	v18 =	vld [tilespmem:s9+$0xFFFFFFB0];
	v50 =	vadd.s32 v3, v11;
	[tilespmem:v37+s23+$0x0] =	vst.idx.msk $0xffff, v44;
	v49 =	vadd.f32 v38, v5  }
0x2a6: {  	v48 =	vadd.s32 v3, v10;
	v5 =	vadd.f32 v40, v5;
	v12 =	vld [tilespmem:s18+$0x70];
	[tilespmem:v41+s23+$0x0] =	vst.idx.msk $0xffff, v9  }
0x2a7: {  	v52 =	vadd.s32 v3, v8;
	v51 =	vadd.f32 v42, v4;
	[tilespmem:v43+s23+$0x0] =	vst.idx.msk $0xffff, v49;
	v53 =	vld [tilespmem:s18+$0xFFFFFFF0]  }
0x2a8: {  	v55 =	vadd.s32 v3, v26;
	v56 =	vadd.f32 v47, v4;
	[tilespmem:v45+s23+$0x0] =	vst.idx.msk $0xffff, v5;
	v5 =	vld [tilespmem:s18+$0x30]  }
0x2a9: {  	v58 =	vadd.s32 v3, v27;
	[tilespmem:v46+s23+$0x0] =	vst.idx.msk $0xffff, v51;
	v54 =	vadd.f32 v21, v4;
	v57 =	vld [tilespmem:s18+$0xFFFFFFB0]  }
0x2aa: {  	v60 =	vadd.s32 v3, v30;
	v59 =	vadd.f32 v18, v4;
	[tilespmem:v50+s23+$0x0] =	vst.idx.msk $0xffff, v56  }
0x2ab: {  	v62 =	vadd.s32 v3, v13;
	[tilespmem:v48+s23+$0x0] =	vst.idx.msk $0xffff, v54;
	v61 =	vadd.f32 v12, v4  }
0x2ac: {  	[tilespmem:v52+s23+$0x0] =	vst.idx.msk $0xffff, v59;
	v63 =	vadd.f32 v53, v4  }
0x2ad: {  	s12 =	sshll.u32 s12, $0x12;
	[tilespmem:v55+s23+$0x0] =	vst.idx.msk $0xffff, v61;
	v5 =	vadd.f32 v5, v4  }
0x2ae: {  	s9 =	sor.u32 s5, s12;
	v4 =	vadd.f32 v57, v4;
	[tilespmem:v58+s23+$0x0] =	vst.idx.msk $0xffff, v63  }
0x2af: {  	s9 =	sshrl.u32 s9, $0x3;
	[tilespmem:v60+s23+$0x0] =	vst.idx.msk $0xffff, v5  }
0x2b0: {  	s12 =	sadd.s32 s1, s9;
	s18 =	simm.s32 $0x1B800;
	[tilespmem:v62+s23+$0x0] =	vst.idx.msk $0xffff, v4  }
0x2b1: {  	[hbm4b:s12+s3] =	stream.linear.scatter [tilespmem:s18], [sflag:$0xA], $0x80, $0x38;
	[tilespmem:$0x1DA00] =	vst v63  }
0x2b2: {  	s21 =	simm.s32 $0x1B888;
	s24 =	sadd.s32 $0x10, s12  }
0x2b3: {  	[hbm4b:s24+s3] =	stream.linear.scatter [tilespmem:s21], [sflag:$0xA], $0x80, $0x38;
	[tilespmem:$0x1DA00] =	vst v63  }
0x2b4: {  	s28 =	simm.s32 $0x1B910;
	s9 =	simm.s32 $0x440;
	s31 =	sadd.s32 $0x20, s12  }
0x2b5: {  	[hbm4b:s31+s3] =	stream.linear.scatter [tilespmem:s28], [sflag:$0xA], $0x80, $0x38;
	[tilespmem:$0x1DA00] =	vst v63  }
0x2b6: {  	s18 =	simm.s32 $0x2200;
	s21 =	simm.s32 $0x1B998;
	s24 =	sadd.s32 $0x30, s12  }
0x2b7: {  	[hbm4b:s24+s3] =	stream.linear.scatter [tilespmem:s21], [sflag:$0xA], $0x80, $0x38;
	[tilespmem:$0x1DA00] =	vst v63  }
0x2b8: {  	s28 =	simm.s32 $0x1BA20;
	s31 =	sadd.s32 $0x40, s12;
	s21 =	simm.s32 $0x1BAA8  }
0x2b9: {  	[hbm4b:s31+s3] =	stream.linear.scatter [tilespmem:s28], [sflag:$0xA], $0x80, $0x38;
	[tilespmem:$0x1DA00] =	vst v63  }
0x2ba: {  	s24 =	sadd.s32 $0x50, s12;
	s28 =	simm.s32 $0x1BB30;
	s31 =	sadd.s32 $0x60, s12  }
0x2bb: {  	[hbm4b:s24+s3] =	stream.linear.scatter [tilespmem:s21], [sflag:$0xA], $0x80, $0x38;
	[tilespmem:$0x1DA00] =	vst v63  }
0x2bc: {  	s21 =	simm.s32 $0x1BBB8;
	s24 =	sadd.s32 $0x70, s12;
	s12 =	sadd.s32 $0x1000, s12  }
0x2bd: {  	[hbm4b:s31+s3] =	stream.linear.scatter [tilespmem:s28], [sflag:$0xA], $0x80, $0x38;
	[tilespmem:$0x1DA00] =	vst v63  }
.LBB2_23:
0x2be: {  	[hbm4b:s24+s3] =	stream.linear.scatter [tilespmem:s21], [sflag:$0xA], $0x80, $0x38;
	[tilespmem:$0x1DA00] =	vst v63  }
0x2bf: {  	s21 =	smov.u32 s9;
	s9 =	smov.u32 s18  }
0x2c0: {  	s28 =	sadd.s32 $0x1100, s18;
	s9 =	sshra.s32 s9, $0x2;
	s24 =	sadd.s32 $0x1B800, s21  }
0x2c1: {  	[hbm4b:s12+s3] =	stream.linear.scatter [tilespmem:s24], [sflag:$0xA], $0x80, $0x38;
	[tilespmem:$0x1DA00] =	vst v63  }
0x2c2: {  	p0 =	sne.s32 s18, $0x7700;
	s18 =	sadd.s32 $0x1B888, s21;
	s24 =	sadd.s32 $0x10, s12  }
0x2c3: {  	[hbm4b:s24+s3] =	stream.linear.scatter [tilespmem:s18], [sflag:$0xA], $0x80, $0x38;
	[tilespmem:$0x1DA00] =	vst v63  }
0x2c4: {  	s18 =	sadd.s32 $0x1B910, s21;
	s24 =	sadd.s32 $0x20, s12  }
0x2c5: {  	[hbm4b:s24+s3] =	stream.linear.scatter [tilespmem:s18], [sflag:$0xA], $0x80, $0x38;
	[tilespmem:$0x1DA00] =	vst v63  }
0x2c6: {  	s18 =	sadd.s32 $0x1B998, s21;
	s24 =	sadd.s32 $0x30, s12  }
0x2c7: {  	[hbm4b:s24+s3] =	stream.linear.scatter [tilespmem:s18], [sflag:$0xA], $0x80, $0x38;
	[tilespmem:$0x1DA00] =	vst v63  }
0x2c8: {  	s18 =	sadd.s32 $0x1BA20, s21;
	s24 =	sadd.s32 $0x40, s12  }
0x2c9: {  	[hbm4b:s24+s3] =	stream.linear.scatter [tilespmem:s18], [sflag:$0xA], $0x80, $0x38;
	[tilespmem:$0x1DA00] =	vst v63  }
.Ltmp10:
0x2ca: {  	s18 =	sadd.s32 $0x1BAA8, s21;
	s24 =	sadd.s32 $0x50, s12;
	(pc) =	sbr.rel @p0 .LBB2_23-.Ltmp10, $4  }
0x2cb: {  	[hbm4b:s24+s3] =	stream.linear.scatter [tilespmem:s18], [sflag:$0xA], $0x80, $0x38;
	[tilespmem:$0x1DA00] =	vst v63  }
0x2cc: {  	s18 =	sadd.s32 $0x1BB30, s21;
	s24 =	sadd.s32 $0x60, s12;
	s21 =	sadd.s32 $0x1BBB8, s21  }
0x2cd: {  	[hbm4b:s24+s3] =	stream.linear.scatter [tilespmem:s18], [sflag:$0xA], $0x80, $0x38;
	[tilespmem:$0x1DA00] =	vst v63  }
0x2ce: {  	s24 =	sadd.s32 $0x70, s12;
	s12 =	sadd.s32 $0x1000, s12;
	s18 =	smov.u32 s28  }
0x2cf: {  	[hbm4b:s24+s3] =	stream.linear.scatter [tilespmem:s21], [sflag:$0xA], $0x80, $0x38;
	[tilespmem:$0x1DA00] =	vst v63  }
0x2d0: {  	s18 =	sadd.s32 $0x1B800, s9  }
0x2d1: {  	[hbm4b:s12+s3] =	stream.linear.scatter [tilespmem:s18], [sflag:$0xA], $0x80, $0x38;
	[tilespmem:$0x1DA00] =	vst v63  }
0x2d2: {  	s21 =	sadd.s32 $0x1B888, s9;
	s24 =	sadd.s32 $0x10, s12  }
0x2d3: {  	[hbm4b:s24+s3] =	stream.linear.scatter [tilespmem:s21], [sflag:$0xA], $0x80, $0x38;
	[tilespmem:$0x1DA00] =	vst v63  }
0x2d4: {  	s28 =	sadd.s32 $0x1B910, s9;
	s31 =	sadd.s32 $0x20, s12  }
0x2d5: {  	[hbm4b:s31+s3] =	stream.linear.scatter [tilespmem:s28], [sflag:$0xA], $0x80, $0x38;
	[tilespmem:$0x1DA00] =	vst v63  }
0x2d6: {  	s21 =	sadd.s32 $0x1B998, s9;
	s24 =	sadd.s32 $0x30, s12  }
0x2d7: {  	[hbm4b:s24+s3] =	stream.linear.scatter [tilespmem:s21], [sflag:$0xA], $0x80, $0x38;
	[tilespmem:$0x1DA00] =	vst v63  }
0x2d8: {  	s28 =	sadd.s32 $0x1BA20, s9;
	s31 =	sadd.s32 $0x40, s12  }
0x2d9: {  	[hbm4b:s31+s3] =	stream.linear.scatter [tilespmem:s28], [sflag:$0xA], $0x80, $0x38;
	[tilespmem:$0x1DA00] =	vst v63  }
0x2da: {  	s21 =	sadd.s32 $0x1BAA8, s9;
	s24 =	sadd.s32 $0x50, s12  }
0x2db: {  	[hbm4b:s24+s3] =	stream.linear.scatter [tilespmem:s21], [sflag:$0xA], $0x80, $0x38;
	[tilespmem:$0x1DA00] =	vst v63  }
0x2dc: {  	s28 =	sadd.s32 $0x1BB30, s9;
	s31 =	sadd.s32 $0x60, s12  }
0x2dd: {  	[hbm4b:s31+s3] =	stream.linear.scatter [tilespmem:s28], [sflag:$0xA], $0x80, $0x38;
	[tilespmem:$0x1DA00] =	vst v63  }
0x2de: {  	p0 =	seq.s32 s19, $0x18;
	s21 =	sadd.s32 $0x1BBB8, s9;
	s24 =	sadd.s32 $0x70, s12  }
0x2df: {  	[hbm4b:s24+s3] =	stream.linear.scatter [tilespmem:s21], [sflag:$0xA], $0x80, $0x38;
	[tilespmem:$0x1DA00] =	vst v63  }
0x2e0: {  	s18 =	simm.s32 @!p0 $0x9600;
	s9 =	sadd.s32 @!p0 $0x400, s6;
	s12 =	simm.s32 @!p0 $0x80  }
0x2e1: {  	[tilespmem:s18], [sflag:$0x1] =	stream.indirect.gather @!p0 [hbm4b:s4+s12], $0x40, s9, s12, $0xb8;
	[tilespmem:$0x1DA00] =	vst v63  }
0x2e2: {  	_ =	swait.ge [sflag:s14], $0x2000  }
0x2e3: {  	[sflag:s14] =	ssyncset.done $0x0  }
0x2e4: {  	[sflag:s14] =	ssyncadd.s32 $0xFFFFE000  }
0x2e5: {  	s12 =	sor.u32 $0x5, s7;
	_ =	swait.ge [sflag:s2], $0x2000  }
0x2e6: {  	s28 =	sshll.u32 s12, $0x6;
	[sflag:s2] =	ssyncset.done $0x0  }
0x2e7: {  	s9 =	sand.u32 $0x3FFFFFC0, s28;
	[sflag:s2] =	ssyncadd.s32 $0xFFFFE000  }
0x2e8: {  	s31 =	simm.s32 $0x3;
	s24 =	simm.s32 $0x13680;
	v9 =	vld [tilespmem:s9+$0x6400]  }
0x2e9: {  	v4 =	vmov s31;
	v7 =	vld [tilespmem:s24+$0x40]  }
0x2ea: {  	v13 =	vand.u32 $0x7F, v4  }
0x2eb: {  	s21 =	simm.s32 $0x0;
	v8 =	vadd.s32 v0, v13;
	v6 =	vld [tilespmem:s9+$0x6410]  }
0x2ec: {  	s31 =	simm.s32 $0x2;
	v4 =	vmov s21;
	s28 =	simm.s32 $0x1;
	v10 =	vld [tilespmem:s24+$0xFFFFFF80]  }
0x2ed: {  	v14 =	vmov s31;
	v12 =	vand.u32 $0x7C, v4;
	v4 =	vmov s28;
	v11 =	vld [tilespmem:s24+$0xFFFFFFC0]  }
0x2ee: {  	v15 =	vadd.s32 v0, v12;
	v19 =	vand.u32 $0x7D, v4;
	v16 =	vld [tilespmem:s24+$0x0];
	v7 =	vadd.f32 v7, v9  }
0x2ef: {  	v20 =	vand.u32 $0x7E, v14;
	v17 =	vadd.s32 v0, v19;
	v5 =	vld [tilespmem:s9+$0x6420]  }
0x2f0: {  	v14 =	vadd.s32 v0, v20;
	v4 =	vld [tilespmem:s9+$0x6430];
	[tilespmem:v8+s26+$0x0] =	vst.idx.msk $0xffff, v7  }
0x2f1: {  	v7 =	vadd.f32 v10, v9;
	v8 =	vld [tilespmem:s24+$0x50]  }
0x2f2: {  	v10 =	vadd.f32 v11, v9  }
0x2f3: {  	v11 =	vadd.s32 v1, v13;
	[tilespmem:v15+s26+$0x0] =	vst.idx.msk $0xffff, v7;
	v7 =	vadd.f32 v16, v9  }
0x2f4: {  	[tilespmem:v17+s26+$0x0] =	vst.idx.msk $0xffff, v10;
	v15 =	vld [tilespmem:s24+$0xFFFFFF90]  }
0x2f5: {  	v10 =	vld [tilespmem:s24+$0xFFFFFFD0];
	[tilespmem:v14+s26+$0x0] =	vst.idx.msk $0xffff, v7  }
0x2f6: {  	v14 =	vld [tilespmem:s24+$0x10];
	v7 =	vadd.f32 v8, v6  }
0x2f7: {  	s31 =	simm.s32 $0x7;
	s18 =	simm.s32 $0x13780;
	v16 =	vadd.s32 v1, v19  }
0x2f8: {  	v26 =	vadd.s32 v2, v13;
	s28 =	simm.s32 $0x4;
	v18 =	vld [tilespmem:s18+$0x40];
	v17 =	vadd.s32 v1, v20;
	[tilespmem:v11+s26+$0x0] =	vst.idx.msk $0xffff, v7;
	v7 =	vmov s31  }
0x2f9: {  	v21 =	vadd.s32 v1, v12;
	v8 =	vmov s28;
	v7 =	vand.u32 $0x7F, v7;
	v22 =	vld [tilespmem:s24+$0x60]  }
0x2fa: {  	v23 =	vld [tilespmem:s18+$0xFFFFFF80];
	s28 =	simm.s32 $0x5;
	v8 =	vand.u32 $0x7C, v8;
	v10 =	vadd.f32 v10, v6;
	v24 =	vadd.s32 v0, v7  }
0x2fb: {  	v25 =	vld [tilespmem:s18+$0xFFFFFFC0];
	v15 =	vadd.f32 v15, v6;
	s31 =	simm.s32 $0x6;
	v11 =	vadd.f32 v14, v6;
	v14 =	vmov s28  }
0x2fc: {  	v27 =	vadd.s32 v0, v8;
	[tilespmem:v16+s26+$0x0] =	vst.idx.msk $0xffff, v10;
	v16 =	vmov s31;
	v10 =	vand.u32 $0x7D, v14;
	v14 =	vld [tilespmem:s18+$0x0]  }
0x2fd: {  	[tilespmem:v17+s26+$0x0] =	vst.idx.msk $0xffff, v11;
	v17 =	vadd.s32 v0, v10;
	v11 =	vand.u32 $0x7E, v16;
	v16 =	vadd.f32 v18, v9;
	v18 =	vld [tilespmem:s24+$0xFFFFFFE0]  }
0x2fe: {  	[tilespmem:v21+s26+$0x0] =	vst.idx.msk $0xffff, v15;
	v15 =	vadd.s32 v0, v11;
	v21 =	vld [tilespmem:s24+$0x20];
	v22 =	vadd.f32 v22, v5  }
0x2ff: {  	v23 =	vadd.f32 v23, v9;
	[tilespmem:v24+s26+$0x0] =	vst.idx.msk $0xffff, v16;
	v16 =	vld [tilespmem:s24+$0xFFFFFFA0];
	v24 =	vadd.s32 v2, v19  }
0x300: {  	v29 =	vadd.s32 v2, v20;
	v25 =	vadd.f32 v25, v9;
	v28 =	vld [tilespmem:s18+$0x50];
	[tilespmem:v26+s26+$0x0] =	vst.idx.msk $0xffff, v22  }
0x301: {  	[tilespmem:v27+s26+$0x0] =	vst.idx.msk $0xffff, v23;
	v23 =	vadd.s32 v2, v12;
	v14 =	vadd.f32 v14, v9;
	v26 =	vld [tilespmem:s24+$0x70]  }
0x302: {  	v27 =	vld [tilespmem:s18+$0xFFFFFF90];
	[tilespmem:v17+s26+$0x0] =	vst.idx.msk $0xffff, v25;
	v25 =	vadd.s32 v1, v7;
	v18 =	vadd.f32 v18, v5  }
0x303: {  	v31 =	vadd.s32 v3, v13;
	v30 =	vld [tilespmem:s18+$0xFFFFFFD0];
	[tilespmem:v15+s26+$0x0] =	vst.idx.msk $0xffff, v14;
	v14 =	vadd.f32 v21, v5  }
0x304: {  	v22 =	vadd.s32 v1, v8;
	v17 =	vld [tilespmem:s18+$0x10];
	v13 =	vadd.f32 v16, v5;
	[tilespmem:v24+s26+$0x0] =	vst.idx.msk $0xffff, v18  }
0x305: {  	s21 =	simm.s32 $0x8;
	v21 =	vadd.s32 v1, v10;
	[tilespmem:v29+s26+$0x0] =	vst.idx.msk $0xffff, v14;
	v18 =	vadd.f32 v28, v6;
	v16 =	vld [tilespmem:s24+$0xFFFFFFF0]  }
0x306: {  	v24 =	vmov s21;
	v14 =	vadd.s32 v1, v11;
	v15 =	vld [tilespmem:s24+$0x30];
	[tilespmem:v23+s26+$0x0] =	vst.idx.msk $0xffff, v13;
	v63 =	vadd.f32 v26, v4  }
0x307: {  	s9 =	simm.s32 $0x13880;
	s28 =	simm.s32 $0xB;
	v19 =	vadd.s32 v3, v19;
	v13 =	vand.u32 $0x7C, v24;
	v24 =	vadd.f32 v27, v6;
	[tilespmem:v25+s26+$0x0] =	vst.idx.msk $0xffff, v18;
	v18 =	vld [tilespmem:s24+$0xFFFFFFB0]  }
0x308: {  	s7 =	sor.u32 $0x6, s7;
	v20 =	vadd.s32 v3, v20;
	v26 =	vmov s28;
	v23 =	vld [tilespmem:s9+$0x40];
	s24 =	simm.s32 $0xC;
	v25 =	vadd.f32 v30, v6;
	[tilespmem:v31+s26+$0x0] =	vst.idx.msk $0xffff, v63  }
.LBB2_25:
0x309: {  	p1 =	slt.u32 s24, $0x7C;
	s28 =	sadd.s32 $0x1, s21;
	v26 =	vand.u32 $0x7F, v26;
	[tilespmem:v22+s26+$0x0] =	vst.idx.msk $0xffff, v24;
	v17 =	vadd.f32 v17, v6;
	v22 =	vld [tilespmem:s18+$0x60];
	v24 =	vadd.s32 v3, v12  }
0x30a: {  	v30 =	vmovc v11;
	v27 =	vld [tilespmem:s9+$0xFFFFFF80];
	v28 =	vmov s28;
	s28 =	sadd.s32 $0x2, s21;
	v29 =	vadd.s32 v0, v26;
	[tilespmem:v21+s26+$0x0] =	vst.idx.msk $0xffff, v25;
	v16 =	vadd.f32 v16, v4;
	s21 =	smov.u32 s24  }
0x30b: {  	v12 =	vmovc v8;
	v21 =	vld [tilespmem:s9+$0xFFFFFFC0];
	v11 =	vmov s28;
	[tilespmem:v14+s26+$0x0] =	vst.idx.msk $0xffff, v17;
	v14 =	vadd.s32 v2, v7;
	v15 =	vadd.f32 v15, v4  }
0x30c: {  	v17 =	vadd.s32 v0, v13;
	v28 =	vand.u32 $0x7D, v28;
	v25 =	vld [tilespmem:s9+$0x0];
	v31 =	vadd.f32 v18, v4;
	[tilespmem:v19+s26+$0x0] =	vst.idx.msk $0xffff, v16  }
0x30d: {  	v16 =	vadd.s32 v0, v28;
	v11 =	vand.u32 $0x7E, v11;
	v18 =	vadd.f32 v23, v9;
	v19 =	vld [tilespmem:s18+$0xFFFFFFE0];
	[tilespmem:v20+s26+$0x0] =	vst.idx.msk $0xffff, v15  }
0x30e: {  	v8 =	vmov v13;
	v15 =	vadd.s32 v0, v11;
	v20 =	vld [tilespmem:s18+$0x20];
	v22 =	vadd.f32 v22, v5;
	[tilespmem:v24+s26+$0x0] =	vst.idx.msk $0xffff, v31  }
0x30f: {  	v23 =	vadd.s32 v2, v10;
	v13 =	vadd.f32 v27, v9;
	[tilespmem:v29+s26+$0x0] =	vst.idx.msk $0xffff, v18;
	v18 =	vld [tilespmem:s18+$0xFFFFFFA0]  }
0x310: {  	v27 =	vadd.s32 v2, v30;
	v21 =	vadd.f32 v21, v9;
	v24 =	vld [tilespmem:s9+$0x50];
	[tilespmem:v14+s26+$0x0] =	vst.idx.msk $0xffff, v22  }
0x311: {  	[tilespmem:v17+s26+$0x0] =	vst.idx.msk $0xffff, v13;
	v13 =	vadd.f32 v25, v9;
	v25 =	vadd.s32 v2, v12;
	v29 =	vld [tilespmem:s18+$0x70]  }
0x312: {  	v32 =	vadd.s32 v1, v26;
	v31 =	vld [tilespmem:s9+$0xFFFFFF90];
	[tilespmem:v16+s26+$0x0] =	vst.idx.msk $0xffff, v21;
	v14 =	vadd.f32 v19, v5  }
0x313: {  	v34 =	vadd.s32 v3, v7;
	v7 =	vmov v26;
	v33 =	vld [tilespmem:s9+$0xFFFFFFD0];
	[tilespmem:v15+s26+$0x0] =	vst.idx.msk $0xffff, v13;
	v13 =	vadd.f32 v20, v5  }
.Ltmp11:
0x314: {  	v22 =	vadd.s32 v1, v8;
	v17 =	vld [tilespmem:s9+$0x10];
	v15 =	vadd.f32 v18, v5;
	[tilespmem:v23+s26+$0x0] =	vst.idx.msk $0xffff, v14;
	(pc) =	sbr.rel @p1 .LBB2_25-.Ltmp11, $4  }
0x315: {  	v21 =	vadd.s32 v1, v28;
	v18 =	vadd.f32 v24, v6;
	v16 =	vld [tilespmem:s18+$0xFFFFFFF0];
	[tilespmem:v27+s26+$0x0] =	vst.idx.msk $0xffff, v13  }
0x316: {  	v14 =	vadd.s32 v1, v11;
	v13 =	vmov s24;
	[tilespmem:v25+s26+$0x0] =	vst.idx.msk $0xffff, v15;
	v15 =	vld [tilespmem:s18+$0x30];
	v27 =	vadd.f32 v29, v4  }
0x317: {  	s28 =	sadd.s32 $0x3, s24;
	v19 =	vadd.s32 v3, v10;
	v13 =	vand.u32 $0x7C, v13;
	v24 =	vadd.f32 v31, v6;
	[tilespmem:v32+s26+$0x0] =	vst.idx.msk $0xffff, v18;
	v18 =	vld [tilespmem:s18+$0xFFFFFFB0];
	s18 =	smov.u32 s9;
	s9 =	sadd.s32 $0x100, s9  }
0x318: {  	v26 =	vmov s28;
	v10 =	vmovc v28;
	v20 =	vadd.s32 v3, v30;
	s24 =	sadd.s32 $0x4, s24;
	v23 =	vld [tilespmem:s9+$0x40];
	v25 =	vadd.f32 v33, v6;
	[tilespmem:v34+s26+$0x0] =	vst.idx.msk $0xffff, v27  }
0x319: {  	s24 =	sadd.s32 $0x1, s21  }
0x31a: {  	v26 =	vand.u32 $0x7F, v26;
	s31 =	sadd.s32 $0x2, s21;
	v28 =	vld [tilespmem:s9+$0xFFFFFFC0];
	v27 =	vmov s24  }
0x31b: {  	v31 =	vld [tilespmem:s9+$0x0];
	v29 =	vadd.s32 v0, v26;
	v30 =	vmov s31;
	v27 =	vand.u32 $0x7D, v27  }
0x31c: {  	v32 =	vld [tilespmem:s9+$0xFFFFFF80];
	v30 =	vand.u32 $0x7E, v30;
	v33 =	vadd.s32 v0, v27  }
0x31d: {  	v34 =	vadd.s32 v0, v30  }
0x31e: {  	[tilespmem:v22+s26+$0x0] =	vst.idx.msk $0xffff, v24;
	v44 =	vadd.s32 v0, v13;
	v23 =	vadd.f32 v23, v9  }
0x31f: {  	[tilespmem:v21+s26+$0x0] =	vst.idx.msk $0xffff, v25;
	v45 =	vadd.f32 v28, v9  }
0x320: {  	v46 =	vadd.f32 v31, v9;
	[tilespmem:v29+s26+$0x0] =	vst.idx.msk $0xffff, v23  }
0x321: {  	v47 =	vadd.f32 v32, v9;
	v48 =	vld [tilespmem:s9+$0x50];
	[tilespmem:v33+s26+$0x0] =	vst.idx.msk $0xffff, v45  }
0x322: {  	v17 =	vadd.f32 v17, v6;
	v12 =	vadd.s32 v3, v12;
	[tilespmem:v34+s26+$0x0] =	vst.idx.msk $0xffff, v46;
	v21 =	vld [tilespmem:s9+$0xFFFFFFD0]  }
0x323: {  	v16 =	vadd.f32 v16, v4;
	v49 =	vadd.s32 v1, v26;
	[tilespmem:v44+s26+$0x0] =	vst.idx.msk $0xffff, v47;
	v50 =	vld [tilespmem:s9+$0x10]  }
0x324: {  	[tilespmem:v14+s26+$0x0] =	vst.idx.msk $0xffff, v17;
	v51 =	vadd.f32 v15, v4;
	v53 =	vadd.s32 v1, v27;
	v52 =	vld [tilespmem:s9+$0xFFFFFF90]  }
0x325: {  	v54 =	vld [tilespmem:s18+$0x60];
	v18 =	vadd.f32 v18, v4;
	[tilespmem:v19+s26+$0x0] =	vst.idx.msk $0xffff, v16;
	v55 =	vadd.s32 v1, v30  }
0x326: {  	v57 =	vadd.s32 v1, v13;
	v60 =	vld [tilespmem:s18+$0x20];
	[tilespmem:v20+s26+$0x0] =	vst.idx.msk $0xffff, v51;
	v58 =	vadd.f32 v48, v6  }
0x327: {  	v59 =	vadd.s32 v2, v7;
	v56 =	vld [tilespmem:s18+$0xFFFFFFE0];
	[tilespmem:v12+s26+$0x0] =	vst.idx.msk $0xffff, v18;
	v61 =	vadd.f32 v21, v6  }
0x328: {  	v62 =	vld [tilespmem:s18+$0xFFFFFFA0];
	v29 =	vadd.s32 v2, v11;
	[tilespmem:v49+s26+$0x0] =	vst.idx.msk $0xffff, v58;
	v28 =	vadd.f32 v50, v6  }
0x329: {  	v63 =	vadd.s32 v2, v10;
	v31 =	vadd.f32 v52, v6;
	v32 =	vld [tilespmem:s9+$0x60];
	[tilespmem:v53+s26+$0x0] =	vst.idx.msk $0xffff, v61  }
0x32a: {  	v33 =	vadd.f32 v54, v5;
	v34 =	vadd.s32 v2, v8;
	[tilespmem:v55+s26+$0x0] =	vst.idx.msk $0xffff, v28;
	v35 =	vld [tilespmem:s9+$0xFFFFFFE0]  }
0x32b: {  	v37 =	vadd.s32 v2, v26;
	v39 =	vadd.f32 v60, v5;
	[tilespmem:v57+s26+$0x0] =	vst.idx.msk $0xffff, v31;
	v38 =	vld [tilespmem:s9+$0x20]  }
0x32c: {  	v41 =	vadd.s32 v2, v27;
	v36 =	vadd.f32 v56, v5;
	[tilespmem:v59+s26+$0x0] =	vst.idx.msk $0xffff, v33;
	v40 =	vld [tilespmem:s9+$0xFFFFFFA0]  }
0x32d: {  	v43 =	vadd.s32 v2, v30;
	v18 =	vadd.f32 v62, v5;
	v42 =	vld [tilespmem:s18+$0x70];
	[tilespmem:v29+s26+$0x0] =	vst.idx.msk $0xffff, v39  }
0x32e: {  	v45 =	vadd.s32 v2, v13;
	[tilespmem:v63+s26+$0x0] =	vst.idx.msk $0xffff, v36;
	v47 =	vld [tilespmem:s18+$0x30];
	v44 =	vadd.f32 v32, v5  }
0x32f: {  	v46 =	vadd.s32 v3, v7;
	[tilespmem:v34+s26+$0x0] =	vst.idx.msk $0xffff, v18;
	v21 =	vld [tilespmem:s18+$0xFFFFFFF0];
	v9 =	vadd.f32 v35, v5  }
0x330: {  	v18 =	vld [tilespmem:s18+$0xFFFFFFB0];
	v50 =	vadd.s32 v3, v11;
	[tilespmem:v37+s26+$0x0] =	vst.idx.msk $0xffff, v44;
	v49 =	vadd.f32 v38, v5  }
0x331: {  	v48 =	vadd.s32 v3, v10;
	v5 =	vadd.f32 v40, v5;
	v12 =	vld [tilespmem:s9+$0x70];
	[tilespmem:v41+s26+$0x0] =	vst.idx.msk $0xffff, v9  }
0x332: {  	v52 =	vadd.s32 v3, v8;
	v51 =	vadd.f32 v42, v4;
	[tilespmem:v43+s26+$0x0] =	vst.idx.msk $0xffff, v49;
	v53 =	vld [tilespmem:s9+$0xFFFFFFF0]  }
0x333: {  	v55 =	vadd.s32 v3, v26;
	v56 =	vadd.f32 v47, v4;
	[tilespmem:v45+s26+$0x0] =	vst.idx.msk $0xffff, v5;
	v5 =	vld [tilespmem:s9+$0x30]  }
0x334: {  	v58 =	vadd.s32 v3, v27;
	[tilespmem:v46+s26+$0x0] =	vst.idx.msk $0xffff, v51;
	v54 =	vadd.f32 v21, v4;
	v57 =	vld [tilespmem:s9+$0xFFFFFFB0]  }
0x335: {  	v60 =	vadd.s32 v3, v30;
	v59 =	vadd.f32 v18, v4;
	[tilespmem:v50+s26+$0x0] =	vst.idx.msk $0xffff, v56  }
0x336: {  	v62 =	vadd.s32 v3, v13;
	[tilespmem:v48+s26+$0x0] =	vst.idx.msk $0xffff, v54;
	v61 =	vadd.f32 v12, v4  }
0x337: {  	[tilespmem:v52+s26+$0x0] =	vst.idx.msk $0xffff, v59;
	v63 =	vadd.f32 v53, v4  }
0x338: {  	s10 =	sshll.u32 s10, $0x12;
	[tilespmem:v55+s26+$0x0] =	vst.idx.msk $0xffff, v61;
	v5 =	vadd.f32 v5, v4  }
0x339: {  	s9 =	sor.u32 s5, s10;
	v4 =	vadd.f32 v57, v4;
	[tilespmem:v58+s26+$0x0] =	vst.idx.msk $0xffff, v63  }
0x33a: {  	s9 =	sshrl.u32 s9, $0x3;
	[tilespmem:v60+s26+$0x0] =	vst.idx.msk $0xffff, v5  }
0x33b: {  	s18 =	simm.s32 $0x19600;
	s10 =	sadd.s32 s1, s9;
	[tilespmem:v62+s26+$0x0] =	vst.idx.msk $0xffff, v4  }
0x33c: {  	[hbm4b:s10+s3] =	stream.linear.scatter [tilespmem:s18], [sflag:$0x9], $0x80, $0x38;
	[tilespmem:$0x1DA00] =	vst v63  }
0x33d: {  	s21 =	simm.s32 $0x19688;
	s24 =	sadd.s32 $0x10, s10  }
0x33e: {  	[hbm4b:s24+s3] =	stream.linear.scatter [tilespmem:s21], [sflag:$0x9], $0x80, $0x38;
	[tilespmem:$0x1DA00] =	vst v63  }
0x33f: {  	s28 =	simm.s32 $0x19710;
	s9 =	simm.s32 $0x440;
	s31 =	sadd.s32 $0x20, s10  }
0x340: {  	[hbm4b:s31+s3] =	stream.linear.scatter [tilespmem:s28], [sflag:$0x9], $0x80, $0x38;
	[tilespmem:$0x1DA00] =	vst v63  }
0x341: {  	s18 =	simm.s32 $0x2200;
	s21 =	simm.s32 $0x19798;
	s24 =	sadd.s32 $0x30, s10  }
0x342: {  	[hbm4b:s24+s3] =	stream.linear.scatter [tilespmem:s21], [sflag:$0x9], $0x80, $0x38;
	[tilespmem:$0x1DA00] =	vst v63  }
0x343: {  	s28 =	simm.s32 $0x19820;
	s31 =	sadd.s32 $0x40, s10;
	s21 =	simm.s32 $0x198A8  }
0x344: {  	[hbm4b:s31+s3] =	stream.linear.scatter [tilespmem:s28], [sflag:$0x9], $0x80, $0x38;
	[tilespmem:$0x1DA00] =	vst v63  }
0x345: {  	s24 =	sadd.s32 $0x50, s10;
	s28 =	simm.s32 $0x19930;
	s31 =	sadd.s32 $0x60, s10  }
0x346: {  	[hbm4b:s24+s3] =	stream.linear.scatter [tilespmem:s21], [sflag:$0x9], $0x80, $0x38;
	[tilespmem:$0x1DA00] =	vst v63  }
0x347: {  	s21 =	simm.s32 $0x199B8;
	s24 =	sadd.s32 $0x70, s10;
	s10 =	sadd.s32 $0x1000, s10  }
0x348: {  	[hbm4b:s31+s3] =	stream.linear.scatter [tilespmem:s28], [sflag:$0x9], $0x80, $0x38;
	[tilespmem:$0x1DA00] =	vst v63  }
.LBB2_27:
0x349: {  	[hbm4b:s24+s3] =	stream.linear.scatter [tilespmem:s21], [sflag:$0x9], $0x80, $0x38;
	[tilespmem:$0x1DA00] =	vst v63  }
0x34a: {  	s21 =	smov.u32 s9;
	s9 =	smov.u32 s18  }
0x34b: {  	s28 =	sadd.s32 $0x1100, s18;
	s9 =	sshra.s32 s9, $0x2;
	s24 =	sadd.s32 $0x19600, s21  }
0x34c: {  	[hbm4b:s10+s3] =	stream.linear.scatter [tilespmem:s24], [sflag:$0x9], $0x80, $0x38;
	[tilespmem:$0x1DA00] =	vst v63  }
0x34d: {  	p1 =	sne.s32 s18, $0x7700;
	s18 =	sadd.s32 $0x19688, s21;
	s24 =	sadd.s32 $0x10, s10  }
0x34e: {  	[hbm4b:s24+s3] =	stream.linear.scatter [tilespmem:s18], [sflag:$0x9], $0x80, $0x38;
	[tilespmem:$0x1DA00] =	vst v63  }
0x34f: {  	s18 =	sadd.s32 $0x19710, s21;
	s24 =	sadd.s32 $0x20, s10  }
0x350: {  	[hbm4b:s24+s3] =	stream.linear.scatter [tilespmem:s18], [sflag:$0x9], $0x80, $0x38;
	[tilespmem:$0x1DA00] =	vst v63  }
0x351: {  	s18 =	sadd.s32 $0x19798, s21;
	s24 =	sadd.s32 $0x30, s10  }
0x352: {  	[hbm4b:s24+s3] =	stream.linear.scatter [tilespmem:s18], [sflag:$0x9], $0x80, $0x38;
	[tilespmem:$0x1DA00] =	vst v63  }
0x353: {  	s18 =	sadd.s32 $0x19820, s21;
	s24 =	sadd.s32 $0x40, s10  }
0x354: {  	[hbm4b:s24+s3] =	stream.linear.scatter [tilespmem:s18], [sflag:$0x9], $0x80, $0x38;
	[tilespmem:$0x1DA00] =	vst v63  }
.Ltmp12:
0x355: {  	s18 =	sadd.s32 $0x198A8, s21;
	s24 =	sadd.s32 $0x50, s10;
	(pc) =	sbr.rel @p1 .LBB2_27-.Ltmp12, $4  }
0x356: {  	[hbm4b:s24+s3] =	stream.linear.scatter [tilespmem:s18], [sflag:$0x9], $0x80, $0x38;
	[tilespmem:$0x1DA00] =	vst v63  }
0x357: {  	s18 =	sadd.s32 $0x19930, s21;
	s24 =	sadd.s32 $0x60, s10;
	s21 =	sadd.s32 $0x199B8, s21  }
0x358: {  	[hbm4b:s24+s3] =	stream.linear.scatter [tilespmem:s18], [sflag:$0x9], $0x80, $0x38;
	[tilespmem:$0x1DA00] =	vst v63  }
0x359: {  	s24 =	sadd.s32 $0x70, s10;
	s10 =	sadd.s32 $0x1000, s10;
	s18 =	smov.u32 s28  }
0x35a: {  	[hbm4b:s24+s3] =	stream.linear.scatter [tilespmem:s21], [sflag:$0x9], $0x80, $0x38;
	[tilespmem:$0x1DA00] =	vst v63  }
0x35b: {  	s18 =	sadd.s32 $0x19600, s9  }
0x35c: {  	[hbm4b:s10+s3] =	stream.linear.scatter [tilespmem:s18], [sflag:$0x9], $0x80, $0x38;
	[tilespmem:$0x1DA00] =	vst v63  }
0x35d: {  	s21 =	sadd.s32 $0x19688, s9;
	s24 =	sadd.s32 $0x10, s10  }
0x35e: {  	[hbm4b:s24+s3] =	stream.linear.scatter [tilespmem:s21], [sflag:$0x9], $0x80, $0x38;
	[tilespmem:$0x1DA00] =	vst v63  }
0x35f: {  	s28 =	sadd.s32 $0x19710, s9;
	s31 =	sadd.s32 $0x20, s10  }
0x360: {  	[hbm4b:s31+s3] =	stream.linear.scatter [tilespmem:s28], [sflag:$0x9], $0x80, $0x38;
	[tilespmem:$0x1DA00] =	vst v63  }
0x361: {  	s21 =	sadd.s32 $0x19798, s9;
	s24 =	sadd.s32 $0x30, s10  }
0x362: {  	[hbm4b:s24+s3] =	stream.linear.scatter [tilespmem:s21], [sflag:$0x9], $0x80, $0x38;
	[tilespmem:$0x1DA00] =	vst v63  }
0x363: {  	s28 =	sadd.s32 $0x19820, s9;
	s31 =	sadd.s32 $0x40, s10  }
0x364: {  	[hbm4b:s31+s3] =	stream.linear.scatter [tilespmem:s28], [sflag:$0x9], $0x80, $0x38;
	[tilespmem:$0x1DA00] =	vst v63  }
0x365: {  	s21 =	sadd.s32 $0x198A8, s9;
	s24 =	sadd.s32 $0x50, s10  }
0x366: {  	[hbm4b:s24+s3] =	stream.linear.scatter [tilespmem:s21], [sflag:$0x9], $0x80, $0x38;
	[tilespmem:$0x1DA00] =	vst v63  }
0x367: {  	s28 =	sadd.s32 $0x19930, s9;
	s31 =	sadd.s32 $0x60, s10  }
0x368: {  	[hbm4b:s31+s3] =	stream.linear.scatter [tilespmem:s28], [sflag:$0x9], $0x80, $0x38;
	[tilespmem:$0x1DA00] =	vst v63  }
0x369: {  	s18 =	sadd.s32 $0x199B8, s9;
	s21 =	sadd.s32 $0x70, s10  }
0x36a: {  	[hbm4b:s21+s3] =	stream.linear.scatter [tilespmem:s18], [sflag:$0x9], $0x80, $0x38;
	[tilespmem:$0x1DA00] =	vst v63  }
0x36b: {  	s9 =	sadd.s32 @!p0 $0x480, s6;
	s10 =	simm.s32 @!p0 $0x80;
	s18 =	simm.s32 @!p0 $0xB600  }
0x36c: {  	[tilespmem:s18], [sflag:$0x2] =	stream.indirect.gather @!p0 [hbm4b:s4+s10], $0x40, s9, s10, $0xb8;
	[tilespmem:$0x1DA00] =	vst v63  }
0x36d: {  	_ =	swait.ge [sflag:s16], $0x2000  }
0x36e: {  	[sflag:s16] =	ssyncset.done $0x0  }
0x36f: {  	[sflag:s16] =	ssyncadd.s32 $0xFFFFE000  }
0x370: {  	_ =	swait.ge [sflag:s30], $0x2000  }
0x371: {  	s24 =	sshll.u32 s7, $0x6;
	[sflag:s30] =	ssyncset.done $0x0  }
0x372: {  	s9 =	sand.u32 $0x3FFFFFC0, s24;
	[sflag:s30] =	ssyncadd.s32 $0xFFFFE000  }
0x373: {  	s28 =	simm.s32 $0x3;
	s21 =	simm.s32 $0x15680;
	v9 =	vld [tilespmem:s9+$0x6400]  }
0x374: {  	v4 =	vmov s28;
	v7 =	vld [tilespmem:s21+$0x40]  }
0x375: {  	s31 =	simm.s32 $0x0;
	v13 =	vand.u32 $0x7F, v4  }
0x376: {  	v4 =	vmov s31;
	v8 =	vadd.s32 v0, v13;
	v6 =	vld [tilespmem:s9+$0x6410]  }
0x377: {  	v12 =	vand.u32 $0x7C, v4;
	s18 =	simm.s32 $0x1;
	v10 =	vld [tilespmem:s21+$0xFFFFFF80]  }
0x378: {  	s24 =	simm.s32 $0x2;
	v15 =	vadd.s32 v0, v12;
	v4 =	vmov s18;
	v11 =	vld [tilespmem:s21+$0xFFFFFFC0]  }
0x379: {  	v14 =	vmov s24;
	v19 =	vand.u32 $0x7D, v4;
	v16 =	vld [tilespmem:s21+$0x0];
	v7 =	vadd.f32 v7, v9  }
0x37a: {  	v20 =	vand.u32 $0x7E, v14;
	v17 =	vadd.s32 v0, v19;
	v5 =	vld [tilespmem:s9+$0x6420]  }
0x37b: {  	v14 =	vadd.s32 v0, v20;
	v4 =	vld [tilespmem:s9+$0x6430];
	[tilespmem:v8+s23+$0x0] =	vst.idx.msk $0xffff, v7  }
0x37c: {  	v7 =	vadd.f32 v10, v9;
	v8 =	vld [tilespmem:s21+$0x50]  }
0x37d: {  	v10 =	vadd.f32 v11, v9  }
0x37e: {  	v11 =	vadd.s32 v1, v13;
	[tilespmem:v15+s23+$0x0] =	vst.idx.msk $0xffff, v7;
	v7 =	vadd.f32 v16, v9  }
0x37f: {  	[tilespmem:v17+s23+$0x0] =	vst.idx.msk $0xffff, v10;
	v15 =	vld [tilespmem:s21+$0xFFFFFF90]  }
0x380: {  	v10 =	vld [tilespmem:s21+$0xFFFFFFD0];
	[tilespmem:v14+s23+$0x0] =	vst.idx.msk $0xffff, v7  }
0x381: {  	v14 =	vld [tilespmem:s21+$0x10];
	v7 =	vadd.f32 v8, v6  }
0x382: {  	s31 =	simm.s32 $0x7;
	s9 =	simm.s32 $0x15780;
	v16 =	vadd.s32 v1, v19  }
0x383: {  	s28 =	simm.s32 $0x4;
	v26 =	vadd.s32 v2, v13;
	v18 =	vld [tilespmem:s9+$0x40];
	v17 =	vadd.s32 v1, v20;
	[tilespmem:v11+s23+$0x0] =	vst.idx.msk $0xffff, v7;
	v7 =	vmov s31  }
0x384: {  	v21 =	vadd.s32 v1, v12;
	v8 =	vmov s28;
	v7 =	vand.u32 $0x7F, v7;
	v22 =	vld [tilespmem:s21+$0x60]  }
0x385: {  	s24 =	simm.s32 $0x5;
	v23 =	vld [tilespmem:s9+$0xFFFFFF80];
	v8 =	vand.u32 $0x7C, v8;
	v10 =	vadd.f32 v10, v6;
	v24 =	vadd.s32 v0, v7  }
0x386: {  	v25 =	vld [tilespmem:s9+$0xFFFFFFC0];
	s28 =	simm.s32 $0x6;
	v15 =	vadd.f32 v15, v6;
	v11 =	vadd.f32 v14, v6;
	v14 =	vmov s24  }
0x387: {  	v27 =	vadd.s32 v0, v8;
	[tilespmem:v16+s23+$0x0] =	vst.idx.msk $0xffff, v10;
	v16 =	vmov s28;
	v10 =	vand.u32 $0x7D, v14;
	v14 =	vld [tilespmem:s9+$0x0]  }
0x388: {  	[tilespmem:v17+s23+$0x0] =	vst.idx.msk $0xffff, v11;
	v17 =	vadd.s32 v0, v10;
	v11 =	vand.u32 $0x7E, v16;
	v16 =	vadd.f32 v18, v9;
	v18 =	vld [tilespmem:s21+$0xFFFFFFE0]  }
0x389: {  	[tilespmem:v21+s23+$0x0] =	vst.idx.msk $0xffff, v15;
	v15 =	vadd.s32 v0, v11;
	v21 =	vld [tilespmem:s21+$0x20];
	v22 =	vadd.f32 v22, v5  }
0x38a: {  	v23 =	vadd.f32 v23, v9;
	[tilespmem:v24+s23+$0x0] =	vst.idx.msk $0xffff, v16;
	v16 =	vld [tilespmem:s21+$0xFFFFFFA0];
	v24 =	vadd.s32 v2, v19  }
0x38b: {  	v29 =	vadd.s32 v2, v20;
	v25 =	vadd.f32 v25, v9;
	v28 =	vld [tilespmem:s9+$0x50];
	[tilespmem:v26+s23+$0x0] =	vst.idx.msk $0xffff, v22  }
0x38c: {  	[tilespmem:v27+s23+$0x0] =	vst.idx.msk $0xffff, v23;
	v23 =	vadd.s32 v2, v12;
	v14 =	vadd.f32 v14, v9;
	v26 =	vld [tilespmem:s21+$0x70]  }
0x38d: {  	v27 =	vld [tilespmem:s9+$0xFFFFFF90];
	[tilespmem:v17+s23+$0x0] =	vst.idx.msk $0xffff, v25;
	v25 =	vadd.s32 v1, v7;
	v18 =	vadd.f32 v18, v5  }
0x38e: {  	v31 =	vadd.s32 v3, v13;
	v30 =	vld [tilespmem:s9+$0xFFFFFFD0];
	[tilespmem:v15+s23+$0x0] =	vst.idx.msk $0xffff, v14;
	v14 =	vadd.f32 v21, v5  }
0x38f: {  	v22 =	vadd.s32 v1, v8;
	v17 =	vld [tilespmem:s9+$0x10];
	v13 =	vadd.f32 v16, v5;
	[tilespmem:v24+s23+$0x0] =	vst.idx.msk $0xffff, v18  }
0x390: {  	s18 =	simm.s32 $0x8;
	v21 =	vadd.s32 v1, v10;
	[tilespmem:v29+s23+$0x0] =	vst.idx.msk $0xffff, v14;
	v18 =	vadd.f32 v28, v6;
	v16 =	vld [tilespmem:s21+$0xFFFFFFF0]  }
0x391: {  	v24 =	vmov s18;
	v14 =	vadd.s32 v1, v11;
	v15 =	vld [tilespmem:s21+$0x30];
	[tilespmem:v23+s23+$0x0] =	vst.idx.msk $0xffff, v13;
	v63 =	vadd.f32 v26, v4  }
0x392: {  	s10 =	simm.s32 $0x15880;
	s31 =	simm.s32 $0xB;
	v19 =	vadd.s32 v3, v19;
	v13 =	vand.u32 $0x7C, v24;
	v24 =	vadd.f32 v27, v6;
	[tilespmem:v25+s23+$0x0] =	vst.idx.msk $0xffff, v18;
	v18 =	vld [tilespmem:s21+$0xFFFFFFB0]  }
0x393: {  	v20 =	vadd.s32 v3, v20;
	v26 =	vmov s31;
	v23 =	vld [tilespmem:s10+$0x40];
	s21 =	simm.s32 $0xC;
	v25 =	vadd.f32 v30, v6;
	[tilespmem:v31+s23+$0x0] =	vst.idx.msk $0xffff, v63  }
.LBB2_29:
0x394: {  	p1 =	slt.u32 s21, $0x7C;
	s24 =	sadd.s32 $0x1, s18;
	v26 =	vand.u32 $0x7F, v26;
	[tilespmem:v22+s23+$0x0] =	vst.idx.msk $0xffff, v24;
	v17 =	vadd.f32 v17, v6;
	v22 =	vld [tilespmem:s9+$0x60];
	v24 =	vadd.s32 v3, v12  }
0x395: {  	v30 =	vmovc v11;
	v27 =	vld [tilespmem:s10+$0xFFFFFF80];
	v28 =	vmov s24;
	s24 =	sadd.s32 $0x2, s18;
	v29 =	vadd.s32 v0, v26;
	[tilespmem:v21+s23+$0x0] =	vst.idx.msk $0xffff, v25;
	v16 =	vadd.f32 v16, v4;
	s18 =	smov.u32 s21  }
0x396: {  	v12 =	vmovc v8;
	v21 =	vld [tilespmem:s10+$0xFFFFFFC0];
	v11 =	vmov s24;
	[tilespmem:v14+s23+$0x0] =	vst.idx.msk $0xffff, v17;
	v14 =	vadd.s32 v2, v7;
	v15 =	vadd.f32 v15, v4  }
0x397: {  	v17 =	vadd.s32 v0, v13;
	v28 =	vand.u32 $0x7D, v28;
	v25 =	vld [tilespmem:s10+$0x0];
	v31 =	vadd.f32 v18, v4;
	[tilespmem:v19+s23+$0x0] =	vst.idx.msk $0xffff, v16  }
0x398: {  	v16 =	vadd.s32 v0, v28;
	v11 =	vand.u32 $0x7E, v11;
	v18 =	vadd.f32 v23, v9;
	v19 =	vld [tilespmem:s9+$0xFFFFFFE0];
	[tilespmem:v20+s23+$0x0] =	vst.idx.msk $0xffff, v15  }
0x399: {  	v8 =	vmov v13;
	v15 =	vadd.s32 v0, v11;
	v20 =	vld [tilespmem:s9+$0x20];
	v22 =	vadd.f32 v22, v5;
	[tilespmem:v24+s23+$0x0] =	vst.idx.msk $0xffff, v31  }
0x39a: {  	v23 =	vadd.s32 v2, v10;
	v13 =	vadd.f32 v27, v9;
	[tilespmem:v29+s23+$0x0] =	vst.idx.msk $0xffff, v18;
	v18 =	vld [tilespmem:s9+$0xFFFFFFA0]  }
0x39b: {  	v27 =	vadd.s32 v2, v30;
	v21 =	vadd.f32 v21, v9;
	v24 =	vld [tilespmem:s10+$0x50];
	[tilespmem:v14+s23+$0x0] =	vst.idx.msk $0xffff, v22  }
0x39c: {  	[tilespmem:v17+s23+$0x0] =	vst.idx.msk $0xffff, v13;
	v13 =	vadd.f32 v25, v9;
	v25 =	vadd.s32 v2, v12;
	v29 =	vld [tilespmem:s9+$0x70]  }
0x39d: {  	v32 =	vadd.s32 v1, v26;
	v31 =	vld [tilespmem:s10+$0xFFFFFF90];
	[tilespmem:v16+s23+$0x0] =	vst.idx.msk $0xffff, v21;
	v14 =	vadd.f32 v19, v5  }
0x39e: {  	v34 =	vadd.s32 v3, v7;
	v7 =	vmov v26;
	v33 =	vld [tilespmem:s10+$0xFFFFFFD0];
	[tilespmem:v15+s23+$0x0] =	vst.idx.msk $0xffff, v13;
	v13 =	vadd.f32 v20, v5  }
.Ltmp13:
0x39f: {  	v22 =	vadd.s32 v1, v8;
	v17 =	vld [tilespmem:s10+$0x10];
	v15 =	vadd.f32 v18, v5;
	[tilespmem:v23+s23+$0x0] =	vst.idx.msk $0xffff, v14;
	(pc) =	sbr.rel @p1 .LBB2_29-.Ltmp13, $4  }
0x3a0: {  	v21 =	vadd.s32 v1, v28;
	v18 =	vadd.f32 v24, v6;
	v16 =	vld [tilespmem:s9+$0xFFFFFFF0];
	[tilespmem:v27+s23+$0x0] =	vst.idx.msk $0xffff, v13  }
0x3a1: {  	v14 =	vadd.s32 v1, v11;
	v13 =	vmov s21;
	[tilespmem:v25+s23+$0x0] =	vst.idx.msk $0xffff, v15;
	v15 =	vld [tilespmem:s9+$0x30];
	v27 =	vadd.f32 v29, v4  }
0x3a2: {  	s24 =	sadd.s32 $0x3, s21;
	v19 =	vadd.s32 v3, v10;
	v13 =	vand.u32 $0x7C, v13;
	v24 =	vadd.f32 v31, v6;
	[tilespmem:v32+s23+$0x0] =	vst.idx.msk $0xffff, v18;
	v18 =	vld [tilespmem:s9+$0xFFFFFFB0];
	s9 =	smov.u32 s10;
	s10 =	sadd.s32 $0x100, s10  }
0x3a3: {  	v26 =	vmov s24;
	v10 =	vmovc v28;
	v20 =	vadd.s32 v3, v30;
	s21 =	sadd.s32 $0x4, s21;
	v23 =	vld [tilespmem:s10+$0x40];
	v25 =	vadd.f32 v33, v6;
	[tilespmem:v34+s23+$0x0] =	vst.idx.msk $0xffff, v27  }
0x3a4: {  	s21 =	sadd.s32 $0x1, s18  }
0x3a5: {  	v26 =	vand.u32 $0x7F, v26;
	s24 =	sadd.s32 $0x2, s18;
	v28 =	vld [tilespmem:s10+$0xFFFFFFC0];
	v27 =	vmov s21  }
0x3a6: {  	v31 =	vld [tilespmem:s10+$0x0];
	v29 =	vadd.s32 v0, v26;
	v30 =	vmov s24;
	v27 =	vand.u32 $0x7D, v27  }
0x3a7: {  	v32 =	vld [tilespmem:s10+$0xFFFFFF80];
	v30 =	vand.u32 $0x7E, v30;
	v33 =	vadd.s32 v0, v27  }
0x3a8: {  	v34 =	vadd.s32 v0, v30  }
0x3a9: {  	[tilespmem:v22+s23+$0x0] =	vst.idx.msk $0xffff, v24;
	v44 =	vadd.s32 v0, v13;
	v23 =	vadd.f32 v23, v9  }
0x3aa: {  	[tilespmem:v21+s23+$0x0] =	vst.idx.msk $0xffff, v25;
	v45 =	vadd.f32 v28, v9  }
0x3ab: {  	v46 =	vadd.f32 v31, v9;
	[tilespmem:v29+s23+$0x0] =	vst.idx.msk $0xffff, v23  }
0x3ac: {  	v47 =	vadd.f32 v32, v9;
	v48 =	vld [tilespmem:s10+$0x50];
	[tilespmem:v33+s23+$0x0] =	vst.idx.msk $0xffff, v45  }
0x3ad: {  	v17 =	vadd.f32 v17, v6;
	v12 =	vadd.s32 v3, v12;
	[tilespmem:v34+s23+$0x0] =	vst.idx.msk $0xffff, v46;
	v21 =	vld [tilespmem:s10+$0xFFFFFFD0]  }
0x3ae: {  	v16 =	vadd.f32 v16, v4;
	v49 =	vadd.s32 v1, v26;
	[tilespmem:v44+s23+$0x0] =	vst.idx.msk $0xffff, v47;
	v50 =	vld [tilespmem:s10+$0x10]  }
0x3af: {  	[tilespmem:v14+s23+$0x0] =	vst.idx.msk $0xffff, v17;
	v51 =	vadd.f32 v15, v4;
	v53 =	vadd.s32 v1, v27;
	v52 =	vld [tilespmem:s10+$0xFFFFFF90]  }
0x3b0: {  	v54 =	vld [tilespmem:s9+$0x60];
	v18 =	vadd.f32 v18, v4;
	[tilespmem:v19+s23+$0x0] =	vst.idx.msk $0xffff, v16;
	v55 =	vadd.s32 v1, v30  }
0x3b1: {  	v57 =	vadd.s32 v1, v13;
	v60 =	vld [tilespmem:s9+$0x20];
	[tilespmem:v20+s23+$0x0] =	vst.idx.msk $0xffff, v51;
	v58 =	vadd.f32 v48, v6  }
0x3b2: {  	v59 =	vadd.s32 v2, v7;
	v56 =	vld [tilespmem:s9+$0xFFFFFFE0];
	[tilespmem:v12+s23+$0x0] =	vst.idx.msk $0xffff, v18;
	v61 =	vadd.f32 v21, v6  }
0x3b3: {  	v62 =	vld [tilespmem:s9+$0xFFFFFFA0];
	v29 =	vadd.s32 v2, v11;
	[tilespmem:v49+s23+$0x0] =	vst.idx.msk $0xffff, v58;
	v28 =	vadd.f32 v50, v6  }
0x3b4: {  	v63 =	vadd.s32 v2, v10;
	v31 =	vadd.f32 v52, v6;
	v32 =	vld [tilespmem:s10+$0x60];
	[tilespmem:v53+s23+$0x0] =	vst.idx.msk $0xffff, v61  }
0x3b5: {  	v33 =	vadd.f32 v54, v5;
	v34 =	vadd.s32 v2, v8;
	[tilespmem:v55+s23+$0x0] =	vst.idx.msk $0xffff, v28;
	v35 =	vld [tilespmem:s10+$0xFFFFFFE0]  }
0x3b6: {  	v37 =	vadd.s32 v2, v26;
	v39 =	vadd.f32 v60, v5;
	[tilespmem:v57+s23+$0x0] =	vst.idx.msk $0xffff, v31;
	v38 =	vld [tilespmem:s10+$0x20]  }
0x3b7: {  	v41 =	vadd.s32 v2, v27;
	v36 =	vadd.f32 v56, v5;
	[tilespmem:v59+s23+$0x0] =	vst.idx.msk $0xffff, v33;
	v40 =	vld [tilespmem:s10+$0xFFFFFFA0]  }
0x3b8: {  	v43 =	vadd.s32 v2, v30;
	v18 =	vadd.f32 v62, v5;
	v42 =	vld [tilespmem:s9+$0x70];
	[tilespmem:v29+s23+$0x0] =	vst.idx.msk $0xffff, v39  }
0x3b9: {  	v45 =	vadd.s32 v2, v13;
	[tilespmem:v63+s23+$0x0] =	vst.idx.msk $0xffff, v36;
	v47 =	vld [tilespmem:s9+$0x30];
	v44 =	vadd.f32 v32, v5  }
0x3ba: {  	v46 =	vadd.s32 v3, v7;
	[tilespmem:v34+s23+$0x0] =	vst.idx.msk $0xffff, v18;
	v21 =	vld [tilespmem:s9+$0xFFFFFFF0];
	v9 =	vadd.f32 v35, v5  }
0x3bb: {  	v18 =	vld [tilespmem:s9+$0xFFFFFFB0];
	v50 =	vadd.s32 v3, v11;
	[tilespmem:v37+s23+$0x0] =	vst.idx.msk $0xffff, v44;
	v49 =	vadd.f32 v38, v5  }
0x3bc: {  	v48 =	vadd.s32 v3, v10;
	v5 =	vadd.f32 v40, v5;
	v12 =	vld [tilespmem:s10+$0x70];
	[tilespmem:v41+s23+$0x0] =	vst.idx.msk $0xffff, v9  }
0x3bd: {  	v52 =	vadd.s32 v3, v8;
	v51 =	vadd.f32 v42, v4;
	[tilespmem:v43+s23+$0x0] =	vst.idx.msk $0xffff, v49;
	v53 =	vld [tilespmem:s10+$0xFFFFFFF0]  }
0x3be: {  	v55 =	vadd.s32 v3, v26;
	v56 =	vadd.f32 v47, v4;
	[tilespmem:v45+s23+$0x0] =	vst.idx.msk $0xffff, v5;
	v5 =	vld [tilespmem:s10+$0x30]  }
0x3bf: {  	v58 =	vadd.s32 v3, v27;
	[tilespmem:v46+s23+$0x0] =	vst.idx.msk $0xffff, v51;
	v54 =	vadd.f32 v21, v4;
	v57 =	vld [tilespmem:s10+$0xFFFFFFB0]  }
0x3c0: {  	v60 =	vadd.s32 v3, v30;
	v59 =	vadd.f32 v18, v4;
	[tilespmem:v50+s23+$0x0] =	vst.idx.msk $0xffff, v56  }
0x3c1: {  	v62 =	vadd.s32 v3, v13;
	[tilespmem:v48+s23+$0x0] =	vst.idx.msk $0xffff, v54;
	v61 =	vadd.f32 v12, v4  }
0x3c2: {  	[tilespmem:v52+s23+$0x0] =	vst.idx.msk $0xffff, v59;
	v63 =	vadd.f32 v53, v4  }
0x3c3: {  	s28 =	sshll.u32 s12, $0x12;
	[tilespmem:v55+s23+$0x0] =	vst.idx.msk $0xffff, v61;
	v5 =	vadd.f32 v5, v4  }
0x3c4: {  	s9 =	sor.u32 s5, s28;
	v4 =	vadd.f32 v57, v4;
	[tilespmem:v58+s23+$0x0] =	vst.idx.msk $0xffff, v63  }
0x3c5: {  	s9 =	sshrl.u32 s9, $0x3;
	[tilespmem:v60+s23+$0x0] =	vst.idx.msk $0xffff, v5  }
0x3c6: {  	s31 =	simm.s32 $0x1B800;
	s10 =	sadd.s32 s1, s9;
	[tilespmem:v62+s23+$0x0] =	vst.idx.msk $0xffff, v4  }
0x3c7: {  	[hbm4b:s10+s3] =	stream.linear.scatter [tilespmem:s31], [sflag:$0xA], $0x80, $0x38;
	[tilespmem:$0x1DA00] =	vst v63  }
0x3c8: {  	s12 =	simm.s32 $0x1B888;
	s18 =	sadd.s32 $0x10, s10  }
0x3c9: {  	[hbm4b:s18+s3] =	stream.linear.scatter [tilespmem:s12], [sflag:$0xA], $0x80, $0x38;
	[tilespmem:$0x1DA00] =	vst v63  }
0x3ca: {  	s21 =	simm.s32 $0x1B910;
	s28 =	simm.s32 $0x1B998;
	s24 =	sadd.s32 $0x20, s10  }
0x3cb: {  	[hbm4b:s24+s3] =	stream.linear.scatter [tilespmem:s21], [sflag:$0xA], $0x80, $0x38;
	[tilespmem:$0x1DA00] =	vst v63  }
0x3cc: {  	s9 =	simm.s32 $0x440;
	s31 =	sadd.s32 $0x30, s10;
	s12 =	simm.s32 $0x1BA20  }
0x3cd: {  	[hbm4b:s31+s3] =	stream.linear.scatter [tilespmem:s28], [sflag:$0xA], $0x80, $0x38;
	[tilespmem:$0x1DA00] =	vst v63  }
0x3ce: {  	s18 =	sadd.s32 $0x40, s10;
	s21 =	simm.s32 $0x1BAA8;
	s24 =	sadd.s32 $0x50, s10  }
0x3cf: {  	[hbm4b:s18+s3] =	stream.linear.scatter [tilespmem:s12], [sflag:$0xA], $0x80, $0x38;
	[tilespmem:$0x1DA00] =	vst v63  }
0x3d0: {  	s28 =	simm.s32 $0x1BB30;
	s31 =	sadd.s32 $0x60, s10;
	s12 =	simm.s32 $0x2200  }
0x3d1: {  	[hbm4b:s24+s3] =	stream.linear.scatter [tilespmem:s21], [sflag:$0xA], $0x80, $0x38;
	[tilespmem:$0x1DA00] =	vst v63  }
0x3d2: {  	s18 =	simm.s32 $0x1BBB8;
	s21 =	sadd.s32 $0x70, s10;
	s10 =	sadd.s32 $0x1000, s10  }
0x3d3: {  	[hbm4b:s31+s3] =	stream.linear.scatter [tilespmem:s28], [sflag:$0xA], $0x80, $0x38;
	[tilespmem:$0x1DA00] =	vst v63  }
.LBB2_31:
0x3d4: {  	[hbm4b:s21+s3] =	stream.linear.scatter [tilespmem:s18], [sflag:$0xA], $0x80, $0x38;
	[tilespmem:$0x1DA00] =	vst v63  }
0x3d5: {  	s18 =	smov.u32 s9;
	s9 =	smov.u32 s12  }
0x3d6: {  	s24 =	sadd.s32 $0x1100, s12;
	s9 =	sshra.s32 s9, $0x2;
	s21 =	sadd.s32 $0x1B800, s18  }
0x3d7: {  	[hbm4b:s10+s3] =	stream.linear.scatter [tilespmem:s21], [sflag:$0xA], $0x80, $0x38;
	[tilespmem:$0x1DA00] =	vst v63  }
0x3d8: {  	p1 =	sne.s32 s12, $0x7700;
	s12 =	sadd.s32 $0x1B888, s18;
	s21 =	sadd.s32 $0x10, s10  }
0x3d9: {  	[hbm4b:s21+s3] =	stream.linear.scatter [tilespmem:s12], [sflag:$0xA], $0x80, $0x38;
	[tilespmem:$0x1DA00] =	vst v63  }
0x3da: {  	s12 =	sadd.s32 $0x1B910, s18;
	s21 =	sadd.s32 $0x20, s10  }
0x3db: {  	[hbm4b:s21+s3] =	stream.linear.scatter [tilespmem:s12], [sflag:$0xA], $0x80, $0x38;
	[tilespmem:$0x1DA00] =	vst v63  }
0x3dc: {  	s12 =	sadd.s32 $0x1B998, s18;
	s21 =	sadd.s32 $0x30, s10  }
0x3dd: {  	[hbm4b:s21+s3] =	stream.linear.scatter [tilespmem:s12], [sflag:$0xA], $0x80, $0x38;
	[tilespmem:$0x1DA00] =	vst v63  }
0x3de: {  	s12 =	sadd.s32 $0x1BA20, s18;
	s21 =	sadd.s32 $0x40, s10  }
0x3df: {  	[hbm4b:s21+s3] =	stream.linear.scatter [tilespmem:s12], [sflag:$0xA], $0x80, $0x38;
	[tilespmem:$0x1DA00] =	vst v63  }
.Ltmp14:
0x3e0: {  	s12 =	sadd.s32 $0x1BAA8, s18;
	s21 =	sadd.s32 $0x50, s10;
	(pc) =	sbr.rel @p1 .LBB2_31-.Ltmp14, $4  }
0x3e1: {  	[hbm4b:s21+s3] =	stream.linear.scatter [tilespmem:s12], [sflag:$0xA], $0x80, $0x38;
	[tilespmem:$0x1DA00] =	vst v63  }
0x3e2: {  	s12 =	sadd.s32 $0x1BB30, s18;
	s21 =	sadd.s32 $0x60, s10;
	s18 =	sadd.s32 $0x1BBB8, s18  }
0x3e3: {  	[hbm4b:s21+s3] =	stream.linear.scatter [tilespmem:s12], [sflag:$0xA], $0x80, $0x38;
	[tilespmem:$0x1DA00] =	vst v63  }
0x3e4: {  	s21 =	sadd.s32 $0x70, s10;
	s10 =	sadd.s32 $0x1000, s10;
	s12 =	smov.u32 s24  }
0x3e5: {  	[hbm4b:s21+s3] =	stream.linear.scatter [tilespmem:s18], [sflag:$0xA], $0x80, $0x38;
	[tilespmem:$0x1DA00] =	vst v63  }
0x3e6: {  	s12 =	sadd.s32 $0x1B800, s9  }
0x3e7: {  	[hbm4b:s10+s3] =	stream.linear.scatter [tilespmem:s12], [sflag:$0xA], $0x80, $0x38;
	[tilespmem:$0x1DA00] =	vst v63  }
0x3e8: {  	s21 =	sadd.s32 $0x1B888, s9;
	s24 =	sadd.s32 $0x10, s10  }
0x3e9: {  	[hbm4b:s24+s3] =	stream.linear.scatter [tilespmem:s21], [sflag:$0xA], $0x80, $0x38;
	[tilespmem:$0x1DA00] =	vst v63  }
0x3ea: {  	s28 =	sadd.s32 $0x1B910, s9;
	s31 =	sadd.s32 $0x20, s10  }
0x3eb: {  	[hbm4b:s31+s3] =	stream.linear.scatter [tilespmem:s28], [sflag:$0xA], $0x80, $0x38;
	[tilespmem:$0x1DA00] =	vst v63  }
0x3ec: {  	s21 =	sadd.s32 $0x1B998, s9;
	s24 =	sadd.s32 $0x30, s10  }
0x3ed: {  	[hbm4b:s24+s3] =	stream.linear.scatter [tilespmem:s21], [sflag:$0xA], $0x80, $0x38;
	[tilespmem:$0x1DA00] =	vst v63  }
0x3ee: {  	s28 =	sadd.s32 $0x1BA20, s9;
	s31 =	sadd.s32 $0x40, s10  }
0x3ef: {  	[hbm4b:s31+s3] =	stream.linear.scatter [tilespmem:s28], [sflag:$0xA], $0x80, $0x38;
	[tilespmem:$0x1DA00] =	vst v63  }
0x3f0: {  	s21 =	sadd.s32 $0x1BAA8, s9;
	s24 =	sadd.s32 $0x50, s10  }
0x3f1: {  	[hbm4b:s24+s3] =	stream.linear.scatter [tilespmem:s21], [sflag:$0xA], $0x80, $0x38;
	[tilespmem:$0x1DA00] =	vst v63  }
0x3f2: {  	s28 =	sadd.s32 $0x1BB30, s9;
	s31 =	sadd.s32 $0x60, s10  }
0x3f3: {  	[hbm4b:s31+s3] =	stream.linear.scatter [tilespmem:s28], [sflag:$0xA], $0x80, $0x38;
	[tilespmem:$0x1DA00] =	vst v63  }
0x3f4: {  	s21 =	sadd.s32 $0x1BBB8, s9;
	s24 =	sadd.s32 $0x70, s10  }
0x3f5: {  	[hbm4b:s24+s3] =	stream.linear.scatter [tilespmem:s21], [sflag:$0xA], $0x80, $0x38;
	[tilespmem:$0x1DA00] =	vst v63  }
0x3f6: {  	s12 =	simm.s32 @!p0 $0xD600;
	s9 =	sadd.s32 @!p0 $0x500, s6;
	s10 =	simm.s32 @!p0 $0x80  }
0x3f7: {  	[tilespmem:s12], [sflag:$0x3] =	stream.indirect.gather @!p0 [hbm4b:s4+s10], $0x40, s9, s10, $0xb8;
	[tilespmem:$0x1DA00] =	vst v63  }
0x3f8: {  	_ =	swait.ge [sflag:s17], $0x2000  }
0x3f9: {  	[sflag:s17] =	ssyncset.done $0x0  }
0x3fa: {  	[sflag:s17] =	ssyncadd.s32 $0xFFFFE000  }
0x3fb: {  	_ =	swait.ge [sflag:s2], $0x2000  }
0x3fc: {  	[sflag:s2] =	ssyncset.done $0x0  }
0x3fd: {  	[sflag:s2] =	ssyncadd.s32 $0xFFFFE000  }
0x3fe: {  	s18 =	simm.s32 $0x17680;
	s28 =	simm.s32 $0x3;
	v9 =	vld [tilespmem:s20+$0x65C0]  }
0x3ff: {  	v4 =	vmov s28;
	v7 =	vld [tilespmem:s18+$0x40]  }
0x400: {  	s31 =	simm.s32 $0x0;
	v13 =	vand.u32 $0x7F, v4  }
0x401: {  	v4 =	vmov s31;
	v8 =	vadd.s32 v0, v13;
	v6 =	vld [tilespmem:s20+$0x65D0]  }
0x402: {  	v12 =	vand.u32 $0x7C, v4;
	s10 =	simm.s32 $0x1;
	v10 =	vld [tilespmem:s18+$0xFFFFFF80]  }
0x403: {  	s12 =	simm.s32 $0x2;
	v15 =	vadd.s32 v0, v12;
	v4 =	vmov s10;
	v11 =	vld [tilespmem:s18+$0xFFFFFFC0]  }
0x404: {  	v14 =	vmov s12;
	v19 =	vand.u32 $0x7D, v4;
	v16 =	vld [tilespmem:s18+$0x0];
	v7 =	vadd.f32 v7, v9  }
0x405: {  	v20 =	vand.u32 $0x7E, v14;
	v17 =	vadd.s32 v0, v19;
	v5 =	vld [tilespmem:s20+$0x65E0]  }
0x406: {  	v14 =	vadd.s32 v0, v20;
	v4 =	vld [tilespmem:s20+$0x65F0];
	[tilespmem:v8+s26+$0x0] =	vst.idx.msk $0xffff, v7  }
0x407: {  	v7 =	vadd.f32 v10, v9;
	v8 =	vld [tilespmem:s18+$0x50]  }
0x408: {  	v10 =	vadd.f32 v11, v9  }
0x409: {  	v11 =	vadd.s32 v1, v13;
	[tilespmem:v15+s26+$0x0] =	vst.idx.msk $0xffff, v7;
	v7 =	vadd.f32 v16, v9  }
0x40a: {  	[tilespmem:v17+s26+$0x0] =	vst.idx.msk $0xffff, v10;
	v15 =	vld [tilespmem:s18+$0xFFFFFF90]  }
0x40b: {  	v10 =	vld [tilespmem:s18+$0xFFFFFFD0];
	[tilespmem:v14+s26+$0x0] =	vst.idx.msk $0xffff, v7  }
0x40c: {  	v14 =	vld [tilespmem:s18+$0x10];
	v7 =	vadd.f32 v8, v6  }
0x40d: {  	s21 =	simm.s32 $0x7;
	s9 =	simm.s32 $0x17780;
	v16 =	vadd.s32 v1, v19  }
0x40e: {  	v26 =	vadd.s32 v2, v13;
	s20 =	simm.s32 $0x4;
	v18 =	vld [tilespmem:s9+$0x40];
	v17 =	vadd.s32 v1, v20;
	[tilespmem:v11+s26+$0x0] =	vst.idx.msk $0xffff, v7;
	v7 =	vmov s21  }
0x40f: {  	v21 =	vadd.s32 v1, v12;
	v8 =	vmov s20;
	v7 =	vand.u32 $0x7F, v7;
	v22 =	vld [tilespmem:s18+$0x60]  }
0x410: {  	s24 =	simm.s32 $0x5;
	v23 =	vld [tilespmem:s9+$0xFFFFFF80];
	v8 =	vand.u32 $0x7C, v8;
	v10 =	vadd.f32 v10, v6;
	v24 =	vadd.s32 v0, v7  }
0x411: {  	s28 =	simm.s32 $0x6;
	v25 =	vld [tilespmem:s9+$0xFFFFFFC0];
	v15 =	vadd.f32 v15, v6;
	v11 =	vadd.f32 v14, v6;
	v14 =	vmov s24  }
0x412: {  	v27 =	vadd.s32 v0, v8;
	[tilespmem:v16+s26+$0x0] =	vst.idx.msk $0xffff, v10;
	v16 =	vmov s28;
	v10 =	vand.u32 $0x7D, v14;
	v14 =	vld [tilespmem:s9+$0x0]  }
0x413: {  	[tilespmem:v17+s26+$0x0] =	vst.idx.msk $0xffff, v11;
	v17 =	vadd.s32 v0, v10;
	v11 =	vand.u32 $0x7E, v16;
	v16 =	vadd.f32 v18, v9;
	v18 =	vld [tilespmem:s18+$0xFFFFFFE0]  }
0x414: {  	[tilespmem:v21+s26+$0x0] =	vst.idx.msk $0xffff, v15;
	v15 =	vadd.s32 v0, v11;
	v21 =	vld [tilespmem:s18+$0x20];
	v22 =	vadd.f32 v22, v5  }
0x415: {  	v23 =	vadd.f32 v23, v9;
	[tilespmem:v24+s26+$0x0] =	vst.idx.msk $0xffff, v16;
	v16 =	vld [tilespmem:s18+$0xFFFFFFA0];
	v24 =	vadd.s32 v2, v19  }
0x416: {  	v29 =	vadd.s32 v2, v20;
	v25 =	vadd.f32 v25, v9;
	v28 =	vld [tilespmem:s9+$0x50];
	[tilespmem:v26+s26+$0x0] =	vst.idx.msk $0xffff, v22  }
0x417: {  	[tilespmem:v27+s26+$0x0] =	vst.idx.msk $0xffff, v23;
	v23 =	vadd.s32 v2, v12;
	v14 =	vadd.f32 v14, v9;
	v26 =	vld [tilespmem:s18+$0x70]  }
0x418: {  	v27 =	vld [tilespmem:s9+$0xFFFFFF90];
	[tilespmem:v17+s26+$0x0] =	vst.idx.msk $0xffff, v25;
	v25 =	vadd.s32 v1, v7;
	v18 =	vadd.f32 v18, v5  }
0x419: {  	v31 =	vadd.s32 v3, v13;
	v30 =	vld [tilespmem:s9+$0xFFFFFFD0];
	[tilespmem:v15+s26+$0x0] =	vst.idx.msk $0xffff, v14;
	v14 =	vadd.f32 v21, v5  }
0x41a: {  	v22 =	vadd.s32 v1, v8;
	v17 =	vld [tilespmem:s9+$0x10];
	v13 =	vadd.f32 v16, v5;
	[tilespmem:v24+s26+$0x0] =	vst.idx.msk $0xffff, v18  }
0x41b: {  	s12 =	simm.s32 $0x8;
	v21 =	vadd.s32 v1, v10;
	[tilespmem:v29+s26+$0x0] =	vst.idx.msk $0xffff, v14;
	v18 =	vadd.f32 v28, v6;
	v16 =	vld [tilespmem:s18+$0xFFFFFFF0]  }
0x41c: {  	v24 =	vmov s12;
	v14 =	vadd.s32 v1, v11;
	v15 =	vld [tilespmem:s18+$0x30];
	[tilespmem:v23+s26+$0x0] =	vst.idx.msk $0xffff, v13;
	v63 =	vadd.f32 v26, v4  }
0x41d: {  	s31 =	simm.s32 $0xB;
	s10 =	simm.s32 $0x17880;
	v19 =	vadd.s32 v3, v19;
	v13 =	vand.u32 $0x7C, v24;
	v24 =	vadd.f32 v27, v6;
	[tilespmem:v25+s26+$0x0] =	vst.idx.msk $0xffff, v18;
	v18 =	vld [tilespmem:s18+$0xFFFFFFB0]  }
0x41e: {  	v20 =	vadd.s32 v3, v20;
	v26 =	vmov s31;
	v23 =	vld [tilespmem:s10+$0x40];
	s18 =	simm.s32 $0xC;
	v25 =	vadd.f32 v30, v6;
	[tilespmem:v31+s26+$0x0] =	vst.idx.msk $0xffff, v63  }
.LBB2_33:
0x41f: {  	p1 =	slt.u32 s18, $0x7C;
	s20 =	sadd.s32 $0x1, s12;
	v26 =	vand.u32 $0x7F, v26;
	[tilespmem:v22+s26+$0x0] =	vst.idx.msk $0xffff, v24;
	v17 =	vadd.f32 v17, v6;
	v22 =	vld [tilespmem:s9+$0x60];
	v24 =	vadd.s32 v3, v12  }
0x420: {  	v30 =	vmovc v11;
	v27 =	vld [tilespmem:s10+$0xFFFFFF80];
	v28 =	vmov s20;
	s20 =	sadd.s32 $0x2, s12;
	v29 =	vadd.s32 v0, v26;
	[tilespmem:v21+s26+$0x0] =	vst.idx.msk $0xffff, v25;
	v16 =	vadd.f32 v16, v4;
	s12 =	smov.u32 s18  }
0x421: {  	v12 =	vmovc v8;
	v21 =	vld [tilespmem:s10+$0xFFFFFFC0];
	v11 =	vmov s20;
	[tilespmem:v14+s26+$0x0] =	vst.idx.msk $0xffff, v17;
	v14 =	vadd.s32 v2, v7;
	v15 =	vadd.f32 v15, v4  }
0x422: {  	v17 =	vadd.s32 v0, v13;
	v28 =	vand.u32 $0x7D, v28;
	v25 =	vld [tilespmem:s10+$0x0];
	v31 =	vadd.f32 v18, v4;
	[tilespmem:v19+s26+$0x0] =	vst.idx.msk $0xffff, v16  }
0x423: {  	v16 =	vadd.s32 v0, v28;
	v11 =	vand.u32 $0x7E, v11;
	v18 =	vadd.f32 v23, v9;
	v19 =	vld [tilespmem:s9+$0xFFFFFFE0];
	[tilespmem:v20+s26+$0x0] =	vst.idx.msk $0xffff, v15  }
0x424: {  	v8 =	vmov v13;
	v15 =	vadd.s32 v0, v11;
	v20 =	vld [tilespmem:s9+$0x20];
	v22 =	vadd.f32 v22, v5;
	[tilespmem:v24+s26+$0x0] =	vst.idx.msk $0xffff, v31  }
0x425: {  	v23 =	vadd.s32 v2, v10;
	v13 =	vadd.f32 v27, v9;
	[tilespmem:v29+s26+$0x0] =	vst.idx.msk $0xffff, v18;
	v18 =	vld [tilespmem:s9+$0xFFFFFFA0]  }
0x426: {  	v27 =	vadd.s32 v2, v30;
	v21 =	vadd.f32 v21, v9;
	v24 =	vld [tilespmem:s10+$0x50];
	[tilespmem:v14+s26+$0x0] =	vst.idx.msk $0xffff, v22  }
0x427: {  	[tilespmem:v17+s26+$0x0] =	vst.idx.msk $0xffff, v13;
	v13 =	vadd.f32 v25, v9;
	v25 =	vadd.s32 v2, v12;
	v29 =	vld [tilespmem:s9+$0x70]  }
0x428: {  	v32 =	vadd.s32 v1, v26;
	v31 =	vld [tilespmem:s10+$0xFFFFFF90];
	[tilespmem:v16+s26+$0x0] =	vst.idx.msk $0xffff, v21;
	v14 =	vadd.f32 v19, v5  }
0x429: {  	v34 =	vadd.s32 v3, v7;
	v7 =	vmov v26;
	v33 =	vld [tilespmem:s10+$0xFFFFFFD0];
	[tilespmem:v15+s26+$0x0] =	vst.idx.msk $0xffff, v13;
	v13 =	vadd.f32 v20, v5  }
.Ltmp15:
0x42a: {  	v22 =	vadd.s32 v1, v8;
	v17 =	vld [tilespmem:s10+$0x10];
	v15 =	vadd.f32 v18, v5;
	[tilespmem:v23+s26+$0x0] =	vst.idx.msk $0xffff, v14;
	(pc) =	sbr.rel @p1 .LBB2_33-.Ltmp15, $4  }
0x42b: {  	v21 =	vadd.s32 v1, v28;
	v18 =	vadd.f32 v24, v6;
	v16 =	vld [tilespmem:s9+$0xFFFFFFF0];
	[tilespmem:v27+s26+$0x0] =	vst.idx.msk $0xffff, v13  }
0x42c: {  	v14 =	vadd.s32 v1, v11;
	v13 =	vmov s18;
	[tilespmem:v25+s26+$0x0] =	vst.idx.msk $0xffff, v15;
	v15 =	vld [tilespmem:s9+$0x30];
	v27 =	vadd.f32 v29, v4  }
0x42d: {  	s20 =	sadd.s32 $0x3, s18;
	v19 =	vadd.s32 v3, v10;
	v13 =	vand.u32 $0x7C, v13;
	v24 =	vadd.f32 v31, v6;
	[tilespmem:v32+s26+$0x0] =	vst.idx.msk $0xffff, v18;
	v18 =	vld [tilespmem:s9+$0xFFFFFFB0];
	s9 =	smov.u32 s10;
	s10 =	sadd.s32 $0x100, s10  }
0x42e: {  	v26 =	vmov s20;
	v10 =	vmovc v28;
	v20 =	vadd.s32 v3, v30;
	s18 =	sadd.s32 $0x4, s18;
	v23 =	vld [tilespmem:s10+$0x40];
	v25 =	vadd.f32 v33, v6;
	[tilespmem:v34+s26+$0x0] =	vst.idx.msk $0xffff, v27  }
0x42f: {  	s18 =	sadd.s32 $0x1, s12  }
0x430: {  	v26 =	vand.u32 $0x7F, v26;
	v28 =	vld [tilespmem:s10+$0xFFFFFFC0];
	v27 =	vmov s18;
	s18 =	sadd.s32 $0x2, s12  }
0x431: {  	v31 =	vld [tilespmem:s10+$0x0];
	v29 =	vadd.s32 v0, v26;
	v30 =	vmov s18;
	v27 =	vand.u32 $0x7D, v27  }
0x432: {  	v32 =	vld [tilespmem:s10+$0xFFFFFF80];
	v33 =	vadd.s32 v0, v27;
	v30 =	vand.u32 $0x7E, v30  }
0x433: {  	v34 =	vadd.s32 v0, v30  }
0x434: {  	[tilespmem:v22+s26+$0x0] =	vst.idx.msk $0xffff, v24;
	v44 =	vadd.s32 v0, v13;
	v23 =	vadd.f32 v23, v9  }
0x435: {  	[tilespmem:v21+s26+$0x0] =	vst.idx.msk $0xffff, v25;
	v45 =	vadd.f32 v28, v9  }
0x436: {  	v46 =	vadd.f32 v31, v9;
	[tilespmem:v29+s26+$0x0] =	vst.idx.msk $0xffff, v23  }
0x437: {  	v47 =	vadd.f32 v32, v9;
	v48 =	vld [tilespmem:s10+$0x50];
	[tilespmem:v33+s26+$0x0] =	vst.idx.msk $0xffff, v45  }
0x438: {  	v17 =	vadd.f32 v17, v6;
	v12 =	vadd.s32 v3, v12;
	v21 =	vld [tilespmem:s10+$0xFFFFFFD0];
	[tilespmem:v34+s26+$0x0] =	vst.idx.msk $0xffff, v46  }
0x439: {  	v16 =	vadd.f32 v16, v4;
	v49 =	vadd.s32 v1, v26;
	[tilespmem:v44+s26+$0x0] =	vst.idx.msk $0xffff, v47;
	v50 =	vld [tilespmem:s10+$0x10]  }
0x43a: {  	[tilespmem:v14+s26+$0x0] =	vst.idx.msk $0xffff, v17;
	v51 =	vadd.f32 v15, v4;
	v53 =	vadd.s32 v1, v27;
	v52 =	vld [tilespmem:s10+$0xFFFFFF90]  }
0x43b: {  	v54 =	vld [tilespmem:s9+$0x60];
	v18 =	vadd.f32 v18, v4;
	[tilespmem:v19+s26+$0x0] =	vst.idx.msk $0xffff, v16;
	v55 =	vadd.s32 v1, v30  }
0x43c: {  	v57 =	vadd.s32 v1, v13;
	v60 =	vld [tilespmem:s9+$0x20];
	[tilespmem:v20+s26+$0x0] =	vst.idx.msk $0xffff, v51;
	v58 =	vadd.f32 v48, v6  }
0x43d: {  	v59 =	vadd.s32 v2, v7;
	v56 =	vld [tilespmem:s9+$0xFFFFFFE0];
	[tilespmem:v12+s26+$0x0] =	vst.idx.msk $0xffff, v18;
	v61 =	vadd.f32 v21, v6  }
0x43e: {  	v62 =	vld [tilespmem:s9+$0xFFFFFFA0];
	v29 =	vadd.s32 v2, v11;
	[tilespmem:v49+s26+$0x0] =	vst.idx.msk $0xffff, v58;
	v28 =	vadd.f32 v50, v6  }
0x43f: {  	v63 =	vadd.s32 v2, v10;
	v31 =	vadd.f32 v52, v6;
	v32 =	vld [tilespmem:s10+$0x60];
	[tilespmem:v53+s26+$0x0] =	vst.idx.msk $0xffff, v61  }
0x440: {  	v33 =	vadd.f32 v54, v5;
	v34 =	vadd.s32 v2, v8;
	[tilespmem:v55+s26+$0x0] =	vst.idx.msk $0xffff, v28;
	v35 =	vld [tilespmem:s10+$0xFFFFFFE0]  }
0x441: {  	v37 =	vadd.s32 v2, v26;
	v39 =	vadd.f32 v60, v5;
	[tilespmem:v57+s26+$0x0] =	vst.idx.msk $0xffff, v31;
	v38 =	vld [tilespmem:s10+$0x20]  }
0x442: {  	v41 =	vadd.s32 v2, v27;
	v36 =	vadd.f32 v56, v5;
	[tilespmem:v59+s26+$0x0] =	vst.idx.msk $0xffff, v33;
	v40 =	vld [tilespmem:s10+$0xFFFFFFA0]  }
0x443: {  	v43 =	vadd.s32 v2, v30;
	v18 =	vadd.f32 v62, v5;
	v42 =	vld [tilespmem:s9+$0x70];
	[tilespmem:v29+s26+$0x0] =	vst.idx.msk $0xffff, v39  }
0x444: {  	v45 =	vadd.s32 v2, v13;
	[tilespmem:v63+s26+$0x0] =	vst.idx.msk $0xffff, v36;
	v47 =	vld [tilespmem:s9+$0x30];
	v44 =	vadd.f32 v32, v5  }
0x445: {  	v46 =	vadd.s32 v3, v7;
	v21 =	vld [tilespmem:s9+$0xFFFFFFF0];
	[tilespmem:v34+s26+$0x0] =	vst.idx.msk $0xffff, v18;
	v9 =	vadd.f32 v35, v5  }
0x446: {  	v18 =	vld [tilespmem:s9+$0xFFFFFFB0];
	v50 =	vadd.s32 v3, v11;
	[tilespmem:v37+s26+$0x0] =	vst.idx.msk $0xffff, v44;
	v49 =	vadd.f32 v38, v5  }
0x447: {  	v48 =	vadd.s32 v3, v10;
	v12 =	vld [tilespmem:s10+$0x70];
	v5 =	vadd.f32 v40, v5;
	[tilespmem:v41+s26+$0x0] =	vst.idx.msk $0xffff, v9  }
0x448: {  	v52 =	vadd.s32 v3, v8;
	v51 =	vadd.f32 v42, v4;
	v53 =	vld [tilespmem:s10+$0xFFFFFFF0];
	[tilespmem:v43+s26+$0x0] =	vst.idx.msk $0xffff, v49  }
0x449: {  	v55 =	vadd.s32 v3, v26;
	v56 =	vadd.f32 v47, v4;
	[tilespmem:v45+s26+$0x0] =	vst.idx.msk $0xffff, v5;
	v5 =	vld [tilespmem:s10+$0x30]  }
0x44a: {  	v58 =	vadd.s32 v3, v27;
	[tilespmem:v46+s26+$0x0] =	vst.idx.msk $0xffff, v51;
	v54 =	vadd.f32 v21, v4;
	v57 =	vld [tilespmem:s10+$0xFFFFFFB0]  }
0x44b: {  	v60 =	vadd.s32 v3, v30;
	v59 =	vadd.f32 v18, v4;
	[tilespmem:v50+s26+$0x0] =	vst.idx.msk $0xffff, v56  }
0x44c: {  	v62 =	vadd.s32 v3, v13;
	[tilespmem:v48+s26+$0x0] =	vst.idx.msk $0xffff, v54;
	v61 =	vadd.f32 v12, v4  }
0x44d: {  	[tilespmem:v52+s26+$0x0] =	vst.idx.msk $0xffff, v59;
	v63 =	vadd.f32 v53, v4  }
0x44e: {  	s7 =	sshll.u32 s7, $0x12;
	[tilespmem:v55+s26+$0x0] =	vst.idx.msk $0xffff, v61;
	v5 =	vadd.f32 v5, v4  }
0x44f: {  	s7 =	sor.u32 s5, s7;
	v4 =	vadd.f32 v57, v4;
	[tilespmem:v58+s26+$0x0] =	vst.idx.msk $0xffff, v63  }
0x450: {  	s7 =	sshrl.u32 s7, $0x3;
	[tilespmem:v60+s26+$0x0] =	vst.idx.msk $0xffff, v5  }
0x451: {  	s20 =	simm.s32 $0x19600;
	s9 =	sadd.s32 s1, s7;
	[tilespmem:v62+s26+$0x0] =	vst.idx.msk $0xffff, v4  }
0x452: {  	[hbm4b:s9+s3] =	stream.linear.scatter [tilespmem:s20], [sflag:$0x9], $0x80, $0x38;
	[tilespmem:$0x1DA00] =	vst v63  }
0x453: {  	s21 =	simm.s32 $0x19688;
	s24 =	sadd.s32 $0x10, s9  }
0x454: {  	[hbm4b:s24+s3] =	stream.linear.scatter [tilespmem:s21], [sflag:$0x9], $0x80, $0x38;
	[tilespmem:$0x1DA00] =	vst v63  }
0x455: {  	s28 =	simm.s32 $0x19710;
	s18 =	simm.s32 $0x19820;
	s31 =	sadd.s32 $0x20, s9  }
0x456: {  	[hbm4b:s31+s3] =	stream.linear.scatter [tilespmem:s28], [sflag:$0x9], $0x80, $0x38;
	[tilespmem:$0x1DA00] =	vst v63  }
0x457: {  	s7 =	simm.s32 $0x440;
	s12 =	sadd.s32 $0x30, s9;
	s10 =	simm.s32 $0x19798  }
0x458: {  	[hbm4b:s12+s3] =	stream.linear.scatter [tilespmem:s10], [sflag:$0x9], $0x80, $0x38;
	[tilespmem:$0x1DA00] =	vst v63  }
0x459: {  	s20 =	sadd.s32 $0x40, s9;
	s21 =	simm.s32 $0x198A8;
	s24 =	sadd.s32 $0x50, s9  }
0x45a: {  	[hbm4b:s20+s3] =	stream.linear.scatter [tilespmem:s18], [sflag:$0x9], $0x80, $0x38;
	[tilespmem:$0x1DA00] =	vst v63  }
0x45b: {  	s28 =	simm.s32 $0x19930;
	s31 =	sadd.s32 $0x60, s9;
	s10 =	simm.s32 $0x2200  }
0x45c: {  	[hbm4b:s24+s3] =	stream.linear.scatter [tilespmem:s21], [sflag:$0x9], $0x80, $0x38;
	[tilespmem:$0x1DA00] =	vst v63  }
0x45d: {  	s12 =	simm.s32 $0x199B8;
	s18 =	sadd.s32 $0x70, s9;
	s9 =	sadd.s32 $0x1000, s9  }
0x45e: {  	[hbm4b:s31+s3] =	stream.linear.scatter [tilespmem:s28], [sflag:$0x9], $0x80, $0x38;
	[tilespmem:$0x1DA00] =	vst v63  }
.LBB2_35:
0x45f: {  	[hbm4b:s18+s3] =	stream.linear.scatter [tilespmem:s12], [sflag:$0x9], $0x80, $0x38;
	[tilespmem:$0x1DA00] =	vst v63  }
0x460: {  	s12 =	smov.u32 s7;
	s7 =	smov.u32 s10  }
0x461: {  	s20 =	sadd.s32 $0x1100, s10;
	s7 =	sshra.s32 s7, $0x2;
	s18 =	sadd.s32 $0x19600, s12  }
0x462: {  	[hbm4b:s9+s3] =	stream.linear.scatter [tilespmem:s18], [sflag:$0x9], $0x80, $0x38;
	[tilespmem:$0x1DA00] =	vst v63  }
0x463: {  	p1 =	sne.s32 s10, $0x7700;
	s10 =	sadd.s32 $0x19688, s12;
	s18 =	sadd.s32 $0x10, s9  }
0x464: {  	[hbm4b:s18+s3] =	stream.linear.scatter [tilespmem:s10], [sflag:$0x9], $0x80, $0x38;
	[tilespmem:$0x1DA00] =	vst v63  }
0x465: {  	s10 =	sadd.s32 $0x19710, s12;
	s18 =	sadd.s32 $0x20, s9  }
0x466: {  	[hbm4b:s18+s3] =	stream.linear.scatter [tilespmem:s10], [sflag:$0x9], $0x80, $0x38;
	[tilespmem:$0x1DA00] =	vst v63  }
0x467: {  	s10 =	sadd.s32 $0x19798, s12;
	s18 =	sadd.s32 $0x30, s9  }
0x468: {  	[hbm4b:s18+s3] =	stream.linear.scatter [tilespmem:s10], [sflag:$0x9], $0x80, $0x38;
	[tilespmem:$0x1DA00] =	vst v63  }
0x469: {  	s10 =	sadd.s32 $0x19820, s12;
	s18 =	sadd.s32 $0x40, s9  }
0x46a: {  	[hbm4b:s18+s3] =	stream.linear.scatter [tilespmem:s10], [sflag:$0x9], $0x80, $0x38;
	[tilespmem:$0x1DA00] =	vst v63  }
.Ltmp16:
0x46b: {  	s10 =	sadd.s32 $0x198A8, s12;
	s18 =	sadd.s32 $0x50, s9;
	(pc) =	sbr.rel @p1 .LBB2_35-.Ltmp16, $4  }
0x46c: {  	[hbm4b:s18+s3] =	stream.linear.scatter [tilespmem:s10], [sflag:$0x9], $0x80, $0x38;
	[tilespmem:$0x1DA00] =	vst v63  }
0x46d: {  	s10 =	sadd.s32 $0x19930, s12;
	s18 =	sadd.s32 $0x60, s9;
	s12 =	sadd.s32 $0x199B8, s12  }
0x46e: {  	[hbm4b:s18+s3] =	stream.linear.scatter [tilespmem:s10], [sflag:$0x9], $0x80, $0x38;
	[tilespmem:$0x1DA00] =	vst v63  }
0x46f: {  	s18 =	sadd.s32 $0x70, s9;
	s9 =	sadd.s32 $0x1000, s9;
	s10 =	smov.u32 s20  }
0x470: {  	[hbm4b:s18+s3] =	stream.linear.scatter [tilespmem:s12], [sflag:$0x9], $0x80, $0x38;
	[tilespmem:$0x1DA00] =	vst v63  }
0x471: {  	s10 =	sadd.s32 $0x19600, s7  }
0x472: {  	[hbm4b:s9+s3] =	stream.linear.scatter [tilespmem:s10], [sflag:$0x9], $0x80, $0x38;
	[tilespmem:$0x1DA00] =	vst v63  }
0x473: {  	s28 =	sadd.s32 $0x19688, s7;
	s31 =	sadd.s32 $0x10, s9  }
0x474: {  	[hbm4b:s31+s3] =	stream.linear.scatter [tilespmem:s28], [sflag:$0x9], $0x80, $0x38;
	[tilespmem:$0x1DA00] =	vst v63  }
0x475: {  	s18 =	sadd.s32 $0x19710, s7;
	s20 =	sadd.s32 $0x20, s9  }
0x476: {  	[hbm4b:s20+s3] =	stream.linear.scatter [tilespmem:s18], [sflag:$0x9], $0x80, $0x38;
	[tilespmem:$0x1DA00] =	vst v63  }
0x477: {  	s21 =	sadd.s32 $0x19798, s7;
	s24 =	sadd.s32 $0x30, s9  }
0x478: {  	[hbm4b:s24+s3] =	stream.linear.scatter [tilespmem:s21], [sflag:$0x9], $0x80, $0x38;
	[tilespmem:$0x1DA00] =	vst v63  }
0x479: {  	s28 =	sadd.s32 $0x19820, s7;
	s31 =	sadd.s32 $0x40, s9  }
0x47a: {  	[hbm4b:s31+s3] =	stream.linear.scatter [tilespmem:s28], [sflag:$0x9], $0x80, $0x38;
	[tilespmem:$0x1DA00] =	vst v63  }
0x47b: {  	s18 =	sadd.s32 $0x198A8, s7;
	s20 =	sadd.s32 $0x50, s9  }
0x47c: {  	[hbm4b:s20+s3] =	stream.linear.scatter [tilespmem:s18], [sflag:$0x9], $0x80, $0x38;
	[tilespmem:$0x1DA00] =	vst v63  }
.Ltmp17:
0x47d: {  	_ = 	snop;
	(pc) =	sbr.rel @p0 .LBB2_38-.Ltmp17, $4  }
0x47e: {  	s21 =	sadd.s32 $0x19930, s7;
	s24 =	sadd.s32 $0x60, s9  }
0x47f: {  	[hbm4b:s24+s3] =	stream.linear.scatter [tilespmem:s21], [sflag:$0x9], $0x80, $0x38;
	[tilespmem:$0x1DA00] =	vst v63  }
0x480: {  	s28 =	sadd.s32 $0x199B8, s7;
	s31 =	sadd.s32 $0x70, s9  }
0x481: {  	[hbm4b:s31+s3] =	stream.linear.scatter [tilespmem:s28], [sflag:$0x9], $0x80, $0x38;
	[tilespmem:$0x1DA00] =	vst v63  }
.Ltmp18:
0x482: {  	(pc) =	sbr.rel .LBB2_2-.Ltmp18, $3  }
0x483: {  	_ =	sdelay $0x1  }
0x484: {  	s6 =	sadd.s32 $0x580, s6;
	s7 =	simm.s32 $0xF600;
	s19 =	sadd.s32 $0x1, s19  }
0x485: {  	[tilespmem:s7], [sflag:$0x4] =	stream.indirect.gather [hbm4b:s4+s15], $0x40, s6, s15, $0xb8;
	[tilespmem:$0x1DA00] =	vst v63  }
.LBB2_38:
0x486: {  	s6 =	simm.s32 $0x1B800;
	s18 =	rddreg [dreg:$0x6]  }
0x487: {  	[hbm4b:s18+s3] =	stream.linear.scatter [tilespmem:s6], [sflag:$0xA], $0x80, $0x38;
	[tilespmem:$0x1DA00] =	vst v63  }
0x488: {  	s31 =	simm.s32 $0x1B888;
	s7 =	sadd.s32 $0x10, s18  }
0x489: {  	[hbm4b:s7+s3] =	stream.linear.scatter [tilespmem:s31], [sflag:$0xA], $0x80, $0x38;
	[tilespmem:$0x1DA00] =	vst v63  }
0x48a: {  	s10 =	simm.s32 $0x1B998;
	s9 =	sadd.s32 $0x20, s18;
	s7 =	simm.s32 $0x1B910  }
0x48b: {  	[hbm4b:s9+s3] =	stream.linear.scatter [tilespmem:s7], [sflag:$0xA], $0x80, $0x38;
	[tilespmem:$0x1DA00] =	vst v63  }
0x48c: {  	s19 =	simm.s32 $0x1BA20;
	s21 =	simm.s32 $0x1BAA8;
	s12 =	sadd.s32 $0x30, s18  }
0x48d: {  	[hbm4b:s12+s3] =	stream.linear.scatter [tilespmem:s10], [sflag:$0xA], $0x80, $0x38;
	[tilespmem:$0x1DA00] =	vst v63  }
0x48e: {  	s28 =	simm.s32 $0x1BB30;
	s20 =	sadd.s32 $0x40, s18;
	s24 =	sadd.s32 $0x50, s18  }
0x48f: {  	[hbm4b:s20+s3] =	stream.linear.scatter [tilespmem:s19], [sflag:$0xA], $0x80, $0x38;
	[tilespmem:$0x1DA00] =	vst v63  }
0x490: {  	s6 =	simm.s32 $0x440;
	s31 =	sadd.s32 $0x60, s18;
	s9 =	simm.s32 $0x2200  }
0x491: {  	[hbm4b:s24+s3] =	stream.linear.scatter [tilespmem:s21], [sflag:$0xA], $0x80, $0x38;
	[tilespmem:$0x1DA00] =	vst v63  }
0x492: {  	s7 =	sadd.s32 $0x1000, s18;
	s10 =	simm.s32 $0x1BBB8;
	s12 =	sadd.s32 $0x70, s18  }
0x493: {  	[hbm4b:s31+s3] =	stream.linear.scatter [tilespmem:s28], [sflag:$0xA], $0x80, $0x38;
	[tilespmem:$0x1DA00] =	vst v63  }
.LBB2_39:
0x494: {  	[hbm4b:s12+s3] =	stream.linear.scatter [tilespmem:s10], [sflag:$0xA], $0x80, $0x38;
	[tilespmem:$0x1DA00] =	vst v63  }
0x495: {  	s10 =	smov.u32 s6;
	s6 =	smov.u32 s9  }
0x496: {  	s18 =	sadd.s32 $0x1100, s9;
	s6 =	sshra.s32 s6, $0x2;
	s12 =	sadd.s32 $0x1B800, s10  }
0x497: {  	[hbm4b:s7+s3] =	stream.linear.scatter [tilespmem:s12], [sflag:$0xA], $0x80, $0x38;
	[tilespmem:$0x1DA00] =	vst v63  }
0x498: {  	p0 =	sne.s32 s9, $0x7700;
	s9 =	sadd.s32 $0x1B888, s10;
	s12 =	sadd.s32 $0x10, s7  }
0x499: {  	[hbm4b:s12+s3] =	stream.linear.scatter [tilespmem:s9], [sflag:$0xA], $0x80, $0x38;
	[tilespmem:$0x1DA00] =	vst v63  }
0x49a: {  	s9 =	sadd.s32 $0x1B910, s10;
	s12 =	sadd.s32 $0x20, s7  }
0x49b: {  	[hbm4b:s12+s3] =	stream.linear.scatter [tilespmem:s9], [sflag:$0xA], $0x80, $0x38;
	[tilespmem:$0x1DA00] =	vst v63  }
0x49c: {  	s9 =	sadd.s32 $0x1B998, s10;
	s12 =	sadd.s32 $0x30, s7  }
0x49d: {  	[hbm4b:s12+s3] =	stream.linear.scatter [tilespmem:s9], [sflag:$0xA], $0x80, $0x38;
	[tilespmem:$0x1DA00] =	vst v63  }
0x49e: {  	s9 =	sadd.s32 $0x1BA20, s10;
	s12 =	sadd.s32 $0x40, s7  }
0x49f: {  	[hbm4b:s12+s3] =	stream.linear.scatter [tilespmem:s9], [sflag:$0xA], $0x80, $0x38;
	[tilespmem:$0x1DA00] =	vst v63  }
.Ltmp19:
0x4a0: {  	s9 =	sadd.s32 $0x1BAA8, s10;
	s12 =	sadd.s32 $0x50, s7;
	(pc) =	sbr.rel @p0 .LBB2_39-.Ltmp19, $4  }
0x4a1: {  	[hbm4b:s12+s3] =	stream.linear.scatter [tilespmem:s9], [sflag:$0xA], $0x80, $0x38;
	[tilespmem:$0x1DA00] =	vst v63  }
0x4a2: {  	s9 =	sadd.s32 $0x1BB30, s10;
	s12 =	sadd.s32 $0x60, s7;
	s10 =	sadd.s32 $0x1BBB8, s10  }
0x4a3: {  	[hbm4b:s12+s3] =	stream.linear.scatter [tilespmem:s9], [sflag:$0xA], $0x80, $0x38;
	[tilespmem:$0x1DA00] =	vst v63  }
0x4a4: {  	s12 =	sadd.s32 $0x70, s7;
	s7 =	sadd.s32 $0x1000, s7;
	s9 =	smov.u32 s18  }
0x4a5: {  	[hbm4b:s12+s3] =	stream.linear.scatter [tilespmem:s10], [sflag:$0xA], $0x80, $0x38;
	[tilespmem:$0x1DA00] =	vst v63  }
0x4a6: {  	s9 =	sadd.s32 $0x1B800, s6  }
0x4a7: {  	[hbm4b:s7+s3] =	stream.linear.scatter [tilespmem:s9], [sflag:$0xA], $0x80, $0x38;
	[tilespmem:$0x1DA00] =	vst v63  }
0x4a8: {  	s12 =	sadd.s32 $0x1B888, s6;
	s18 =	sadd.s32 $0x10, s7  }
0x4a9: {  	[hbm4b:s18+s3] =	stream.linear.scatter [tilespmem:s12], [sflag:$0xA], $0x80, $0x38;
	[tilespmem:$0x1DA00] =	vst v63  }
0x4aa: {  	s19 =	sadd.s32 $0x1B910, s6;
	s20 =	sadd.s32 $0x20, s7  }
0x4ab: {  	[hbm4b:s20+s3] =	stream.linear.scatter [tilespmem:s19], [sflag:$0xA], $0x80, $0x38;
	[tilespmem:$0x1DA00] =	vst v63  }
0x4ac: {  	s21 =	sadd.s32 $0x1B998, s6;
	s24 =	sadd.s32 $0x30, s7  }
0x4ad: {  	[hbm4b:s24+s3] =	stream.linear.scatter [tilespmem:s21], [sflag:$0xA], $0x80, $0x38;
	[tilespmem:$0x1DA00] =	vst v63  }
0x4ae: {  	s28 =	sadd.s32 $0x1BA20, s6;
	s31 =	sadd.s32 $0x40, s7  }
0x4af: {  	[hbm4b:s31+s3] =	stream.linear.scatter [tilespmem:s28], [sflag:$0xA], $0x80, $0x38;
	[tilespmem:$0x1DA00] =	vst v63  }
0x4b0: {  	s12 =	sadd.s32 $0x1BAA8, s6;
	s18 =	sadd.s32 $0x50, s7  }
0x4b1: {  	[hbm4b:s18+s3] =	stream.linear.scatter [tilespmem:s12], [sflag:$0xA], $0x80, $0x38;
	[tilespmem:$0x1DA00] =	vst v63  }
0x4b2: {  	s19 =	sadd.s32 $0x1BB30, s6;
	s20 =	sadd.s32 $0x60, s7  }
0x4b3: {  	[hbm4b:s20+s3] =	stream.linear.scatter [tilespmem:s19], [sflag:$0xA], $0x80, $0x38;
	[tilespmem:$0x1DA00] =	vst v63  }
0x4b4: {  	s21 =	sadd.s32 $0x1BBB8, s6;
	s24 =	sadd.s32 $0x70, s7  }
0x4b5: {  	[hbm4b:s24+s3] =	stream.linear.scatter [tilespmem:s21], [sflag:$0xA], $0x80, $0x38;
	[tilespmem:$0x1DA00] =	vst v63  }
0x4b6: {  	_ =	swait.ge [sflag:s30], $0x2000  }
0x4b7: {  	[sflag:s30] =	ssyncset.done $0x0  }
0x4b8: {  	[sflag:s30] =	ssyncadd.s32 $0xFFFFE000  }
0x4b9: {  	_ =	swait.ge [sflag:s2], $0x2000  }
0x4ba: {  	s28 =	rddreg [dreg:$0x8]  }
0x4bb: {  	s31 =	rddreg [dreg:$0x7];
	s7 =	sadd.s32 $0x1, s28  }
0x4bc: {  	p0 =	sne.s32 s7, s31  }
.Ltmp20:
0x4bd: {  	_ = 	snop;
	(pc) =	sbr.rel @p0 .LBB2_1-.Ltmp20, $3  }
0x4be: {  	_ =	sdelay $0x1  }
0x4bf: {  	[sflag:s2] =	ssyncset.done $0x0  }
0x4c0: {  	[sflag:s2] =	ssyncadd.s32 $0xFFFFE000  }
0x4c1: {  	_ =	sfence.sel $0x180000  }
0x4c2: {  	[bflag:$0x0] =	sbarrier.arrive $0xFFFF  }
0x4c3: {  	_ =	strace $0x90000047  }
0x4c4: {  	s0 =	stileid.u32;
	[bflag:$0x2] =	sbarrier.arrive $0xFFFF  }
0x4c5: {  	p0 =	sne.s32 s0, $0x0;
	s0 =	rddreg [dreg:$0x3]  }
0x4c6: {  	s0 =	sadd.s32 @!p0 $0x100000, s0  }
0x4c7: {  	[sflag:s0] =	ssyncadd.tile.s32 @!p0 $0x1;
	_ =	shalt  }
.Lfunc_end2:
_tile_overlayer_lowered:
.L_overlay_start_2:
0x4c8: {  	(tag) =	ssettag $0x2  }
0x4c9: {  	s0 =	rddreg [dreg:$0x0];
	s2 =	stileid.u32  }
0x4ca: {  	s1 =	rddreg [dreg:$0x1];
	p0 =	sne.s32 s2, $0x0  }
0x4cb: {  	s3 =	rddreg [dreg:$0x2];
	[bflag:$0x3] =	sbarrier.arrive $0xFFFF;
	s2 =	simm.s32 @!p0 $0x1C0B  }
0x4cc: {  	[timem:s3], [sflag:s2] =	dma.local @!p0 [hbm:s0], s1  }
0x4cd: {  	s0 =	simm.s32 @!p0 $0xB  }
0x4ce: {  	_ =	swait.ge @!p0 [sflag:s0], s1  }
0x4cf: {  	s1 =	ssub.s32 @!p0 $0x0, s1;
	[sflag:s0] =	ssyncset.done @!p0 $0x0  }
0x4d0: {  	[sflag:s0] =	ssyncadd.s32 @!p0 s1  }
0x4d1: {  	[bflag:$0x3] =	sbarrier.arrive $0xFFFF  }
0x4d2: {  	_ =	shalt  }

</sc_bundles>
